<compile_context>
chip_gen: v7x
topology: tpu7x:2x2x1
jax: 0.10.2.dev20260603
libtpu: 0.0.44.dev20260713+nightly
codegen_flags: <defaults>
</compile_context>

<pallas_src>
import functools

import jax
import jax.numpy as jnp
from jax import lax
from jax.experimental import pallas as pl
from jax.experimental.pallas import tpu as pltpu
from jax.experimental.pallas import tpu_sc as plsc

N = 4194304
NUM_DATES = 500
NBINS = 512
SCALING = 12.0
ALPHA = 1.0

NC = 2
NS = 16
NW = NC * NS
PER_W = N // NW
BLK = 16384
LANES = 16
SUB = 512


_GRID = 8
_BELEMS = N // _GRID
_HALF = N // 2
_HGRID = _GRID // 2


def _vals_body(x_ref, t_ref, w_ref, o_ref):
    x = x_ref[...]
    sig = 1.0 / (1.0 + jnp.exp(x * (-SCALING)))
    o_ref[...] = w_ref[...] * t_ref[...] * sig


def _make_vals(half):
    base = half * _HGRID
    return pl.pallas_call(
        _vals_body,
        grid=(_HGRID,),
        in_specs=[pl.BlockSpec((_BELEMS,), lambda i: (i + base,))] * 3,
        out_specs=pl.BlockSpec((_BELEMS,), lambda i: (i,)),
        out_shape=jax.ShapeDtypeStruct((_HALF,), jnp.float32),
    )


_vals_calls = (_make_vals(0), _make_vals(1))



def _make_sc_bincount(n, nw, blk, nbins, date_base):
    per_w = n // nw
    nblk = per_w // blk
    mesh = plsc.VectorSubcoreMesh(
        core_axis_name="c", subcore_axis_name="s", num_cores=NC,
        num_subcores=NS)

    @functools.partial(
        pl.kernel,
        out_type=jax.ShapeDtypeStruct((nw, nbins), jnp.float32),
        mesh=mesh,
        compiler_params=pltpu.CompilerParams(needs_layout_passes=False),
        scratch_types=[
            pltpu.VMEM((2, blk), jnp.float32),
            pltpu.VMEM((2, blk), jnp.int32),
            pltpu.VMEM((LANES, nbins + 1), jnp.float32),
            pltpu.SemaphoreType.DMA,
            pltpu.SemaphoreType.DMA,
        ],
    )
    def sc_bincount(v_hbm, d_hbm, out_hbm, vb, db, bins, sem0, sem1):
        wid = lax.axis_index("s") * NC + lax.axis_index("c")
        base = wid * per_w
        sems = (sem0, sem1)

        def copies(g, slot):
            off = base + g * blk
            sem = sems[slot]
            return (
                pltpu.make_async_copy(v_hbm.at[pl.ds(off, blk)], vb.at[slot], sem),
                pltpu.make_async_copy(d_hbm.at[pl.ds(date_base + off, blk)],
                                      db.at[slot], sem),
            )

        def start(g, slot):
            for c in copies(g, slot):
                c.start()

        def wait(g, slot):
            for c in copies(g, slot):
                c.wait()

        zeros = jnp.zeros((LANES,), jnp.float32)

        def zbody(i, _):
            o = i * LANES
            for r in range(LANES):
                bins[r, pl.ds(o, LANES)] = zeros
            return 0

        lax.fori_loop(0, nbins // LANES, zbody, 0)
        lane = lax.iota(jnp.int32, LANES)

        start(0, 0)
        for g in range(nblk):
            slot = g % 2
            if g + 1 < nblk:
                start(g + 1, 1 - slot)
            wait(g, slot)

            def sub(c, _):
                o0 = c * SUB
                d0v = db[slot, pl.ds(o0, LANES)]
                d1v = db[slot, pl.ds(o0 + SUB - LANES, LANES)]
                d0 = d0v[0]
                d1 = d1v[LANES - 1]

                @pl.when(d0 == d1)
                def _fast():
                    accs = [jnp.zeros((LANES,), jnp.float32)
                            for _ in range(4)]
                    for u in range(SUB // LANES):
                        o = o0 + u * LANES
                        vv = vb[slot, pl.ds(o, LANES)]
                        accs[u % 4] = accs[u % 4] + vv
                    acc = (accs[0] + accs[1]) + (accs[2] + accs[3])
                    dsplat = jnp.full((LANES,), d0, jnp.int32)
                    plsc.addupdate_scatter(bins, [lane, dsplat], acc)

                @pl.when(d0 != d1)
                def _slow():
                    @plsc.parallel_loop(0, SUB // LANES, unroll=4)
                    def sbody(u):
                        o = o0 + u * LANES
                        vv = vb[slot, pl.ds(o, LANES)]
                        dv = db[slot, pl.ds(o, LANES)]
                        plsc.addupdate_scatter(bins, [lane, dv], vv)

                return 0

            lax.fori_loop(0, blk // SUB, sub, 0)

        def mbody(i, _):
            o = i * LANES
            acc = bins[0, pl.ds(o, LANES)]
            for r in range(1, LANES):
                acc = acc + bins[r, pl.ds(o, LANES)]
            bins[0, pl.ds(o, LANES)] = acc
            return 0

        lax.fori_loop(0, nbins // LANES, mbody, 0)
        pltpu.sync_copy(bins.at[0, pl.ds(0, nbins)], out_hbm.at[wid])

    return sc_bincount


_sc_bincounts = (_make_sc_bincount(_HALF, NW, BLK, NBINS, 0),
                 _make_sc_bincount(_HALF, NW, BLK, NBINS, _HALF))



def _finalize_body(b0_ref, b1_ref, out_ref):
    pi = (jnp.sum(b0_ref[...], axis=0, keepdims=True)
          + jnp.sum(b1_ref[...], axis=0, keepdims=True))
    total = jnp.sum(pi)
    ssq = jnp.sum(pi * pi)
    out_ref[0, 0] = -(ALPHA * total * total) / ssq


_finalize = pl.pallas_call(
    _finalize_body,
    out_shape=jax.ShapeDtypeStruct((1, 1), jnp.float32),
    in_specs=[pl.BlockSpec(memory_space=pltpu.VMEM)] * 2,
    out_specs=pl.BlockSpec(memory_space=pltpu.SMEM),
)


def kernel(inputs, targets, weight, date):
    date_i = date.astype(jnp.int32)
    v0 = _vals_calls[0](inputs, targets, weight)
    p0 = _sc_bincounts[0](v0, date_i)
    v1 = _vals_calls[1](inputs, targets, weight)
    p1 = _sc_bincounts[1](v1, date_i)
    return _finalize(p0, p1)[0, 0]

# --- scband reference (transcript-rebuilt; emitter-appended) ---
"""Pipeline reference for scband-utility-loss-13709535609173 (READ-ONLY COPY).

The authoritative reference and input builder live on the scoring server;
editing this copy changes nothing except your own understanding.
"""

import jax, jax.numpy as jnp
import numpy as np

N = 4194304
NUM_DATES = 500
ALPHA = 1.0
SCALING = 12.0


def setup_inputs(seed: int = 0) -> dict:
    key = jax.random.key(seed)
    k1, k2, k3, k4 = jax.random.split(key, 4)
    inputs = jax.random.normal(k1, (N,), dtype=jnp.float32)
    targets = jax.random.normal(k2, (N,), dtype=jnp.float32)
    weight = jax.random.uniform(k3, (N,), dtype=jnp.float32)
    date = jnp.sort(jax.random.randint(k4, (N,), 0, NUM_DATES, dtype=jnp.int64))
    return {"inputs": inputs, "targets": targets, "weight": weight, "date": date}


def reference(inputs, targets, weight, date):
    # inputs: prediction of the model (without sigmoid, processed with a scaling)
    x = jax.nn.sigmoid(SCALING * inputs)
    x = x.reshape(-1)
    t = targets.reshape(-1)
    w = weight.reshape(-1)
    # torch.bincount(date, weights=w*t*x) -> weighted scatter-add into per-date bins
    vals = w * t * x
    Pi = jnp.zeros((NUM_DATES,), dtype=vals.dtype).at[date].add(vals)
    loss = jnp.square(Pi.sum()) / jnp.square(Pi).sum()
    return -ALPHA * loss

if __name__ == "__main__":
    import jax
    _d = setup_inputs()
    print(jax.jit(kernel)(*tuple(_d.values())))

</pallas_src>

<mosaic_0001>
#map = affine_map<(d0, d1) -> (0)>
#map1 = affine_map<(d0, d1) -> (0, 0)>
module attributes {stable_mosaic.version = 14 : i64} {
  func.func @sc_bincount(%arg0: i32, %arg1: i32, %arg2: memref<2097152xf32, #tpu.memory_space<hbm>>, %arg3: memref<4194304xi32, #tpu.memory_space<hbm>>, %arg4: memref<32x512xf32, #tpu.memory_space<hbm>>, %arg5: memref<2x16384xf32, #tpu.memory_space<vmem>>, %arg6: memref<2x16384xi32, #tpu.memory_space<vmem>>, %arg7: memref<16x513xf32, #tpu.memory_space<vmem>>, %arg8: memref<!tpu.dma_semaphore, #tpu.memory_space<semaphore_mem>>, %arg9: memref<!tpu.dma_semaphore, #tpu.memory_space<semaphore_mem>>) attributes {dimension_semantics = [#tpu.dimension_semantics<core_parallel>, #tpu.dimension_semantics<subcore_parallel>], iteration_bounds = array<i64: 2, 16>, scalar_prefetch = 0 : i64, scratch_operands = 5 : i64, tpu.core_type = #tpu.core_type<sc_vector_subcore>, window_params = [{transform_indices = #map}, {transform_indices = #map}, {transform_indices = #map1}]} {
    %mul3A = arith.constant 2 : i32
    %mul3A_0 = arith.muli %arg1, %mul3A : i32
    %add3A = arith.addi %mul3A_0, %arg0 : i32
    %mul3A_1 = arith.constant 65536 : i32
    %mul3A_2 = arith.muli %add3A, %mul3A_1 : i32
    %broadcast_in_dim3A = arith.constant 0.000000e+00 : f32
    %broadcast_in_dim3A_3 = vector.broadcast %broadcast_in_dim3A : f32 to vector<16xf32>
    %scan3A = arith.constant 0 : i32
    %scan3A_4 = arith.constant 0 : i32
    %scan3A_5 = arith.constant 32 : i32
    %scan3A_6 = arith.addi %scan3A_4, %scan3A_5 : i32
    %scan3A_7 = arith.constant 1 : i32
    %scan3A_8 = scf.for %scan3A_219 = %scan3A_4 to %scan3A_6 step %scan3A_7 iter_args(%scan3A_220 = %scan3A) -> (i32)  : i32 {
      %mul3A_221 = arith.constant 16 : i32
      %mul3A_222 = arith.muli %scan3A_219, %mul3A_221 : i32
      %swap3A = arith.constant 0 : i32
      %swap3A_223 = arith.index_cast %swap3A : i32 to index
      %swap3A_224 = arith.index_cast %mul3A_222 : i32 to index
      %swap3A_225 = tpu.vector_load %arg7[%swap3A_223, %swap3A_224] {strides = array<i32>} : memref<16x513xf32, #tpu.memory_space<vmem>>, vector<16xf32>,
      tpu.vector_store %arg7[%swap3A_223, %swap3A_224], %broadcast_in_dim3A_3 {strides = array<i32>} : memref<16x513xf32, #tpu.memory_space<vmem>>, vector<16xf32>,
      %swap3A_226 = arith.constant 1 : i32
      %swap3A_227 = arith.index_cast %swap3A_226 : i32 to index
      %swap3A_228 = arith.index_cast %mul3A_222 : i32 to index
      %swap3A_229 = tpu.vector_load %arg7[%swap3A_227, %swap3A_228] {strides = array<i32>} : memref<16x513xf32, #tpu.memory_space<vmem>>, vector<16xf32>,
      tpu.vector_store %arg7[%swap3A_227, %swap3A_228], %broadcast_in_dim3A_3 {strides = array<i32>} : memref<16x513xf32, #tpu.memory_space<vmem>>, vector<16xf32>,
      %swap3A_230 = arith.constant 2 : i32
      %swap3A_231 = arith.index_cast %swap3A_230 : i32 to index
      %swap3A_232 = arith.index_cast %mul3A_222 : i32 to index
      %swap3A_233 = tpu.vector_load %arg7[%swap3A_231, %swap3A_232] {strides = array<i32>} : memref<16x513xf32, #tpu.memory_space<vmem>>, vector<16xf32>,
      tpu.vector_store %arg7[%swap3A_231, %swap3A_232], %broadcast_in_dim3A_3 {strides = array<i32>} : memref<16x513xf32, #tpu.memory_space<vmem>>, vector<16xf32>,
      %swap3A_234 = arith.constant 3 : i32
      %swap3A_235 = arith.index_cast %swap3A_234 : i32 to index
      %swap3A_236 = arith.index_cast %mul3A_222 : i32 to index
      %swap3A_237 = tpu.vector_load %arg7[%swap3A_235, %swap3A_236] {strides = array<i32>} : memref<16x513xf32, #tpu.memory_space<vmem>>, vector<16xf32>,
      tpu.vector_store %arg7[%swap3A_235, %swap3A_236], %broadcast_in_dim3A_3 {strides = array<i32>} : memref<16x513xf32, #tpu.memory_space<vmem>>, vector<16xf32>,
      %swap3A_238 = arith.constant 4 : i32
      %swap3A_239 = arith.index_cast %swap3A_238 : i32 to index
      %swap3A_240 = arith.index_cast %mul3A_222 : i32 to index
      %swap3A_241 = tpu.vector_load %arg7[%swap3A_239, %swap3A_240] {strides = array<i32>} : memref<16x513xf32, #tpu.memory_space<vmem>>, vector<16xf32>,
      tpu.vector_store %arg7[%swap3A_239, %swap3A_240], %broadcast_in_dim3A_3 {strides = array<i32>} : memref<16x513xf32, #tpu.memory_space<vmem>>, vector<16xf32>,
      %swap3A_242 = arith.constant 5 : i32
      %swap3A_243 = arith.index_cast %swap3A_242 : i32 to index
      %swap3A_244 = arith.index_cast %mul3A_222 : i32 to index
      %swap3A_245 = tpu.vector_load %arg7[%swap3A_243, %swap3A_244] {strides = array<i32>} : memref<16x513xf32, #tpu.memory_space<vmem>>, vector<16xf32>,
      tpu.vector_store %arg7[%swap3A_243, %swap3A_244], %broadcast_in_dim3A_3 {strides = array<i32>} : memref<16x513xf32, #tpu.memory_space<vmem>>, vector<16xf32>,
      %swap3A_246 = arith.constant 6 : i32
      %swap3A_247 = arith.index_cast %swap3A_246 : i32 to index
      %swap3A_248 = arith.index_cast %mul3A_222 : i32 to index
      %swap3A_249 = tpu.vector_load %arg7[%swap3A_247, %swap3A_248] {strides = array<i32>} : memref<16x513xf32, #tpu.memory_space<vmem>>, vector<16xf32>,
      tpu.vector_store %arg7[%swap3A_247, %swap3A_248], %broadcast_in_dim3A_3 {strides = array<i32>} : memref<16x513xf32, #tpu.memory_space<vmem>>, vector<16xf32>,
      %swap3A_250 = arith.constant 7 : i32
      %swap3A_251 = arith.index_cast %swap3A_250 : i32 to index
      %swap3A_252 = arith.index_cast %mul3A_222 : i32 to index
      %swap3A_253 = tpu.vector_load %arg7[%swap3A_251, %swap3A_252] {strides = array<i32>} : memref<16x513xf32, #tpu.memory_space<vmem>>, vector<16xf32>,
      tpu.vector_store %arg7[%swap3A_251, %swap3A_252], %broadcast_in_dim3A_3 {strides = array<i32>} : memref<16x513xf32, #tpu.memory_space<vmem>>, vector<16xf32>,
      %swap3A_254 = arith.constant 8 : i32
      %swap3A_255 = arith.index_cast %swap3A_254 : i32 to index
      %swap3A_256 = arith.index_cast %mul3A_222 : i32 to index
      %swap3A_257 = tpu.vector_load %arg7[%swap3A_255, %swap3A_256] {strides = array<i32>} : memref<16x513xf32, #tpu.memory_space<vmem>>, vector<16xf32>,
      tpu.vector_store %arg7[%swap3A_255, %swap3A_256], %broadcast_in_dim3A_3 {strides = array<i32>} : memref<16x513xf32, #tpu.memory_space<vmem>>, vector<16xf32>,
      %swap3A_258 = arith.constant 9 : i32
      %swap3A_259 = arith.index_cast %swap3A_258 : i32 to index
      %swap3A_260 = arith.index_cast %mul3A_222 : i32 to index
      %swap3A_261 = tpu.vector_load %arg7[%swap3A_259, %swap3A_260] {strides = array<i32>} : memref<16x513xf32, #tpu.memory_space<vmem>>, vector<16xf32>,
      tpu.vector_store %arg7[%swap3A_259, %swap3A_260], %broadcast_in_dim3A_3 {strides = array<i32>} : memref<16x513xf32, #tpu.memory_space<vmem>>, vector<16xf32>,
      %swap3A_262 = arith.constant 10 : i32
      %swap3A_263 = arith.index_cast %swap3A_262 : i32 to index
      %swap3A_264 = arith.index_cast %mul3A_222 : i32 to index
      %swap3A_265 = tpu.vector_load %arg7[%swap3A_263, %swap3A_264] {strides = array<i32>} : memref<16x513xf32, #tpu.memory_space<vmem>>, vector<16xf32>,
      tpu.vector_store %arg7[%swap3A_263, %swap3A_264], %broadcast_in_dim3A_3 {strides = array<i32>} : memref<16x513xf32, #tpu.memory_space<vmem>>, vector<16xf32>,
      %swap3A_266 = arith.constant 11 : i32
      %swap3A_267 = arith.index_cast %swap3A_266 : i32 to index
      %swap3A_268 = arith.index_cast %mul3A_222 : i32 to index
      %swap3A_269 = tpu.vector_load %arg7[%swap3A_267, %swap3A_268] {strides = array<i32>} : memref<16x513xf32, #tpu.memory_space<vmem>>, vector<16xf32>,
      tpu.vector_store %arg7[%swap3A_267, %swap3A_268], %broadcast_in_dim3A_3 {strides = array<i32>} : memref<16x513xf32, #tpu.memory_space<vmem>>, vector<16xf32>,
      %swap3A_270 = arith.constant 12 : i32
      %swap3A_271 = arith.index_cast %swap3A_270 : i32 to index
      %swap3A_272 = arith.index_cast %mul3A_222 : i32 to index
      %swap3A_273 = tpu.vector_load %arg7[%swap3A_271, %swap3A_272] {strides = array<i32>} : memref<16x513xf32, #tpu.memory_space<vmem>>, vector<16xf32>,
      tpu.vector_store %arg7[%swap3A_271, %swap3A_272], %broadcast_in_dim3A_3 {strides = array<i32>} : memref<16x513xf32, #tpu.memory_space<vmem>>, vector<16xf32>,
      %swap3A_274 = arith.constant 13 : i32
      %swap3A_275 = arith.index_cast %swap3A_274 : i32 to index
      %swap3A_276 = arith.index_cast %mul3A_222 : i32 to index
      %swap3A_277 = tpu.vector_load %arg7[%swap3A_275, %swap3A_276] {strides = array<i32>} : memref<16x513xf32, #tpu.memory_space<vmem>>, vector<16xf32>,
      tpu.vector_store %arg7[%swap3A_275, %swap3A_276], %broadcast_in_dim3A_3 {strides = array<i32>} : memref<16x513xf32, #tpu.memory_space<vmem>>, vector<16xf32>,
      %swap3A_278 = arith.constant 14 : i32
      %swap3A_279 = arith.index_cast %swap3A_278 : i32 to index
      %swap3A_280 = arith.index_cast %mul3A_222 : i32 to index
      %swap3A_281 = tpu.vector_load %arg7[%swap3A_279, %swap3A_280] {strides = array<i32>} : memref<16x513xf32, #tpu.memory_space<vmem>>, vector<16xf32>,
      tpu.vector_store %arg7[%swap3A_279, %swap3A_280], %broadcast_in_dim3A_3 {strides = array<i32>} : memref<16x513xf32, #tpu.memory_space<vmem>>, vector<16xf32>,
      %swap3A_282 = arith.constant 15 : i32
      %swap3A_283 = arith.index_cast %swap3A_282 : i32 to index
      %swap3A_284 = arith.index_cast %mul3A_222 : i32 to index
      %swap3A_285 = tpu.vector_load %arg7[%swap3A_283, %swap3A_284] {strides = array<i32>} : memref<16x513xf32, #tpu.memory_space<vmem>>, vector<16xf32>,
      tpu.vector_store %arg7[%swap3A_283, %swap3A_284], %broadcast_in_dim3A_3 {strides = array<i32>} : memref<16x513xf32, #tpu.memory_space<vmem>>, vector<16xf32>,
      %scan3A_286 = arith.constant 0 : i32
      scf.yield %scan3A_286 : i32
    }
    %scan3A_9 = arith.constant 32 : i32
    %iota3A = tpu.iota {dimensions = array<i32: 0>} : vector<16xi32>
    %add3A_10 = arith.constant 0 : i32
    %add3A_11 = arith.addi %mul3A_2, %add3A_10 : i32
    %add3A_12 = arith.constant 0 : i32
    %add3A_13 = arith.addi %add3A_12, %add3A_11 : i32
    %dma_start3A = arith.constant 0 : i32
    %dma_start3A_14 = arith.constant 0 : i32
    %dma_start3A_15 = tpu.memref_slice %arg5[%dma_start3A, %dma_start3A_14] : memref<2x16384xf32, #tpu.memory_space<vmem>> -> memref<1x16384xf32, #tpu.memory_space<vmem>>
    %dma_start3A_16 = tpu.memref_squeeze %dma_start3A_15 : memref<1x16384xf32, #tpu.memory_space<vmem>> -> memref<16384xf32, #tpu.memory_space<vmem>>
    %dma_start3A_17 = tpu.memref_slice %arg2[%add3A_11] : memref<2097152xf32, #tpu.memory_space<hbm>> -> memref<16384xf32, #tpu.memory_space<hbm>>
    %dma_start3A_18 = arith.constant 0 : i32
    %dma_start3A_19 = tpu.memref_slice %arg5[%dma_start3A, %dma_start3A_18] : memref<2x16384xf32, #tpu.memory_space<vmem>> -> memref<1x16384xf32, #tpu.memory_space<vmem>>
    %dma_start3A_20 = tpu.memref_squeeze %dma_start3A_19 : memref<1x16384xf32, #tpu.memory_space<vmem>> -> memref<16384xf32, #tpu.memory_space<vmem>>
    %dma_start3A_21 = tpu.memref_slice %arg2[%add3A_11] : memref<2097152xf32, #tpu.memory_space<hbm>> -> memref<16384xf32, #tpu.memory_space<hbm>>
    tpu.enqueue_dma source(%dma_start3A_21 : memref<16384xf32, #tpu.memory_space<hbm>>) target(%dma_start3A_20 : memref<16384xf32, #tpu.memory_space<vmem>>) target_semaphore(%arg8 : memref<!tpu.dma_semaphore, #tpu.memory_space<semaphore_mem>>)
    %dma_start3A_22 = arith.constant 0 : i32
    %dma_start3A_23 = arith.constant 0 : i32
    %dma_start3A_24 = tpu.memref_slice %arg6[%dma_start3A_22, %dma_start3A_23] : memref<2x16384xi32, #tpu.memory_space<vmem>> -> memref<1x16384xi32, #tpu.memory_space<vmem>>
    %dma_start3A_25 = tpu.memref_squeeze %dma_start3A_24 : memref<1x16384xi32, #tpu.memory_space<vmem>> -> memref<16384xi32, #tpu.memory_space<vmem>>
    %dma_start3A_26 = tpu.memref_slice %arg3[%add3A_13] : memref<4194304xi32, #tpu.memory_space<hbm>> -> memref<16384xi32, #tpu.memory_space<hbm>>
    %dma_start3A_27 = arith.constant 0 : i32
    %dma_start3A_28 = tpu.memref_slice %arg6[%dma_start3A_22, %dma_start3A_27] : memref<2x16384xi32, #tpu.memory_space<vmem>> -> memref<1x16384xi32, #tpu.memory_space<vmem>>
    %dma_start3A_29 = tpu.memref_squeeze %dma_start3A_28 : memref<1x16384xi32, #tpu.memory_space<vmem>> -> memref<16384xi32, #tpu.memory_space<vmem>>
    %dma_start3A_30 = tpu.memref_slice %arg3[%add3A_13] : memref<4194304xi32, #tpu.memory_space<hbm>> -> memref<16384xi32, #tpu.memory_space<hbm>>
    tpu.enqueue_dma source(%dma_start3A_30 : memref<16384xi32, #tpu.memory_space<hbm>>) target(%dma_start3A_29 : memref<16384xi32, #tpu.memory_space<vmem>>) target_semaphore(%arg8 : memref<!tpu.dma_semaphore, #tpu.memory_space<semaphore_mem>>)
    %add3A_31 = arith.constant 16384 : i32
    %add3A_32 = arith.addi %mul3A_2, %add3A_31 : i32
    %add3A_33 = arith.constant 0 : i32
    %add3A_34 = arith.addi %add3A_33, %add3A_32 : i32
    %dma_start3A_35 = arith.constant 1 : i32
    %dma_start3A_36 = arith.constant 0 : i32
    %dma_start3A_37 = tpu.memref_slice %arg5[%dma_start3A_35, %dma_start3A_36] : memref<2x16384xf32, #tpu.memory_space<vmem>> -> memref<1x16384xf32, #tpu.memory_space<vmem>>
    %dma_start3A_38 = tpu.memref_squeeze %dma_start3A_37 : memref<1x16384xf32, #tpu.memory_space<vmem>> -> memref<16384xf32, #tpu.memory_space<vmem>>
    %dma_start3A_39 = tpu.memref_slice %arg2[%add3A_32] : memref<2097152xf32, #tpu.memory_space<hbm>> -> memref<16384xf32, #tpu.memory_space<hbm>>
    %dma_start3A_40 = arith.constant 0 : i32
    %dma_start3A_41 = tpu.memref_slice %arg5[%dma_start3A_35, %dma_start3A_40] : memref<2x16384xf32, #tpu.memory_space<vmem>> -> memref<1x16384xf32, #tpu.memory_space<vmem>>
    %dma_start3A_42 = tpu.memref_squeeze %dma_start3A_41 : memref<1x16384xf32, #tpu.memory_space<vmem>> -> memref<16384xf32, #tpu.memory_space<vmem>>
    %dma_start3A_43 = tpu.memref_slice %arg2[%add3A_32] : memref<2097152xf32, #tpu.memory_space<hbm>> -> memref<16384xf32, #tpu.memory_space<hbm>>
    tpu.enqueue_dma source(%dma_start3A_43 : memref<16384xf32, #tpu.memory_space<hbm>>) target(%dma_start3A_42 : memref<16384xf32, #tpu.memory_space<vmem>>) target_semaphore(%arg9 : memref<!tpu.dma_semaphore, #tpu.memory_space<semaphore_mem>>)
    %dma_start3A_44 = arith.constant 1 : i32
    %dma_start3A_45 = arith.constant 0 : i32
    %dma_start3A_46 = tpu.memref_slice %arg6[%dma_start3A_44, %dma_start3A_45] : memref<2x16384xi32, #tpu.memory_space<vmem>> -> memref<1x16384xi32, #tpu.memory_space<vmem>>
    %dma_start3A_47 = tpu.memref_squeeze %dma_start3A_46 : memref<1x16384xi32, #tpu.memory_space<vmem>> -> memref<16384xi32, #tpu.memory_space<vmem>>
    %dma_start3A_48 = tpu.memref_slice %arg3[%add3A_34] : memref<4194304xi32, #tpu.memory_space<hbm>> -> memref<16384xi32, #tpu.memory_space<hbm>>
    %dma_start3A_49 = arith.constant 0 : i32
    %dma_start3A_50 = tpu.memref_slice %arg6[%dma_start3A_44, %dma_start3A_49] : memref<2x16384xi32, #tpu.memory_space<vmem>> -> memref<1x16384xi32, #tpu.memory_space<vmem>>
    %dma_start3A_51 = tpu.memref_squeeze %dma_start3A_50 : memref<1x16384xi32, #tpu.memory_space<vmem>> -> memref<16384xi32, #tpu.memory_space<vmem>>
    %dma_start3A_52 = tpu.memref_slice %arg3[%add3A_34] : memref<4194304xi32, #tpu.memory_space<hbm>> -> memref<16384xi32, #tpu.memory_space<hbm>>
    tpu.enqueue_dma source(%dma_start3A_52 : memref<16384xi32, #tpu.memory_space<hbm>>) target(%dma_start3A_51 : memref<16384xi32, #tpu.memory_space<vmem>>) target_semaphore(%arg9 : memref<!tpu.dma_semaphore, #tpu.memory_space<semaphore_mem>>)
    %add3A_53 = arith.constant 0 : i32
    %add3A_54 = arith.addi %mul3A_2, %add3A_53 : i32
    %add3A_55 = arith.constant 0 : i32
    %add3A_56 = arith.addi %add3A_55, %add3A_54 : i32
    %dma_wait3A = arith.constant 0 : i32
    %dma_wait3A_57 = arith.constant 0 : i32
    %dma_wait3A_58 = tpu.memref_slice %arg5[%dma_wait3A, %dma_wait3A_57] : memref<2x16384xf32, #tpu.memory_space<vmem>> -> memref<1x16384xf32, #tpu.memory_space<vmem>>
    %dma_wait3A_59 = tpu.memref_squeeze %dma_wait3A_58 : memref<1x16384xf32, #tpu.memory_space<vmem>> -> memref<16384xf32, #tpu.memory_space<vmem>>
    %dma_wait3A_60 = tpu.memref_slice %arg2[%add3A_54] : memref<2097152xf32, #tpu.memory_space<hbm>> -> memref<16384xf32, #tpu.memory_space<hbm>>
    %dma_wait3A_61 = arith.constant 0 : i32
    %dma_wait3A_62 = tpu.memref_slice %arg5[%dma_wait3A, %dma_wait3A_61] : memref<2x16384xf32, #tpu.memory_space<vmem>> -> memref<1x16384xf32, #tpu.memory_space<vmem>>
    %dma_wait3A_63 = tpu.memref_squeeze %dma_wait3A_62 : memref<1x16384xf32, #tpu.memory_space<vmem>> -> memref<16384xf32, #tpu.memory_space<vmem>>
    %dma_wait3A_64 = tpu.memref_slice %arg2[%add3A_54] : memref<2097152xf32, #tpu.memory_space<hbm>> -> memref<16384xf32, #tpu.memory_space<hbm>>
    tpu.wait_dma2 semaphore(%arg8 : memref<!tpu.dma_semaphore, #tpu.memory_space<semaphore_mem>>) src(%dma_wait3A_64 : memref<16384xf32, #tpu.memory_space<hbm>>) dst(%dma_wait3A_63 : memref<16384xf32, #tpu.memory_space<vmem>>)
    %dma_wait3A_65 = arith.constant 0 : i32
    %dma_wait3A_66 = arith.constant 0 : i32
    %dma_wait3A_67 = tpu.memref_slice %arg6[%dma_wait3A_65, %dma_wait3A_66] : memref<2x16384xi32, #tpu.memory_space<vmem>> -> memref<1x16384xi32, #tpu.memory_space<vmem>>
    %dma_wait3A_68 = tpu.memref_squeeze %dma_wait3A_67 : memref<1x16384xi32, #tpu.memory_space<vmem>> -> memref<16384xi32, #tpu.memory_space<vmem>>
    %dma_wait3A_69 = tpu.memref_slice %arg3[%add3A_56] : memref<4194304xi32, #tpu.memory_space<hbm>> -> memref<16384xi32, #tpu.memory_space<hbm>>
    %dma_wait3A_70 = arith.constant 0 : i32
    %dma_wait3A_71 = tpu.memref_slice %arg6[%dma_wait3A_65, %dma_wait3A_70] : memref<2x16384xi32, #tpu.memory_space<vmem>> -> memref<1x16384xi32, #tpu.memory_space<vmem>>
    %dma_wait3A_72 = tpu.memref_squeeze %dma_wait3A_71 : memref<1x16384xi32, #tpu.memory_space<vmem>> -> memref<16384xi32, #tpu.memory_space<vmem>>
    %dma_wait3A_73 = tpu.memref_slice %arg3[%add3A_56] : memref<4194304xi32, #tpu.memory_space<hbm>> -> memref<16384xi32, #tpu.memory_space<hbm>>
    tpu.wait_dma2 semaphore(%arg8 : memref<!tpu.dma_semaphore, #tpu.memory_space<semaphore_mem>>) src(%dma_wait3A_73 : memref<16384xi32, #tpu.memory_space<hbm>>) dst(%dma_wait3A_72 : memref<16384xi32, #tpu.memory_space<vmem>>)
    %scan3A_74 = arith.constant 0 : i32
    %scan3A_75 = arith.constant 0 : i32
    %scan3A_76 = arith.constant 32 : i32
    %scan3A_77 = arith.addi %scan3A_75, %scan3A_76 : i32
    %scan3A_78 = arith.constant 1 : i32
    %scan3A_79 = scf.for %scan3A_219 = %scan3A_75 to %scan3A_77 step %scan3A_78 iter_args(%scan3A_220 = %scan3A_74) -> (i32)  : i32 {
      %mul3A_221 = arith.constant 512 : i32
      %mul3A_222 = arith.muli %scan3A_219, %mul3A_221 : i32
      %get3A = arith.constant 0 : i32
      %get3A_223 = arith.index_cast %get3A : i32 to index
      %get3A_224 = arith.index_cast %mul3A_222 : i32 to index
      %get3A_225 = tpu.vector_load %arg6[%get3A_223, %get3A_224] {strides = array<i32>} : memref<2x16384xi32, #tpu.memory_space<vmem>>, vector<16xi32>,
      %add3A_226 = arith.constant 512 : i32
      %add3A_227 = arith.addi %mul3A_222, %add3A_226 : i32
      %sub3A = arith.constant 16 : i32
      %sub3A_228 = arith.subi %add3A_227, %sub3A : i32
      %get3A_229 = arith.constant 0 : i32
      %get3A_230 = arith.index_cast %get3A_229 : i32 to index
      %get3A_231 = arith.index_cast %sub3A_228 : i32 to index
      %get3A_232 = tpu.vector_load %arg6[%get3A_230, %get3A_231] {strides = array<i32>} : memref<2x16384xi32, #tpu.memory_space<vmem>>, vector<16xi32>,
      %slice3A = vector.extract_strided_slice %get3A_225 {offsets = [0], sizes = [1], strides = [1]} : vector<16xi32> to vector<1xi32>
      %squeeze3A = vector.extract %slice3A[0] : i32 from vector<1xi32>
      %slice3A_233 = vector.extract_strided_slice %get3A_232 {offsets = [15], sizes = [1], strides = [1]} : vector<16xi32> to vector<1xi32>
      %squeeze3A_234 = vector.extract %slice3A_233[0] : i32 from vector<1xi32>
      %eq3A = arith.cmpi eq, %squeeze3A, %squeeze3A_234 : i32
      %convert_element_type3A = arith.extui %eq3A : i1 to i32
      %cond3A = arith.constant 0 : i32
      %cond3A_235 = arith.cmpi ne, %convert_element_type3A, %cond3A : i32
      scf.if %cond3A_235 {
        %broadcast_in_dim3A_240 = arith.constant 0.000000e+00 : f32
        %broadcast_in_dim3A_241 = vector.broadcast %broadcast_in_dim3A_240 : f32 to vector<16xf32>
        %broadcast_in_dim3A_242 = arith.constant 0.000000e+00 : f32
        %broadcast_in_dim3A_243 = vector.broadcast %broadcast_in_dim3A_242 : f32 to vector<16xf32>
        %broadcast_in_dim3A_244 = arith.constant 0.000000e+00 : f32
        %broadcast_in_dim3A_245 = vector.broadcast %broadcast_in_dim3A_244 : f32 to vector<16xf32>
        %broadcast_in_dim3A_246 = arith.constant 0.000000e+00 : f32
        %broadcast_in_dim3A_247 = vector.broadcast %broadcast_in_dim3A_246 : f32 to vector<16xf32>
        %add3A_248 = arith.constant 0 : i32
        %add3A_249 = arith.addi %mul3A_222, %add3A_248 : i32
        %get3A_250 = arith.constant 0 : i32
        %get3A_251 = arith.index_cast %get3A_250 : i32 to index
        %get3A_252 = arith.index_cast %add3A_249 : i32 to index
        %get3A_253 = tpu.vector_load %arg5[%get3A_251, %get3A_252] {strides = array<i32>} : memref<2x16384xf32, #tpu.memory_space<vmem>>, vector<16xf32>,
        %add3A_254 = arith.addf %broadcast_in_dim3A_241, %get3A_253 : vector<16xf32>
        %add3A_255 = arith.constant 16 : i32
        %add3A_256 = arith.addi %mul3A_222, %add3A_255 : i32
        %get3A_257 = arith.constant 0 : i32
        %get3A_258 = arith.index_cast %get3A_257 : i32 to index
        %get3A_259 = arith.index_cast %add3A_256 : i32 to index
        %get3A_260 = tpu.vector_load %arg5[%get3A_258, %get3A_259] {strides = array<i32>} : memref<2x16384xf32, #tpu.memory_space<vmem>>, vector<16xf32>,
        %add3A_261 = arith.addf %broadcast_in_dim3A_243, %get3A_260 : vector<16xf32>
        %add3A_262 = arith.constant 32 : i32
        %add3A_263 = arith.addi %mul3A_222, %add3A_262 : i32
        %get3A_264 = arith.constant 0 : i32
        %get3A_265 = arith.index_cast %get3A_264 : i32 to index
        %get3A_266 = arith.index_cast %add3A_263 : i32 to index
        %get3A_267 = tpu.vector_load %arg5[%get3A_265, %get3A_266] {strides = array<i32>} : memref<2x16384xf32, #tpu.memory_space<vmem>>, vector<16xf32>,
        %add3A_268 = arith.addf %broadcast_in_dim3A_245, %get3A_267 : vector<16xf32>
        %add3A_269 = arith.constant 48 : i32
        %add3A_270 = arith.addi %mul3A_222, %add3A_269 : i32
        %get3A_271 = arith.constant 0 : i32
        %get3A_272 = arith.index_cast %get3A_271 : i32 to index
        %get3A_273 = arith.index_cast %add3A_270 : i32 to index
        %get3A_274 = tpu.vector_load %arg5[%get3A_272, %get3A_273] {strides = array<i32>} : memref<2x16384xf32, #tpu.memory_space<vmem>>, vector<16xf32>,
        %add3A_275 = arith.addf %broadcast_in_dim3A_247, %get3A_274 : vector<16xf32>
        %add3A_276 = arith.constant 64 : i32
        %add3A_277 = arith.addi %mul3A_222, %add3A_276 : i32
        %get3A_278 = arith.constant 0 : i32
        %get3A_279 = arith.index_cast %get3A_278 : i32 to index
        %get3A_280 = arith.index_cast %add3A_277 : i32 to index
        %get3A_281 = tpu.vector_load %arg5[%get3A_279, %get3A_280] {strides = array<i32>} : memref<2x16384xf32, #tpu.memory_space<vmem>>, vector<16xf32>,
        %add3A_282 = arith.addf %add3A_254, %get3A_281 : vector<16xf32>
        %add3A_283 = arith.constant 80 : i32
        %add3A_284 = arith.addi %mul3A_222, %add3A_283 : i32
        %get3A_285 = arith.constant 0 : i32
        %get3A_286 = arith.index_cast %get3A_285 : i32 to index
        %get3A_287 = arith.index_cast %add3A_284 : i32 to index
        %get3A_288 = tpu.vector_load %arg5[%get3A_286, %get3A_287] {strides = array<i32>} : memref<2x16384xf32, #tpu.memory_space<vmem>>, vector<16xf32>,
        %add3A_289 = arith.addf %add3A_261, %get3A_288 : vector<16xf32>
        %add3A_290 = arith.constant 96 : i32
        %add3A_291 = arith.addi %mul3A_222, %add3A_290 : i32
        %get3A_292 = arith.constant 0 : i32
        %get3A_293 = arith.index_cast %get3A_292 : i32 to index
        %get3A_294 = arith.index_cast %add3A_291 : i32 to index
        %get3A_295 = tpu.vector_load %arg5[%get3A_293, %get3A_294] {strides = array<i32>} : memref<2x16384xf32, #tpu.memory_space<vmem>>, vector<16xf32>,
        %add3A_296 = arith.addf %add3A_268, %get3A_295 : vector<16xf32>
        %add3A_297 = arith.constant 112 : i32
        %add3A_298 = arith.addi %mul3A_222, %add3A_297 : i32
        %get3A_299 = arith.constant 0 : i32
        %get3A_300 = arith.index_cast %get3A_299 : i32 to index
        %get3A_301 = arith.index_cast %add3A_298 : i32 to index
        %get3A_302 = tpu.vector_load %arg5[%get3A_300, %get3A_301] {strides = array<i32>} : memref<2x16384xf32, #tpu.memory_space<vmem>>, vector<16xf32>,
        %add3A_303 = arith.addf %add3A_275, %get3A_302 : vector<16xf32>
        %add3A_304 = arith.constant 128 : i32
        %add3A_305 = arith.addi %mul3A_222, %add3A_304 : i32
        %get3A_306 = arith.constant 0 : i32
        %get3A_307 = arith.index_cast %get3A_306 : i32 to index
        %get3A_308 = arith.index_cast %add3A_305 : i32 to index
        %get3A_309 = tpu.vector_load %arg5[%get3A_307, %get3A_308] {strides = array<i32>} : memref<2x16384xf32, #tpu.memory_space<vmem>>, vector<16xf32>,
        %add3A_310 = arith.addf %add3A_282, %get3A_309 : vector<16xf32>
        %add3A_311 = arith.constant 144 : i32
        %add3A_312 = arith.addi %mul3A_222, %add3A_311 : i32
        %get3A_313 = arith.constant 0 : i32
        %get3A_314 = arith.index_cast %get3A_313 : i32 to index
        %get3A_315 = arith.index_cast %add3A_312 : i32 to index
        %get3A_316 = tpu.vector_load %arg5[%get3A_314, %get3A_315] {strides = array<i32>} : memref<2x16384xf32, #tpu.memory_space<vmem>>, vector<16xf32>,
        %add3A_317 = arith.addf %add3A_289, %get3A_316 : vector<16xf32>
        %add3A_318 = arith.constant 160 : i32
        %add3A_319 = arith.addi %mul3A_222, %add3A_318 : i32
        %get3A_320 = arith.constant 0 : i32
        %get3A_321 = arith.index_cast %get3A_320 : i32 to index
        %get3A_322 = arith.index_cast %add3A_319 : i32 to index
        %get3A_323 = tpu.vector_load %arg5[%get3A_321, %get3A_322] {strides = array<i32>} : memref<2x16384xf32, #tpu.memory_space<vmem>>, vector<16xf32>,
        %add3A_324 = arith.addf %add3A_296, %get3A_323 : vector<16xf32>
        %add3A_325 = arith.constant 176 : i32
        %add3A_326 = arith.addi %mul3A_222, %add3A_325 : i32
        %get3A_327 = arith.constant 0 : i32
        %get3A_328 = arith.index_cast %get3A_327 : i32 to index
        %get3A_329 = arith.index_cast %add3A_326 : i32 to index
        %get3A_330 = tpu.vector_load %arg5[%get3A_328, %get3A_329] {strides = array<i32>} : memref<2x16384xf32, #tpu.memory_space<vmem>>, vector<16xf32>,
        %add3A_331 = arith.addf %add3A_303, %get3A_330 : vector<16xf32>
        %add3A_332 = arith.constant 192 : i32
        %add3A_333 = arith.addi %mul3A_222, %add3A_332 : i32
        %get3A_334 = arith.constant 0 : i32
        %get3A_335 = arith.index_cast %get3A_334 : i32 to index
        %get3A_336 = arith.index_cast %add3A_333 : i32 to index
        %get3A_337 = tpu.vector_load %arg5[%get3A_335, %get3A_336] {strides = array<i32>} : memref<2x16384xf32, #tpu.memory_space<vmem>>, vector<16xf32>,
        %add3A_338 = arith.addf %add3A_310, %get3A_337 : vector<16xf32>
        %add3A_339 = arith.constant 208 : i32
        %add3A_340 = arith.addi %mul3A_222, %add3A_339 : i32
        %get3A_341 = arith.constant 0 : i32
        %get3A_342 = arith.index_cast %get3A_341 : i32 to index
        %get3A_343 = arith.index_cast %add3A_340 : i32 to index
        %get3A_344 = tpu.vector_load %arg5[%get3A_342, %get3A_343] {strides = array<i32>} : memref<2x16384xf32, #tpu.memory_space<vmem>>, vector<16xf32>,
        %add3A_345 = arith.addf %add3A_317, %get3A_344 : vector<16xf32>
        %add3A_346 = arith.constant 224 : i32
        %add3A_347 = arith.addi %mul3A_222, %add3A_346 : i32
        %get3A_348 = arith.constant 0 : i32
        %get3A_349 = arith.index_cast %get3A_348 : i32 to index
        %get3A_350 = arith.index_cast %add3A_347 : i32 to index
        %get3A_351 = tpu.vector_load %arg5[%get3A_349, %get3A_350] {strides = array<i32>} : memref<2x16384xf32, #tpu.memory_space<vmem>>, vector<16xf32>,
        %add3A_352 = arith.addf %add3A_324, %get3A_351 : vector<16xf32>
        %add3A_353 = arith.constant 240 : i32
        %add3A_354 = arith.addi %mul3A_222, %add3A_353 : i32
        %get3A_355 = arith.constant 0 : i32
        %get3A_356 = arith.index_cast %get3A_355 : i32 to index
        %get3A_357 = arith.index_cast %add3A_354 : i32 to index
        %get3A_358 = tpu.vector_load %arg5[%get3A_356, %get3A_357] {strides = array<i32>} : memref<2x16384xf32, #tpu.memory_space<vmem>>, vector<16xf32>,
        %add3A_359 = arith.addf %add3A_331, %get3A_358 : vector<16xf32>
        %add3A_360 = arith.constant 256 : i32
        %add3A_361 = arith.addi %mul3A_222, %add3A_360 : i32
        %get3A_362 = arith.constant 0 : i32
        %get3A_363 = arith.index_cast %get3A_362 : i32 to index
        %get3A_364 = arith.index_cast %add3A_361 : i32 to index
        %get3A_365 = tpu.vector_load %arg5[%get3A_363, %get3A_364] {strides = array<i32>} : memref<2x16384xf32, #tpu.memory_space<vmem>>, vector<16xf32>,
        %add3A_366 = arith.addf %add3A_338, %get3A_365 : vector<16xf32>
        %add3A_367 = arith.constant 272 : i32
        %add3A_368 = arith.addi %mul3A_222, %add3A_367 : i32
        %get3A_369 = arith.constant 0 : i32
        %get3A_370 = arith.index_cast %get3A_369 : i32 to index
        %get3A_371 = arith.index_cast %add3A_368 : i32 to index
        %get3A_372 = tpu.vector_load %arg5[%get3A_370, %get3A_371] {strides = array<i32>} : memref<2x16384xf32, #tpu.memory_space<vmem>>, vector<16xf32>,
        %add3A_373 = arith.addf %add3A_345, %get3A_372 : vector<16xf32>
        %add3A_374 = arith.constant 288 : i32
        %add3A_375 = arith.addi %mul3A_222, %add3A_374 : i32
        %get3A_376 = arith.constant 0 : i32
        %get3A_377 = arith.index_cast %get3A_376 : i32 to index
        %get3A_378 = arith.index_cast %add3A_375 : i32 to index
        %get3A_379 = tpu.vector_load %arg5[%get3A_377, %get3A_378] {strides = array<i32>} : memref<2x16384xf32, #tpu.memory_space<vmem>>, vector<16xf32>,
        %add3A_380 = arith.addf %add3A_352, %get3A_379 : vector<16xf32>
        %add3A_381 = arith.constant 304 : i32
        %add3A_382 = arith.addi %mul3A_222, %add3A_381 : i32
        %get3A_383 = arith.constant 0 : i32
        %get3A_384 = arith.index_cast %get3A_383 : i32 to index
        %get3A_385 = arith.index_cast %add3A_382 : i32 to index
        %get3A_386 = tpu.vector_load %arg5[%get3A_384, %get3A_385] {strides = array<i32>} : memref<2x16384xf32, #tpu.memory_space<vmem>>, vector<16xf32>,
        %add3A_387 = arith.addf %add3A_359, %get3A_386 : vector<16xf32>
        %add3A_388 = arith.constant 320 : i32
        %add3A_389 = arith.addi %mul3A_222, %add3A_388 : i32
        %get3A_390 = arith.constant 0 : i32
        %get3A_391 = arith.index_cast %get3A_390 : i32 to index
        %get3A_392 = arith.index_cast %add3A_389 : i32 to index
        %get3A_393 = tpu.vector_load %arg5[%get3A_391, %get3A_392] {strides = array<i32>} : memref<2x16384xf32, #tpu.memory_space<vmem>>, vector<16xf32>,
        %add3A_394 = arith.addf %add3A_366, %get3A_393 : vector<16xf32>
        %add3A_395 = arith.constant 336 : i32
        %add3A_396 = arith.addi %mul3A_222, %add3A_395 : i32
        %get3A_397 = arith.constant 0 : i32
        %get3A_398 = arith.index_cast %get3A_397 : i32 to index
        %get3A_399 = arith.index_cast %add3A_396 : i32 to index
        %get3A_400 = tpu.vector_load %arg5[%get3A_398, %get3A_399] {strides = array<i32>} : memref<2x16384xf32, #tpu.memory_space<vmem>>, vector<16xf32>,
        %add3A_401 = arith.addf %add3A_373, %get3A_400 : vector<16xf32>
        %add3A_402 = arith.constant 352 : i32
        %add3A_403 = arith.addi %mul3A_222, %add3A_402 : i32
        %get3A_404 = arith.constant 0 : i32
        %get3A_405 = arith.index_cast %get3A_404 : i32 to index
        %get3A_406 = arith.index_cast %add3A_403 : i32 to index
        %get3A_407 = tpu.vector_load %arg5[%get3A_405, %get3A_406] {strides = array<i32>} : memref<2x16384xf32, #tpu.memory_space<vmem>>, vector<16xf32>,
        %add3A_408 = arith.addf %add3A_380, %get3A_407 : vector<16xf32>
        %add3A_409 = arith.constant 368 : i32
        %add3A_410 = arith.addi %mul3A_222, %add3A_409 : i32
        %get3A_411 = arith.constant 0 : i32
        %get3A_412 = arith.index_cast %get3A_411 : i32 to index
        %get3A_413 = arith.index_cast %add3A_410 : i32 to index
        %get3A_414 = tpu.vector_load %arg5[%get3A_412, %get3A_413] {strides = array<i32>} : memref<2x16384xf32, #tpu.memory_space<vmem>>, vector<16xf32>,
        %add3A_415 = arith.addf %add3A_387, %get3A_414 : vector<16xf32>
        %add3A_416 = arith.constant 384 : i32
        %add3A_417 = arith.addi %mul3A_222, %add3A_416 : i32
        %get3A_418 = arith.constant 0 : i32
        %get3A_419 = arith.index_cast %get3A_418 : i32 to index
        %get3A_420 = arith.index_cast %add3A_417 : i32 to index
        %get3A_421 = tpu.vector_load %arg5[%get3A_419, %get3A_420] {strides = array<i32>} : memref<2x16384xf32, #tpu.memory_space<vmem>>, vector<16xf32>,
        %add3A_422 = arith.addf %add3A_394, %get3A_421 : vector<16xf32>
        %add3A_423 = arith.constant 400 : i32
        %add3A_424 = arith.addi %mul3A_222, %add3A_423 : i32
        %get3A_425 = arith.constant 0 : i32
        %get3A_426 = arith.index_cast %get3A_425 : i32 to index
        %get3A_427 = arith.index_cast %add3A_424 : i32 to index
        %get3A_428 = tpu.vector_load %arg5[%get3A_426, %get3A_427] {strides = array<i32>} : memref<2x16384xf32, #tpu.memory_space<vmem>>, vector<16xf32>,
        %add3A_429 = arith.addf %add3A_401, %get3A_428 : vector<16xf32>
        %add3A_430 = arith.constant 416 : i32
        %add3A_431 = arith.addi %mul3A_222, %add3A_430 : i32
        %get3A_432 = arith.constant 0 : i32
        %get3A_433 = arith.index_cast %get3A_432 : i32 to index
        %get3A_434 = arith.index_cast %add3A_431 : i32 to index
        %get3A_435 = tpu.vector_load %arg5[%get3A_433, %get3A_434] {strides = array<i32>} : memref<2x16384xf32, #tpu.memory_space<vmem>>, vector<16xf32>,
        %add3A_436 = arith.addf %add3A_408, %get3A_435 : vector<16xf32>
        %add3A_437 = arith.constant 432 : i32
        %add3A_438 = arith.addi %mul3A_222, %add3A_437 : i32
        %get3A_439 = arith.constant 0 : i32
        %get3A_440 = arith.index_cast %get3A_439 : i32 to index
        %get3A_441 = arith.index_cast %add3A_438 : i32 to index
        %get3A_442 = tpu.vector_load %arg5[%get3A_440, %get3A_441] {strides = array<i32>} : memref<2x16384xf32, #tpu.memory_space<vmem>>, vector<16xf32>,
        %add3A_443 = arith.addf %add3A_415, %get3A_442 : vector<16xf32>
        %add3A_444 = arith.constant 448 : i32
        %add3A_445 = arith.addi %mul3A_222, %add3A_444 : i32
        %get3A_446 = arith.constant 0 : i32
        %get3A_447 = arith.index_cast %get3A_446 : i32 to index
        %get3A_448 = arith.index_cast %add3A_445 : i32 to index
        %get3A_449 = tpu.vector_load %arg5[%get3A_447, %get3A_448] {strides = array<i32>} : memref<2x16384xf32, #tpu.memory_space<vmem>>, vector<16xf32>,
        %add3A_450 = arith.addf %add3A_422, %get3A_449 : vector<16xf32>
        %add3A_451 = arith.constant 464 : i32
        %add3A_452 = arith.addi %mul3A_222, %add3A_451 : i32
        %get3A_453 = arith.constant 0 : i32
        %get3A_454 = arith.index_cast %get3A_453 : i32 to index
        %get3A_455 = arith.index_cast %add3A_452 : i32 to index
        %get3A_456 = tpu.vector_load %arg5[%get3A_454, %get3A_455] {strides = array<i32>} : memref<2x16384xf32, #tpu.memory_space<vmem>>, vector<16xf32>,
        %add3A_457 = arith.addf %add3A_429, %get3A_456 : vector<16xf32>
        %add3A_458 = arith.constant 480 : i32
        %add3A_459 = arith.addi %mul3A_222, %add3A_458 : i32
        %get3A_460 = arith.constant 0 : i32
        %get3A_461 = arith.index_cast %get3A_460 : i32 to index
        %get3A_462 = arith.index_cast %add3A_459 : i32 to index
        %get3A_463 = tpu.vector_load %arg5[%get3A_461, %get3A_462] {strides = array<i32>} : memref<2x16384xf32, #tpu.memory_space<vmem>>, vector<16xf32>,
        %add3A_464 = arith.addf %add3A_436, %get3A_463 : vector<16xf32>
        %add3A_465 = arith.constant 496 : i32
        %add3A_466 = arith.addi %mul3A_222, %add3A_465 : i32
        %get3A_467 = arith.constant 0 : i32
        %get3A_468 = arith.index_cast %get3A_467 : i32 to index
        %get3A_469 = arith.index_cast %add3A_466 : i32 to index
        %get3A_470 = tpu.vector_load %arg5[%get3A_468, %get3A_469] {strides = array<i32>} : memref<2x16384xf32, #tpu.memory_space<vmem>>, vector<16xf32>,
        %add3A_471 = arith.addf %add3A_443, %get3A_470 : vector<16xf32>
        %add3A_472 = arith.addf %add3A_450, %add3A_457 : vector<16xf32>
        %add3A_473 = arith.addf %add3A_464, %add3A_471 : vector<16xf32>
        %add3A_474 = arith.addf %add3A_472, %add3A_473 : vector<16xf32>
        %broadcast_in_dim3A_475 = vector.broadcast %squeeze3A : i32 to vector<16xi32>
        tpu.vector_store_idx %arg7[%iota3A, %broadcast_in_dim3A_475], %add3A_474 {add = true} : memref<16x513xf32, #tpu.memory_space<vmem>>[vector<16xi32>, vector<16xi32>], vector<16xf32>,
      } else {
      }
      %ne3A = arith.cmpi ne, %squeeze3A, %squeeze3A_234 : i32
      %convert_element_type3A_236 = arith.extui %ne3A : i1 to i32
      %cond3A_237 = arith.constant 0 : i32
      %cond3A_238 = arith.cmpi ne, %convert_element_type3A_236, %cond3A_237 : i32
      scf.if %cond3A_238 {
        %parallel_loop3A = arith.constant 0 : i32
        %parallel_loop3A_240 = arith.constant 32 : i32
        %parallel_loop3A_241 = arith.constant 1 : i32
        scf.for %parallel_loop3A_242 = %parallel_loop3A to %parallel_loop3A_240 step %parallel_loop3A_241  : i32 {
          %parallel_loop3A_243 = arith.constant 16 : i32
          %parallel_loop3A_244 = arith.muli %parallel_loop3A_242, %parallel_loop3A_243 : i32
          %parallel_loop3A_245 = arith.addi %mul3A_222, %parallel_loop3A_244 : i32
          %parallel_loop3A_246 = arith.constant 0 : i32
          %parallel_loop3A_247 = arith.index_cast %parallel_loop3A_246 : i32 to index
          %parallel_loop3A_248 = arith.index_cast %parallel_loop3A_245 : i32 to index
          %parallel_loop3A_249 = tpu.vector_load %arg5[%parallel_loop3A_247, %parallel_loop3A_248] {strides = array<i32>} : memref<2x16384xf32, #tpu.memory_space<vmem>>, vector<16xf32>,
          %parallel_loop3A_250 = arith.constant 0 : i32
          %parallel_loop3A_251 = arith.index_cast %parallel_loop3A_250 : i32 to index
          %parallel_loop3A_252 = arith.index_cast %parallel_loop3A_245 : i32 to index
          %parallel_loop3A_253 = tpu.vector_load %arg6[%parallel_loop3A_251, %parallel_loop3A_252] {strides = array<i32>} : memref<2x16384xi32, #tpu.memory_space<vmem>>, vector<16xi32>,
          tpu.vector_store_idx %arg7[%iota3A, %parallel_loop3A_253], %parallel_loop3A_249 {add = true} : memref<16x513xf32, #tpu.memory_space<vmem>>[vector<16xi32>, vector<16xi32>], vector<16xf32>,
        } {sc.loop_unroll_factor = 4 : i64, sc.parallel_access}
      } else {
      }
      %scan3A_239 = arith.constant 0 : i32
      scf.yield %scan3A_239 : i32
    }
    %scan3A_80 = arith.constant 32 : i32
    %add3A_81 = arith.constant 32768 : i32
    %add3A_82 = arith.addi %mul3A_2, %add3A_81 : i32
    %add3A_83 = arith.constant 0 : i32
    %add3A_84 = arith.addi %add3A_83, %add3A_82 : i32
    %dma_start3A_85 = arith.constant 0 : i32
    %dma_start3A_86 = arith.constant 0 : i32
    %dma_start3A_87 = tpu.memref_slice %arg5[%dma_start3A_85, %dma_start3A_86] : memref<2x16384xf32, #tpu.memory_space<vmem>> -> memref<1x16384xf32, #tpu.memory_space<vmem>>
    %dma_start3A_88 = tpu.memref_squeeze %dma_start3A_87 : memref<1x16384xf32, #tpu.memory_space<vmem>> -> memref<16384xf32, #tpu.memory_space<vmem>>
    %dma_start3A_89 = tpu.memref_slice %arg2[%add3A_82] : memref<2097152xf32, #tpu.memory_space<hbm>> -> memref<16384xf32, #tpu.memory_space<hbm>>
    %dma_start3A_90 = arith.constant 0 : i32
    %dma_start3A_91 = tpu.memref_slice %arg5[%dma_start3A_85, %dma_start3A_90] : memref<2x16384xf32, #tpu.memory_space<vmem>> -> memref<1x16384xf32, #tpu.memory_space<vmem>>
    %dma_start3A_92 = tpu.memref_squeeze %dma_start3A_91 : memref<1x16384xf32, #tpu.memory_space<vmem>> -> memref<16384xf32, #tpu.memory_space<vmem>>
    %dma_start3A_93 = tpu.memref_slice %arg2[%add3A_82] : memref<2097152xf32, #tpu.memory_space<hbm>> -> memref<16384xf32, #tpu.memory_space<hbm>>
    tpu.enqueue_dma source(%dma_start3A_93 : memref<16384xf32, #tpu.memory_space<hbm>>) target(%dma_start3A_92 : memref<16384xf32, #tpu.memory_space<vmem>>) target_semaphore(%arg8 : memref<!tpu.dma_semaphore, #tpu.memory_space<semaphore_mem>>)
    %dma_start3A_94 = arith.constant 0 : i32
    %dma_start3A_95 = arith.constant 0 : i32
    %dma_start3A_96 = tpu.memref_slice %arg6[%dma_start3A_94, %dma_start3A_95] : memref<2x16384xi32, #tpu.memory_space<vmem>> -> memref<1x16384xi32, #tpu.memory_space<vmem>>
    %dma_start3A_97 = tpu.memref_squeeze %dma_start3A_96 : memref<1x16384xi32, #tpu.memory_space<vmem>> -> memref<16384xi32, #tpu.memory_space<vmem>>
    %dma_start3A_98 = tpu.memref_slice %arg3[%add3A_84] : memref<4194304xi32, #tpu.memory_space<hbm>> -> memref<16384xi32, #tpu.memory_space<hbm>>
    %dma_start3A_99 = arith.constant 0 : i32
    %dma_start3A_100 = tpu.memref_slice %arg6[%dma_start3A_94, %dma_start3A_99] : memref<2x16384xi32, #tpu.memory_space<vmem>> -> memref<1x16384xi32, #tpu.memory_space<vmem>>
    %dma_start3A_101 = tpu.memref_squeeze %dma_start3A_100 : memref<1x16384xi32, #tpu.memory_space<vmem>> -> memref<16384xi32, #tpu.memory_space<vmem>>
    %dma_start3A_102 = tpu.memref_slice %arg3[%add3A_84] : memref<4194304xi32, #tpu.memory_space<hbm>> -> memref<16384xi32, #tpu.memory_space<hbm>>
    tpu.enqueue_dma source(%dma_start3A_102 : memref<16384xi32, #tpu.memory_space<hbm>>) target(%dma_start3A_101 : memref<16384xi32, #tpu.memory_space<vmem>>) target_semaphore(%arg8 : memref<!tpu.dma_semaphore, #tpu.memory_space<semaphore_mem>>)
    %add3A_103 = arith.constant 16384 : i32
    %add3A_104 = arith.addi %mul3A_2, %add3A_103 : i32
    %add3A_105 = arith.constant 0 : i32
    %add3A_106 = arith.addi %add3A_105, %add3A_104 : i32
    %dma_wait3A_107 = arith.constant 1 : i32
    %dma_wait3A_108 = arith.constant 0 : i32
    %dma_wait3A_109 = tpu.memref_slice %arg5[%dma_wait3A_107, %dma_wait3A_108] : memref<2x16384xf32, #tpu.memory_space<vmem>> -> memref<1x16384xf32, #tpu.memory_space<vmem>>
    %dma_wait3A_110 = tpu.memref_squeeze %dma_wait3A_109 : memref<1x16384xf32, #tpu.memory_space<vmem>> -> memref<16384xf32, #tpu.memory_space<vmem>>
    %dma_wait3A_111 = tpu.memref_slice %arg2[%add3A_104] : memref<2097152xf32, #tpu.memory_space<hbm>> -> memref<16384xf32, #tpu.memory_space<hbm>>
    %dma_wait3A_112 = arith.constant 0 : i32
    %dma_wait3A_113 = tpu.memref_slice %arg5[%dma_wait3A_107, %dma_wait3A_112] : memref<2x16384xf32, #tpu.memory_space<vmem>> -> memref<1x16384xf32, #tpu.memory_space<vmem>>
    %dma_wait3A_114 = tpu.memref_squeeze %dma_wait3A_113 : memref<1x16384xf32, #tpu.memory_space<vmem>> -> memref<16384xf32, #tpu.memory_space<vmem>>
    %dma_wait3A_115 = tpu.memref_slice %arg2[%add3A_104] : memref<2097152xf32, #tpu.memory_space<hbm>> -> memref<16384xf32, #tpu.memory_space<hbm>>
    tpu.wait_dma2 semaphore(%arg9 : memref<!tpu.dma_semaphore, #tpu.memory_space<semaphore_mem>>) src(%dma_wait3A_115 : memref<16384xf32, #tpu.memory_space<hbm>>) dst(%dma_wait3A_114 : memref<16384xf32, #tpu.memory_space<vmem>>)
    %dma_wait3A_116 = arith.constant 1 : i32
    %dma_wait3A_117 = arith.constant 0 : i32
    %dma_wait3A_118 = tpu.memref_slice %arg6[%dma_wait3A_116, %dma_wait3A_117] : memref<2x16384xi32, #tpu.memory_space<vmem>> -> memref<1x16384xi32, #tpu.memory_space<vmem>>
    %dma_wait3A_119 = tpu.memref_squeeze %dma_wait3A_118 : memref<1x16384xi32, #tpu.memory_space<vmem>> -> memref<16384xi32, #tpu.memory_space<vmem>>
    %dma_wait3A_120 = tpu.memref_slice %arg3[%add3A_106] : memref<4194304xi32, #tpu.memory_space<hbm>> -> memref<16384xi32, #tpu.memory_space<hbm>>
    %dma_wait3A_121 = arith.constant 0 : i32
    %dma_wait3A_122 = tpu.memref_slice %arg6[%dma_wait3A_116, %dma_wait3A_121] : memref<2x16384xi32, #tpu.memory_space<vmem>> -> memref<1x16384xi32, #tpu.memory_space<vmem>>
    %dma_wait3A_123 = tpu.memref_squeeze %dma_wait3A_122 : memref<1x16384xi32, #tpu.memory_space<vmem>> -> memref<16384xi32, #tpu.memory_space<vmem>>
    %dma_wait3A_124 = tpu.memref_slice %arg3[%add3A_106] : memref<4194304xi32, #tpu.memory_space<hbm>> -> memref<16384xi32, #tpu.memory_space<hbm>>
    tpu.wait_dma2 semaphore(%arg9 : memref<!tpu.dma_semaphore, #tpu.memory_space<semaphore_mem>>) src(%dma_wait3A_124 : memref<16384xi32, #tpu.memory_space<hbm>>) dst(%dma_wait3A_123 : memref<16384xi32, #tpu.memory_space<vmem>>)
    %scan3A_125 = arith.constant 0 : i32
    %scan3A_126 = arith.constant 0 : i32
    %scan3A_127 = arith.constant 32 : i32
    %scan3A_128 = arith.addi %scan3A_126, %scan3A_127 : i32
    %scan3A_129 = arith.constant 1 : i32
    %scan3A_130 = scf.for %scan3A_219 = %scan3A_126 to %scan3A_128 step %scan3A_129 iter_args(%scan3A_220 = %scan3A_125) -> (i32)  : i32 {
      %mul3A_221 = arith.constant 512 : i32
      %mul3A_222 = arith.muli %scan3A_219, %mul3A_221 : i32
      %get3A = arith.constant 1 : i32
      %get3A_223 = arith.index_cast %get3A : i32 to index
      %get3A_224 = arith.index_cast %mul3A_222 : i32 to index
      %get3A_225 = tpu.vector_load %arg6[%get3A_223, %get3A_224] {strides = array<i32>} : memref<2x16384xi32, #tpu.memory_space<vmem>>, vector<16xi32>,
      %add3A_226 = arith.constant 512 : i32
      %add3A_227 = arith.addi %mul3A_222, %add3A_226 : i32
      %sub3A = arith.constant 16 : i32
      %sub3A_228 = arith.subi %add3A_227, %sub3A : i32
      %get3A_229 = arith.constant 1 : i32
      %get3A_230 = arith.index_cast %get3A_229 : i32 to index
      %get3A_231 = arith.index_cast %sub3A_228 : i32 to index
      %get3A_232 = tpu.vector_load %arg6[%get3A_230, %get3A_231] {strides = array<i32>} : memref<2x16384xi32, #tpu.memory_space<vmem>>, vector<16xi32>,
      %slice3A = vector.extract_strided_slice %get3A_225 {offsets = [0], sizes = [1], strides = [1]} : vector<16xi32> to vector<1xi32>
      %squeeze3A = vector.extract %slice3A[0] : i32 from vector<1xi32>
      %slice3A_233 = vector.extract_strided_slice %get3A_232 {offsets = [15], sizes = [1], strides = [1]} : vector<16xi32> to vector<1xi32>
      %squeeze3A_234 = vector.extract %slice3A_233[0] : i32 from vector<1xi32>
      %eq3A = arith.cmpi eq, %squeeze3A, %squeeze3A_234 : i32
      %convert_element_type3A = arith.extui %eq3A : i1 to i32
      %cond3A = arith.constant 0 : i32
      %cond3A_235 = arith.cmpi ne, %convert_element_type3A, %cond3A : i32
      scf.if %cond3A_235 {
        %broadcast_in_dim3A_240 = arith.constant 0.000000e+00 : f32
        %broadcast_in_dim3A_241 = vector.broadcast %broadcast_in_dim3A_240 : f32 to vector<16xf32>
        %broadcast_in_dim3A_242 = arith.constant 0.000000e+00 : f32
        %broadcast_in_dim3A_243 = vector.broadcast %broadcast_in_dim3A_242 : f32 to vector<16xf32>
        %broadcast_in_dim3A_244 = arith.constant 0.000000e+00 : f32
        %broadcast_in_dim3A_245 = vector.broadcast %broadcast_in_dim3A_244 : f32 to vector<16xf32>
        %broadcast_in_dim3A_246 = arith.constant 0.000000e+00 : f32
        %broadcast_in_dim3A_247 = vector.broadcast %broadcast_in_dim3A_246 : f32 to vector<16xf32>
        %add3A_248 = arith.constant 0 : i32
        %add3A_249 = arith.addi %mul3A_222, %add3A_248 : i32
        %get3A_250 = arith.constant 1 : i32
        %get3A_251 = arith.index_cast %get3A_250 : i32 to index
        %get3A_252 = arith.index_cast %add3A_249 : i32 to index
        %get3A_253 = tpu.vector_load %arg5[%get3A_251, %get3A_252] {strides = array<i32>} : memref<2x16384xf32, #tpu.memory_space<vmem>>, vector<16xf32>,
        %add3A_254 = arith.addf %broadcast_in_dim3A_241, %get3A_253 : vector<16xf32>
        %add3A_255 = arith.constant 16 : i32
        %add3A_256 = arith.addi %mul3A_222, %add3A_255 : i32
        %get3A_257 = arith.constant 1 : i32
        %get3A_258 = arith.index_cast %get3A_257 : i32 to index
        %get3A_259 = arith.index_cast %add3A_256 : i32 to index
        %get3A_260 = tpu.vector_load %arg5[%get3A_258, %get3A_259] {strides = array<i32>} : memref<2x16384xf32, #tpu.memory_space<vmem>>, vector<16xf32>,
        %add3A_261 = arith.addf %broadcast_in_dim3A_243, %get3A_260 : vector<16xf32>
        %add3A_262 = arith.constant 32 : i32
        %add3A_263 = arith.addi %mul3A_222, %add3A_262 : i32
        %get3A_264 = arith.constant 1 : i32
        %get3A_265 = arith.index_cast %get3A_264 : i32 to index
        %get3A_266 = arith.index_cast %add3A_263 : i32 to index
        %get3A_267 = tpu.vector_load %arg5[%get3A_265, %get3A_266] {strides = array<i32>} : memref<2x16384xf32, #tpu.memory_space<vmem>>, vector<16xf32>,
        %add3A_268 = arith.addf %broadcast_in_dim3A_245, %get3A_267 : vector<16xf32>
        %add3A_269 = arith.constant 48 : i32
        %add3A_270 = arith.addi %mul3A_222, %add3A_269 : i32
        %get3A_271 = arith.constant 1 : i32
        %get3A_272 = arith.index_cast %get3A_271 : i32 to index
        %get3A_273 = arith.index_cast %add3A_270 : i32 to index
        %get3A_274 = tpu.vector_load %arg5[%get3A_272, %get3A_273] {strides = array<i32>} : memref<2x16384xf32, #tpu.memory_space<vmem>>, vector<16xf32>,
        %add3A_275 = arith.addf %broadcast_in_dim3A_247, %get3A_274 : vector<16xf32>
        %add3A_276 = arith.constant 64 : i32
        %add3A_277 = arith.addi %mul3A_222, %add3A_276 : i32
        %get3A_278 = arith.constant 1 : i32
        %get3A_279 = arith.index_cast %get3A_278 : i32 to index
        %get3A_280 = arith.index_cast %add3A_277 : i32 to index
        %get3A_281 = tpu.vector_load %arg5[%get3A_279, %get3A_280] {strides = array<i32>} : memref<2x16384xf32, #tpu.memory_space<vmem>>, vector<16xf32>,
        %add3A_282 = arith.addf %add3A_254, %get3A_281 : vector<16xf32>
        %add3A_283 = arith.constant 80 : i32
        %add3A_284 = arith.addi %mul3A_222, %add3A_283 : i32
        %get3A_285 = arith.constant 1 : i32
        %get3A_286 = arith.index_cast %get3A_285 : i32 to index
        %get3A_287 = arith.index_cast %add3A_284 : i32 to index
        %get3A_288 = tpu.vector_load %arg5[%get3A_286, %get3A_287] {strides = array<i32>} : memref<2x16384xf32, #tpu.memory_space<vmem>>, vector<16xf32>,
        %add3A_289 = arith.addf %add3A_261, %get3A_288 : vector<16xf32>
        %add3A_290 = arith.constant 96 : i32
        %add3A_291 = arith.addi %mul3A_222, %add3A_290 : i32
        %get3A_292 = arith.constant 1 : i32
        %get3A_293 = arith.index_cast %get3A_292 : i32 to index
        %get3A_294 = arith.index_cast %add3A_291 : i32 to index
        %get3A_295 = tpu.vector_load %arg5[%get3A_293, %get3A_294] {strides = array<i32>} : memref<2x16384xf32, #tpu.memory_space<vmem>>, vector<16xf32>,
        %add3A_296 = arith.addf %add3A_268, %get3A_295 : vector<16xf32>
        %add3A_297 = arith.constant 112 : i32
        %add3A_298 = arith.addi %mul3A_222, %add3A_297 : i32
        %get3A_299 = arith.constant 1 : i32
        %get3A_300 = arith.index_cast %get3A_299 : i32 to index
        %get3A_301 = arith.index_cast %add3A_298 : i32 to index
        %get3A_302 = tpu.vector_load %arg5[%get3A_300, %get3A_301] {strides = array<i32>} : memref<2x16384xf32, #tpu.memory_space<vmem>>, vector<16xf32>,
        %add3A_303 = arith.addf %add3A_275, %get3A_302 : vector<16xf32>
        %add3A_304 = arith.constant 128 : i32
        %add3A_305 = arith.addi %mul3A_222, %add3A_304 : i32
        %get3A_306 = arith.constant 1 : i32
        %get3A_307 = arith.index_cast %get3A_306 : i32 to index
        %get3A_308 = arith.index_cast %add3A_305 : i32 to index
        %get3A_309 = tpu.vector_load %arg5[%get3A_307, %get3A_308] {strides = array<i32>} : memref<2x16384xf32, #tpu.memory_space<vmem>>, vector<16xf32>,
        %add3A_310 = arith.addf %add3A_282, %get3A_309 : vector<16xf32>
        %add3A_311 = arith.constant 144 : i32
        %add3A_312 = arith.addi %mul3A_222, %add3A_311 : i32
        %get3A_313 = arith.constant 1 : i32
        %get3A_314 = arith.index_cast %get3A_313 : i32 to index
        %get3A_315 = arith.index_cast %add3A_312 : i32 to index
        %get3A_316 = tpu.vector_load %arg5[%get3A_314, %get3A_315] {strides = array<i32>} : memref<2x16384xf32, #tpu.memory_space<vmem>>, vector<16xf32>,
        %add3A_317 = arith.addf %add3A_289, %get3A_316 : vector<16xf32>
        %add3A_318 = arith.constant 160 : i32
        %add3A_319 = arith.addi %mul3A_222, %add3A_318 : i32
        %get3A_320 = arith.constant 1 : i32
        %get3A_321 = arith.index_cast %get3A_320 : i32 to index
        %get3A_322 = arith.index_cast %add3A_319 : i32 to index
        %get3A_323 = tpu.vector_load %arg5[%get3A_321, %get3A_322] {strides = array<i32>} : memref<2x16384xf32, #tpu.memory_space<vmem>>, vector<16xf32>,
        %add3A_324 = arith.addf %add3A_296, %get3A_323 : vector<16xf32>
        %add3A_325 = arith.constant 176 : i32
        %add3A_326 = arith.addi %mul3A_222, %add3A_325 : i32
        %get3A_327 = arith.constant 1 : i32
        %get3A_328 = arith.index_cast %get3A_327 : i32 to index
        %get3A_329 = arith.index_cast %add3A_326 : i32 to index
        %get3A_330 = tpu.vector_load %arg5[%get3A_328, %get3A_329] {strides = array<i32>} : memref<2x16384xf32, #tpu.memory_space<vmem>>, vector<16xf32>,
        %add3A_331 = arith.addf %add3A_303, %get3A_330 : vector<16xf32>
        %add3A_332 = arith.constant 192 : i32
        %add3A_333 = arith.addi %mul3A_222, %add3A_332 : i32
        %get3A_334 = arith.constant 1 : i32
        %get3A_335 = arith.index_cast %get3A_334 : i32 to index
        %get3A_336 = arith.index_cast %add3A_333 : i32 to index
        %get3A_337 = tpu.vector_load %arg5[%get3A_335, %get3A_336] {strides = array<i32>} : memref<2x16384xf32, #tpu.memory_space<vmem>>, vector<16xf32>,
        %add3A_338 = arith.addf %add3A_310, %get3A_337 : vector<16xf32>
        %add3A_339 = arith.constant 208 : i32
        %add3A_340 = arith.addi %mul3A_222, %add3A_339 : i32
        %get3A_341 = arith.constant 1 : i32
        %get3A_342 = arith.index_cast %get3A_341 : i32 to index
        %get3A_343 = arith.index_cast %add3A_340 : i32 to index
        %get3A_344 = tpu.vector_load %arg5[%get3A_342, %get3A_343] {strides = array<i32>} : memref<2x16384xf32, #tpu.memory_space<vmem>>, vector<16xf32>,
        %add3A_345 = arith.addf %add3A_317, %get3A_344 : vector<16xf32>
        %add3A_346 = arith.constant 224 : i32
        %add3A_347 = arith.addi %mul3A_222, %add3A_346 : i32
        %get3A_348 = arith.constant 1 : i32
        %get3A_349 = arith.index_cast %get3A_348 : i32 to index
        %get3A_350 = arith.index_cast %add3A_347 : i32 to index
        %get3A_351 = tpu.vector_load %arg5[%get3A_349, %get3A_350] {strides = array<i32>} : memref<2x16384xf32, #tpu.memory_space<vmem>>, vector<16xf32>,
        %add3A_352 = arith.addf %add3A_324, %get3A_351 : vector<16xf32>
        %add3A_353 = arith.constant 240 : i32
        %add3A_354 = arith.addi %mul3A_222, %add3A_353 : i32
        %get3A_355 = arith.constant 1 : i32
        %get3A_356 = arith.index_cast %get3A_355 : i32 to index
        %get3A_357 = arith.index_cast %add3A_354 : i32 to index
        %get3A_358 = tpu.vector_load %arg5[%get3A_356, %get3A_357] {strides = array<i32>} : memref<2x16384xf32, #tpu.memory_space<vmem>>, vector<16xf32>,
        %add3A_359 = arith.addf %add3A_331, %get3A_358 : vector<16xf32>
        %add3A_360 = arith.constant 256 : i32
        %add3A_361 = arith.addi %mul3A_222, %add3A_360 : i32
        %get3A_362 = arith.constant 1 : i32
        %get3A_363 = arith.index_cast %get3A_362 : i32 to index
        %get3A_364 = arith.index_cast %add3A_361 : i32 to index
        %get3A_365 = tpu.vector_load %arg5[%get3A_363, %get3A_364] {strides = array<i32>} : memref<2x16384xf32, #tpu.memory_space<vmem>>, vector<16xf32>,
        %add3A_366 = arith.addf %add3A_338, %get3A_365 : vector<16xf32>
        %add3A_367 = arith.constant 272 : i32
        %add3A_368 = arith.addi %mul3A_222, %add3A_367 : i32
        %get3A_369 = arith.constant 1 : i32
        %get3A_370 = arith.index_cast %get3A_369 : i32 to index
        %get3A_371 = arith.index_cast %add3A_368 : i32 to index
        %get3A_372 = tpu.vector_load %arg5[%get3A_370, %get3A_371] {strides = array<i32>} : memref<2x16384xf32, #tpu.memory_space<vmem>>, vector<16xf32>,
        %add3A_373 = arith.addf %add3A_345, %get3A_372 : vector<16xf32>
        %add3A_374 = arith.constant 288 : i32
        %add3A_375 = arith.addi %mul3A_222, %add3A_374 : i32
        %get3A_376 = arith.constant 1 : i32
        %get3A_377 = arith.index_cast %get3A_376 : i32 to index
        %get3A_378 = arith.index_cast %add3A_375 : i32 to index
        %get3A_379 = tpu.vector_load %arg5[%get3A_377, %get3A_378] {strides = array<i32>} : memref<2x16384xf32, #tpu.memory_space<vmem>>, vector<16xf32>,
        %add3A_380 = arith.addf %add3A_352, %get3A_379 : vector<16xf32>
        %add3A_381 = arith.constant 304 : i32
        %add3A_382 = arith.addi %mul3A_222, %add3A_381 : i32
        %get3A_383 = arith.constant 1 : i32
        %get3A_384 = arith.index_cast %get3A_383 : i32 to index
        %get3A_385 = arith.index_cast %add3A_382 : i32 to index
        %get3A_386 = tpu.vector_load %arg5[%get3A_384, %get3A_385] {strides = array<i32>} : memref<2x16384xf32, #tpu.memory_space<vmem>>, vector<16xf32>,
        %add3A_387 = arith.addf %add3A_359, %get3A_386 : vector<16xf32>
        %add3A_388 = arith.constant 320 : i32
        %add3A_389 = arith.addi %mul3A_222, %add3A_388 : i32
        %get3A_390 = arith.constant 1 : i32
        %get3A_391 = arith.index_cast %get3A_390 : i32 to index
        %get3A_392 = arith.index_cast %add3A_389 : i32 to index
        %get3A_393 = tpu.vector_load %arg5[%get3A_391, %get3A_392] {strides = array<i32>} : memref<2x16384xf32, #tpu.memory_space<vmem>>, vector<16xf32>,
        %add3A_394 = arith.addf %add3A_366, %get3A_393 : vector<16xf32>
        %add3A_395 = arith.constant 336 : i32
        %add3A_396 = arith.addi %mul3A_222, %add3A_395 : i32
        %get3A_397 = arith.constant 1 : i32
        %get3A_398 = arith.index_cast %get3A_397 : i32 to index
        %get3A_399 = arith.index_cast %add3A_396 : i32 to index
        %get3A_400 = tpu.vector_load %arg5[%get3A_398, %get3A_399] {strides = array<i32>} : memref<2x16384xf32, #tpu.memory_space<vmem>>, vector<16xf32>,
        %add3A_401 = arith.addf %add3A_373, %get3A_400 : vector<16xf32>
        %add3A_402 = arith.constant 352 : i32
        %add3A_403 = arith.addi %mul3A_222, %add3A_402 : i32
        %get3A_404 = arith.constant 1 : i32
        %get3A_405 = arith.index_cast %get3A_404 : i32 to index
        %get3A_406 = arith.index_cast %add3A_403 : i32 to index
        %get3A_407 = tpu.vector_load %arg5[%get3A_405, %get3A_406] {strides = array<i32>} : memref<2x16384xf32, #tpu.memory_space<vmem>>, vector<16xf32>,
        %add3A_408 = arith.addf %add3A_380, %get3A_407 : vector<16xf32>
        %add3A_409 = arith.constant 368 : i32
        %add3A_410 = arith.addi %mul3A_222, %add3A_409 : i32
        %get3A_411 = arith.constant 1 : i32
        %get3A_412 = arith.index_cast %get3A_411 : i32 to index
        %get3A_413 = arith.index_cast %add3A_410 : i32 to index
        %get3A_414 = tpu.vector_load %arg5[%get3A_412, %get3A_413] {strides = array<i32>} : memref<2x16384xf32, #tpu.memory_space<vmem>>, vector<16xf32>,
        %add3A_415 = arith.addf %add3A_387, %get3A_414 : vector<16xf32>
        %add3A_416 = arith.constant 384 : i32
        %add3A_417 = arith.addi %mul3A_222, %add3A_416 : i32
        %get3A_418 = arith.constant 1 : i32
        %get3A_419 = arith.index_cast %get3A_418 : i32 to index
        %get3A_420 = arith.index_cast %add3A_417 : i32 to index
        %get3A_421 = tpu.vector_load %arg5[%get3A_419, %get3A_420] {strides = array<i32>} : memref<2x16384xf32, #tpu.memory_space<vmem>>, vector<16xf32>,
        %add3A_422 = arith.addf %add3A_394, %get3A_421 : vector<16xf32>
        %add3A_423 = arith.constant 400 : i32
        %add3A_424 = arith.addi %mul3A_222, %add3A_423 : i32
        %get3A_425 = arith.constant 1 : i32
        %get3A_426 = arith.index_cast %get3A_425 : i32 to index
        %get3A_427 = arith.index_cast %add3A_424 : i32 to index
        %get3A_428 = tpu.vector_load %arg5[%get3A_426, %get3A_427] {strides = array<i32>} : memref<2x16384xf32, #tpu.memory_space<vmem>>, vector<16xf32>,
        %add3A_429 = arith.addf %add3A_401, %get3A_428 : vector<16xf32>
        %add3A_430 = arith.constant 416 : i32
        %add3A_431 = arith.addi %mul3A_222, %add3A_430 : i32
        %get3A_432 = arith.constant 1 : i32
        %get3A_433 = arith.index_cast %get3A_432 : i32 to index
        %get3A_434 = arith.index_cast %add3A_431 : i32 to index
        %get3A_435 = tpu.vector_load %arg5[%get3A_433, %get3A_434] {strides = array<i32>} : memref<2x16384xf32, #tpu.memory_space<vmem>>, vector<16xf32>,
        %add3A_436 = arith.addf %add3A_408, %get3A_435 : vector<16xf32>
        %add3A_437 = arith.constant 432 : i32
        %add3A_438 = arith.addi %mul3A_222, %add3A_437 : i32
        %get3A_439 = arith.constant 1 : i32
        %get3A_440 = arith.index_cast %get3A_439 : i32 to index
        %get3A_441 = arith.index_cast %add3A_438 : i32 to index
        %get3A_442 = tpu.vector_load %arg5[%get3A_440, %get3A_441] {strides = array<i32>} : memref<2x16384xf32, #tpu.memory_space<vmem>>, vector<16xf32>,
        %add3A_443 = arith.addf %add3A_415, %get3A_442 : vector<16xf32>
        %add3A_444 = arith.constant 448 : i32
        %add3A_445 = arith.addi %mul3A_222, %add3A_444 : i32
        %get3A_446 = arith.constant 1 : i32
        %get3A_447 = arith.index_cast %get3A_446 : i32 to index
        %get3A_448 = arith.index_cast %add3A_445 : i32 to index
        %get3A_449 = tpu.vector_load %arg5[%get3A_447, %get3A_448] {strides = array<i32>} : memref<2x16384xf32, #tpu.memory_space<vmem>>, vector<16xf32>,
        %add3A_450 = arith.addf %add3A_422, %get3A_449 : vector<16xf32>
        %add3A_451 = arith.constant 464 : i32
        %add3A_452 = arith.addi %mul3A_222, %add3A_451 : i32
        %get3A_453 = arith.constant 1 : i32
        %get3A_454 = arith.index_cast %get3A_453 : i32 to index
        %get3A_455 = arith.index_cast %add3A_452 : i32 to index
        %get3A_456 = tpu.vector_load %arg5[%get3A_454, %get3A_455] {strides = array<i32>} : memref<2x16384xf32, #tpu.memory_space<vmem>>, vector<16xf32>,
        %add3A_457 = arith.addf %add3A_429, %get3A_456 : vector<16xf32>
        %add3A_458 = arith.constant 480 : i32
        %add3A_459 = arith.addi %mul3A_222, %add3A_458 : i32
        %get3A_460 = arith.constant 1 : i32
        %get3A_461 = arith.index_cast %get3A_460 : i32 to index
        %get3A_462 = arith.index_cast %add3A_459 : i32 to index
        %get3A_463 = tpu.vector_load %arg5[%get3A_461, %get3A_462] {strides = array<i32>} : memref<2x16384xf32, #tpu.memory_space<vmem>>, vector<16xf32>,
        %add3A_464 = arith.addf %add3A_436, %get3A_463 : vector<16xf32>
        %add3A_465 = arith.constant 496 : i32
        %add3A_466 = arith.addi %mul3A_222, %add3A_465 : i32
        %get3A_467 = arith.constant 1 : i32
        %get3A_468 = arith.index_cast %get3A_467 : i32 to index
        %get3A_469 = arith.index_cast %add3A_466 : i32 to index
        %get3A_470 = tpu.vector_load %arg5[%get3A_468, %get3A_469] {strides = array<i32>} : memref<2x16384xf32, #tpu.memory_space<vmem>>, vector<16xf32>,
        %add3A_471 = arith.addf %add3A_443, %get3A_470 : vector<16xf32>
        %add3A_472 = arith.addf %add3A_450, %add3A_457 : vector<16xf32>
        %add3A_473 = arith.addf %add3A_464, %add3A_471 : vector<16xf32>
        %add3A_474 = arith.addf %add3A_472, %add3A_473 : vector<16xf32>
        %broadcast_in_dim3A_475 = vector.broadcast %squeeze3A : i32 to vector<16xi32>
        tpu.vector_store_idx %arg7[%iota3A, %broadcast_in_dim3A_475], %add3A_474 {add = true} : memref<16x513xf32, #tpu.memory_space<vmem>>[vector<16xi32>, vector<16xi32>], vector<16xf32>,
      } else {
      }
      %ne3A = arith.cmpi ne, %squeeze3A, %squeeze3A_234 : i32
      %convert_element_type3A_236 = arith.extui %ne3A : i1 to i32
      %cond3A_237 = arith.constant 0 : i32
      %cond3A_238 = arith.cmpi ne, %convert_element_type3A_236, %cond3A_237 : i32
      scf.if %cond3A_238 {
        %parallel_loop3A = arith.constant 0 : i32
        %parallel_loop3A_240 = arith.constant 32 : i32
        %parallel_loop3A_241 = arith.constant 1 : i32
        scf.for %parallel_loop3A_242 = %parallel_loop3A to %parallel_loop3A_240 step %parallel_loop3A_241  : i32 {
          %parallel_loop3A_243 = arith.constant 16 : i32
          %parallel_loop3A_244 = arith.muli %parallel_loop3A_242, %parallel_loop3A_243 : i32
          %parallel_loop3A_245 = arith.addi %mul3A_222, %parallel_loop3A_244 : i32
          %parallel_loop3A_246 = arith.constant 1 : i32
          %parallel_loop3A_247 = arith.index_cast %parallel_loop3A_246 : i32 to index
          %parallel_loop3A_248 = arith.index_cast %parallel_loop3A_245 : i32 to index
          %parallel_loop3A_249 = tpu.vector_load %arg5[%parallel_loop3A_247, %parallel_loop3A_248] {strides = array<i32>} : memref<2x16384xf32, #tpu.memory_space<vmem>>, vector<16xf32>,
          %parallel_loop3A_250 = arith.constant 1 : i32
          %parallel_loop3A_251 = arith.index_cast %parallel_loop3A_250 : i32 to index
          %parallel_loop3A_252 = arith.index_cast %parallel_loop3A_245 : i32 to index
          %parallel_loop3A_253 = tpu.vector_load %arg6[%parallel_loop3A_251, %parallel_loop3A_252] {strides = array<i32>} : memref<2x16384xi32, #tpu.memory_space<vmem>>, vector<16xi32>,
          tpu.vector_store_idx %arg7[%iota3A, %parallel_loop3A_253], %parallel_loop3A_249 {add = true} : memref<16x513xf32, #tpu.memory_space<vmem>>[vector<16xi32>, vector<16xi32>], vector<16xf32>,
        } {sc.loop_unroll_factor = 4 : i64, sc.parallel_access}
      } else {
      }
      %scan3A_239 = arith.constant 0 : i32
      scf.yield %scan3A_239 : i32
    }
    %scan3A_131 = arith.constant 32 : i32
    %add3A_132 = arith.constant 49152 : i32
    %add3A_133 = arith.addi %mul3A_2, %add3A_132 : i32
    %add3A_134 = arith.constant 0 : i32
    %add3A_135 = arith.addi %add3A_134, %add3A_133 : i32
    %dma_start3A_136 = arith.constant 1 : i32
    %dma_start3A_137 = arith.constant 0 : i32
    %dma_start3A_138 = tpu.memref_slice %arg5[%dma_start3A_136, %dma_start3A_137] : memref<2x16384xf32, #tpu.memory_space<vmem>> -> memref<1x16384xf32, #tpu.memory_space<vmem>>
    %dma_start3A_139 = tpu.memref_squeeze %dma_start3A_138 : memref<1x16384xf32, #tpu.memory_space<vmem>> -> memref<16384xf32, #tpu.memory_space<vmem>>
    %dma_start3A_140 = tpu.memref_slice %arg2[%add3A_133] : memref<2097152xf32, #tpu.memory_space<hbm>> -> memref<16384xf32, #tpu.memory_space<hbm>>
    %dma_start3A_141 = arith.constant 0 : i32
    %dma_start3A_142 = tpu.memref_slice %arg5[%dma_start3A_136, %dma_start3A_141] : memref<2x16384xf32, #tpu.memory_space<vmem>> -> memref<1x16384xf32, #tpu.memory_space<vmem>>
    %dma_start3A_143 = tpu.memref_squeeze %dma_start3A_142 : memref<1x16384xf32, #tpu.memory_space<vmem>> -> memref<16384xf32, #tpu.memory_space<vmem>>
    %dma_start3A_144 = tpu.memref_slice %arg2[%add3A_133] : memref<2097152xf32, #tpu.memory_space<hbm>> -> memref<16384xf32, #tpu.memory_space<hbm>>
    tpu.enqueue_dma source(%dma_start3A_144 : memref<16384xf32, #tpu.memory_space<hbm>>) target(%dma_start3A_143 : memref<16384xf32, #tpu.memory_space<vmem>>) target_semaphore(%arg9 : memref<!tpu.dma_semaphore, #tpu.memory_space<semaphore_mem>>)
    %dma_start3A_145 = arith.constant 1 : i32
    %dma_start3A_146 = arith.constant 0 : i32
    %dma_start3A_147 = tpu.memref_slice %arg6[%dma_start3A_145, %dma_start3A_146] : memref<2x16384xi32, #tpu.memory_space<vmem>> -> memref<1x16384xi32, #tpu.memory_space<vmem>>
    %dma_start3A_148 = tpu.memref_squeeze %dma_start3A_147 : memref<1x16384xi32, #tpu.memory_space<vmem>> -> memref<16384xi32, #tpu.memory_space<vmem>>
    %dma_start3A_149 = tpu.memref_slice %arg3[%add3A_135] : memref<4194304xi32, #tpu.memory_space<hbm>> -> memref<16384xi32, #tpu.memory_space<hbm>>
    %dma_start3A_150 = arith.constant 0 : i32
    %dma_start3A_151 = tpu.memref_slice %arg6[%dma_start3A_145, %dma_start3A_150] : memref<2x16384xi32, #tpu.memory_space<vmem>> -> memref<1x16384xi32, #tpu.memory_space<vmem>>
    %dma_start3A_152 = tpu.memref_squeeze %dma_start3A_151 : memref<1x16384xi32, #tpu.memory_space<vmem>> -> memref<16384xi32, #tpu.memory_space<vmem>>
    %dma_start3A_153 = tpu.memref_slice %arg3[%add3A_135] : memref<4194304xi32, #tpu.memory_space<hbm>> -> memref<16384xi32, #tpu.memory_space<hbm>>
    tpu.enqueue_dma source(%dma_start3A_153 : memref<16384xi32, #tpu.memory_space<hbm>>) target(%dma_start3A_152 : memref<16384xi32, #tpu.memory_space<vmem>>) target_semaphore(%arg9 : memref<!tpu.dma_semaphore, #tpu.memory_space<semaphore_mem>>)
    %add3A_154 = arith.constant 32768 : i32
    %add3A_155 = arith.addi %mul3A_2, %add3A_154 : i32
    %add3A_156 = arith.constant 0 : i32
    %add3A_157 = arith.addi %add3A_156, %add3A_155 : i32
    %dma_wait3A_158 = arith.constant 0 : i32
    %dma_wait3A_159 = arith.constant 0 : i32
    %dma_wait3A_160 = tpu.memref_slice %arg5[%dma_wait3A_158, %dma_wait3A_159] : memref<2x16384xf32, #tpu.memory_space<vmem>> -> memref<1x16384xf32, #tpu.memory_space<vmem>>
    %dma_wait3A_161 = tpu.memref_squeeze %dma_wait3A_160 : memref<1x16384xf32, #tpu.memory_space<vmem>> -> memref<16384xf32, #tpu.memory_space<vmem>>
    %dma_wait3A_162 = tpu.memref_slice %arg2[%add3A_155] : memref<2097152xf32, #tpu.memory_space<hbm>> -> memref<16384xf32, #tpu.memory_space<hbm>>
    %dma_wait3A_163 = arith.constant 0 : i32
    %dma_wait3A_164 = tpu.memref_slice %arg5[%dma_wait3A_158, %dma_wait3A_163] : memref<2x16384xf32, #tpu.memory_space<vmem>> -> memref<1x16384xf32, #tpu.memory_space<vmem>>
    %dma_wait3A_165 = tpu.memref_squeeze %dma_wait3A_164 : memref<1x16384xf32, #tpu.memory_space<vmem>> -> memref<16384xf32, #tpu.memory_space<vmem>>
    %dma_wait3A_166 = tpu.memref_slice %arg2[%add3A_155] : memref<2097152xf32, #tpu.memory_space<hbm>> -> memref<16384xf32, #tpu.memory_space<hbm>>
    tpu.wait_dma2 semaphore(%arg8 : memref<!tpu.dma_semaphore, #tpu.memory_space<semaphore_mem>>) src(%dma_wait3A_166 : memref<16384xf32, #tpu.memory_space<hbm>>) dst(%dma_wait3A_165 : memref<16384xf32, #tpu.memory_space<vmem>>)
    %dma_wait3A_167 = arith.constant 0 : i32
    %dma_wait3A_168 = arith.constant 0 : i32
    %dma_wait3A_169 = tpu.memref_slice %arg6[%dma_wait3A_167, %dma_wait3A_168] : memref<2x16384xi32, #tpu.memory_space<vmem>> -> memref<1x16384xi32, #tpu.memory_space<vmem>>
    %dma_wait3A_170 = tpu.memref_squeeze %dma_wait3A_169 : memref<1x16384xi32, #tpu.memory_space<vmem>> -> memref<16384xi32, #tpu.memory_space<vmem>>
    %dma_wait3A_171 = tpu.memref_slice %arg3[%add3A_157] : memref<4194304xi32, #tpu.memory_space<hbm>> -> memref<16384xi32, #tpu.memory_space<hbm>>
    %dma_wait3A_172 = arith.constant 0 : i32
    %dma_wait3A_173 = tpu.memref_slice %arg6[%dma_wait3A_167, %dma_wait3A_172] : memref<2x16384xi32, #tpu.memory_space<vmem>> -> memref<1x16384xi32, #tpu.memory_space<vmem>>
    %dma_wait3A_174 = tpu.memref_squeeze %dma_wait3A_173 : memref<1x16384xi32, #tpu.memory_space<vmem>> -> memref<16384xi32, #tpu.memory_space<vmem>>
    %dma_wait3A_175 = tpu.memref_slice %arg3[%add3A_157] : memref<4194304xi32, #tpu.memory_space<hbm>> -> memref<16384xi32, #tpu.memory_space<hbm>>
    tpu.wait_dma2 semaphore(%arg8 : memref<!tpu.dma_semaphore, #tpu.memory_space<semaphore_mem>>) src(%dma_wait3A_175 : memref<16384xi32, #tpu.memory_space<hbm>>) dst(%dma_wait3A_174 : memref<16384xi32, #tpu.memory_space<vmem>>)
    %scan3A_176 = arith.constant 0 : i32
    %scan3A_177 = arith.constant 0 : i32
    %scan3A_178 = arith.constant 32 : i32
    %scan3A_179 = arith.addi %scan3A_177, %scan3A_178 : i32
    %scan3A_180 = arith.constant 1 : i32
    %scan3A_181 = scf.for %scan3A_219 = %scan3A_177 to %scan3A_179 step %scan3A_180 iter_args(%scan3A_220 = %scan3A_176) -> (i32)  : i32 {
      %mul3A_221 = arith.constant 512 : i32
      %mul3A_222 = arith.muli %scan3A_219, %mul3A_221 : i32
      %get3A = arith.constant 0 : i32
      %get3A_223 = arith.index_cast %get3A : i32 to index
      %get3A_224 = arith.index_cast %mul3A_222 : i32 to index
      %get3A_225 = tpu.vector_load %arg6[%get3A_223, %get3A_224] {strides = array<i32>} : memref<2x16384xi32, #tpu.memory_space<vmem>>, vector<16xi32>,
      %add3A_226 = arith.constant 512 : i32
      %add3A_227 = arith.addi %mul3A_222, %add3A_226 : i32
      %sub3A = arith.constant 16 : i32
      %sub3A_228 = arith.subi %add3A_227, %sub3A : i32
      %get3A_229 = arith.constant 0 : i32
      %get3A_230 = arith.index_cast %get3A_229 : i32 to index
      %get3A_231 = arith.index_cast %sub3A_228 : i32 to index
      %get3A_232 = tpu.vector_load %arg6[%get3A_230, %get3A_231] {strides = array<i32>} : memref<2x16384xi32, #tpu.memory_space<vmem>>, vector<16xi32>,
      %slice3A = vector.extract_strided_slice %get3A_225 {offsets = [0], sizes = [1], strides = [1]} : vector<16xi32> to vector<1xi32>
      %squeeze3A = vector.extract %slice3A[0] : i32 from vector<1xi32>
      %slice3A_233 = vector.extract_strided_slice %get3A_232 {offsets = [15], sizes = [1], strides = [1]} : vector<16xi32> to vector<1xi32>
      %squeeze3A_234 = vector.extract %slice3A_233[0] : i32 from vector<1xi32>
      %eq3A = arith.cmpi eq, %squeeze3A, %squeeze3A_234 : i32
      %convert_element_type3A = arith.extui %eq3A : i1 to i32
      %cond3A = arith.constant 0 : i32
      %cond3A_235 = arith.cmpi ne, %convert_element_type3A, %cond3A : i32
      scf.if %cond3A_235 {
        %broadcast_in_dim3A_240 = arith.constant 0.000000e+00 : f32
        %broadcast_in_dim3A_241 = vector.broadcast %broadcast_in_dim3A_240 : f32 to vector<16xf32>
        %broadcast_in_dim3A_242 = arith.constant 0.000000e+00 : f32
        %broadcast_in_dim3A_243 = vector.broadcast %broadcast_in_dim3A_242 : f32 to vector<16xf32>
        %broadcast_in_dim3A_244 = arith.constant 0.000000e+00 : f32
        %broadcast_in_dim3A_245 = vector.broadcast %broadcast_in_dim3A_244 : f32 to vector<16xf32>
        %broadcast_in_dim3A_246 = arith.constant 0.000000e+00 : f32
        %broadcast_in_dim3A_247 = vector.broadcast %broadcast_in_dim3A_246 : f32 to vector<16xf32>
        %add3A_248 = arith.constant 0 : i32
        %add3A_249 = arith.addi %mul3A_222, %add3A_248 : i32
        %get3A_250 = arith.constant 0 : i32
        %get3A_251 = arith.index_cast %get3A_250 : i32 to index
        %get3A_252 = arith.index_cast %add3A_249 : i32 to index
        %get3A_253 = tpu.vector_load %arg5[%get3A_251, %get3A_252] {strides = array<i32>} : memref<2x16384xf32, #tpu.memory_space<vmem>>, vector<16xf32>,
        %add3A_254 = arith.addf %broadcast_in_dim3A_241, %get3A_253 : vector<16xf32>
        %add3A_255 = arith.constant 16 : i32
        %add3A_256 = arith.addi %mul3A_222, %add3A_255 : i32
        %get3A_257 = arith.constant 0 : i32
        %get3A_258 = arith.index_cast %get3A_257 : i32 to index
        %get3A_259 = arith.index_cast %add3A_256 : i32 to index
        %get3A_260 = tpu.vector_load %arg5[%get3A_258, %get3A_259] {strides = array<i32>} : memref<2x16384xf32, #tpu.memory_space<vmem>>, vector<16xf32>,
        %add3A_261 = arith.addf %broadcast_in_dim3A_243, %get3A_260 : vector<16xf32>
        %add3A_262 = arith.constant 32 : i32
        %add3A_263 = arith.addi %mul3A_222, %add3A_262 : i32
        %get3A_264 = arith.constant 0 : i32
        %get3A_265 = arith.index_cast %get3A_264 : i32 to index
        %get3A_266 = arith.index_cast %add3A_263 : i32 to index
        %get3A_267 = tpu.vector_load %arg5[%get3A_265, %get3A_266] {strides = array<i32>} : memref<2x16384xf32, #tpu.memory_space<vmem>>, vector<16xf32>,
        %add3A_268 = arith.addf %broadcast_in_dim3A_245, %get3A_267 : vector<16xf32>
        %add3A_269 = arith.constant 48 : i32
        %add3A_270 = arith.addi %mul3A_222, %add3A_269 : i32
        %get3A_271 = arith.constant 0 : i32
        %get3A_272 = arith.index_cast %get3A_271 : i32 to index
        %get3A_273 = arith.index_cast %add3A_270 : i32 to index
        %get3A_274 = tpu.vector_load %arg5[%get3A_272, %get3A_273] {strides = array<i32>} : memref<2x16384xf32, #tpu.memory_space<vmem>>, vector<16xf32>,
        %add3A_275 = arith.addf %broadcast_in_dim3A_247, %get3A_274 : vector<16xf32>
        %add3A_276 = arith.constant 64 : i32
        %add3A_277 = arith.addi %mul3A_222, %add3A_276 : i32
        %get3A_278 = arith.constant 0 : i32
        %get3A_279 = arith.index_cast %get3A_278 : i32 to index
        %get3A_280 = arith.index_cast %add3A_277 : i32 to index
        %get3A_281 = tpu.vector_load %arg5[%get3A_279, %get3A_280] {strides = array<i32>} : memref<2x16384xf32, #tpu.memory_space<vmem>>, vector<16xf32>,
        %add3A_282 = arith.addf %add3A_254, %get3A_281 : vector<16xf32>
        %add3A_283 = arith.constant 80 : i32
        %add3A_284 = arith.addi %mul3A_222, %add3A_283 : i32
        %get3A_285 = arith.constant 0 : i32
        %get3A_286 = arith.index_cast %get3A_285 : i32 to index
        %get3A_287 = arith.index_cast %add3A_284 : i32 to index
        %get3A_288 = tpu.vector_load %arg5[%get3A_286, %get3A_287] {strides = array<i32>} : memref<2x16384xf32, #tpu.memory_space<vmem>>, vector<16xf32>,
        %add3A_289 = arith.addf %add3A_261, %get3A_288 : vector<16xf32>
        %add3A_290 = arith.constant 96 : i32
        %add3A_291 = arith.addi %mul3A_222, %add3A_290 : i32
        %get3A_292 = arith.constant 0 : i32
        %get3A_293 = arith.index_cast %get3A_292 : i32 to index
        %get3A_294 = arith.index_cast %add3A_291 : i32 to index
        %get3A_295 = tpu.vector_load %arg5[%get3A_293, %get3A_294] {strides = array<i32>} : memref<2x16384xf32, #tpu.memory_space<vmem>>, vector<16xf32>,
        %add3A_296 = arith.addf %add3A_268, %get3A_295 : vector<16xf32>
        %add3A_297 = arith.constant 112 : i32
        %add3A_298 = arith.addi %mul3A_222, %add3A_297 : i32
        %get3A_299 = arith.constant 0 : i32
        %get3A_300 = arith.index_cast %get3A_299 : i32 to index
        %get3A_301 = arith.index_cast %add3A_298 : i32 to index
        %get3A_302 = tpu.vector_load %arg5[%get3A_300, %get3A_301] {strides = array<i32>} : memref<2x16384xf32, #tpu.memory_space<vmem>>, vector<16xf32>,
        %add3A_303 = arith.addf %add3A_275, %get3A_302 : vector<16xf32>
        %add3A_304 = arith.constant 128 : i32
        %add3A_305 = arith.addi %mul3A_222, %add3A_304 : i32
        %get3A_306 = arith.constant 0 : i32
        %get3A_307 = arith.index_cast %get3A_306 : i32 to index
        %get3A_308 = arith.index_cast %add3A_305 : i32 to index
        %get3A_309 = tpu.vector_load %arg5[%get3A_307, %get3A_308] {strides = array<i32>} : memref<2x16384xf32, #tpu.memory_space<vmem>>, vector<16xf32>,
        %add3A_310 = arith.addf %add3A_282, %get3A_309 : vector<16xf32>
        %add3A_311 = arith.constant 144 : i32
        %add3A_312 = arith.addi %mul3A_222, %add3A_311 : i32
        %get3A_313 = arith.constant 0 : i32
        %get3A_314 = arith.index_cast %get3A_313 : i32 to index
        %get3A_315 = arith.index_cast %add3A_312 : i32 to index
        %get3A_316 = tpu.vector_load %arg5[%get3A_314, %get3A_315] {strides = array<i32>} : memref<2x16384xf32, #tpu.memory_space<vmem>>, vector<16xf32>,
        %add3A_317 = arith.addf %add3A_289, %get3A_316 : vector<16xf32>
        %add3A_318 = arith.constant 160 : i32
        %add3A_319 = arith.addi %mul3A_222, %add3A_318 : i32
        %get3A_320 = arith.constant 0 : i32
        %get3A_321 = arith.index_cast %get3A_320 : i32 to index
        %get3A_322 = arith.index_cast %add3A_319 : i32 to index
        %get3A_323 = tpu.vector_load %arg5[%get3A_321, %get3A_322] {strides = array<i32>} : memref<2x16384xf32, #tpu.memory_space<vmem>>, vector<16xf32>,
        %add3A_324 = arith.addf %add3A_296, %get3A_323 : vector<16xf32>
        %add3A_325 = arith.constant 176 : i32
        %add3A_326 = arith.addi %mul3A_222, %add3A_325 : i32
        %get3A_327 = arith.constant 0 : i32
        %get3A_328 = arith.index_cast %get3A_327 : i32 to index
        %get3A_329 = arith.index_cast %add3A_326 : i32 to index
        %get3A_330 = tpu.vector_load %arg5[%get3A_328, %get3A_329] {strides = array<i32>} : memref<2x16384xf32, #tpu.memory_space<vmem>>, vector<16xf32>,
        %add3A_331 = arith.addf %add3A_303, %get3A_330 : vector<16xf32>
        %add3A_332 = arith.constant 192 : i32
        %add3A_333 = arith.addi %mul3A_222, %add3A_332 : i32
        %get3A_334 = arith.constant 0 : i32
        %get3A_335 = arith.index_cast %get3A_334 : i32 to index
        %get3A_336 = arith.index_cast %add3A_333 : i32 to index
        %get3A_337 = tpu.vector_load %arg5[%get3A_335, %get3A_336] {strides = array<i32>} : memref<2x16384xf32, #tpu.memory_space<vmem>>, vector<16xf32>,
        %add3A_338 = arith.addf %add3A_310, %get3A_337 : vector<16xf32>
        %add3A_339 = arith.constant 208 : i32
        %add3A_340 = arith.addi %mul3A_222, %add3A_339 : i32
        %get3A_341 = arith.constant 0 : i32
        %get3A_342 = arith.index_cast %get3A_341 : i32 to index
        %get3A_343 = arith.index_cast %add3A_340 : i32 to index
        %get3A_344 = tpu.vector_load %arg5[%get3A_342, %get3A_343] {strides = array<i32>} : memref<2x16384xf32, #tpu.memory_space<vmem>>, vector<16xf32>,
        %add3A_345 = arith.addf %add3A_317, %get3A_344 : vector<16xf32>
        %add3A_346 = arith.constant 224 : i32
        %add3A_347 = arith.addi %mul3A_222, %add3A_346 : i32
        %get3A_348 = arith.constant 0 : i32
        %get3A_349 = arith.index_cast %get3A_348 : i32 to index
        %get3A_350 = arith.index_cast %add3A_347 : i32 to index
        %get3A_351 = tpu.vector_load %arg5[%get3A_349, %get3A_350] {strides = array<i32>} : memref<2x16384xf32, #tpu.memory_space<vmem>>, vector<16xf32>,
        %add3A_352 = arith.addf %add3A_324, %get3A_351 : vector<16xf32>
        %add3A_353 = arith.constant 240 : i32
        %add3A_354 = arith.addi %mul3A_222, %add3A_353 : i32
        %get3A_355 = arith.constant 0 : i32
        %get3A_356 = arith.index_cast %get3A_355 : i32 to index
        %get3A_357 = arith.index_cast %add3A_354 : i32 to index
        %get3A_358 = tpu.vector_load %arg5[%get3A_356, %get3A_357] {strides = array<i32>} : memref<2x16384xf32, #tpu.memory_space<vmem>>, vector<16xf32>,
        %add3A_359 = arith.addf %add3A_331, %get3A_358 : vector<16xf32>
        %add3A_360 = arith.constant 256 : i32
        %add3A_361 = arith.addi %mul3A_222, %add3A_360 : i32
        %get3A_362 = arith.constant 0 : i32
        %get3A_363 = arith.index_cast %get3A_362 : i32 to index
        %get3A_364 = arith.index_cast %add3A_361 : i32 to index
        %get3A_365 = tpu.vector_load %arg5[%get3A_363, %get3A_364] {strides = array<i32>} : memref<2x16384xf32, #tpu.memory_space<vmem>>, vector<16xf32>,
        %add3A_366 = arith.addf %add3A_338, %get3A_365 : vector<16xf32>
        %add3A_367 = arith.constant 272 : i32
        %add3A_368 = arith.addi %mul3A_222, %add3A_367 : i32
        %get3A_369 = arith.constant 0 : i32
        %get3A_370 = arith.index_cast %get3A_369 : i32 to index
        %get3A_371 = arith.index_cast %add3A_368 : i32 to index
        %get3A_372 = tpu.vector_load %arg5[%get3A_370, %get3A_371] {strides = array<i32>} : memref<2x16384xf32, #tpu.memory_space<vmem>>, vector<16xf32>,
        %add3A_373 = arith.addf %add3A_345, %get3A_372 : vector<16xf32>
        %add3A_374 = arith.constant 288 : i32
        %add3A_375 = arith.addi %mul3A_222, %add3A_374 : i32
        %get3A_376 = arith.constant 0 : i32
        %get3A_377 = arith.index_cast %get3A_376 : i32 to index
        %get3A_378 = arith.index_cast %add3A_375 : i32 to index
        %get3A_379 = tpu.vector_load %arg5[%get3A_377, %get3A_378] {strides = array<i32>} : memref<2x16384xf32, #tpu.memory_space<vmem>>, vector<16xf32>,
        %add3A_380 = arith.addf %add3A_352, %get3A_379 : vector<16xf32>
        %add3A_381 = arith.constant 304 : i32
        %add3A_382 = arith.addi %mul3A_222, %add3A_381 : i32
        %get3A_383 = arith.constant 0 : i32
        %get3A_384 = arith.index_cast %get3A_383 : i32 to index
        %get3A_385 = arith.index_cast %add3A_382 : i32 to index
        %get3A_386 = tpu.vector_load %arg5[%get3A_384, %get3A_385] {strides = array<i32>} : memref<2x16384xf32, #tpu.memory_space<vmem>>, vector<16xf32>,
        %add3A_387 = arith.addf %add3A_359, %get3A_386 : vector<16xf32>
        %add3A_388 = arith.constant 320 : i32
        %add3A_389 = arith.addi %mul3A_222, %add3A_388 : i32
        %get3A_390 = arith.constant 0 : i32
        %get3A_391 = arith.index_cast %get3A_390 : i32 to index
        %get3A_392 = arith.index_cast %add3A_389 : i32 to index
        %get3A_393 = tpu.vector_load %arg5[%get3A_391, %get3A_392] {strides = array<i32>} : memref<2x16384xf32, #tpu.memory_space<vmem>>, vector<16xf32>,
        %add3A_394 = arith.addf %add3A_366, %get3A_393 : vector<16xf32>
        %add3A_395 = arith.constant 336 : i32
        %add3A_396 = arith.addi %mul3A_222, %add3A_395 : i32
        %get3A_397 = arith.constant 0 : i32
        %get3A_398 = arith.index_cast %get3A_397 : i32 to index
        %get3A_399 = arith.index_cast %add3A_396 : i32 to index
        %get3A_400 = tpu.vector_load %arg5[%get3A_398, %get3A_399] {strides = array<i32>} : memref<2x16384xf32, #tpu.memory_space<vmem>>, vector<16xf32>,
        %add3A_401 = arith.addf %add3A_373, %get3A_400 : vector<16xf32>
        %add3A_402 = arith.constant 352 : i32
        %add3A_403 = arith.addi %mul3A_222, %add3A_402 : i32
        %get3A_404 = arith.constant 0 : i32
        %get3A_405 = arith.index_cast %get3A_404 : i32 to index
        %get3A_406 = arith.index_cast %add3A_403 : i32 to index
        %get3A_407 = tpu.vector_load %arg5[%get3A_405, %get3A_406] {strides = array<i32>} : memref<2x16384xf32, #tpu.memory_space<vmem>>, vector<16xf32>,
        %add3A_408 = arith.addf %add3A_380, %get3A_407 : vector<16xf32>
        %add3A_409 = arith.constant 368 : i32
        %add3A_410 = arith.addi %mul3A_222, %add3A_409 : i32
        %get3A_411 = arith.constant 0 : i32
        %get3A_412 = arith.index_cast %get3A_411 : i32 to index
        %get3A_413 = arith.index_cast %add3A_410 : i32 to index
        %get3A_414 = tpu.vector_load %arg5[%get3A_412, %get3A_413] {strides = array<i32>} : memref<2x16384xf32, #tpu.memory_space<vmem>>, vector<16xf32>,
        %add3A_415 = arith.addf %add3A_387, %get3A_414 : vector<16xf32>
        %add3A_416 = arith.constant 384 : i32
        %add3A_417 = arith.addi %mul3A_222, %add3A_416 : i32
        %get3A_418 = arith.constant 0 : i32
        %get3A_419 = arith.index_cast %get3A_418 : i32 to index
        %get3A_420 = arith.index_cast %add3A_417 : i32 to index
        %get3A_421 = tpu.vector_load %arg5[%get3A_419, %get3A_420] {strides = array<i32>} : memref<2x16384xf32, #tpu.memory_space<vmem>>, vector<16xf32>,
        %add3A_422 = arith.addf %add3A_394, %get3A_421 : vector<16xf32>
        %add3A_423 = arith.constant 400 : i32
        %add3A_424 = arith.addi %mul3A_222, %add3A_423 : i32
        %get3A_425 = arith.constant 0 : i32
        %get3A_426 = arith.index_cast %get3A_425 : i32 to index
        %get3A_427 = arith.index_cast %add3A_424 : i32 to index
        %get3A_428 = tpu.vector_load %arg5[%get3A_426, %get3A_427] {strides = array<i32>} : memref<2x16384xf32, #tpu.memory_space<vmem>>, vector<16xf32>,
        %add3A_429 = arith.addf %add3A_401, %get3A_428 : vector<16xf32>
        %add3A_430 = arith.constant 416 : i32
        %add3A_431 = arith.addi %mul3A_222, %add3A_430 : i32
        %get3A_432 = arith.constant 0 : i32
        %get3A_433 = arith.index_cast %get3A_432 : i32 to index
        %get3A_434 = arith.index_cast %add3A_431 : i32 to index
        %get3A_435 = tpu.vector_load %arg5[%get3A_433, %get3A_434] {strides = array<i32>} : memref<2x16384xf32, #tpu.memory_space<vmem>>, vector<16xf32>,
        %add3A_436 = arith.addf %add3A_408, %get3A_435 : vector<16xf32>
        %add3A_437 = arith.constant 432 : i32
        %add3A_438 = arith.addi %mul3A_222, %add3A_437 : i32
        %get3A_439 = arith.constant 0 : i32
        %get3A_440 = arith.index_cast %get3A_439 : i32 to index
        %get3A_441 = arith.index_cast %add3A_438 : i32 to index
        %get3A_442 = tpu.vector_load %arg5[%get3A_440, %get3A_441] {strides = array<i32>} : memref<2x16384xf32, #tpu.memory_space<vmem>>, vector<16xf32>,
        %add3A_443 = arith.addf %add3A_415, %get3A_442 : vector<16xf32>
        %add3A_444 = arith.constant 448 : i32
        %add3A_445 = arith.addi %mul3A_222, %add3A_444 : i32
        %get3A_446 = arith.constant 0 : i32
        %get3A_447 = arith.index_cast %get3A_446 : i32 to index
        %get3A_448 = arith.index_cast %add3A_445 : i32 to index
        %get3A_449 = tpu.vector_load %arg5[%get3A_447, %get3A_448] {strides = array<i32>} : memref<2x16384xf32, #tpu.memory_space<vmem>>, vector<16xf32>,
        %add3A_450 = arith.addf %add3A_422, %get3A_449 : vector<16xf32>
        %add3A_451 = arith.constant 464 : i32
        %add3A_452 = arith.addi %mul3A_222, %add3A_451 : i32
        %get3A_453 = arith.constant 0 : i32
        %get3A_454 = arith.index_cast %get3A_453 : i32 to index
        %get3A_455 = arith.index_cast %add3A_452 : i32 to index
        %get3A_456 = tpu.vector_load %arg5[%get3A_454, %get3A_455] {strides = array<i32>} : memref<2x16384xf32, #tpu.memory_space<vmem>>, vector<16xf32>,
        %add3A_457 = arith.addf %add3A_429, %get3A_456 : vector<16xf32>
        %add3A_458 = arith.constant 480 : i32
        %add3A_459 = arith.addi %mul3A_222, %add3A_458 : i32
        %get3A_460 = arith.constant 0 : i32
        %get3A_461 = arith.index_cast %get3A_460 : i32 to index
        %get3A_462 = arith.index_cast %add3A_459 : i32 to index
        %get3A_463 = tpu.vector_load %arg5[%get3A_461, %get3A_462] {strides = array<i32>} : memref<2x16384xf32, #tpu.memory_space<vmem>>, vector<16xf32>,
        %add3A_464 = arith.addf %add3A_436, %get3A_463 : vector<16xf32>
        %add3A_465 = arith.constant 496 : i32
        %add3A_466 = arith.addi %mul3A_222, %add3A_465 : i32
        %get3A_467 = arith.constant 0 : i32
        %get3A_468 = arith.index_cast %get3A_467 : i32 to index
        %get3A_469 = arith.index_cast %add3A_466 : i32 to index
        %get3A_470 = tpu.vector_load %arg5[%get3A_468, %get3A_469] {strides = array<i32>} : memref<2x16384xf32, #tpu.memory_space<vmem>>, vector<16xf32>,
        %add3A_471 = arith.addf %add3A_443, %get3A_470 : vector<16xf32>
        %add3A_472 = arith.addf %add3A_450, %add3A_457 : vector<16xf32>
        %add3A_473 = arith.addf %add3A_464, %add3A_471 : vector<16xf32>
        %add3A_474 = arith.addf %add3A_472, %add3A_473 : vector<16xf32>
        %broadcast_in_dim3A_475 = vector.broadcast %squeeze3A : i32 to vector<16xi32>
        tpu.vector_store_idx %arg7[%iota3A, %broadcast_in_dim3A_475], %add3A_474 {add = true} : memref<16x513xf32, #tpu.memory_space<vmem>>[vector<16xi32>, vector<16xi32>], vector<16xf32>,
      } else {
      }
      %ne3A = arith.cmpi ne, %squeeze3A, %squeeze3A_234 : i32
      %convert_element_type3A_236 = arith.extui %ne3A : i1 to i32
      %cond3A_237 = arith.constant 0 : i32
      %cond3A_238 = arith.cmpi ne, %convert_element_type3A_236, %cond3A_237 : i32
      scf.if %cond3A_238 {
        %parallel_loop3A = arith.constant 0 : i32
        %parallel_loop3A_240 = arith.constant 32 : i32
        %parallel_loop3A_241 = arith.constant 1 : i32
        scf.for %parallel_loop3A_242 = %parallel_loop3A to %parallel_loop3A_240 step %parallel_loop3A_241  : i32 {
          %parallel_loop3A_243 = arith.constant 16 : i32
          %parallel_loop3A_244 = arith.muli %parallel_loop3A_242, %parallel_loop3A_243 : i32
          %parallel_loop3A_245 = arith.addi %mul3A_222, %parallel_loop3A_244 : i32
          %parallel_loop3A_246 = arith.constant 0 : i32
          %parallel_loop3A_247 = arith.index_cast %parallel_loop3A_246 : i32 to index
          %parallel_loop3A_248 = arith.index_cast %parallel_loop3A_245 : i32 to index
          %parallel_loop3A_249 = tpu.vector_load %arg5[%parallel_loop3A_247, %parallel_loop3A_248] {strides = array<i32>} : memref<2x16384xf32, #tpu.memory_space<vmem>>, vector<16xf32>,
          %parallel_loop3A_250 = arith.constant 0 : i32
          %parallel_loop3A_251 = arith.index_cast %parallel_loop3A_250 : i32 to index
          %parallel_loop3A_252 = arith.index_cast %parallel_loop3A_245 : i32 to index
          %parallel_loop3A_253 = tpu.vector_load %arg6[%parallel_loop3A_251, %parallel_loop3A_252] {strides = array<i32>} : memref<2x16384xi32, #tpu.memory_space<vmem>>, vector<16xi32>,
          tpu.vector_store_idx %arg7[%iota3A, %parallel_loop3A_253], %parallel_loop3A_249 {add = true} : memref<16x513xf32, #tpu.memory_space<vmem>>[vector<16xi32>, vector<16xi32>], vector<16xf32>,
        } {sc.loop_unroll_factor = 4 : i64, sc.parallel_access}
      } else {
      }
      %scan3A_239 = arith.constant 0 : i32
      scf.yield %scan3A_239 : i32
    }
    %scan3A_182 = arith.constant 32 : i32
    %add3A_183 = arith.constant 49152 : i32
    %add3A_184 = arith.addi %mul3A_2, %add3A_183 : i32
    %add3A_185 = arith.constant 0 : i32
    %add3A_186 = arith.addi %add3A_185, %add3A_184 : i32
    %dma_wait3A_187 = arith.constant 1 : i32
    %dma_wait3A_188 = arith.constant 0 : i32
    %dma_wait3A_189 = tpu.memref_slice %arg5[%dma_wait3A_187, %dma_wait3A_188] : memref<2x16384xf32, #tpu.memory_space<vmem>> -> memref<1x16384xf32, #tpu.memory_space<vmem>>
    %dma_wait3A_190 = tpu.memref_squeeze %dma_wait3A_189 : memref<1x16384xf32, #tpu.memory_space<vmem>> -> memref<16384xf32, #tpu.memory_space<vmem>>
    %dma_wait3A_191 = tpu.memref_slice %arg2[%add3A_184] : memref<2097152xf32, #tpu.memory_space<hbm>> -> memref<16384xf32, #tpu.memory_space<hbm>>
    %dma_wait3A_192 = arith.constant 0 : i32
    %dma_wait3A_193 = tpu.memref_slice %arg5[%dma_wait3A_187, %dma_wait3A_192] : memref<2x16384xf32, #tpu.memory_space<vmem>> -> memref<1x16384xf32, #tpu.memory_space<vmem>>
    %dma_wait3A_194 = tpu.memref_squeeze %dma_wait3A_193 : memref<1x16384xf32, #tpu.memory_space<vmem>> -> memref<16384xf32, #tpu.memory_space<vmem>>
    %dma_wait3A_195 = tpu.memref_slice %arg2[%add3A_184] : memref<2097152xf32, #tpu.memory_space<hbm>> -> memref<16384xf32, #tpu.memory_space<hbm>>
    tpu.wait_dma2 semaphore(%arg9 : memref<!tpu.dma_semaphore, #tpu.memory_space<semaphore_mem>>) src(%dma_wait3A_195 : memref<16384xf32, #tpu.memory_space<hbm>>) dst(%dma_wait3A_194 : memref<16384xf32, #tpu.memory_space<vmem>>)
    %dma_wait3A_196 = arith.constant 1 : i32
    %dma_wait3A_197 = arith.constant 0 : i32
    %dma_wait3A_198 = tpu.memref_slice %arg6[%dma_wait3A_196, %dma_wait3A_197] : memref<2x16384xi32, #tpu.memory_space<vmem>> -> memref<1x16384xi32, #tpu.memory_space<vmem>>
    %dma_wait3A_199 = tpu.memref_squeeze %dma_wait3A_198 : memref<1x16384xi32, #tpu.memory_space<vmem>> -> memref<16384xi32, #tpu.memory_space<vmem>>
    %dma_wait3A_200 = tpu.memref_slice %arg3[%add3A_186] : memref<4194304xi32, #tpu.memory_space<hbm>> -> memref<16384xi32, #tpu.memory_space<hbm>>
    %dma_wait3A_201 = arith.constant 0 : i32
    %dma_wait3A_202 = tpu.memref_slice %arg6[%dma_wait3A_196, %dma_wait3A_201] : memref<2x16384xi32, #tpu.memory_space<vmem>> -> memref<1x16384xi32, #tpu.memory_space<vmem>>
    %dma_wait3A_203 = tpu.memref_squeeze %dma_wait3A_202 : memref<1x16384xi32, #tpu.memory_space<vmem>> -> memref<16384xi32, #tpu.memory_space<vmem>>
    %dma_wait3A_204 = tpu.memref_slice %arg3[%add3A_186] : memref<4194304xi32, #tpu.memory_space<hbm>> -> memref<16384xi32, #tpu.memory_space<hbm>>
    tpu.wait_dma2 semaphore(%arg9 : memref<!tpu.dma_semaphore, #tpu.memory_space<semaphore_mem>>) src(%dma_wait3A_204 : memref<16384xi32, #tpu.memory_space<hbm>>) dst(%dma_wait3A_203 : memref<16384xi32, #tpu.memory_space<vmem>>)
    %scan3A_205 = arith.constant 0 : i32
    %scan3A_206 = arith.constant 0 : i32
    %scan3A_207 = arith.constant 32 : i32
    %scan3A_208 = arith.addi %scan3A_206, %scan3A_207 : i32
    %scan3A_209 = arith.constant 1 : i32
    %scan3A_210 = scf.for %scan3A_219 = %scan3A_206 to %scan3A_208 step %scan3A_209 iter_args(%scan3A_220 = %scan3A_205) -> (i32)  : i32 {
      %mul3A_221 = arith.constant 512 : i32
      %mul3A_222 = arith.muli %scan3A_219, %mul3A_221 : i32
      %get3A = arith.constant 1 : i32
      %get3A_223 = arith.index_cast %get3A : i32 to index
      %get3A_224 = arith.index_cast %mul3A_222 : i32 to index
      %get3A_225 = tpu.vector_load %arg6[%get3A_223, %get3A_224] {strides = array<i32>} : memref<2x16384xi32, #tpu.memory_space<vmem>>, vector<16xi32>,
      %add3A_226 = arith.constant 512 : i32
      %add3A_227 = arith.addi %mul3A_222, %add3A_226 : i32
      %sub3A = arith.constant 16 : i32
      %sub3A_228 = arith.subi %add3A_227, %sub3A : i32
      %get3A_229 = arith.constant 1 : i32
      %get3A_230 = arith.index_cast %get3A_229 : i32 to index
      %get3A_231 = arith.index_cast %sub3A_228 : i32 to index
      %get3A_232 = tpu.vector_load %arg6[%get3A_230, %get3A_231] {strides = array<i32>} : memref<2x16384xi32, #tpu.memory_space<vmem>>, vector<16xi32>,
      %slice3A = vector.extract_strided_slice %get3A_225 {offsets = [0], sizes = [1], strides = [1]} : vector<16xi32> to vector<1xi32>
      %squeeze3A = vector.extract %slice3A[0] : i32 from vector<1xi32>
      %slice3A_233 = vector.extract_strided_slice %get3A_232 {offsets = [15], sizes = [1], strides = [1]} : vector<16xi32> to vector<1xi32>
      %squeeze3A_234 = vector.extract %slice3A_233[0] : i32 from vector<1xi32>
      %eq3A = arith.cmpi eq, %squeeze3A, %squeeze3A_234 : i32
      %convert_element_type3A = arith.extui %eq3A : i1 to i32
      %cond3A = arith.constant 0 : i32
      %cond3A_235 = arith.cmpi ne, %convert_element_type3A, %cond3A : i32
      scf.if %cond3A_235 {
        %broadcast_in_dim3A_240 = arith.constant 0.000000e+00 : f32
        %broadcast_in_dim3A_241 = vector.broadcast %broadcast_in_dim3A_240 : f32 to vector<16xf32>
        %broadcast_in_dim3A_242 = arith.constant 0.000000e+00 : f32
        %broadcast_in_dim3A_243 = vector.broadcast %broadcast_in_dim3A_242 : f32 to vector<16xf32>
        %broadcast_in_dim3A_244 = arith.constant 0.000000e+00 : f32
        %broadcast_in_dim3A_245 = vector.broadcast %broadcast_in_dim3A_244 : f32 to vector<16xf32>
        %broadcast_in_dim3A_246 = arith.constant 0.000000e+00 : f32
        %broadcast_in_dim3A_247 = vector.broadcast %broadcast_in_dim3A_246 : f32 to vector<16xf32>
        %add3A_248 = arith.constant 0 : i32
        %add3A_249 = arith.addi %mul3A_222, %add3A_248 : i32
        %get3A_250 = arith.constant 1 : i32
        %get3A_251 = arith.index_cast %get3A_250 : i32 to index
        %get3A_252 = arith.index_cast %add3A_249 : i32 to index
        %get3A_253 = tpu.vector_load %arg5[%get3A_251, %get3A_252] {strides = array<i32>} : memref<2x16384xf32, #tpu.memory_space<vmem>>, vector<16xf32>,
        %add3A_254 = arith.addf %broadcast_in_dim3A_241, %get3A_253 : vector<16xf32>
        %add3A_255 = arith.constant 16 : i32
        %add3A_256 = arith.addi %mul3A_222, %add3A_255 : i32
        %get3A_257 = arith.constant 1 : i32
        %get3A_258 = arith.index_cast %get3A_257 : i32 to index
        %get3A_259 = arith.index_cast %add3A_256 : i32 to index
        %get3A_260 = tpu.vector_load %arg5[%get3A_258, %get3A_259] {strides = array<i32>} : memref<2x16384xf32, #tpu.memory_space<vmem>>, vector<16xf32>,
        %add3A_261 = arith.addf %broadcast_in_dim3A_243, %get3A_260 : vector<16xf32>
        %add3A_262 = arith.constant 32 : i32
        %add3A_263 = arith.addi %mul3A_222, %add3A_262 : i32
        %get3A_264 = arith.constant 1 : i32
        %get3A_265 = arith.index_cast %get3A_264 : i32 to index
        %get3A_266 = arith.index_cast %add3A_263 : i32 to index
        %get3A_267 = tpu.vector_load %arg5[%get3A_265, %get3A_266] {strides = array<i32>} : memref<2x16384xf32, #tpu.memory_space<vmem>>, vector<16xf32>,
        %add3A_268 = arith.addf %broadcast_in_dim3A_245, %get3A_267 : vector<16xf32>
        %add3A_269 = arith.constant 48 : i32
        %add3A_270 = arith.addi %mul3A_222, %add3A_269 : i32
        %get3A_271 = arith.constant 1 : i32
        %get3A_272 = arith.index_cast %get3A_271 : i32 to index
        %get3A_273 = arith.index_cast %add3A_270 : i32 to index
        %get3A_274 = tpu.vector_load %arg5[%get3A_272, %get3A_273] {strides = array<i32>} : memref<2x16384xf32, #tpu.memory_space<vmem>>, vector<16xf32>,
        %add3A_275 = arith.addf %broadcast_in_dim3A_247, %get3A_274 : vector<16xf32>
        %add3A_276 = arith.constant 64 : i32
        %add3A_277 = arith.addi %mul3A_222, %add3A_276 : i32
        %get3A_278 = arith.constant 1 : i32
        %get3A_279 = arith.index_cast %get3A_278 : i32 to index
        %get3A_280 = arith.index_cast %add3A_277 : i32 to index
        %get3A_281 = tpu.vector_load %arg5[%get3A_279, %get3A_280] {strides = array<i32>} : memref<2x16384xf32, #tpu.memory_space<vmem>>, vector<16xf32>,
        %add3A_282 = arith.addf %add3A_254, %get3A_281 : vector<16xf32>
        %add3A_283 = arith.constant 80 : i32
        %add3A_284 = arith.addi %mul3A_222, %add3A_283 : i32
        %get3A_285 = arith.constant 1 : i32
        %get3A_286 = arith.index_cast %get3A_285 : i32 to index
        %get3A_287 = arith.index_cast %add3A_284 : i32 to index
        %get3A_288 = tpu.vector_load %arg5[%get3A_286, %get3A_287] {strides = array<i32>} : memref<2x16384xf32, #tpu.memory_space<vmem>>, vector<16xf32>,
        %add3A_289 = arith.addf %add3A_261, %get3A_288 : vector<16xf32>
        %add3A_290 = arith.constant 96 : i32
        %add3A_291 = arith.addi %mul3A_222, %add3A_290 : i32
        %get3A_292 = arith.constant 1 : i32
        %get3A_293 = arith.index_cast %get3A_292 : i32 to index
        %get3A_294 = arith.index_cast %add3A_291 : i32 to index
        %get3A_295 = tpu.vector_load %arg5[%get3A_293, %get3A_294] {strides = array<i32>} : memref<2x16384xf32, #tpu.memory_space<vmem>>, vector<16xf32>,
        %add3A_296 = arith.addf %add3A_268, %get3A_295 : vector<16xf32>
        %add3A_297 = arith.constant 112 : i32
        %add3A_298 = arith.addi %mul3A_222, %add3A_297 : i32
        %get3A_299 = arith.constant 1 : i32
        %get3A_300 = arith.index_cast %get3A_299 : i32 to index
        %get3A_301 = arith.index_cast %add3A_298 : i32 to index
        %get3A_302 = tpu.vector_load %arg5[%get3A_300, %get3A_301] {strides = array<i32>} : memref<2x16384xf32, #tpu.memory_space<vmem>>, vector<16xf32>,
        %add3A_303 = arith.addf %add3A_275, %get3A_302 : vector<16xf32>
        %add3A_304 = arith.constant 128 : i32
        %add3A_305 = arith.addi %mul3A_222, %add3A_304 : i32
        %get3A_306 = arith.constant 1 : i32
        %get3A_307 = arith.index_cast %get3A_306 : i32 to index
        %get3A_308 = arith.index_cast %add3A_305 : i32 to index
        %get3A_309 = tpu.vector_load %arg5[%get3A_307, %get3A_308] {strides = array<i32>} : memref<2x16384xf32, #tpu.memory_space<vmem>>, vector<16xf32>,
        %add3A_310 = arith.addf %add3A_282, %get3A_309 : vector<16xf32>
        %add3A_311 = arith.constant 144 : i32
        %add3A_312 = arith.addi %mul3A_222, %add3A_311 : i32
        %get3A_313 = arith.constant 1 : i32
        %get3A_314 = arith.index_cast %get3A_313 : i32 to index
        %get3A_315 = arith.index_cast %add3A_312 : i32 to index
        %get3A_316 = tpu.vector_load %arg5[%get3A_314, %get3A_315] {strides = array<i32>} : memref<2x16384xf32, #tpu.memory_space<vmem>>, vector<16xf32>,
        %add3A_317 = arith.addf %add3A_289, %get3A_316 : vector<16xf32>
        %add3A_318 = arith.constant 160 : i32
        %add3A_319 = arith.addi %mul3A_222, %add3A_318 : i32
        %get3A_320 = arith.constant 1 : i32
        %get3A_321 = arith.index_cast %get3A_320 : i32 to index
        %get3A_322 = arith.index_cast %add3A_319 : i32 to index
        %get3A_323 = tpu.vector_load %arg5[%get3A_321, %get3A_322] {strides = array<i32>} : memref<2x16384xf32, #tpu.memory_space<vmem>>, vector<16xf32>,
        %add3A_324 = arith.addf %add3A_296, %get3A_323 : vector<16xf32>
        %add3A_325 = arith.constant 176 : i32
        %add3A_326 = arith.addi %mul3A_222, %add3A_325 : i32
        %get3A_327 = arith.constant 1 : i32
        %get3A_328 = arith.index_cast %get3A_327 : i32 to index
        %get3A_329 = arith.index_cast %add3A_326 : i32 to index
        %get3A_330 = tpu.vector_load %arg5[%get3A_328, %get3A_329] {strides = array<i32>} : memref<2x16384xf32, #tpu.memory_space<vmem>>, vector<16xf32>,
        %add3A_331 = arith.addf %add3A_303, %get3A_330 : vector<16xf32>
        %add3A_332 = arith.constant 192 : i32
        %add3A_333 = arith.addi %mul3A_222, %add3A_332 : i32
        %get3A_334 = arith.constant 1 : i32
        %get3A_335 = arith.index_cast %get3A_334 : i32 to index
        %get3A_336 = arith.index_cast %add3A_333 : i32 to index
        %get3A_337 = tpu.vector_load %arg5[%get3A_335, %get3A_336] {strides = array<i32>} : memref<2x16384xf32, #tpu.memory_space<vmem>>, vector<16xf32>,
        %add3A_338 = arith.addf %add3A_310, %get3A_337 : vector<16xf32>
        %add3A_339 = arith.constant 208 : i32
        %add3A_340 = arith.addi %mul3A_222, %add3A_339 : i32
        %get3A_341 = arith.constant 1 : i32
        %get3A_342 = arith.index_cast %get3A_341 : i32 to index
        %get3A_343 = arith.index_cast %add3A_340 : i32 to index
        %get3A_344 = tpu.vector_load %arg5[%get3A_342, %get3A_343] {strides = array<i32>} : memref<2x16384xf32, #tpu.memory_space<vmem>>, vector<16xf32>,
        %add3A_345 = arith.addf %add3A_317, %get3A_344 : vector<16xf32>
        %add3A_346 = arith.constant 224 : i32
        %add3A_347 = arith.addi %mul3A_222, %add3A_346 : i32
        %get3A_348 = arith.constant 1 : i32
        %get3A_349 = arith.index_cast %get3A_348 : i32 to index
        %get3A_350 = arith.index_cast %add3A_347 : i32 to index
        %get3A_351 = tpu.vector_load %arg5[%get3A_349, %get3A_350] {strides = array<i32>} : memref<2x16384xf32, #tpu.memory_space<vmem>>, vector<16xf32>,
        %add3A_352 = arith.addf %add3A_324, %get3A_351 : vector<16xf32>
        %add3A_353 = arith.constant 240 : i32
        %add3A_354 = arith.addi %mul3A_222, %add3A_353 : i32
        %get3A_355 = arith.constant 1 : i32
        %get3A_356 = arith.index_cast %get3A_355 : i32 to index
        %get3A_357 = arith.index_cast %add3A_354 : i32 to index
        %get3A_358 = tpu.vector_load %arg5[%get3A_356, %get3A_357] {strides = array<i32>} : memref<2x16384xf32, #tpu.memory_space<vmem>>, vector<16xf32>,
        %add3A_359 = arith.addf %add3A_331, %get3A_358 : vector<16xf32>
        %add3A_360 = arith.constant 256 : i32
        %add3A_361 = arith.addi %mul3A_222, %add3A_360 : i32
        %get3A_362 = arith.constant 1 : i32
        %get3A_363 = arith.index_cast %get3A_362 : i32 to index
        %get3A_364 = arith.index_cast %add3A_361 : i32 to index
        %get3A_365 = tpu.vector_load %arg5[%get3A_363, %get3A_364] {strides = array<i32>} : memref<2x16384xf32, #tpu.memory_space<vmem>>, vector<16xf32>,
        %add3A_366 = arith.addf %add3A_338, %get3A_365 : vector<16xf32>
        %add3A_367 = arith.constant 272 : i32
        %add3A_368 = arith.addi %mul3A_222, %add3A_367 : i32
        %get3A_369 = arith.constant 1 : i32
        %get3A_370 = arith.index_cast %get3A_369 : i32 to index
        %get3A_371 = arith.index_cast %add3A_368 : i32 to index
        %get3A_372 = tpu.vector_load %arg5[%get3A_370, %get3A_371] {strides = array<i32>} : memref<2x16384xf32, #tpu.memory_space<vmem>>, vector<16xf32>,
        %add3A_373 = arith.addf %add3A_345, %get3A_372 : vector<16xf32>
        %add3A_374 = arith.constant 288 : i32
        %add3A_375 = arith.addi %mul3A_222, %add3A_374 : i32
        %get3A_376 = arith.constant 1 : i32
        %get3A_377 = arith.index_cast %get3A_376 : i32 to index
        %get3A_378 = arith.index_cast %add3A_375 : i32 to index
        %get3A_379 = tpu.vector_load %arg5[%get3A_377, %get3A_378] {strides = array<i32>} : memref<2x16384xf32, #tpu.memory_space<vmem>>, vector<16xf32>,
        %add3A_380 = arith.addf %add3A_352, %get3A_379 : vector<16xf32>
        %add3A_381 = arith.constant 304 : i32
        %add3A_382 = arith.addi %mul3A_222, %add3A_381 : i32
        %get3A_383 = arith.constant 1 : i32
        %get3A_384 = arith.index_cast %get3A_383 : i32 to index
        %get3A_385 = arith.index_cast %add3A_382 : i32 to index
        %get3A_386 = tpu.vector_load %arg5[%get3A_384, %get3A_385] {strides = array<i32>} : memref<2x16384xf32, #tpu.memory_space<vmem>>, vector<16xf32>,
        %add3A_387 = arith.addf %add3A_359, %get3A_386 : vector<16xf32>
        %add3A_388 = arith.constant 320 : i32
        %add3A_389 = arith.addi %mul3A_222, %add3A_388 : i32
        %get3A_390 = arith.constant 1 : i32
        %get3A_391 = arith.index_cast %get3A_390 : i32 to index
        %get3A_392 = arith.index_cast %add3A_389 : i32 to index
        %get3A_393 = tpu.vector_load %arg5[%get3A_391, %get3A_392] {strides = array<i32>} : memref<2x16384xf32, #tpu.memory_space<vmem>>, vector<16xf32>,
        %add3A_394 = arith.addf %add3A_366, %get3A_393 : vector<16xf32>
        %add3A_395 = arith.constant 336 : i32
        %add3A_396 = arith.addi %mul3A_222, %add3A_395 : i32
        %get3A_397 = arith.constant 1 : i32
        %get3A_398 = arith.index_cast %get3A_397 : i32 to index
        %get3A_399 = arith.index_cast %add3A_396 : i32 to index
        %get3A_400 = tpu.vector_load %arg5[%get3A_398, %get3A_399] {strides = array<i32>} : memref<2x16384xf32, #tpu.memory_space<vmem>>, vector<16xf32>,
        %add3A_401 = arith.addf %add3A_373, %get3A_400 : vector<16xf32>
        %add3A_402 = arith.constant 352 : i32
        %add3A_403 = arith.addi %mul3A_222, %add3A_402 : i32
        %get3A_404 = arith.constant 1 : i32
        %get3A_405 = arith.index_cast %get3A_404 : i32 to index
        %get3A_406 = arith.index_cast %add3A_403 : i32 to index
        %get3A_407 = tpu.vector_load %arg5[%get3A_405, %get3A_406] {strides = array<i32>} : memref<2x16384xf32, #tpu.memory_space<vmem>>, vector<16xf32>,
        %add3A_408 = arith.addf %add3A_380, %get3A_407 : vector<16xf32>
        %add3A_409 = arith.constant 368 : i32
        %add3A_410 = arith.addi %mul3A_222, %add3A_409 : i32
        %get3A_411 = arith.constant 1 : i32
        %get3A_412 = arith.index_cast %get3A_411 : i32 to index
        %get3A_413 = arith.index_cast %add3A_410 : i32 to index
        %get3A_414 = tpu.vector_load %arg5[%get3A_412, %get3A_413] {strides = array<i32>} : memref<2x16384xf32, #tpu.memory_space<vmem>>, vector<16xf32>,
        %add3A_415 = arith.addf %add3A_387, %get3A_414 : vector<16xf32>
        %add3A_416 = arith.constant 384 : i32
        %add3A_417 = arith.addi %mul3A_222, %add3A_416 : i32
        %get3A_418 = arith.constant 1 : i32
        %get3A_419 = arith.index_cast %get3A_418 : i32 to index
        %get3A_420 = arith.index_cast %add3A_417 : i32 to index
        %get3A_421 = tpu.vector_load %arg5[%get3A_419, %get3A_420] {strides = array<i32>} : memref<2x16384xf32, #tpu.memory_space<vmem>>, vector<16xf32>,
        %add3A_422 = arith.addf %add3A_394, %get3A_421 : vector<16xf32>
        %add3A_423 = arith.constant 400 : i32
        %add3A_424 = arith.addi %mul3A_222, %add3A_423 : i32
        %get3A_425 = arith.constant 1 : i32
        %get3A_426 = arith.index_cast %get3A_425 : i32 to index
        %get3A_427 = arith.index_cast %add3A_424 : i32 to index
        %get3A_428 = tpu.vector_load %arg5[%get3A_426, %get3A_427] {strides = array<i32>} : memref<2x16384xf32, #tpu.memory_space<vmem>>, vector<16xf32>,
        %add3A_429 = arith.addf %add3A_401, %get3A_428 : vector<16xf32>
        %add3A_430 = arith.constant 416 : i32
        %add3A_431 = arith.addi %mul3A_222, %add3A_430 : i32
        %get3A_432 = arith.constant 1 : i32
        %get3A_433 = arith.index_cast %get3A_432 : i32 to index
        %get3A_434 = arith.index_cast %add3A_431 : i32 to index
        %get3A_435 = tpu.vector_load %arg5[%get3A_433, %get3A_434] {strides = array<i32>} : memref<2x16384xf32, #tpu.memory_space<vmem>>, vector<16xf32>,
        %add3A_436 = arith.addf %add3A_408, %get3A_435 : vector<16xf32>
        %add3A_437 = arith.constant 432 : i32
        %add3A_438 = arith.addi %mul3A_222, %add3A_437 : i32
        %get3A_439 = arith.constant 1 : i32
        %get3A_440 = arith.index_cast %get3A_439 : i32 to index
        %get3A_441 = arith.index_cast %add3A_438 : i32 to index
        %get3A_442 = tpu.vector_load %arg5[%get3A_440, %get3A_441] {strides = array<i32>} : memref<2x16384xf32, #tpu.memory_space<vmem>>, vector<16xf32>,
        %add3A_443 = arith.addf %add3A_415, %get3A_442 : vector<16xf32>
        %add3A_444 = arith.constant 448 : i32
        %add3A_445 = arith.addi %mul3A_222, %add3A_444 : i32
        %get3A_446 = arith.constant 1 : i32
        %get3A_447 = arith.index_cast %get3A_446 : i32 to index
        %get3A_448 = arith.index_cast %add3A_445 : i32 to index
        %get3A_449 = tpu.vector_load %arg5[%get3A_447, %get3A_448] {strides = array<i32>} : memref<2x16384xf32, #tpu.memory_space<vmem>>, vector<16xf32>,
        %add3A_450 = arith.addf %add3A_422, %get3A_449 : vector<16xf32>
        %add3A_451 = arith.constant 464 : i32
        %add3A_452 = arith.addi %mul3A_222, %add3A_451 : i32
        %get3A_453 = arith.constant 1 : i32
        %get3A_454 = arith.index_cast %get3A_453 : i32 to index
        %get3A_455 = arith.index_cast %add3A_452 : i32 to index
        %get3A_456 = tpu.vector_load %arg5[%get3A_454, %get3A_455] {strides = array<i32>} : memref<2x16384xf32, #tpu.memory_space<vmem>>, vector<16xf32>,
        %add3A_457 = arith.addf %add3A_429, %get3A_456 : vector<16xf32>
        %add3A_458 = arith.constant 480 : i32
        %add3A_459 = arith.addi %mul3A_222, %add3A_458 : i32
        %get3A_460 = arith.constant 1 : i32
        %get3A_461 = arith.index_cast %get3A_460 : i32 to index
        %get3A_462 = arith.index_cast %add3A_459 : i32 to index
        %get3A_463 = tpu.vector_load %arg5[%get3A_461, %get3A_462] {strides = array<i32>} : memref<2x16384xf32, #tpu.memory_space<vmem>>, vector<16xf32>,
        %add3A_464 = arith.addf %add3A_436, %get3A_463 : vector<16xf32>
        %add3A_465 = arith.constant 496 : i32
        %add3A_466 = arith.addi %mul3A_222, %add3A_465 : i32
        %get3A_467 = arith.constant 1 : i32
        %get3A_468 = arith.index_cast %get3A_467 : i32 to index
        %get3A_469 = arith.index_cast %add3A_466 : i32 to index
        %get3A_470 = tpu.vector_load %arg5[%get3A_468, %get3A_469] {strides = array<i32>} : memref<2x16384xf32, #tpu.memory_space<vmem>>, vector<16xf32>,
        %add3A_471 = arith.addf %add3A_443, %get3A_470 : vector<16xf32>
        %add3A_472 = arith.addf %add3A_450, %add3A_457 : vector<16xf32>
        %add3A_473 = arith.addf %add3A_464, %add3A_471 : vector<16xf32>
        %add3A_474 = arith.addf %add3A_472, %add3A_473 : vector<16xf32>
        %broadcast_in_dim3A_475 = vector.broadcast %squeeze3A : i32 to vector<16xi32>
        tpu.vector_store_idx %arg7[%iota3A, %broadcast_in_dim3A_475], %add3A_474 {add = true} : memref<16x513xf32, #tpu.memory_space<vmem>>[vector<16xi32>, vector<16xi32>], vector<16xf32>,
      } else {
      }
      %ne3A = arith.cmpi ne, %squeeze3A, %squeeze3A_234 : i32
      %convert_element_type3A_236 = arith.extui %ne3A : i1 to i32
      %cond3A_237 = arith.constant 0 : i32
      %cond3A_238 = arith.cmpi ne, %convert_element_type3A_236, %cond3A_237 : i32
      scf.if %cond3A_238 {
        %parallel_loop3A = arith.constant 0 : i32
        %parallel_loop3A_240 = arith.constant 32 : i32
        %parallel_loop3A_241 = arith.constant 1 : i32
        scf.for %parallel_loop3A_242 = %parallel_loop3A to %parallel_loop3A_240 step %parallel_loop3A_241  : i32 {
          %parallel_loop3A_243 = arith.constant 16 : i32
          %parallel_loop3A_244 = arith.muli %parallel_loop3A_242, %parallel_loop3A_243 : i32
          %parallel_loop3A_245 = arith.addi %mul3A_222, %parallel_loop3A_244 : i32
          %parallel_loop3A_246 = arith.constant 1 : i32
          %parallel_loop3A_247 = arith.index_cast %parallel_loop3A_246 : i32 to index
          %parallel_loop3A_248 = arith.index_cast %parallel_loop3A_245 : i32 to index
          %parallel_loop3A_249 = tpu.vector_load %arg5[%parallel_loop3A_247, %parallel_loop3A_248] {strides = array<i32>} : memref<2x16384xf32, #tpu.memory_space<vmem>>, vector<16xf32>,
          %parallel_loop3A_250 = arith.constant 1 : i32
          %parallel_loop3A_251 = arith.index_cast %parallel_loop3A_250 : i32 to index
          %parallel_loop3A_252 = arith.index_cast %parallel_loop3A_245 : i32 to index
          %parallel_loop3A_253 = tpu.vector_load %arg6[%parallel_loop3A_251, %parallel_loop3A_252] {strides = array<i32>} : memref<2x16384xi32, #tpu.memory_space<vmem>>, vector<16xi32>,
          tpu.vector_store_idx %arg7[%iota3A, %parallel_loop3A_253], %parallel_loop3A_249 {add = true} : memref<16x513xf32, #tpu.memory_space<vmem>>[vector<16xi32>, vector<16xi32>], vector<16xf32>,
        } {sc.loop_unroll_factor = 4 : i64, sc.parallel_access}
      } else {
      }
      %scan3A_239 = arith.constant 0 : i32
      scf.yield %scan3A_239 : i32
    }
    %scan3A_211 = arith.constant 32 : i32
    %scan3A_212 = arith.constant 0 : i32
    %scan3A_213 = arith.constant 0 : i32
    %scan3A_214 = arith.constant 32 : i32
    %scan3A_215 = arith.addi %scan3A_213, %scan3A_214 : i32
    %scan3A_216 = arith.constant 1 : i32
    %scan3A_217 = scf.for %scan3A_219 = %scan3A_213 to %scan3A_215 step %scan3A_216 iter_args(%scan3A_220 = %scan3A_212) -> (i32)  : i32 {
      %mul3A_221 = arith.constant 16 : i32
      %mul3A_222 = arith.muli %scan3A_219, %mul3A_221 : i32
      %get3A = arith.constant 0 : i32
      %get3A_223 = arith.index_cast %get3A : i32 to index
      %get3A_224 = arith.index_cast %mul3A_222 : i32 to index
      %get3A_225 = tpu.vector_load %arg7[%get3A_223, %get3A_224] {strides = array<i32>} : memref<16x513xf32, #tpu.memory_space<vmem>>, vector<16xf32>,
      %get3A_226 = arith.constant 1 : i32
      %get3A_227 = arith.index_cast %get3A_226 : i32 to index
      %get3A_228 = arith.index_cast %mul3A_222 : i32 to index
      %get3A_229 = tpu.vector_load %arg7[%get3A_227, %get3A_228] {strides = array<i32>} : memref<16x513xf32, #tpu.memory_space<vmem>>, vector<16xf32>,
      %add3A_230 = arith.addf %get3A_225, %get3A_229 : vector<16xf32>
      %get3A_231 = arith.constant 2 : i32
      %get3A_232 = arith.index_cast %get3A_231 : i32 to index
      %get3A_233 = arith.index_cast %mul3A_222 : i32 to index
      %get3A_234 = tpu.vector_load %arg7[%get3A_232, %get3A_233] {strides = array<i32>} : memref<16x513xf32, #tpu.memory_space<vmem>>, vector<16xf32>,
      %add3A_235 = arith.addf %add3A_230, %get3A_234 : vector<16xf32>
      %get3A_236 = arith.constant 3 : i32
      %get3A_237 = arith.index_cast %get3A_236 : i32 to index
      %get3A_238 = arith.index_cast %mul3A_222 : i32 to index
      %get3A_239 = tpu.vector_load %arg7[%get3A_237, %get3A_238] {strides = array<i32>} : memref<16x513xf32, #tpu.memory_space<vmem>>, vector<16xf32>,
      %add3A_240 = arith.addf %add3A_235, %get3A_239 : vector<16xf32>
      %get3A_241 = arith.constant 4 : i32
      %get3A_242 = arith.index_cast %get3A_241 : i32 to index
      %get3A_243 = arith.index_cast %mul3A_222 : i32 to index
      %get3A_244 = tpu.vector_load %arg7[%get3A_242, %get3A_243] {strides = array<i32>} : memref<16x513xf32, #tpu.memory_space<vmem>>, vector<16xf32>,
      %add3A_245 = arith.addf %add3A_240, %get3A_244 : vector<16xf32>
      %get3A_246 = arith.constant 5 : i32
      %get3A_247 = arith.index_cast %get3A_246 : i32 to index
      %get3A_248 = arith.index_cast %mul3A_222 : i32 to index
      %get3A_249 = tpu.vector_load %arg7[%get3A_247, %get3A_248] {strides = array<i32>} : memref<16x513xf32, #tpu.memory_space<vmem>>, vector<16xf32>,
      %add3A_250 = arith.addf %add3A_245, %get3A_249 : vector<16xf32>
      %get3A_251 = arith.constant 6 : i32
      %get3A_252 = arith.index_cast %get3A_251 : i32 to index
      %get3A_253 = arith.index_cast %mul3A_222 : i32 to index
      %get3A_254 = tpu.vector_load %arg7[%get3A_252, %get3A_253] {strides = array<i32>} : memref<16x513xf32, #tpu.memory_space<vmem>>, vector<16xf32>,
      %add3A_255 = arith.addf %add3A_250, %get3A_254 : vector<16xf32>
      %get3A_256 = arith.constant 7 : i32
      %get3A_257 = arith.index_cast %get3A_256 : i32 to index
      %get3A_258 = arith.index_cast %mul3A_222 : i32 to index
      %get3A_259 = tpu.vector_load %arg7[%get3A_257, %get3A_258] {strides = array<i32>} : memref<16x513xf32, #tpu.memory_space<vmem>>, vector<16xf32>,
      %add3A_260 = arith.addf %add3A_255, %get3A_259 : vector<16xf32>
      %get3A_261 = arith.constant 8 : i32
      %get3A_262 = arith.index_cast %get3A_261 : i32 to index
      %get3A_263 = arith.index_cast %mul3A_222 : i32 to index
      %get3A_264 = tpu.vector_load %arg7[%get3A_262, %get3A_263] {strides = array<i32>} : memref<16x513xf32, #tpu.memory_space<vmem>>, vector<16xf32>,
      %add3A_265 = arith.addf %add3A_260, %get3A_264 : vector<16xf32>
      %get3A_266 = arith.constant 9 : i32
      %get3A_267 = arith.index_cast %get3A_266 : i32 to index
      %get3A_268 = arith.index_cast %mul3A_222 : i32 to index
      %get3A_269 = tpu.vector_load %arg7[%get3A_267, %get3A_268] {strides = array<i32>} : memref<16x513xf32, #tpu.memory_space<vmem>>, vector<16xf32>,
      %add3A_270 = arith.addf %add3A_265, %get3A_269 : vector<16xf32>
      %get3A_271 = arith.constant 10 : i32
      %get3A_272 = arith.index_cast %get3A_271 : i32 to index
      %get3A_273 = arith.index_cast %mul3A_222 : i32 to index
      %get3A_274 = tpu.vector_load %arg7[%get3A_272, %get3A_273] {strides = array<i32>} : memref<16x513xf32, #tpu.memory_space<vmem>>, vector<16xf32>,
      %add3A_275 = arith.addf %add3A_270, %get3A_274 : vector<16xf32>
      %get3A_276 = arith.constant 11 : i32
      %get3A_277 = arith.index_cast %get3A_276 : i32 to index
      %get3A_278 = arith.index_cast %mul3A_222 : i32 to index
      %get3A_279 = tpu.vector_load %arg7[%get3A_277, %get3A_278] {strides = array<i32>} : memref<16x513xf32, #tpu.memory_space<vmem>>, vector<16xf32>,
      %add3A_280 = arith.addf %add3A_275, %get3A_279 : vector<16xf32>
      %get3A_281 = arith.constant 12 : i32
      %get3A_282 = arith.index_cast %get3A_281 : i32 to index
      %get3A_283 = arith.index_cast %mul3A_222 : i32 to index
      %get3A_284 = tpu.vector_load %arg7[%get3A_282, %get3A_283] {strides = array<i32>} : memref<16x513xf32, #tpu.memory_space<vmem>>, vector<16xf32>,
      %add3A_285 = arith.addf %add3A_280, %get3A_284 : vector<16xf32>
      %get3A_286 = arith.constant 13 : i32
      %get3A_287 = arith.index_cast %get3A_286 : i32 to index
      %get3A_288 = arith.index_cast %mul3A_222 : i32 to index
      %get3A_289 = tpu.vector_load %arg7[%get3A_287, %get3A_288] {strides = array<i32>} : memref<16x513xf32, #tpu.memory_space<vmem>>, vector<16xf32>,
      %add3A_290 = arith.addf %add3A_285, %get3A_289 : vector<16xf32>
      %get3A_291 = arith.constant 14 : i32
      %get3A_292 = arith.index_cast %get3A_291 : i32 to index
      %get3A_293 = arith.index_cast %mul3A_222 : i32 to index
      %get3A_294 = tpu.vector_load %arg7[%get3A_292, %get3A_293] {strides = array<i32>} : memref<16x513xf32, #tpu.memory_space<vmem>>, vector<16xf32>,
      %add3A_295 = arith.addf %add3A_290, %get3A_294 : vector<16xf32>
      %get3A_296 = arith.constant 15 : i32
      %get3A_297 = arith.index_cast %get3A_296 : i32 to index
      %get3A_298 = arith.index_cast %mul3A_222 : i32 to index
      %get3A_299 = tpu.vector_load %arg7[%get3A_297, %get3A_298] {strides = array<i32>} : memref<16x513xf32, #tpu.memory_space<vmem>>, vector<16xf32>,
      %add3A_300 = arith.addf %add3A_295, %get3A_299 : vector<16xf32>
      %swap3A = arith.constant 0 : i32
      %swap3A_301 = arith.index_cast %swap3A : i32 to index
      %swap3A_302 = arith.index_cast %mul3A_222 : i32 to index
      %swap3A_303 = tpu.vector_load %arg7[%swap3A_301, %swap3A_302] {strides = array<i32>} : memref<16x513xf32, #tpu.memory_space<vmem>>, vector<16xf32>,
      tpu.vector_store %arg7[%swap3A_301, %swap3A_302], %add3A_300 {strides = array<i32>} : memref<16x513xf32, #tpu.memory_space<vmem>>, vector<16xf32>,
      %scan3A_304 = arith.constant 0 : i32
      scf.yield %scan3A_304 : i32
    }
    %scan3A_218 = arith.constant 32 : i32
    %run_scoped3A = arith.constant 0 : i32
    "tpu.region"() ({
      %run_scoped3A_219 = tpu.sem_alloc : memref<!tpu.dma_semaphore, #tpu.memory_space<semaphore_mem>>
      %dma_start3A_220 = arith.constant 0 : i32
      %dma_start3A_221 = tpu.memref_slice %arg7[%run_scoped3A, %dma_start3A_220] : memref<16x513xf32, #tpu.memory_space<vmem>> -> memref<1x512xf32, #tpu.memory_space<vmem>>
      %dma_start3A_222 = tpu.memref_squeeze %dma_start3A_221 : memref<1x512xf32, #tpu.memory_space<vmem>> -> memref<512xf32, #tpu.memory_space<vmem>>
      %dma_start3A_223 = arith.constant 0 : i32
      %dma_start3A_224 = tpu.memref_slice %arg4[%add3A, %dma_start3A_223] : memref<32x512xf32, #tpu.memory_space<hbm>> -> memref<1x512xf32, #tpu.memory_space<hbm>>
      %dma_start3A_225 = tpu.memref_squeeze %dma_start3A_224 : memref<1x512xf32, #tpu.memory_space<hbm>> -> memref<512xf32, #tpu.memory_space<hbm>>
      %dma_start3A_226 = arith.constant 0 : i32
      %dma_start3A_227 = tpu.memref_slice %arg4[%add3A, %dma_start3A_226] : memref<32x512xf32, #tpu.memory_space<hbm>> -> memref<1x512xf32, #tpu.memory_space<hbm>>
      %dma_start3A_228 = tpu.memref_squeeze %dma_start3A_227 : memref<1x512xf32, #tpu.memory_space<hbm>> -> memref<512xf32, #tpu.memory_space<hbm>>
      %dma_start3A_229 = arith.constant 0 : i32
      %dma_start3A_230 = tpu.memref_slice %arg7[%run_scoped3A, %dma_start3A_229] : memref<16x513xf32, #tpu.memory_space<vmem>> -> memref<1x512xf32, #tpu.memory_space<vmem>>
      %dma_start3A_231 = tpu.memref_squeeze %dma_start3A_230 : memref<1x512xf32, #tpu.memory_space<vmem>> -> memref<512xf32, #tpu.memory_space<vmem>>
      tpu.enqueue_dma source(%dma_start3A_231 : memref<512xf32, #tpu.memory_space<vmem>>) target(%dma_start3A_228 : memref<512xf32, #tpu.memory_space<hbm>>) target_semaphore(%run_scoped3A_219 : memref<!tpu.dma_semaphore, #tpu.memory_space<semaphore_mem>>)
      %dma_wait3A_232 = arith.constant 0 : i32
      %dma_wait3A_233 = tpu.memref_slice %arg7[%run_scoped3A, %dma_wait3A_232] : memref<16x513xf32, #tpu.memory_space<vmem>> -> memref<1x512xf32, #tpu.memory_space<vmem>>
      %dma_wait3A_234 = tpu.memref_squeeze %dma_wait3A_233 : memref<1x512xf32, #tpu.memory_space<vmem>> -> memref<512xf32, #tpu.memory_space<vmem>>
      %dma_wait3A_235 = arith.constant 0 : i32
      %dma_wait3A_236 = tpu.memref_slice %arg4[%add3A, %dma_wait3A_235] : memref<32x512xf32, #tpu.memory_space<hbm>> -> memref<1x512xf32, #tpu.memory_space<hbm>>
      %dma_wait3A_237 = tpu.memref_squeeze %dma_wait3A_236 : memref<1x512xf32, #tpu.memory_space<hbm>> -> memref<512xf32, #tpu.memory_space<hbm>>
      %dma_wait3A_238 = arith.constant 0 : i32
      %dma_wait3A_239 = tpu.memref_slice %arg4[%add3A, %dma_wait3A_238] : memref<32x512xf32, #tpu.memory_space<hbm>> -> memref<1x512xf32, #tpu.memory_space<hbm>>
      %dma_wait3A_240 = tpu.memref_squeeze %dma_wait3A_239 : memref<1x512xf32, #tpu.memory_space<hbm>> -> memref<512xf32, #tpu.memory_space<hbm>>
      %dma_wait3A_241 = arith.constant 0 : i32
      %dma_wait3A_242 = tpu.memref_slice %arg7[%run_scoped3A, %dma_wait3A_241] : memref<16x513xf32, #tpu.memory_space<vmem>> -> memref<1x512xf32, #tpu.memory_space<vmem>>
      %dma_wait3A_243 = tpu.memref_squeeze %dma_wait3A_242 : memref<1x512xf32, #tpu.memory_space<vmem>> -> memref<512xf32, #tpu.memory_space<vmem>>
      tpu.wait_dma2 semaphore(%run_scoped3A_219 : memref<!tpu.dma_semaphore, #tpu.memory_space<semaphore_mem>>) src(%dma_wait3A_243 : memref<512xf32, #tpu.memory_space<vmem>>) dst(%dma_wait3A_240 : memref<512xf32, #tpu.memory_space<hbm>>)
      tpu.yield
    }) : () -> ()
    return
  }
}

#map = affine_map<(d0, d1) -> (0)>
#map1 = affine_map<(d0, d1) -> (0, 0)>
module attributes {stable_mosaic.version = 14 : i64} {
  func.func @sc_bincount(%arg0: i32, %arg1: i32, %arg2: memref<2097152xf32, #tpu.memory_space<hbm>>, %arg3: memref<4194304xi32, #tpu.memory_space<hbm>>, %arg4: memref<32x512xf32, #tpu.memory_space<hbm>>, %arg5: memref<2x16384xf32, #tpu.memory_space<vmem>>, %arg6: memref<2x16384xi32, #tpu.memory_space<vmem>>, %arg7: memref<16x513xf32, #tpu.memory_space<vmem>>, %arg8: memref<!tpu.dma_semaphore, #tpu.memory_space<semaphore_mem>>, %arg9: memref<!tpu.dma_semaphore, #tpu.memory_space<semaphore_mem>>) attributes {dimension_semantics = [#tpu.dimension_semantics<core_parallel>, #tpu.dimension_semantics<subcore_parallel>], iteration_bounds = array<i64: 2, 16>, scalar_prefetch = 0 : i64, scratch_operands = 5 : i64, tpu.core_type = #tpu.core_type<sc_vector_subcore>, window_params = [{transform_indices = #map}, {transform_indices = #map}, {transform_indices = #map1}]} {
    %mul3A = arith.constant 2 : i32
    %mul3A_0 = arith.muli %arg1, %mul3A : i32
    %add3A = arith.addi %mul3A_0, %arg0 : i32
    %mul3A_1 = arith.constant 65536 : i32
    %mul3A_2 = arith.muli %add3A, %mul3A_1 : i32
    %broadcast_in_dim3A = arith.constant 0.000000e+00 : f32
    %broadcast_in_dim3A_3 = vector.broadcast %broadcast_in_dim3A : f32 to vector<16xf32>
    %scan3A = arith.constant 0 : i32
    %scan3A_4 = arith.constant 0 : i32
    %scan3A_5 = arith.constant 32 : i32
    %scan3A_6 = arith.addi %scan3A_4, %scan3A_5 : i32
    %scan3A_7 = arith.constant 1 : i32
    %scan3A_8 = scf.for %scan3A_219 = %scan3A_4 to %scan3A_6 step %scan3A_7 iter_args(%scan3A_220 = %scan3A) -> (i32)  : i32 {
      %mul3A_221 = arith.constant 16 : i32
      %mul3A_222 = arith.muli %scan3A_219, %mul3A_221 : i32
      %swap3A = arith.constant 0 : i32
      %swap3A_223 = arith.index_cast %swap3A : i32 to index
      %swap3A_224 = arith.index_cast %mul3A_222 : i32 to index
      %swap3A_225 = tpu.vector_load %arg7[%swap3A_223, %swap3A_224] {strides = array<i32>} : memref<16x513xf32, #tpu.memory_space<vmem>>, vector<16xf32>,
      tpu.vector_store %arg7[%swap3A_223, %swap3A_224], %broadcast_in_dim3A_3 {strides = array<i32>} : memref<16x513xf32, #tpu.memory_space<vmem>>, vector<16xf32>,
      %swap3A_226 = arith.constant 1 : i32
      %swap3A_227 = arith.index_cast %swap3A_226 : i32 to index
      %swap3A_228 = arith.index_cast %mul3A_222 : i32 to index
      %swap3A_229 = tpu.vector_load %arg7[%swap3A_227, %swap3A_228] {strides = array<i32>} : memref<16x513xf32, #tpu.memory_space<vmem>>, vector<16xf32>,
      tpu.vector_store %arg7[%swap3A_227, %swap3A_228], %broadcast_in_dim3A_3 {strides = array<i32>} : memref<16x513xf32, #tpu.memory_space<vmem>>, vector<16xf32>,
      %swap3A_230 = arith.constant 2 : i32
      %swap3A_231 = arith.index_cast %swap3A_230 : i32 to index
      %swap3A_232 = arith.index_cast %mul3A_222 : i32 to index
      %swap3A_233 = tpu.vector_load %arg7[%swap3A_231, %swap3A_232] {strides = array<i32>} : memref<16x513xf32, #tpu.memory_space<vmem>>, vector<16xf32>,
      tpu.vector_store %arg7[%swap3A_231, %swap3A_232], %broadcast_in_dim3A_3 {strides = array<i32>} : memref<16x513xf32, #tpu.memory_space<vmem>>, vector<16xf32>,
      %swap3A_234 = arith.constant 3 : i32
      %swap3A_235 = arith.index_cast %swap3A_234 : i32 to index
      %swap3A_236 = arith.index_cast %mul3A_222 : i32 to index
      %swap3A_237 = tpu.vector_load %arg7[%swap3A_235, %swap3A_236] {strides = array<i32>} : memref<16x513xf32, #tpu.memory_space<vmem>>, vector<16xf32>,
      tpu.vector_store %arg7[%swap3A_235, %swap3A_236], %broadcast_in_dim3A_3 {strides = array<i32>} : memref<16x513xf32, #tpu.memory_space<vmem>>, vector<16xf32>,
      %swap3A_238 = arith.constant 4 : i32
      %swap3A_239 = arith.index_cast %swap3A_238 : i32 to index
      %swap3A_240 = arith.index_cast %mul3A_222 : i32 to index
      %swap3A_241 = tpu.vector_load %arg7[%swap3A_239, %swap3A_240] {strides = array<i32>} : memref<16x513xf32, #tpu.memory_space<vmem>>, vector<16xf32>,
      tpu.vector_store %arg7[%swap3A_239, %swap3A_240], %broadcast_in_dim3A_3 {strides = array<i32>} : memref<16x513xf32, #tpu.memory_space<vmem>>, vector<16xf32>,
      %swap3A_242 = arith.constant 5 : i32
      %swap3A_243 = arith.index_cast %swap3A_242 : i32 to index
      %swap3A_244 = arith.index_cast %mul3A_222 : i32 to index
      %swap3A_245 = tpu.vector_load %arg7[%swap3A_243, %swap3A_244] {strides = array<i32>} : memref<16x513xf32, #tpu.memory_space<vmem>>, vector<16xf32>,
      tpu.vector_store %arg7[%swap3A_243, %swap3A_244], %broadcast_in_dim3A_3 {strides = array<i32>} : memref<16x513xf32, #tpu.memory_space<vmem>>, vector<16xf32>,
      %swap3A_246 = arith.constant 6 : i32
      %swap3A_247 = arith.index_cast %swap3A_246 : i32 to index
      %swap3A_248 = arith.index_cast %mul3A_222 : i32 to index
      %swap3A_249 = tpu.vector_load %arg7[%swap3A_247, %swap3A_248] {strides = array<i32>} : memref<16x513xf32, #tpu.memory_space<vmem>>, vector<16xf32>,
      tpu.vector_store %arg7[%swap3A_247, %swap3A_248], %broadcast_in_dim3A_3 {strides = array<i32>} : memref<16x513xf32, #tpu.memory_space<vmem>>, vector<16xf32>,
      %swap3A_250 = arith.constant 7 : i32
      %swap3A_251 = arith.index_cast %swap3A_250 : i32 to index
      %swap3A_252 = arith.index_cast %mul3A_222 : i32 to index
      %swap3A_253 = tpu.vector_load %arg7[%swap3A_251, %swap3A_252] {strides = array<i32>} : memref<16x513xf32, #tpu.memory_space<vmem>>, vector<16xf32>,
      tpu.vector_store %arg7[%swap3A_251, %swap3A_252], %broadcast_in_dim3A_3 {strides = array<i32>} : memref<16x513xf32, #tpu.memory_space<vmem>>, vector<16xf32>,
      %swap3A_254 = arith.constant 8 : i32
      %swap3A_255 = arith.index_cast %swap3A_254 : i32 to index
      %swap3A_256 = arith.index_cast %mul3A_222 : i32 to index
      %swap3A_257 = tpu.vector_load %arg7[%swap3A_255, %swap3A_256] {strides = array<i32>} : memref<16x513xf32, #tpu.memory_space<vmem>>, vector<16xf32>,
      tpu.vector_store %arg7[%swap3A_255, %swap3A_256], %broadcast_in_dim3A_3 {strides = array<i32>} : memref<16x513xf32, #tpu.memory_space<vmem>>, vector<16xf32>,
      %swap3A_258 = arith.constant 9 : i32
      %swap3A_259 = arith.index_cast %swap3A_258 : i32 to index
      %swap3A_260 = arith.index_cast %mul3A_222 : i32 to index
      %swap3A_261 = tpu.vector_load %arg7[%swap3A_259, %swap3A_260] {strides = array<i32>} : memref<16x513xf32, #tpu.memory_space<vmem>>, vector<16xf32>,
      tpu.vector_store %arg7[%swap3A_259, %swap3A_260], %broadcast_in_dim3A_3 {strides = array<i32>} : memref<16x513xf32, #tpu.memory_space<vmem>>, vector<16xf32>,
      %swap3A_262 = arith.constant 10 : i32
      %swap3A_263 = arith.index_cast %swap3A_262 : i32 to index
      %swap3A_264 = arith.index_cast %mul3A_222 : i32 to index
      %swap3A_265 = tpu.vector_load %arg7[%swap3A_263, %swap3A_264] {strides = array<i32>} : memref<16x513xf32, #tpu.memory_space<vmem>>, vector<16xf32>,
      tpu.vector_store %arg7[%swap3A_263, %swap3A_264], %broadcast_in_dim3A_3 {strides = array<i32>} : memref<16x513xf32, #tpu.memory_space<vmem>>, vector<16xf32>,
      %swap3A_266 = arith.constant 11 : i32
      %swap3A_267 = arith.index_cast %swap3A_266 : i32 to index
      %swap3A_268 = arith.index_cast %mul3A_222 : i32 to index
      %swap3A_269 = tpu.vector_load %arg7[%swap3A_267, %swap3A_268] {strides = array<i32>} : memref<16x513xf32, #tpu.memory_space<vmem>>, vector<16xf32>,
      tpu.vector_store %arg7[%swap3A_267, %swap3A_268], %broadcast_in_dim3A_3 {strides = array<i32>} : memref<16x513xf32, #tpu.memory_space<vmem>>, vector<16xf32>,
      %swap3A_270 = arith.constant 12 : i32
      %swap3A_271 = arith.index_cast %swap3A_270 : i32 to index
      %swap3A_272 = arith.index_cast %mul3A_222 : i32 to index
      %swap3A_273 = tpu.vector_load %arg7[%swap3A_271, %swap3A_272] {strides = array<i32>} : memref<16x513xf32, #tpu.memory_space<vmem>>, vector<16xf32>,
      tpu.vector_store %arg7[%swap3A_271, %swap3A_272], %broadcast_in_dim3A_3 {strides = array<i32>} : memref<16x513xf32, #tpu.memory_space<vmem>>, vector<16xf32>,
      %swap3A_274 = arith.constant 13 : i32
      %swap3A_275 = arith.index_cast %swap3A_274 : i32 to index
      %swap3A_276 = arith.index_cast %mul3A_222 : i32 to index
      %swap3A_277 = tpu.vector_load %arg7[%swap3A_275, %swap3A_276] {strides = array<i32>} : memref<16x513xf32, #tpu.memory_space<vmem>>, vector<16xf32>,
      tpu.vector_store %arg7[%swap3A_275, %swap3A_276], %broadcast_in_dim3A_3 {strides = array<i32>} : memref<16x513xf32, #tpu.memory_space<vmem>>, vector<16xf32>,
      %swap3A_278 = arith.constant 14 : i32
      %swap3A_279 = arith.index_cast %swap3A_278 : i32 to index
      %swap3A_280 = arith.index_cast %mul3A_222 : i32 to index
      %swap3A_281 = tpu.vector_load %arg7[%swap3A_279, %swap3A_280] {strides = array<i32>} : memref<16x513xf32, #tpu.memory_space<vmem>>, vector<16xf32>,
      tpu.vector_store %arg7[%swap3A_279, %swap3A_280], %broadcast_in_dim3A_3 {strides = array<i32>} : memref<16x513xf32, #tpu.memory_space<vmem>>, vector<16xf32>,
      %swap3A_282 = arith.constant 15 : i32
      %swap3A_283 = arith.index_cast %swap3A_282 : i32 to index
      %swap3A_284 = arith.index_cast %mul3A_222 : i32 to index
      %swap3A_285 = tpu.vector_load %arg7[%swap3A_283, %swap3A_284] {strides = array<i32>} : memref<16x513xf32, #tpu.memory_space<vmem>>, vector<16xf32>,
      tpu.vector_store %arg7[%swap3A_283, %swap3A_284], %broadcast_in_dim3A_3 {strides = array<i32>} : memref<16x513xf32, #tpu.memory_space<vmem>>, vector<16xf32>,
      %scan3A_286 = arith.constant 0 : i32
      scf.yield %scan3A_286 : i32
    }
    %scan3A_9 = arith.constant 32 : i32
    %iota3A = tpu.iota {dimensions = array<i32: 0>} : vector<16xi32>
    %add3A_10 = arith.constant 0 : i32
    %add3A_11 = arith.addi %mul3A_2, %add3A_10 : i32
    %add3A_12 = arith.constant 2097152 : i32
    %add3A_13 = arith.addi %add3A_12, %add3A_11 : i32
    %dma_start3A = arith.constant 0 : i32
    %dma_start3A_14 = arith.constant 0 : i32
    %dma_start3A_15 = tpu.memref_slice %arg5[%dma_start3A, %dma_start3A_14] : memref<2x16384xf32, #tpu.memory_space<vmem>> -> memref<1x16384xf32, #tpu.memory_space<vmem>>
    %dma_start3A_16 = tpu.memref_squeeze %dma_start3A_15 : memref<1x16384xf32, #tpu.memory_space<vmem>> -> memref<16384xf32, #tpu.memory_space<vmem>>
    %dma_start3A_17 = tpu.memref_slice %arg2[%add3A_11] : memref<2097152xf32, #tpu.memory_space<hbm>> -> memref<16384xf32, #tpu.memory_space<hbm>>
    %dma_start3A_18 = arith.constant 0 : i32
    %dma_start3A_19 = tpu.memref_slice %arg5[%dma_start3A, %dma_start3A_18] : memref<2x16384xf32, #tpu.memory_space<vmem>> -> memref<1x16384xf32, #tpu.memory_space<vmem>>
    %dma_start3A_20 = tpu.memref_squeeze %dma_start3A_19 : memref<1x16384xf32, #tpu.memory_space<vmem>> -> memref<16384xf32, #tpu.memory_space<vmem>>
    %dma_start3A_21 = tpu.memref_slice %arg2[%add3A_11] : memref<2097152xf32, #tpu.memory_space<hbm>> -> memref<16384xf32, #tpu.memory_space<hbm>>
    tpu.enqueue_dma source(%dma_start3A_21 : memref<16384xf32, #tpu.memory_space<hbm>>) target(%dma_start3A_20 : memref<16384xf32, #tpu.memory_space<vmem>>) target_semaphore(%arg8 : memref<!tpu.dma_semaphore, #tpu.memory_space<semaphore_mem>>)
    %dma_start3A_22 = arith.constant 0 : i32
    %dma_start3A_23 = arith.constant 0 : i32
    %dma_start3A_24 = tpu.memref_slice %arg6[%dma_start3A_22, %dma_start3A_23] : memref<2x16384xi32, #tpu.memory_space<vmem>> -> memref<1x16384xi32, #tpu.memory_space<vmem>>
    %dma_start3A_25 = tpu.memref_squeeze %dma_start3A_24 : memref<1x16384xi32, #tpu.memory_space<vmem>> -> memref<16384xi32, #tpu.memory_space<vmem>>
    %dma_start3A_26 = tpu.memref_slice %arg3[%add3A_13] : memref<4194304xi32, #tpu.memory_space<hbm>> -> memref<16384xi32, #tpu.memory_space<hbm>>
    %dma_start3A_27 = arith.constant 0 : i32
    %dma_start3A_28 = tpu.memref_slice %arg6[%dma_start3A_22, %dma_start3A_27] : memref<2x16384xi32, #tpu.memory_space<vmem>> -> memref<1x16384xi32, #tpu.memory_space<vmem>>
    %dma_start3A_29 = tpu.memref_squeeze %dma_start3A_28 : memref<1x16384xi32, #tpu.memory_space<vmem>> -> memref<16384xi32, #tpu.memory_space<vmem>>
    %dma_start3A_30 = tpu.memref_slice %arg3[%add3A_13] : memref<4194304xi32, #tpu.memory_space<hbm>> -> memref<16384xi32, #tpu.memory_space<hbm>>
    tpu.enqueue_dma source(%dma_start3A_30 : memref<16384xi32, #tpu.memory_space<hbm>>) target(%dma_start3A_29 : memref<16384xi32, #tpu.memory_space<vmem>>) target_semaphore(%arg8 : memref<!tpu.dma_semaphore, #tpu.memory_space<semaphore_mem>>)
    %add3A_31 = arith.constant 16384 : i32
    %add3A_32 = arith.addi %mul3A_2, %add3A_31 : i32
    %add3A_33 = arith.constant 2097152 : i32
    %add3A_34 = arith.addi %add3A_33, %add3A_32 : i32
    %dma_start3A_35 = arith.constant 1 : i32
    %dma_start3A_36 = arith.constant 0 : i32
    %dma_start3A_37 = tpu.memref_slice %arg5[%dma_start3A_35, %dma_start3A_36] : memref<2x16384xf32, #tpu.memory_space<vmem>> -> memref<1x16384xf32, #tpu.memory_space<vmem>>
    %dma_start3A_38 = tpu.memref_squeeze %dma_start3A_37 : memref<1x16384xf32, #tpu.memory_space<vmem>> -> memref<16384xf32, #tpu.memory_space<vmem>>
    %dma_start3A_39 = tpu.memref_slice %arg2[%add3A_32] : memref<2097152xf32, #tpu.memory_space<hbm>> -> memref<16384xf32, #tpu.memory_space<hbm>>
    %dma_start3A_40 = arith.constant 0 : i32
    %dma_start3A_41 = tpu.memref_slice %arg5[%dma_start3A_35, %dma_start3A_40] : memref<2x16384xf32, #tpu.memory_space<vmem>> -> memref<1x16384xf32, #tpu.memory_space<vmem>>
    %dma_start3A_42 = tpu.memref_squeeze %dma_start3A_41 : memref<1x16384xf32, #tpu.memory_space<vmem>> -> memref<16384xf32, #tpu.memory_space<vmem>>
    %dma_start3A_43 = tpu.memref_slice %arg2[%add3A_32] : memref<2097152xf32, #tpu.memory_space<hbm>> -> memref<16384xf32, #tpu.memory_space<hbm>>
    tpu.enqueue_dma source(%dma_start3A_43 : memref<16384xf32, #tpu.memory_space<hbm>>) target(%dma_start3A_42 : memref<16384xf32, #tpu.memory_space<vmem>>) target_semaphore(%arg9 : memref<!tpu.dma_semaphore, #tpu.memory_space<semaphore_mem>>)
    %dma_start3A_44 = arith.constant 1 : i32
    %dma_start3A_45 = arith.constant 0 : i32
    %dma_start3A_46 = tpu.memref_slice %arg6[%dma_start3A_44, %dma_start3A_45] : memref<2x16384xi32, #tpu.memory_space<vmem>> -> memref<1x16384xi32, #tpu.memory_space<vmem>>
    %dma_start3A_47 = tpu.memref_squeeze %dma_start3A_46 : memref<1x16384xi32, #tpu.memory_space<vmem>> -> memref<16384xi32, #tpu.memory_space<vmem>>
    %dma_start3A_48 = tpu.memref_slice %arg3[%add3A_34] : memref<4194304xi32, #tpu.memory_space<hbm>> -> memref<16384xi32, #tpu.memory_space<hbm>>
    %dma_start3A_49 = arith.constant 0 : i32
    %dma_start3A_50 = tpu.memref_slice %arg6[%dma_start3A_44, %dma_start3A_49] : memref<2x16384xi32, #tpu.memory_space<vmem>> -> memref<1x16384xi32, #tpu.memory_space<vmem>>
    %dma_start3A_51 = tpu.memref_squeeze %dma_start3A_50 : memref<1x16384xi32, #tpu.memory_space<vmem>> -> memref<16384xi32, #tpu.memory_space<vmem>>
    %dma_start3A_52 = tpu.memref_slice %arg3[%add3A_34] : memref<4194304xi32, #tpu.memory_space<hbm>> -> memref<16384xi32, #tpu.memory_space<hbm>>
    tpu.enqueue_dma source(%dma_start3A_52 : memref<16384xi32, #tpu.memory_space<hbm>>) target(%dma_start3A_51 : memref<16384xi32, #tpu.memory_space<vmem>>) target_semaphore(%arg9 : memref<!tpu.dma_semaphore, #tpu.memory_space<semaphore_mem>>)
    %add3A_53 = arith.constant 0 : i32
    %add3A_54 = arith.addi %mul3A_2, %add3A_53 : i32
    %add3A_55 = arith.constant 2097152 : i32
    %add3A_56 = arith.addi %add3A_55, %add3A_54 : i32
    %dma_wait3A = arith.constant 0 : i32
    %dma_wait3A_57 = arith.constant 0 : i32
    %dma_wait3A_58 = tpu.memref_slice %arg5[%dma_wait3A, %dma_wait3A_57] : memref<2x16384xf32, #tpu.memory_space<vmem>> -> memref<1x16384xf32, #tpu.memory_space<vmem>>
    %dma_wait3A_59 = tpu.memref_squeeze %dma_wait3A_58 : memref<1x16384xf32, #tpu.memory_space<vmem>> -> memref<16384xf32, #tpu.memory_space<vmem>>
    %dma_wait3A_60 = tpu.memref_slice %arg2[%add3A_54] : memref<2097152xf32, #tpu.memory_space<hbm>> -> memref<16384xf32, #tpu.memory_space<hbm>>
    %dma_wait3A_61 = arith.constant 0 : i32
    %dma_wait3A_62 = tpu.memref_slice %arg5[%dma_wait3A, %dma_wait3A_61] : memref<2x16384xf32, #tpu.memory_space<vmem>> -> memref<1x16384xf32, #tpu.memory_space<vmem>>
    %dma_wait3A_63 = tpu.memref_squeeze %dma_wait3A_62 : memref<1x16384xf32, #tpu.memory_space<vmem>> -> memref<16384xf32, #tpu.memory_space<vmem>>
    %dma_wait3A_64 = tpu.memref_slice %arg2[%add3A_54] : memref<2097152xf32, #tpu.memory_space<hbm>> -> memref<16384xf32, #tpu.memory_space<hbm>>
    tpu.wait_dma2 semaphore(%arg8 : memref<!tpu.dma_semaphore, #tpu.memory_space<semaphore_mem>>) src(%dma_wait3A_64 : memref<16384xf32, #tpu.memory_space<hbm>>) dst(%dma_wait3A_63 : memref<16384xf32, #tpu.memory_space<vmem>>)
    %dma_wait3A_65 = arith.constant 0 : i32
    %dma_wait3A_66 = arith.constant 0 : i32
    %dma_wait3A_67 = tpu.memref_slice %arg6[%dma_wait3A_65, %dma_wait3A_66] : memref<2x16384xi32, #tpu.memory_space<vmem>> -> memref<1x16384xi32, #tpu.memory_space<vmem>>
    %dma_wait3A_68 = tpu.memref_squeeze %dma_wait3A_67 : memref<1x16384xi32, #tpu.memory_space<vmem>> -> memref<16384xi32, #tpu.memory_space<vmem>>
    %dma_wait3A_69 = tpu.memref_slice %arg3[%add3A_56] : memref<4194304xi32, #tpu.memory_space<hbm>> -> memref<16384xi32, #tpu.memory_space<hbm>>
    %dma_wait3A_70 = arith.constant 0 : i32
    %dma_wait3A_71 = tpu.memref_slice %arg6[%dma_wait3A_65, %dma_wait3A_70] : memref<2x16384xi32, #tpu.memory_space<vmem>> -> memref<1x16384xi32, #tpu.memory_space<vmem>>
    %dma_wait3A_72 = tpu.memref_squeeze %dma_wait3A_71 : memref<1x16384xi32, #tpu.memory_space<vmem>> -> memref<16384xi32, #tpu.memory_space<vmem>>
    %dma_wait3A_73 = tpu.memref_slice %arg3[%add3A_56] : memref<4194304xi32, #tpu.memory_space<hbm>> -> memref<16384xi32, #tpu.memory_space<hbm>>
    tpu.wait_dma2 semaphore(%arg8 : memref<!tpu.dma_semaphore, #tpu.memory_space<semaphore_mem>>) src(%dma_wait3A_73 : memref<16384xi32, #tpu.memory_space<hbm>>) dst(%dma_wait3A_72 : memref<16384xi32, #tpu.memory_space<vmem>>)
    %scan3A_74 = arith.constant 0 : i32
    %scan3A_75 = arith.constant 0 : i32
    %scan3A_76 = arith.constant 32 : i32
    %scan3A_77 = arith.addi %scan3A_75, %scan3A_76 : i32
    %scan3A_78 = arith.constant 1 : i32
    %scan3A_79 = scf.for %scan3A_219 = %scan3A_75 to %scan3A_77 step %scan3A_78 iter_args(%scan3A_220 = %scan3A_74) -> (i32)  : i32 {
      %mul3A_221 = arith.constant 512 : i32
      %mul3A_222 = arith.muli %scan3A_219, %mul3A_221 : i32
      %get3A = arith.constant 0 : i32
      %get3A_223 = arith.index_cast %get3A : i32 to index
      %get3A_224 = arith.index_cast %mul3A_222 : i32 to index
      %get3A_225 = tpu.vector_load %arg6[%get3A_223, %get3A_224] {strides = array<i32>} : memref<2x16384xi32, #tpu.memory_space<vmem>>, vector<16xi32>,
      %add3A_226 = arith.constant 512 : i32
      %add3A_227 = arith.addi %mul3A_222, %add3A_226 : i32
      %sub3A = arith.constant 16 : i32
      %sub3A_228 = arith.subi %add3A_227, %sub3A : i32
      %get3A_229 = arith.constant 0 : i32
      %get3A_230 = arith.index_cast %get3A_229 : i32 to index
      %get3A_231 = arith.index_cast %sub3A_228 : i32 to index
      %get3A_232 = tpu.vector_load %arg6[%get3A_230, %get3A_231] {strides = array<i32>} : memref<2x16384xi32, #tpu.memory_space<vmem>>, vector<16xi32>,
      %slice3A = vector.extract_strided_slice %get3A_225 {offsets = [0], sizes = [1], strides = [1]} : vector<16xi32> to vector<1xi32>
      %squeeze3A = vector.extract %slice3A[0] : i32 from vector<1xi32>
      %slice3A_233 = vector.extract_strided_slice %get3A_232 {offsets = [15], sizes = [1], strides = [1]} : vector<16xi32> to vector<1xi32>
      %squeeze3A_234 = vector.extract %slice3A_233[0] : i32 from vector<1xi32>
      %eq3A = arith.cmpi eq, %squeeze3A, %squeeze3A_234 : i32
      %convert_element_type3A = arith.extui %eq3A : i1 to i32
      %cond3A = arith.constant 0 : i32
      %cond3A_235 = arith.cmpi ne, %convert_element_type3A, %cond3A : i32
      scf.if %cond3A_235 {
        %broadcast_in_dim3A_240 = arith.constant 0.000000e+00 : f32
        %broadcast_in_dim3A_241 = vector.broadcast %broadcast_in_dim3A_240 : f32 to vector<16xf32>
        %broadcast_in_dim3A_242 = arith.constant 0.000000e+00 : f32
        %broadcast_in_dim3A_243 = vector.broadcast %broadcast_in_dim3A_242 : f32 to vector<16xf32>
        %broadcast_in_dim3A_244 = arith.constant 0.000000e+00 : f32
        %broadcast_in_dim3A_245 = vector.broadcast %broadcast_in_dim3A_244 : f32 to vector<16xf32>
        %broadcast_in_dim3A_246 = arith.constant 0.000000e+00 : f32
        %broadcast_in_dim3A_247 = vector.broadcast %broadcast_in_dim3A_246 : f32 to vector<16xf32>
        %add3A_248 = arith.constant 0 : i32
        %add3A_249 = arith.addi %mul3A_222, %add3A_248 : i32
        %get3A_250 = arith.constant 0 : i32
        %get3A_251 = arith.index_cast %get3A_250 : i32 to index
        %get3A_252 = arith.index_cast %add3A_249 : i32 to index
        %get3A_253 = tpu.vector_load %arg5[%get3A_251, %get3A_252] {strides = array<i32>} : memref<2x16384xf32, #tpu.memory_space<vmem>>, vector<16xf32>,
        %add3A_254 = arith.addf %broadcast_in_dim3A_241, %get3A_253 : vector<16xf32>
        %add3A_255 = arith.constant 16 : i32
        %add3A_256 = arith.addi %mul3A_222, %add3A_255 : i32
        %get3A_257 = arith.constant 0 : i32
        %get3A_258 = arith.index_cast %get3A_257 : i32 to index
        %get3A_259 = arith.index_cast %add3A_256 : i32 to index
        %get3A_260 = tpu.vector_load %arg5[%get3A_258, %get3A_259] {strides = array<i32>} : memref<2x16384xf32, #tpu.memory_space<vmem>>, vector<16xf32>,
        %add3A_261 = arith.addf %broadcast_in_dim3A_243, %get3A_260 : vector<16xf32>
        %add3A_262 = arith.constant 32 : i32
        %add3A_263 = arith.addi %mul3A_222, %add3A_262 : i32
        %get3A_264 = arith.constant 0 : i32
        %get3A_265 = arith.index_cast %get3A_264 : i32 to index
        %get3A_266 = arith.index_cast %add3A_263 : i32 to index
        %get3A_267 = tpu.vector_load %arg5[%get3A_265, %get3A_266] {strides = array<i32>} : memref<2x16384xf32, #tpu.memory_space<vmem>>, vector<16xf32>,
        %add3A_268 = arith.addf %broadcast_in_dim3A_245, %get3A_267 : vector<16xf32>
        %add3A_269 = arith.constant 48 : i32
        %add3A_270 = arith.addi %mul3A_222, %add3A_269 : i32
        %get3A_271 = arith.constant 0 : i32
        %get3A_272 = arith.index_cast %get3A_271 : i32 to index
        %get3A_273 = arith.index_cast %add3A_270 : i32 to index
        %get3A_274 = tpu.vector_load %arg5[%get3A_272, %get3A_273] {strides = array<i32>} : memref<2x16384xf32, #tpu.memory_space<vmem>>, vector<16xf32>,
        %add3A_275 = arith.addf %broadcast_in_dim3A_247, %get3A_274 : vector<16xf32>
        %add3A_276 = arith.constant 64 : i32
        %add3A_277 = arith.addi %mul3A_222, %add3A_276 : i32
        %get3A_278 = arith.constant 0 : i32
        %get3A_279 = arith.index_cast %get3A_278 : i32 to index
        %get3A_280 = arith.index_cast %add3A_277 : i32 to index
        %get3A_281 = tpu.vector_load %arg5[%get3A_279, %get3A_280] {strides = array<i32>} : memref<2x16384xf32, #tpu.memory_space<vmem>>, vector<16xf32>,
        %add3A_282 = arith.addf %add3A_254, %get3A_281 : vector<16xf32>
        %add3A_283 = arith.constant 80 : i32
        %add3A_284 = arith.addi %mul3A_222, %add3A_283 : i32
        %get3A_285 = arith.constant 0 : i32
        %get3A_286 = arith.index_cast %get3A_285 : i32 to index
        %get3A_287 = arith.index_cast %add3A_284 : i32 to index
        %get3A_288 = tpu.vector_load %arg5[%get3A_286, %get3A_287] {strides = array<i32>} : memref<2x16384xf32, #tpu.memory_space<vmem>>, vector<16xf32>,
        %add3A_289 = arith.addf %add3A_261, %get3A_288 : vector<16xf32>
        %add3A_290 = arith.constant 96 : i32
        %add3A_291 = arith.addi %mul3A_222, %add3A_290 : i32
        %get3A_292 = arith.constant 0 : i32
        %get3A_293 = arith.index_cast %get3A_292 : i32 to index
        %get3A_294 = arith.index_cast %add3A_291 : i32 to index
        %get3A_295 = tpu.vector_load %arg5[%get3A_293, %get3A_294] {strides = array<i32>} : memref<2x16384xf32, #tpu.memory_space<vmem>>, vector<16xf32>,
        %add3A_296 = arith.addf %add3A_268, %get3A_295 : vector<16xf32>
        %add3A_297 = arith.constant 112 : i32
        %add3A_298 = arith.addi %mul3A_222, %add3A_297 : i32
        %get3A_299 = arith.constant 0 : i32
        %get3A_300 = arith.index_cast %get3A_299 : i32 to index
        %get3A_301 = arith.index_cast %add3A_298 : i32 to index
        %get3A_302 = tpu.vector_load %arg5[%get3A_300, %get3A_301] {strides = array<i32>} : memref<2x16384xf32, #tpu.memory_space<vmem>>, vector<16xf32>,
        %add3A_303 = arith.addf %add3A_275, %get3A_302 : vector<16xf32>
        %add3A_304 = arith.constant 128 : i32
        %add3A_305 = arith.addi %mul3A_222, %add3A_304 : i32
        %get3A_306 = arith.constant 0 : i32
        %get3A_307 = arith.index_cast %get3A_306 : i32 to index
        %get3A_308 = arith.index_cast %add3A_305 : i32 to index
        %get3A_309 = tpu.vector_load %arg5[%get3A_307, %get3A_308] {strides = array<i32>} : memref<2x16384xf32, #tpu.memory_space<vmem>>, vector<16xf32>,
        %add3A_310 = arith.addf %add3A_282, %get3A_309 : vector<16xf32>
        %add3A_311 = arith.constant 144 : i32
        %add3A_312 = arith.addi %mul3A_222, %add3A_311 : i32
        %get3A_313 = arith.constant 0 : i32
        %get3A_314 = arith.index_cast %get3A_313 : i32 to index
        %get3A_315 = arith.index_cast %add3A_312 : i32 to index
        %get3A_316 = tpu.vector_load %arg5[%get3A_314, %get3A_315] {strides = array<i32>} : memref<2x16384xf32, #tpu.memory_space<vmem>>, vector<16xf32>,
        %add3A_317 = arith.addf %add3A_289, %get3A_316 : vector<16xf32>
        %add3A_318 = arith.constant 160 : i32
        %add3A_319 = arith.addi %mul3A_222, %add3A_318 : i32
        %get3A_320 = arith.constant 0 : i32
        %get3A_321 = arith.index_cast %get3A_320 : i32 to index
        %get3A_322 = arith.index_cast %add3A_319 : i32 to index
        %get3A_323 = tpu.vector_load %arg5[%get3A_321, %get3A_322] {strides = array<i32>} : memref<2x16384xf32, #tpu.memory_space<vmem>>, vector<16xf32>,
        %add3A_324 = arith.addf %add3A_296, %get3A_323 : vector<16xf32>
        %add3A_325 = arith.constant 176 : i32
        %add3A_326 = arith.addi %mul3A_222, %add3A_325 : i32
        %get3A_327 = arith.constant 0 : i32
        %get3A_328 = arith.index_cast %get3A_327 : i32 to index
        %get3A_329 = arith.index_cast %add3A_326 : i32 to index
        %get3A_330 = tpu.vector_load %arg5[%get3A_328, %get3A_329] {strides = array<i32>} : memref<2x16384xf32, #tpu.memory_space<vmem>>, vector<16xf32>,
        %add3A_331 = arith.addf %add3A_303, %get3A_330 : vector<16xf32>
        %add3A_332 = arith.constant 192 : i32
        %add3A_333 = arith.addi %mul3A_222, %add3A_332 : i32
        %get3A_334 = arith.constant 0 : i32
        %get3A_335 = arith.index_cast %get3A_334 : i32 to index
        %get3A_336 = arith.index_cast %add3A_333 : i32 to index
        %get3A_337 = tpu.vector_load %arg5[%get3A_335, %get3A_336] {strides = array<i32>} : memref<2x16384xf32, #tpu.memory_space<vmem>>, vector<16xf32>,
        %add3A_338 = arith.addf %add3A_310, %get3A_337 : vector<16xf32>
        %add3A_339 = arith.constant 208 : i32
        %add3A_340 = arith.addi %mul3A_222, %add3A_339 : i32
        %get3A_341 = arith.constant 0 : i32
        %get3A_342 = arith.index_cast %get3A_341 : i32 to index
        %get3A_343 = arith.index_cast %add3A_340 : i32 to index
        %get3A_344 = tpu.vector_load %arg5[%get3A_342, %get3A_343] {strides = array<i32>} : memref<2x16384xf32, #tpu.memory_space<vmem>>, vector<16xf32>,
        %add3A_345 = arith.addf %add3A_317, %get3A_344 : vector<16xf32>
        %add3A_346 = arith.constant 224 : i32
        %add3A_347 = arith.addi %mul3A_222, %add3A_346 : i32
        %get3A_348 = arith.constant 0 : i32
        %get3A_349 = arith.index_cast %get3A_348 : i32 to index
        %get3A_350 = arith.index_cast %add3A_347 : i32 to index
        %get3A_351 = tpu.vector_load %arg5[%get3A_349, %get3A_350] {strides = array<i32>} : memref<2x16384xf32, #tpu.memory_space<vmem>>, vector<16xf32>,
        %add3A_352 = arith.addf %add3A_324, %get3A_351 : vector<16xf32>
        %add3A_353 = arith.constant 240 : i32
        %add3A_354 = arith.addi %mul3A_222, %add3A_353 : i32
        %get3A_355 = arith.constant 0 : i32
        %get3A_356 = arith.index_cast %get3A_355 : i32 to index
        %get3A_357 = arith.index_cast %add3A_354 : i32 to index
        %get3A_358 = tpu.vector_load %arg5[%get3A_356, %get3A_357] {strides = array<i32>} : memref<2x16384xf32, #tpu.memory_space<vmem>>, vector<16xf32>,
        %add3A_359 = arith.addf %add3A_331, %get3A_358 : vector<16xf32>
        %add3A_360 = arith.constant 256 : i32
        %add3A_361 = arith.addi %mul3A_222, %add3A_360 : i32
        %get3A_362 = arith.constant 0 : i32
        %get3A_363 = arith.index_cast %get3A_362 : i32 to index
        %get3A_364 = arith.index_cast %add3A_361 : i32 to index
        %get3A_365 = tpu.vector_load %arg5[%get3A_363, %get3A_364] {strides = array<i32>} : memref<2x16384xf32, #tpu.memory_space<vmem>>, vector<16xf32>,
        %add3A_366 = arith.addf %add3A_338, %get3A_365 : vector<16xf32>
        %add3A_367 = arith.constant 272 : i32
        %add3A_368 = arith.addi %mul3A_222, %add3A_367 : i32
        %get3A_369 = arith.constant 0 : i32
        %get3A_370 = arith.index_cast %get3A_369 : i32 to index
        %get3A_371 = arith.index_cast %add3A_368 : i32 to index
        %get3A_372 = tpu.vector_load %arg5[%get3A_370, %get3A_371] {strides = array<i32>} : memref<2x16384xf32, #tpu.memory_space<vmem>>, vector<16xf32>,
        %add3A_373 = arith.addf %add3A_345, %get3A_372 : vector<16xf32>
        %add3A_374 = arith.constant 288 : i32
        %add3A_375 = arith.addi %mul3A_222, %add3A_374 : i32
        %get3A_376 = arith.constant 0 : i32
        %get3A_377 = arith.index_cast %get3A_376 : i32 to index
        %get3A_378 = arith.index_cast %add3A_375 : i32 to index
        %get3A_379 = tpu.vector_load %arg5[%get3A_377, %get3A_378] {strides = array<i32>} : memref<2x16384xf32, #tpu.memory_space<vmem>>, vector<16xf32>,
        %add3A_380 = arith.addf %add3A_352, %get3A_379 : vector<16xf32>
        %add3A_381 = arith.constant 304 : i32
        %add3A_382 = arith.addi %mul3A_222, %add3A_381 : i32
        %get3A_383 = arith.constant 0 : i32
        %get3A_384 = arith.index_cast %get3A_383 : i32 to index
        %get3A_385 = arith.index_cast %add3A_382 : i32 to index
        %get3A_386 = tpu.vector_load %arg5[%get3A_384, %get3A_385] {strides = array<i32>} : memref<2x16384xf32, #tpu.memory_space<vmem>>, vector<16xf32>,
        %add3A_387 = arith.addf %add3A_359, %get3A_386 : vector<16xf32>
        %add3A_388 = arith.constant 320 : i32
        %add3A_389 = arith.addi %mul3A_222, %add3A_388 : i32
        %get3A_390 = arith.constant 0 : i32
        %get3A_391 = arith.index_cast %get3A_390 : i32 to index
        %get3A_392 = arith.index_cast %add3A_389 : i32 to index
        %get3A_393 = tpu.vector_load %arg5[%get3A_391, %get3A_392] {strides = array<i32>} : memref<2x16384xf32, #tpu.memory_space<vmem>>, vector<16xf32>,
        %add3A_394 = arith.addf %add3A_366, %get3A_393 : vector<16xf32>
        %add3A_395 = arith.constant 336 : i32
        %add3A_396 = arith.addi %mul3A_222, %add3A_395 : i32
        %get3A_397 = arith.constant 0 : i32
        %get3A_398 = arith.index_cast %get3A_397 : i32 to index
        %get3A_399 = arith.index_cast %add3A_396 : i32 to index
        %get3A_400 = tpu.vector_load %arg5[%get3A_398, %get3A_399] {strides = array<i32>} : memref<2x16384xf32, #tpu.memory_space<vmem>>, vector<16xf32>,
        %add3A_401 = arith.addf %add3A_373, %get3A_400 : vector<16xf32>
        %add3A_402 = arith.constant 352 : i32
        %add3A_403 = arith.addi %mul3A_222, %add3A_402 : i32
        %get3A_404 = arith.constant 0 : i32
        %get3A_405 = arith.index_cast %get3A_404 : i32 to index
        %get3A_406 = arith.index_cast %add3A_403 : i32 to index
        %get3A_407 = tpu.vector_load %arg5[%get3A_405, %get3A_406] {strides = array<i32>} : memref<2x16384xf32, #tpu.memory_space<vmem>>, vector<16xf32>,
        %add3A_408 = arith.addf %add3A_380, %get3A_407 : vector<16xf32>
        %add3A_409 = arith.constant 368 : i32
        %add3A_410 = arith.addi %mul3A_222, %add3A_409 : i32
        %get3A_411 = arith.constant 0 : i32
        %get3A_412 = arith.index_cast %get3A_411 : i32 to index
        %get3A_413 = arith.index_cast %add3A_410 : i32 to index
        %get3A_414 = tpu.vector_load %arg5[%get3A_412, %get3A_413] {strides = array<i32>} : memref<2x16384xf32, #tpu.memory_space<vmem>>, vector<16xf32>,
        %add3A_415 = arith.addf %add3A_387, %get3A_414 : vector<16xf32>
        %add3A_416 = arith.constant 384 : i32
        %add3A_417 = arith.addi %mul3A_222, %add3A_416 : i32
        %get3A_418 = arith.constant 0 : i32
        %get3A_419 = arith.index_cast %get3A_418 : i32 to index
        %get3A_420 = arith.index_cast %add3A_417 : i32 to index
        %get3A_421 = tpu.vector_load %arg5[%get3A_419, %get3A_420] {strides = array<i32>} : memref<2x16384xf32, #tpu.memory_space<vmem>>, vector<16xf32>,
        %add3A_422 = arith.addf %add3A_394, %get3A_421 : vector<16xf32>
        %add3A_423 = arith.constant 400 : i32
        %add3A_424 = arith.addi %mul3A_222, %add3A_423 : i32
        %get3A_425 = arith.constant 0 : i32
        %get3A_426 = arith.index_cast %get3A_425 : i32 to index
        %get3A_427 = arith.index_cast %add3A_424 : i32 to index
        %get3A_428 = tpu.vector_load %arg5[%get3A_426, %get3A_427] {strides = array<i32>} : memref<2x16384xf32, #tpu.memory_space<vmem>>, vector<16xf32>,
        %add3A_429 = arith.addf %add3A_401, %get3A_428 : vector<16xf32>
        %add3A_430 = arith.constant 416 : i32
        %add3A_431 = arith.addi %mul3A_222, %add3A_430 : i32
        %get3A_432 = arith.constant 0 : i32
        %get3A_433 = arith.index_cast %get3A_432 : i32 to index
        %get3A_434 = arith.index_cast %add3A_431 : i32 to index
        %get3A_435 = tpu.vector_load %arg5[%get3A_433, %get3A_434] {strides = array<i32>} : memref<2x16384xf32, #tpu.memory_space<vmem>>, vector<16xf32>,
        %add3A_436 = arith.addf %add3A_408, %get3A_435 : vector<16xf32>
        %add3A_437 = arith.constant 432 : i32
        %add3A_438 = arith.addi %mul3A_222, %add3A_437 : i32
        %get3A_439 = arith.constant 0 : i32
        %get3A_440 = arith.index_cast %get3A_439 : i32 to index
        %get3A_441 = arith.index_cast %add3A_438 : i32 to index
        %get3A_442 = tpu.vector_load %arg5[%get3A_440, %get3A_441] {strides = array<i32>} : memref<2x16384xf32, #tpu.memory_space<vmem>>, vector<16xf32>,
        %add3A_443 = arith.addf %add3A_415, %get3A_442 : vector<16xf32>
        %add3A_444 = arith.constant 448 : i32
        %add3A_445 = arith.addi %mul3A_222, %add3A_444 : i32
        %get3A_446 = arith.constant 0 : i32
        %get3A_447 = arith.index_cast %get3A_446 : i32 to index
        %get3A_448 = arith.index_cast %add3A_445 : i32 to index
        %get3A_449 = tpu.vector_load %arg5[%get3A_447, %get3A_448] {strides = array<i32>} : memref<2x16384xf32, #tpu.memory_space<vmem>>, vector<16xf32>,
        %add3A_450 = arith.addf %add3A_422, %get3A_449 : vector<16xf32>
        %add3A_451 = arith.constant 464 : i32
        %add3A_452 = arith.addi %mul3A_222, %add3A_451 : i32
        %get3A_453 = arith.constant 0 : i32
        %get3A_454 = arith.index_cast %get3A_453 : i32 to index
        %get3A_455 = arith.index_cast %add3A_452 : i32 to index
        %get3A_456 = tpu.vector_load %arg5[%get3A_454, %get3A_455] {strides = array<i32>} : memref<2x16384xf32, #tpu.memory_space<vmem>>, vector<16xf32>,
        %add3A_457 = arith.addf %add3A_429, %get3A_456 : vector<16xf32>
        %add3A_458 = arith.constant 480 : i32
        %add3A_459 = arith.addi %mul3A_222, %add3A_458 : i32
        %get3A_460 = arith.constant 0 : i32
        %get3A_461 = arith.index_cast %get3A_460 : i32 to index
        %get3A_462 = arith.index_cast %add3A_459 : i32 to index
        %get3A_463 = tpu.vector_load %arg5[%get3A_461, %get3A_462] {strides = array<i32>} : memref<2x16384xf32, #tpu.memory_space<vmem>>, vector<16xf32>,
        %add3A_464 = arith.addf %add3A_436, %get3A_463 : vector<16xf32>
        %add3A_465 = arith.constant 496 : i32
        %add3A_466 = arith.addi %mul3A_222, %add3A_465 : i32
        %get3A_467 = arith.constant 0 : i32
        %get3A_468 = arith.index_cast %get3A_467 : i32 to index
        %get3A_469 = arith.index_cast %add3A_466 : i32 to index
        %get3A_470 = tpu.vector_load %arg5[%get3A_468, %get3A_469] {strides = array<i32>} : memref<2x16384xf32, #tpu.memory_space<vmem>>, vector<16xf32>,
        %add3A_471 = arith.addf %add3A_443, %get3A_470 : vector<16xf32>
        %add3A_472 = arith.addf %add3A_450, %add3A_457 : vector<16xf32>
        %add3A_473 = arith.addf %add3A_464, %add3A_471 : vector<16xf32>
        %add3A_474 = arith.addf %add3A_472, %add3A_473 : vector<16xf32>
        %broadcast_in_dim3A_475 = vector.broadcast %squeeze3A : i32 to vector<16xi32>
        tpu.vector_store_idx %arg7[%iota3A, %broadcast_in_dim3A_475], %add3A_474 {add = true} : memref<16x513xf32, #tpu.memory_space<vmem>>[vector<16xi32>, vector<16xi32>], vector<16xf32>,
      } else {
      }
      %ne3A = arith.cmpi ne, %squeeze3A, %squeeze3A_234 : i32
      %convert_element_type3A_236 = arith.extui %ne3A : i1 to i32
      %cond3A_237 = arith.constant 0 : i32
      %cond3A_238 = arith.cmpi ne, %convert_element_type3A_236, %cond3A_237 : i32
      scf.if %cond3A_238 {
        %parallel_loop3A = arith.constant 0 : i32
        %parallel_loop3A_240 = arith.constant 32 : i32
        %parallel_loop3A_241 = arith.constant 1 : i32
        scf.for %parallel_loop3A_242 = %parallel_loop3A to %parallel_loop3A_240 step %parallel_loop3A_241  : i32 {
          %parallel_loop3A_243 = arith.constant 16 : i32
          %parallel_loop3A_244 = arith.muli %parallel_loop3A_242, %parallel_loop3A_243 : i32
          %parallel_loop3A_245 = arith.addi %mul3A_222, %parallel_loop3A_244 : i32
          %parallel_loop3A_246 = arith.constant 0 : i32
          %parallel_loop3A_247 = arith.index_cast %parallel_loop3A_246 : i32 to index
          %parallel_loop3A_248 = arith.index_cast %parallel_loop3A_245 : i32 to index
          %parallel_loop3A_249 = tpu.vector_load %arg5[%parallel_loop3A_247, %parallel_loop3A_248] {strides = array<i32>} : memref<2x16384xf32, #tpu.memory_space<vmem>>, vector<16xf32>,
          %parallel_loop3A_250 = arith.constant 0 : i32
          %parallel_loop3A_251 = arith.index_cast %parallel_loop3A_250 : i32 to index
          %parallel_loop3A_252 = arith.index_cast %parallel_loop3A_245 : i32 to index
          %parallel_loop3A_253 = tpu.vector_load %arg6[%parallel_loop3A_251, %parallel_loop3A_252] {strides = array<i32>} : memref<2x16384xi32, #tpu.memory_space<vmem>>, vector<16xi32>,
          tpu.vector_store_idx %arg7[%iota3A, %parallel_loop3A_253], %parallel_loop3A_249 {add = true} : memref<16x513xf32, #tpu.memory_space<vmem>>[vector<16xi32>, vector<16xi32>], vector<16xf32>,
        } {sc.loop_unroll_factor = 4 : i64, sc.parallel_access}
      } else {
      }
      %scan3A_239 = arith.constant 0 : i32
      scf.yield %scan3A_239 : i32
    }
    %scan3A_80 = arith.constant 32 : i32
    %add3A_81 = arith.constant 32768 : i32
    %add3A_82 = arith.addi %mul3A_2, %add3A_81 : i32
    %add3A_83 = arith.constant 2097152 : i32
    %add3A_84 = arith.addi %add3A_83, %add3A_82 : i32
    %dma_start3A_85 = arith.constant 0 : i32
    %dma_start3A_86 = arith.constant 0 : i32
    %dma_start3A_87 = tpu.memref_slice %arg5[%dma_start3A_85, %dma_start3A_86] : memref<2x16384xf32, #tpu.memory_space<vmem>> -> memref<1x16384xf32, #tpu.memory_space<vmem>>
    %dma_start3A_88 = tpu.memref_squeeze %dma_start3A_87 : memref<1x16384xf32, #tpu.memory_space<vmem>> -> memref<16384xf32, #tpu.memory_space<vmem>>
    %dma_start3A_89 = tpu.memref_slice %arg2[%add3A_82] : memref<2097152xf32, #tpu.memory_space<hbm>> -> memref<16384xf32, #tpu.memory_space<hbm>>
    %dma_start3A_90 = arith.constant 0 : i32
    %dma_start3A_91 = tpu.memref_slice %arg5[%dma_start3A_85, %dma_start3A_90] : memref<2x16384xf32, #tpu.memory_space<vmem>> -> memref<1x16384xf32, #tpu.memory_space<vmem>>
    %dma_start3A_92 = tpu.memref_squeeze %dma_start3A_91 : memref<1x16384xf32, #tpu.memory_space<vmem>> -> memref<16384xf32, #tpu.memory_space<vmem>>
    %dma_start3A_93 = tpu.memref_slice %arg2[%add3A_82] : memref<2097152xf32, #tpu.memory_space<hbm>> -> memref<16384xf32, #tpu.memory_space<hbm>>
    tpu.enqueue_dma source(%dma_start3A_93 : memref<16384xf32, #tpu.memory_space<hbm>>) target(%dma_start3A_92 : memref<16384xf32, #tpu.memory_space<vmem>>) target_semaphore(%arg8 : memref<!tpu.dma_semaphore, #tpu.memory_space<semaphore_mem>>)
    %dma_start3A_94 = arith.constant 0 : i32
    %dma_start3A_95 = arith.constant 0 : i32
    %dma_start3A_96 = tpu.memref_slice %arg6[%dma_start3A_94, %dma_start3A_95] : memref<2x16384xi32, #tpu.memory_space<vmem>> -> memref<1x16384xi32, #tpu.memory_space<vmem>>
    %dma_start3A_97 = tpu.memref_squeeze %dma_start3A_96 : memref<1x16384xi32, #tpu.memory_space<vmem>> -> memref<16384xi32, #tpu.memory_space<vmem>>
    %dma_start3A_98 = tpu.memref_slice %arg3[%add3A_84] : memref<4194304xi32, #tpu.memory_space<hbm>> -> memref<16384xi32, #tpu.memory_space<hbm>>
    %dma_start3A_99 = arith.constant 0 : i32
    %dma_start3A_100 = tpu.memref_slice %arg6[%dma_start3A_94, %dma_start3A_99] : memref<2x16384xi32, #tpu.memory_space<vmem>> -> memref<1x16384xi32, #tpu.memory_space<vmem>>
    %dma_start3A_101 = tpu.memref_squeeze %dma_start3A_100 : memref<1x16384xi32, #tpu.memory_space<vmem>> -> memref<16384xi32, #tpu.memory_space<vmem>>
    %dma_start3A_102 = tpu.memref_slice %arg3[%add3A_84] : memref<4194304xi32, #tpu.memory_space<hbm>> -> memref<16384xi32, #tpu.memory_space<hbm>>
    tpu.enqueue_dma source(%dma_start3A_102 : memref<16384xi32, #tpu.memory_space<hbm>>) target(%dma_start3A_101 : memref<16384xi32, #tpu.memory_space<vmem>>) target_semaphore(%arg8 : memref<!tpu.dma_semaphore, #tpu.memory_space<semaphore_mem>>)
    %add3A_103 = arith.constant 16384 : i32
    %add3A_104 = arith.addi %mul3A_2, %add3A_103 : i32
    %add3A_105 = arith.constant 2097152 : i32
    %add3A_106 = arith.addi %add3A_105, %add3A_104 : i32
    %dma_wait3A_107 = arith.constant 1 : i32
    %dma_wait3A_108 = arith.constant 0 : i32
    %dma_wait3A_109 = tpu.memref_slice %arg5[%dma_wait3A_107, %dma_wait3A_108] : memref<2x16384xf32, #tpu.memory_space<vmem>> -> memref<1x16384xf32, #tpu.memory_space<vmem>>
    %dma_wait3A_110 = tpu.memref_squeeze %dma_wait3A_109 : memref<1x16384xf32, #tpu.memory_space<vmem>> -> memref<16384xf32, #tpu.memory_space<vmem>>
    %dma_wait3A_111 = tpu.memref_slice %arg2[%add3A_104] : memref<2097152xf32, #tpu.memory_space<hbm>> -> memref<16384xf32, #tpu.memory_space<hbm>>
    %dma_wait3A_112 = arith.constant 0 : i32
    %dma_wait3A_113 = tpu.memref_slice %arg5[%dma_wait3A_107, %dma_wait3A_112] : memref<2x16384xf32, #tpu.memory_space<vmem>> -> memref<1x16384xf32, #tpu.memory_space<vmem>>
    %dma_wait3A_114 = tpu.memref_squeeze %dma_wait3A_113 : memref<1x16384xf32, #tpu.memory_space<vmem>> -> memref<16384xf32, #tpu.memory_space<vmem>>
    %dma_wait3A_115 = tpu.memref_slice %arg2[%add3A_104] : memref<2097152xf32, #tpu.memory_space<hbm>> -> memref<16384xf32, #tpu.memory_space<hbm>>
    tpu.wait_dma2 semaphore(%arg9 : memref<!tpu.dma_semaphore, #tpu.memory_space<semaphore_mem>>) src(%dma_wait3A_115 : memref<16384xf32, #tpu.memory_space<hbm>>) dst(%dma_wait3A_114 : memref<16384xf32, #tpu.memory_space<vmem>>)
    %dma_wait3A_116 = arith.constant 1 : i32
    %dma_wait3A_117 = arith.constant 0 : i32
    %dma_wait3A_118 = tpu.memref_slice %arg6[%dma_wait3A_116, %dma_wait3A_117] : memref<2x16384xi32, #tpu.memory_space<vmem>> -> memref<1x16384xi32, #tpu.memory_space<vmem>>
    %dma_wait3A_119 = tpu.memref_squeeze %dma_wait3A_118 : memref<1x16384xi32, #tpu.memory_space<vmem>> -> memref<16384xi32, #tpu.memory_space<vmem>>
    %dma_wait3A_120 = tpu.memref_slice %arg3[%add3A_106] : memref<4194304xi32, #tpu.memory_space<hbm>> -> memref<16384xi32, #tpu.memory_space<hbm>>
    %dma_wait3A_121 = arith.constant 0 : i32
    %dma_wait3A_122 = tpu.memref_slice %arg6[%dma_wait3A_116, %dma_wait3A_121] : memref<2x16384xi32, #tpu.memory_space<vmem>> -> memref<1x16384xi32, #tpu.memory_space<vmem>>
    %dma_wait3A_123 = tpu.memref_squeeze %dma_wait3A_122 : memref<1x16384xi32, #tpu.memory_space<vmem>> -> memref<16384xi32, #tpu.memory_space<vmem>>
    %dma_wait3A_124 = tpu.memref_slice %arg3[%add3A_106] : memref<4194304xi32, #tpu.memory_space<hbm>> -> memref<16384xi32, #tpu.memory_space<hbm>>
    tpu.wait_dma2 semaphore(%arg9 : memref<!tpu.dma_semaphore, #tpu.memory_space<semaphore_mem>>) src(%dma_wait3A_124 : memref<16384xi32, #tpu.memory_space<hbm>>) dst(%dma_wait3A_123 : memref<16384xi32, #tpu.memory_space<vmem>>)
    %scan3A_125 = arith.constant 0 : i32
    %scan3A_126 = arith.constant 0 : i32
    %scan3A_127 = arith.constant 32 : i32
    %scan3A_128 = arith.addi %scan3A_126, %scan3A_127 : i32
    %scan3A_129 = arith.constant 1 : i32
    %scan3A_130 = scf.for %scan3A_219 = %scan3A_126 to %scan3A_128 step %scan3A_129 iter_args(%scan3A_220 = %scan3A_125) -> (i32)  : i32 {
      %mul3A_221 = arith.constant 512 : i32
      %mul3A_222 = arith.muli %scan3A_219, %mul3A_221 : i32
      %get3A = arith.constant 1 : i32
      %get3A_223 = arith.index_cast %get3A : i32 to index
      %get3A_224 = arith.index_cast %mul3A_222 : i32 to index
      %get3A_225 = tpu.vector_load %arg6[%get3A_223, %get3A_224] {strides = array<i32>} : memref<2x16384xi32, #tpu.memory_space<vmem>>, vector<16xi32>,
      %add3A_226 = arith.constant 512 : i32
      %add3A_227 = arith.addi %mul3A_222, %add3A_226 : i32
      %sub3A = arith.constant 16 : i32
      %sub3A_228 = arith.subi %add3A_227, %sub3A : i32
      %get3A_229 = arith.constant 1 : i32
      %get3A_230 = arith.index_cast %get3A_229 : i32 to index
      %get3A_231 = arith.index_cast %sub3A_228 : i32 to index
      %get3A_232 = tpu.vector_load %arg6[%get3A_230, %get3A_231] {strides = array<i32>} : memref<2x16384xi32, #tpu.memory_space<vmem>>, vector<16xi32>,
      %slice3A = vector.extract_strided_slice %get3A_225 {offsets = [0], sizes = [1], strides = [1]} : vector<16xi32> to vector<1xi32>
      %squeeze3A = vector.extract %slice3A[0] : i32 from vector<1xi32>
      %slice3A_233 = vector.extract_strided_slice %get3A_232 {offsets = [15], sizes = [1], strides = [1]} : vector<16xi32> to vector<1xi32>
      %squeeze3A_234 = vector.extract %slice3A_233[0] : i32 from vector<1xi32>
      %eq3A = arith.cmpi eq, %squeeze3A, %squeeze3A_234 : i32
      %convert_element_type3A = arith.extui %eq3A : i1 to i32
      %cond3A = arith.constant 0 : i32
      %cond3A_235 = arith.cmpi ne, %convert_element_type3A, %cond3A : i32
      scf.if %cond3A_235 {
        %broadcast_in_dim3A_240 = arith.constant 0.000000e+00 : f32
        %broadcast_in_dim3A_241 = vector.broadcast %broadcast_in_dim3A_240 : f32 to vector<16xf32>
        %broadcast_in_dim3A_242 = arith.constant 0.000000e+00 : f32
        %broadcast_in_dim3A_243 = vector.broadcast %broadcast_in_dim3A_242 : f32 to vector<16xf32>
        %broadcast_in_dim3A_244 = arith.constant 0.000000e+00 : f32
        %broadcast_in_dim3A_245 = vector.broadcast %broadcast_in_dim3A_244 : f32 to vector<16xf32>
        %broadcast_in_dim3A_246 = arith.constant 0.000000e+00 : f32
        %broadcast_in_dim3A_247 = vector.broadcast %broadcast_in_dim3A_246 : f32 to vector<16xf32>
        %add3A_248 = arith.constant 0 : i32
        %add3A_249 = arith.addi %mul3A_222, %add3A_248 : i32
        %get3A_250 = arith.constant 1 : i32
        %get3A_251 = arith.index_cast %get3A_250 : i32 to index
        %get3A_252 = arith.index_cast %add3A_249 : i32 to index
        %get3A_253 = tpu.vector_load %arg5[%get3A_251, %get3A_252] {strides = array<i32>} : memref<2x16384xf32, #tpu.memory_space<vmem>>, vector<16xf32>,
        %add3A_254 = arith.addf %broadcast_in_dim3A_241, %get3A_253 : vector<16xf32>
        %add3A_255 = arith.constant 16 : i32
        %add3A_256 = arith.addi %mul3A_222, %add3A_255 : i32
        %get3A_257 = arith.constant 1 : i32
        %get3A_258 = arith.index_cast %get3A_257 : i32 to index
        %get3A_259 = arith.index_cast %add3A_256 : i32 to index
        %get3A_260 = tpu.vector_load %arg5[%get3A_258, %get3A_259] {strides = array<i32>} : memref<2x16384xf32, #tpu.memory_space<vmem>>, vector<16xf32>,
        %add3A_261 = arith.addf %broadcast_in_dim3A_243, %get3A_260 : vector<16xf32>
        %add3A_262 = arith.constant 32 : i32
        %add3A_263 = arith.addi %mul3A_222, %add3A_262 : i32
        %get3A_264 = arith.constant 1 : i32
        %get3A_265 = arith.index_cast %get3A_264 : i32 to index
        %get3A_266 = arith.index_cast %add3A_263 : i32 to index
        %get3A_267 = tpu.vector_load %arg5[%get3A_265, %get3A_266] {strides = array<i32>} : memref<2x16384xf32, #tpu.memory_space<vmem>>, vector<16xf32>,
        %add3A_268 = arith.addf %broadcast_in_dim3A_245, %get3A_267 : vector<16xf32>
        %add3A_269 = arith.constant 48 : i32
        %add3A_270 = arith.addi %mul3A_222, %add3A_269 : i32
        %get3A_271 = arith.constant 1 : i32
        %get3A_272 = arith.index_cast %get3A_271 : i32 to index
        %get3A_273 = arith.index_cast %add3A_270 : i32 to index
        %get3A_274 = tpu.vector_load %arg5[%get3A_272, %get3A_273] {strides = array<i32>} : memref<2x16384xf32, #tpu.memory_space<vmem>>, vector<16xf32>,
        %add3A_275 = arith.addf %broadcast_in_dim3A_247, %get3A_274 : vector<16xf32>
        %add3A_276 = arith.constant 64 : i32
        %add3A_277 = arith.addi %mul3A_222, %add3A_276 : i32
        %get3A_278 = arith.constant 1 : i32
        %get3A_279 = arith.index_cast %get3A_278 : i32 to index
        %get3A_280 = arith.index_cast %add3A_277 : i32 to index
        %get3A_281 = tpu.vector_load %arg5[%get3A_279, %get3A_280] {strides = array<i32>} : memref<2x16384xf32, #tpu.memory_space<vmem>>, vector<16xf32>,
        %add3A_282 = arith.addf %add3A_254, %get3A_281 : vector<16xf32>
        %add3A_283 = arith.constant 80 : i32
        %add3A_284 = arith.addi %mul3A_222, %add3A_283 : i32
        %get3A_285 = arith.constant 1 : i32
        %get3A_286 = arith.index_cast %get3A_285 : i32 to index
        %get3A_287 = arith.index_cast %add3A_284 : i32 to index
        %get3A_288 = tpu.vector_load %arg5[%get3A_286, %get3A_287] {strides = array<i32>} : memref<2x16384xf32, #tpu.memory_space<vmem>>, vector<16xf32>,
        %add3A_289 = arith.addf %add3A_261, %get3A_288 : vector<16xf32>
        %add3A_290 = arith.constant 96 : i32
        %add3A_291 = arith.addi %mul3A_222, %add3A_290 : i32
        %get3A_292 = arith.constant 1 : i32
        %get3A_293 = arith.index_cast %get3A_292 : i32 to index
        %get3A_294 = arith.index_cast %add3A_291 : i32 to index
        %get3A_295 = tpu.vector_load %arg5[%get3A_293, %get3A_294] {strides = array<i32>} : memref<2x16384xf32, #tpu.memory_space<vmem>>, vector<16xf32>,
        %add3A_296 = arith.addf %add3A_268, %get3A_295 : vector<16xf32>
        %add3A_297 = arith.constant 112 : i32
        %add3A_298 = arith.addi %mul3A_222, %add3A_297 : i32
        %get3A_299 = arith.constant 1 : i32
        %get3A_300 = arith.index_cast %get3A_299 : i32 to index
        %get3A_301 = arith.index_cast %add3A_298 : i32 to index
        %get3A_302 = tpu.vector_load %arg5[%get3A_300, %get3A_301] {strides = array<i32>} : memref<2x16384xf32, #tpu.memory_space<vmem>>, vector<16xf32>,
        %add3A_303 = arith.addf %add3A_275, %get3A_302 : vector<16xf32>
        %add3A_304 = arith.constant 128 : i32
        %add3A_305 = arith.addi %mul3A_222, %add3A_304 : i32
        %get3A_306 = arith.constant 1 : i32
        %get3A_307 = arith.index_cast %get3A_306 : i32 to index
        %get3A_308 = arith.index_cast %add3A_305 : i32 to index
        %get3A_309 = tpu.vector_load %arg5[%get3A_307, %get3A_308] {strides = array<i32>} : memref<2x16384xf32, #tpu.memory_space<vmem>>, vector<16xf32>,
        %add3A_310 = arith.addf %add3A_282, %get3A_309 : vector<16xf32>
        %add3A_311 = arith.constant 144 : i32
        %add3A_312 = arith.addi %mul3A_222, %add3A_311 : i32
        %get3A_313 = arith.constant 1 : i32
        %get3A_314 = arith.index_cast %get3A_313 : i32 to index
        %get3A_315 = arith.index_cast %add3A_312 : i32 to index
        %get3A_316 = tpu.vector_load %arg5[%get3A_314, %get3A_315] {strides = array<i32>} : memref<2x16384xf32, #tpu.memory_space<vmem>>, vector<16xf32>,
        %add3A_317 = arith.addf %add3A_289, %get3A_316 : vector<16xf32>
        %add3A_318 = arith.constant 160 : i32
        %add3A_319 = arith.addi %mul3A_222, %add3A_318 : i32
        %get3A_320 = arith.constant 1 : i32
        %get3A_321 = arith.index_cast %get3A_320 : i32 to index
        %get3A_322 = arith.index_cast %add3A_319 : i32 to index
        %get3A_323 = tpu.vector_load %arg5[%get3A_321, %get3A_322] {strides = array<i32>} : memref<2x16384xf32, #tpu.memory_space<vmem>>, vector<16xf32>,
        %add3A_324 = arith.addf %add3A_296, %get3A_323 : vector<16xf32>
        %add3A_325 = arith.constant 176 : i32
        %add3A_326 = arith.addi %mul3A_222, %add3A_325 : i32
        %get3A_327 = arith.constant 1 : i32
        %get3A_328 = arith.index_cast %get3A_327 : i32 to index
        %get3A_329 = arith.index_cast %add3A_326 : i32 to index
        %get3A_330 = tpu.vector_load %arg5[%get3A_328, %get3A_329] {strides = array<i32>} : memref<2x16384xf32, #tpu.memory_space<vmem>>, vector<16xf32>,
        %add3A_331 = arith.addf %add3A_303, %get3A_330 : vector<16xf32>
        %add3A_332 = arith.constant 192 : i32
        %add3A_333 = arith.addi %mul3A_222, %add3A_332 : i32
        %get3A_334 = arith.constant 1 : i32
        %get3A_335 = arith.index_cast %get3A_334 : i32 to index
        %get3A_336 = arith.index_cast %add3A_333 : i32 to index
        %get3A_337 = tpu.vector_load %arg5[%get3A_335, %get3A_336] {strides = array<i32>} : memref<2x16384xf32, #tpu.memory_space<vmem>>, vector<16xf32>,
        %add3A_338 = arith.addf %add3A_310, %get3A_337 : vector<16xf32>
        %add3A_339 = arith.constant 208 : i32
        %add3A_340 = arith.addi %mul3A_222, %add3A_339 : i32
        %get3A_341 = arith.constant 1 : i32
        %get3A_342 = arith.index_cast %get3A_341 : i32 to index
        %get3A_343 = arith.index_cast %add3A_340 : i32 to index
        %get3A_344 = tpu.vector_load %arg5[%get3A_342, %get3A_343] {strides = array<i32>} : memref<2x16384xf32, #tpu.memory_space<vmem>>, vector<16xf32>,
        %add3A_345 = arith.addf %add3A_317, %get3A_344 : vector<16xf32>
        %add3A_346 = arith.constant 224 : i32
        %add3A_347 = arith.addi %mul3A_222, %add3A_346 : i32
        %get3A_348 = arith.constant 1 : i32
        %get3A_349 = arith.index_cast %get3A_348 : i32 to index
        %get3A_350 = arith.index_cast %add3A_347 : i32 to index
        %get3A_351 = tpu.vector_load %arg5[%get3A_349, %get3A_350] {strides = array<i32>} : memref<2x16384xf32, #tpu.memory_space<vmem>>, vector<16xf32>,
        %add3A_352 = arith.addf %add3A_324, %get3A_351 : vector<16xf32>
        %add3A_353 = arith.constant 240 : i32
        %add3A_354 = arith.addi %mul3A_222, %add3A_353 : i32
        %get3A_355 = arith.constant 1 : i32
        %get3A_356 = arith.index_cast %get3A_355 : i32 to index
        %get3A_357 = arith.index_cast %add3A_354 : i32 to index
        %get3A_358 = tpu.vector_load %arg5[%get3A_356, %get3A_357] {strides = array<i32>} : memref<2x16384xf32, #tpu.memory_space<vmem>>, vector<16xf32>,
        %add3A_359 = arith.addf %add3A_331, %get3A_358 : vector<16xf32>
        %add3A_360 = arith.constant 256 : i32
        %add3A_361 = arith.addi %mul3A_222, %add3A_360 : i32
        %get3A_362 = arith.constant 1 : i32
        %get3A_363 = arith.index_cast %get3A_362 : i32 to index
        %get3A_364 = arith.index_cast %add3A_361 : i32 to index
        %get3A_365 = tpu.vector_load %arg5[%get3A_363, %get3A_364] {strides = array<i32>} : memref<2x16384xf32, #tpu.memory_space<vmem>>, vector<16xf32>,
        %add3A_366 = arith.addf %add3A_338, %get3A_365 : vector<16xf32>
        %add3A_367 = arith.constant 272 : i32
        %add3A_368 = arith.addi %mul3A_222, %add3A_367 : i32
        %get3A_369 = arith.constant 1 : i32
        %get3A_370 = arith.index_cast %get3A_369 : i32 to index
        %get3A_371 = arith.index_cast %add3A_368 : i32 to index
        %get3A_372 = tpu.vector_load %arg5[%get3A_370, %get3A_371] {strides = array<i32>} : memref<2x16384xf32, #tpu.memory_space<vmem>>, vector<16xf32>,
        %add3A_373 = arith.addf %add3A_345, %get3A_372 : vector<16xf32>
        %add3A_374 = arith.constant 288 : i32
        %add3A_375 = arith.addi %mul3A_222, %add3A_374 : i32
        %get3A_376 = arith.constant 1 : i32
        %get3A_377 = arith.index_cast %get3A_376 : i32 to index
        %get3A_378 = arith.index_cast %add3A_375 : i32 to index
        %get3A_379 = tpu.vector_load %arg5[%get3A_377, %get3A_378] {strides = array<i32>} : memref<2x16384xf32, #tpu.memory_space<vmem>>, vector<16xf32>,
        %add3A_380 = arith.addf %add3A_352, %get3A_379 : vector<16xf32>
        %add3A_381 = arith.constant 304 : i32
        %add3A_382 = arith.addi %mul3A_222, %add3A_381 : i32
        %get3A_383 = arith.constant 1 : i32
        %get3A_384 = arith.index_cast %get3A_383 : i32 to index
        %get3A_385 = arith.index_cast %add3A_382 : i32 to index
        %get3A_386 = tpu.vector_load %arg5[%get3A_384, %get3A_385] {strides = array<i32>} : memref<2x16384xf32, #tpu.memory_space<vmem>>, vector<16xf32>,
        %add3A_387 = arith.addf %add3A_359, %get3A_386 : vector<16xf32>
        %add3A_388 = arith.constant 320 : i32
        %add3A_389 = arith.addi %mul3A_222, %add3A_388 : i32
        %get3A_390 = arith.constant 1 : i32
        %get3A_391 = arith.index_cast %get3A_390 : i32 to index
        %get3A_392 = arith.index_cast %add3A_389 : i32 to index
        %get3A_393 = tpu.vector_load %arg5[%get3A_391, %get3A_392] {strides = array<i32>} : memref<2x16384xf32, #tpu.memory_space<vmem>>, vector<16xf32>,
        %add3A_394 = arith.addf %add3A_366, %get3A_393 : vector<16xf32>
        %add3A_395 = arith.constant 336 : i32
        %add3A_396 = arith.addi %mul3A_222, %add3A_395 : i32
        %get3A_397 = arith.constant 1 : i32
        %get3A_398 = arith.index_cast %get3A_397 : i32 to index
        %get3A_399 = arith.index_cast %add3A_396 : i32 to index
        %get3A_400 = tpu.vector_load %arg5[%get3A_398, %get3A_399] {strides = array<i32>} : memref<2x16384xf32, #tpu.memory_space<vmem>>, vector<16xf32>,
        %add3A_401 = arith.addf %add3A_373, %get3A_400 : vector<16xf32>
        %add3A_402 = arith.constant 352 : i32
        %add3A_403 = arith.addi %mul3A_222, %add3A_402 : i32
        %get3A_404 = arith.constant 1 : i32
        %get3A_405 = arith.index_cast %get3A_404 : i32 to index
        %get3A_406 = arith.index_cast %add3A_403 : i32 to index
        %get3A_407 = tpu.vector_load %arg5[%get3A_405, %get3A_406] {strides = array<i32>} : memref<2x16384xf32, #tpu.memory_space<vmem>>, vector<16xf32>,
        %add3A_408 = arith.addf %add3A_380, %get3A_407 : vector<16xf32>
        %add3A_409 = arith.constant 368 : i32
        %add3A_410 = arith.addi %mul3A_222, %add3A_409 : i32
        %get3A_411 = arith.constant 1 : i32
        %get3A_412 = arith.index_cast %get3A_411 : i32 to index
        %get3A_413 = arith.index_cast %add3A_410 : i32 to index
        %get3A_414 = tpu.vector_load %arg5[%get3A_412, %get3A_413] {strides = array<i32>} : memref<2x16384xf32, #tpu.memory_space<vmem>>, vector<16xf32>,
        %add3A_415 = arith.addf %add3A_387, %get3A_414 : vector<16xf32>
        %add3A_416 = arith.constant 384 : i32
        %add3A_417 = arith.addi %mul3A_222, %add3A_416 : i32
        %get3A_418 = arith.constant 1 : i32
        %get3A_419 = arith.index_cast %get3A_418 : i32 to index
        %get3A_420 = arith.index_cast %add3A_417 : i32 to index
        %get3A_421 = tpu.vector_load %arg5[%get3A_419, %get3A_420] {strides = array<i32>} : memref<2x16384xf32, #tpu.memory_space<vmem>>, vector<16xf32>,
        %add3A_422 = arith.addf %add3A_394, %get3A_421 : vector<16xf32>
        %add3A_423 = arith.constant 400 : i32
        %add3A_424 = arith.addi %mul3A_222, %add3A_423 : i32
        %get3A_425 = arith.constant 1 : i32
        %get3A_426 = arith.index_cast %get3A_425 : i32 to index
        %get3A_427 = arith.index_cast %add3A_424 : i32 to index
        %get3A_428 = tpu.vector_load %arg5[%get3A_426, %get3A_427] {strides = array<i32>} : memref<2x16384xf32, #tpu.memory_space<vmem>>, vector<16xf32>,
        %add3A_429 = arith.addf %add3A_401, %get3A_428 : vector<16xf32>
        %add3A_430 = arith.constant 416 : i32
        %add3A_431 = arith.addi %mul3A_222, %add3A_430 : i32
        %get3A_432 = arith.constant 1 : i32
        %get3A_433 = arith.index_cast %get3A_432 : i32 to index
        %get3A_434 = arith.index_cast %add3A_431 : i32 to index
        %get3A_435 = tpu.vector_load %arg5[%get3A_433, %get3A_434] {strides = array<i32>} : memref<2x16384xf32, #tpu.memory_space<vmem>>, vector<16xf32>,
        %add3A_436 = arith.addf %add3A_408, %get3A_435 : vector<16xf32>
        %add3A_437 = arith.constant 432 : i32
        %add3A_438 = arith.addi %mul3A_222, %add3A_437 : i32
        %get3A_439 = arith.constant 1 : i32
        %get3A_440 = arith.index_cast %get3A_439 : i32 to index
        %get3A_441 = arith.index_cast %add3A_438 : i32 to index
        %get3A_442 = tpu.vector_load %arg5[%get3A_440, %get3A_441] {strides = array<i32>} : memref<2x16384xf32, #tpu.memory_space<vmem>>, vector<16xf32>,
        %add3A_443 = arith.addf %add3A_415, %get3A_442 : vector<16xf32>
        %add3A_444 = arith.constant 448 : i32
        %add3A_445 = arith.addi %mul3A_222, %add3A_444 : i32
        %get3A_446 = arith.constant 1 : i32
        %get3A_447 = arith.index_cast %get3A_446 : i32 to index
        %get3A_448 = arith.index_cast %add3A_445 : i32 to index
        %get3A_449 = tpu.vector_load %arg5[%get3A_447, %get3A_448] {strides = array<i32>} : memref<2x16384xf32, #tpu.memory_space<vmem>>, vector<16xf32>,
        %add3A_450 = arith.addf %add3A_422, %get3A_449 : vector<16xf32>
        %add3A_451 = arith.constant 464 : i32
        %add3A_452 = arith.addi %mul3A_222, %add3A_451 : i32
        %get3A_453 = arith.constant 1 : i32
        %get3A_454 = arith.index_cast %get3A_453 : i32 to index
        %get3A_455 = arith.index_cast %add3A_452 : i32 to index
        %get3A_456 = tpu.vector_load %arg5[%get3A_454, %get3A_455] {strides = array<i32>} : memref<2x16384xf32, #tpu.memory_space<vmem>>, vector<16xf32>,
        %add3A_457 = arith.addf %add3A_429, %get3A_456 : vector<16xf32>
        %add3A_458 = arith.constant 480 : i32
        %add3A_459 = arith.addi %mul3A_222, %add3A_458 : i32
        %get3A_460 = arith.constant 1 : i32
        %get3A_461 = arith.index_cast %get3A_460 : i32 to index
        %get3A_462 = arith.index_cast %add3A_459 : i32 to index
        %get3A_463 = tpu.vector_load %arg5[%get3A_461, %get3A_462] {strides = array<i32>} : memref<2x16384xf32, #tpu.memory_space<vmem>>, vector<16xf32>,
        %add3A_464 = arith.addf %add3A_436, %get3A_463 : vector<16xf32>
        %add3A_465 = arith.constant 496 : i32
        %add3A_466 = arith.addi %mul3A_222, %add3A_465 : i32
        %get3A_467 = arith.constant 1 : i32
        %get3A_468 = arith.index_cast %get3A_467 : i32 to index
        %get3A_469 = arith.index_cast %add3A_466 : i32 to index
        %get3A_470 = tpu.vector_load %arg5[%get3A_468, %get3A_469] {strides = array<i32>} : memref<2x16384xf32, #tpu.memory_space<vmem>>, vector<16xf32>,
        %add3A_471 = arith.addf %add3A_443, %get3A_470 : vector<16xf32>
        %add3A_472 = arith.addf %add3A_450, %add3A_457 : vector<16xf32>
        %add3A_473 = arith.addf %add3A_464, %add3A_471 : vector<16xf32>
        %add3A_474 = arith.addf %add3A_472, %add3A_473 : vector<16xf32>
        %broadcast_in_dim3A_475 = vector.broadcast %squeeze3A : i32 to vector<16xi32>
        tpu.vector_store_idx %arg7[%iota3A, %broadcast_in_dim3A_475], %add3A_474 {add = true} : memref<16x513xf32, #tpu.memory_space<vmem>>[vector<16xi32>, vector<16xi32>], vector<16xf32>,
      } else {
      }
      %ne3A = arith.cmpi ne, %squeeze3A, %squeeze3A_234 : i32
      %convert_element_type3A_236 = arith.extui %ne3A : i1 to i32
      %cond3A_237 = arith.constant 0 : i32
      %cond3A_238 = arith.cmpi ne, %convert_element_type3A_236, %cond3A_237 : i32
      scf.if %cond3A_238 {
        %parallel_loop3A = arith.constant 0 : i32
        %parallel_loop3A_240 = arith.constant 32 : i32
        %parallel_loop3A_241 = arith.constant 1 : i32
        scf.for %parallel_loop3A_242 = %parallel_loop3A to %parallel_loop3A_240 step %parallel_loop3A_241  : i32 {
          %parallel_loop3A_243 = arith.constant 16 : i32
          %parallel_loop3A_244 = arith.muli %parallel_loop3A_242, %parallel_loop3A_243 : i32
          %parallel_loop3A_245 = arith.addi %mul3A_222, %parallel_loop3A_244 : i32
          %parallel_loop3A_246 = arith.constant 1 : i32
          %parallel_loop3A_247 = arith.index_cast %parallel_loop3A_246 : i32 to index
          %parallel_loop3A_248 = arith.index_cast %parallel_loop3A_245 : i32 to index
          %parallel_loop3A_249 = tpu.vector_load %arg5[%parallel_loop3A_247, %parallel_loop3A_248] {strides = array<i32>} : memref<2x16384xf32, #tpu.memory_space<vmem>>, vector<16xf32>,
          %parallel_loop3A_250 = arith.constant 1 : i32
          %parallel_loop3A_251 = arith.index_cast %parallel_loop3A_250 : i32 to index
          %parallel_loop3A_252 = arith.index_cast %parallel_loop3A_245 : i32 to index
          %parallel_loop3A_253 = tpu.vector_load %arg6[%parallel_loop3A_251, %parallel_loop3A_252] {strides = array<i32>} : memref<2x16384xi32, #tpu.memory_space<vmem>>, vector<16xi32>,
          tpu.vector_store_idx %arg7[%iota3A, %parallel_loop3A_253], %parallel_loop3A_249 {add = true} : memref<16x513xf32, #tpu.memory_space<vmem>>[vector<16xi32>, vector<16xi32>], vector<16xf32>,
        } {sc.loop_unroll_factor = 4 : i64, sc.parallel_access}
      } else {
      }
      %scan3A_239 = arith.constant 0 : i32
      scf.yield %scan3A_239 : i32
    }
    %scan3A_131 = arith.constant 32 : i32
    %add3A_132 = arith.constant 49152 : i32
    %add3A_133 = arith.addi %mul3A_2, %add3A_132 : i32
    %add3A_134 = arith.constant 2097152 : i32
    %add3A_135 = arith.addi %add3A_134, %add3A_133 : i32
    %dma_start3A_136 = arith.constant 1 : i32
    %dma_start3A_137 = arith.constant 0 : i32
    %dma_start3A_138 = tpu.memref_slice %arg5[%dma_start3A_136, %dma_start3A_137] : memref<2x16384xf32, #tpu.memory_space<vmem>> -> memref<1x16384xf32, #tpu.memory_space<vmem>>
    %dma_start3A_139 = tpu.memref_squeeze %dma_start3A_138 : memref<1x16384xf32, #tpu.memory_space<vmem>> -> memref<16384xf32, #tpu.memory_space<vmem>>
    %dma_start3A_140 = tpu.memref_slice %arg2[%add3A_133] : memref<2097152xf32, #tpu.memory_space<hbm>> -> memref<16384xf32, #tpu.memory_space<hbm>>
    %dma_start3A_141 = arith.constant 0 : i32
    %dma_start3A_142 = tpu.memref_slice %arg5[%dma_start3A_136, %dma_start3A_141] : memref<2x16384xf32, #tpu.memory_space<vmem>> -> memref<1x16384xf32, #tpu.memory_space<vmem>>
    %dma_start3A_143 = tpu.memref_squeeze %dma_start3A_142 : memref<1x16384xf32, #tpu.memory_space<vmem>> -> memref<16384xf32, #tpu.memory_space<vmem>>
    %dma_start3A_144 = tpu.memref_slice %arg2[%add3A_133] : memref<2097152xf32, #tpu.memory_space<hbm>> -> memref<16384xf32, #tpu.memory_space<hbm>>
    tpu.enqueue_dma source(%dma_start3A_144 : memref<16384xf32, #tpu.memory_space<hbm>>) target(%dma_start3A_143 : memref<16384xf32, #tpu.memory_space<vmem>>) target_semaphore(%arg9 : memref<!tpu.dma_semaphore, #tpu.memory_space<semaphore_mem>>)
    %dma_start3A_145 = arith.constant 1 : i32
    %dma_start3A_146 = arith.constant 0 : i32
    %dma_start3A_147 = tpu.memref_slice %arg6[%dma_start3A_145, %dma_start3A_146] : memref<2x16384xi32, #tpu.memory_space<vmem>> -> memref<1x16384xi32, #tpu.memory_space<vmem>>
    %dma_start3A_148 = tpu.memref_squeeze %dma_start3A_147 : memref<1x16384xi32, #tpu.memory_space<vmem>> -> memref<16384xi32, #tpu.memory_space<vmem>>
    %dma_start3A_149 = tpu.memref_slice %arg3[%add3A_135] : memref<4194304xi32, #tpu.memory_space<hbm>> -> memref<16384xi32, #tpu.memory_space<hbm>>
    %dma_start3A_150 = arith.constant 0 : i32
    %dma_start3A_151 = tpu.memref_slice %arg6[%dma_start3A_145, %dma_start3A_150] : memref<2x16384xi32, #tpu.memory_space<vmem>> -> memref<1x16384xi32, #tpu.memory_space<vmem>>
    %dma_start3A_152 = tpu.memref_squeeze %dma_start3A_151 : memref<1x16384xi32, #tpu.memory_space<vmem>> -> memref<16384xi32, #tpu.memory_space<vmem>>
    %dma_start3A_153 = tpu.memref_slice %arg3[%add3A_135] : memref<4194304xi32, #tpu.memory_space<hbm>> -> memref<16384xi32, #tpu.memory_space<hbm>>
    tpu.enqueue_dma source(%dma_start3A_153 : memref<16384xi32, #tpu.memory_space<hbm>>) target(%dma_start3A_152 : memref<16384xi32, #tpu.memory_space<vmem>>) target_semaphore(%arg9 : memref<!tpu.dma_semaphore, #tpu.memory_space<semaphore_mem>>)
    %add3A_154 = arith.constant 32768 : i32
    %add3A_155 = arith.addi %mul3A_2, %add3A_154 : i32
    %add3A_156 = arith.constant 2097152 : i32
    %add3A_157 = arith.addi %add3A_156, %add3A_155 : i32
    %dma_wait3A_158 = arith.constant 0 : i32
    %dma_wait3A_159 = arith.constant 0 : i32
    %dma_wait3A_160 = tpu.memref_slice %arg5[%dma_wait3A_158, %dma_wait3A_159] : memref<2x16384xf32, #tpu.memory_space<vmem>> -> memref<1x16384xf32, #tpu.memory_space<vmem>>
    %dma_wait3A_161 = tpu.memref_squeeze %dma_wait3A_160 : memref<1x16384xf32, #tpu.memory_space<vmem>> -> memref<16384xf32, #tpu.memory_space<vmem>>
    %dma_wait3A_162 = tpu.memref_slice %arg2[%add3A_155] : memref<2097152xf32, #tpu.memory_space<hbm>> -> memref<16384xf32, #tpu.memory_space<hbm>>
    %dma_wait3A_163 = arith.constant 0 : i32
    %dma_wait3A_164 = tpu.memref_slice %arg5[%dma_wait3A_158, %dma_wait3A_163] : memref<2x16384xf32, #tpu.memory_space<vmem>> -> memref<1x16384xf32, #tpu.memory_space<vmem>>
    %dma_wait3A_165 = tpu.memref_squeeze %dma_wait3A_164 : memref<1x16384xf32, #tpu.memory_space<vmem>> -> memref<16384xf32, #tpu.memory_space<vmem>>
    %dma_wait3A_166 = tpu.memref_slice %arg2[%add3A_155] : memref<2097152xf32, #tpu.memory_space<hbm>> -> memref<16384xf32, #tpu.memory_space<hbm>>
    tpu.wait_dma2 semaphore(%arg8 : memref<!tpu.dma_semaphore, #tpu.memory_space<semaphore_mem>>) src(%dma_wait3A_166 : memref<16384xf32, #tpu.memory_space<hbm>>) dst(%dma_wait3A_165 : memref<16384xf32, #tpu.memory_space<vmem>>)
    %dma_wait3A_167 = arith.constant 0 : i32
    %dma_wait3A_168 = arith.constant 0 : i32
    %dma_wait3A_169 = tpu.memref_slice %arg6[%dma_wait3A_167, %dma_wait3A_168] : memref<2x16384xi32, #tpu.memory_space<vmem>> -> memref<1x16384xi32, #tpu.memory_space<vmem>>
    %dma_wait3A_170 = tpu.memref_squeeze %dma_wait3A_169 : memref<1x16384xi32, #tpu.memory_space<vmem>> -> memref<16384xi32, #tpu.memory_space<vmem>>
    %dma_wait3A_171 = tpu.memref_slice %arg3[%add3A_157] : memref<4194304xi32, #tpu.memory_space<hbm>> -> memref<16384xi32, #tpu.memory_space<hbm>>
    %dma_wait3A_172 = arith.constant 0 : i32
    %dma_wait3A_173 = tpu.memref_slice %arg6[%dma_wait3A_167, %dma_wait3A_172] : memref<2x16384xi32, #tpu.memory_space<vmem>> -> memref<1x16384xi32, #tpu.memory_space<vmem>>
    %dma_wait3A_174 = tpu.memref_squeeze %dma_wait3A_173 : memref<1x16384xi32, #tpu.memory_space<vmem>> -> memref<16384xi32, #tpu.memory_space<vmem>>
    %dma_wait3A_175 = tpu.memref_slice %arg3[%add3A_157] : memref<4194304xi32, #tpu.memory_space<hbm>> -> memref<16384xi32, #tpu.memory_space<hbm>>
    tpu.wait_dma2 semaphore(%arg8 : memref<!tpu.dma_semaphore, #tpu.memory_space<semaphore_mem>>) src(%dma_wait3A_175 : memref<16384xi32, #tpu.memory_space<hbm>>) dst(%dma_wait3A_174 : memref<16384xi32, #tpu.memory_space<vmem>>)
    %scan3A_176 = arith.constant 0 : i32
    %scan3A_177 = arith.constant 0 : i32
    %scan3A_178 = arith.constant 32 : i32
    %scan3A_179 = arith.addi %scan3A_177, %scan3A_178 : i32
    %scan3A_180 = arith.constant 1 : i32
    %scan3A_181 = scf.for %scan3A_219 = %scan3A_177 to %scan3A_179 step %scan3A_180 iter_args(%scan3A_220 = %scan3A_176) -> (i32)  : i32 {
      %mul3A_221 = arith.constant 512 : i32
      %mul3A_222 = arith.muli %scan3A_219, %mul3A_221 : i32
      %get3A = arith.constant 0 : i32
      %get3A_223 = arith.index_cast %get3A : i32 to index
      %get3A_224 = arith.index_cast %mul3A_222 : i32 to index
      %get3A_225 = tpu.vector_load %arg6[%get3A_223, %get3A_224] {strides = array<i32>} : memref<2x16384xi32, #tpu.memory_space<vmem>>, vector<16xi32>,
      %add3A_226 = arith.constant 512 : i32
      %add3A_227 = arith.addi %mul3A_222, %add3A_226 : i32
      %sub3A = arith.constant 16 : i32
      %sub3A_228 = arith.subi %add3A_227, %sub3A : i32
      %get3A_229 = arith.constant 0 : i32
      %get3A_230 = arith.index_cast %get3A_229 : i32 to index
      %get3A_231 = arith.index_cast %sub3A_228 : i32 to index
      %get3A_232 = tpu.vector_load %arg6[%get3A_230, %get3A_231] {strides = array<i32>} : memref<2x16384xi32, #tpu.memory_space<vmem>>, vector<16xi32>,
      %slice3A = vector.extract_strided_slice %get3A_225 {offsets = [0], sizes = [1], strides = [1]} : vector<16xi32> to vector<1xi32>
      %squeeze3A = vector.extract %slice3A[0] : i32 from vector<1xi32>
      %slice3A_233 = vector.extract_strided_slice %get3A_232 {offsets = [15], sizes = [1], strides = [1]} : vector<16xi32> to vector<1xi32>
      %squeeze3A_234 = vector.extract %slice3A_233[0] : i32 from vector<1xi32>
      %eq3A = arith.cmpi eq, %squeeze3A, %squeeze3A_234 : i32
      %convert_element_type3A = arith.extui %eq3A : i1 to i32
      %cond3A = arith.constant 0 : i32
      %cond3A_235 = arith.cmpi ne, %convert_element_type3A, %cond3A : i32
      scf.if %cond3A_235 {
        %broadcast_in_dim3A_240 = arith.constant 0.000000e+00 : f32
        %broadcast_in_dim3A_241 = vector.broadcast %broadcast_in_dim3A_240 : f32 to vector<16xf32>
        %broadcast_in_dim3A_242 = arith.constant 0.000000e+00 : f32
        %broadcast_in_dim3A_243 = vector.broadcast %broadcast_in_dim3A_242 : f32 to vector<16xf32>
        %broadcast_in_dim3A_244 = arith.constant 0.000000e+00 : f32
        %broadcast_in_dim3A_245 = vector.broadcast %broadcast_in_dim3A_244 : f32 to vector<16xf32>
        %broadcast_in_dim3A_246 = arith.constant 0.000000e+00 : f32
        %broadcast_in_dim3A_247 = vector.broadcast %broadcast_in_dim3A_246 : f32 to vector<16xf32>
        %add3A_248 = arith.constant 0 : i32
        %add3A_249 = arith.addi %mul3A_222, %add3A_248 : i32
        %get3A_250 = arith.constant 0 : i32
        %get3A_251 = arith.index_cast %get3A_250 : i32 to index
        %get3A_252 = arith.index_cast %add3A_249 : i32 to index
        %get3A_253 = tpu.vector_load %arg5[%get3A_251, %get3A_252] {strides = array<i32>} : memref<2x16384xf32, #tpu.memory_space<vmem>>, vector<16xf32>,
        %add3A_254 = arith.addf %broadcast_in_dim3A_241, %get3A_253 : vector<16xf32>
        %add3A_255 = arith.constant 16 : i32
        %add3A_256 = arith.addi %mul3A_222, %add3A_255 : i32
        %get3A_257 = arith.constant 0 : i32
        %get3A_258 = arith.index_cast %get3A_257 : i32 to index
        %get3A_259 = arith.index_cast %add3A_256 : i32 to index
        %get3A_260 = tpu.vector_load %arg5[%get3A_258, %get3A_259] {strides = array<i32>} : memref<2x16384xf32, #tpu.memory_space<vmem>>, vector<16xf32>,
        %add3A_261 = arith.addf %broadcast_in_dim3A_243, %get3A_260 : vector<16xf32>
        %add3A_262 = arith.constant 32 : i32
        %add3A_263 = arith.addi %mul3A_222, %add3A_262 : i32
        %get3A_264 = arith.constant 0 : i32
        %get3A_265 = arith.index_cast %get3A_264 : i32 to index
        %get3A_266 = arith.index_cast %add3A_263 : i32 to index
        %get3A_267 = tpu.vector_load %arg5[%get3A_265, %get3A_266] {strides = array<i32>} : memref<2x16384xf32, #tpu.memory_space<vmem>>, vector<16xf32>,
        %add3A_268 = arith.addf %broadcast_in_dim3A_245, %get3A_267 : vector<16xf32>
        %add3A_269 = arith.constant 48 : i32
        %add3A_270 = arith.addi %mul3A_222, %add3A_269 : i32
        %get3A_271 = arith.constant 0 : i32
        %get3A_272 = arith.index_cast %get3A_271 : i32 to index
        %get3A_273 = arith.index_cast %add3A_270 : i32 to index
        %get3A_274 = tpu.vector_load %arg5[%get3A_272, %get3A_273] {strides = array<i32>} : memref<2x16384xf32, #tpu.memory_space<vmem>>, vector<16xf32>,
        %add3A_275 = arith.addf %broadcast_in_dim3A_247, %get3A_274 : vector<16xf32>
        %add3A_276 = arith.constant 64 : i32
        %add3A_277 = arith.addi %mul3A_222, %add3A_276 : i32
        %get3A_278 = arith.constant 0 : i32
        %get3A_279 = arith.index_cast %get3A_278 : i32 to index
        %get3A_280 = arith.index_cast %add3A_277 : i32 to index
        %get3A_281 = tpu.vector_load %arg5[%get3A_279, %get3A_280] {strides = array<i32>} : memref<2x16384xf32, #tpu.memory_space<vmem>>, vector<16xf32>,
        %add3A_282 = arith.addf %add3A_254, %get3A_281 : vector<16xf32>
        %add3A_283 = arith.constant 80 : i32
        %add3A_284 = arith.addi %mul3A_222, %add3A_283 : i32
        %get3A_285 = arith.constant 0 : i32
        %get3A_286 = arith.index_cast %get3A_285 : i32 to index
        %get3A_287 = arith.index_cast %add3A_284 : i32 to index
        %get3A_288 = tpu.vector_load %arg5[%get3A_286, %get3A_287] {strides = array<i32>} : memref<2x16384xf32, #tpu.memory_space<vmem>>, vector<16xf32>,
        %add3A_289 = arith.addf %add3A_261, %get3A_288 : vector<16xf32>
        %add3A_290 = arith.constant 96 : i32
        %add3A_291 = arith.addi %mul3A_222, %add3A_290 : i32
        %get3A_292 = arith.constant 0 : i32
        %get3A_293 = arith.index_cast %get3A_292 : i32 to index
        %get3A_294 = arith.index_cast %add3A_291 : i32 to index
        %get3A_295 = tpu.vector_load %arg5[%get3A_293, %get3A_294] {strides = array<i32>} : memref<2x16384xf32, #tpu.memory_space<vmem>>, vector<16xf32>,
        %add3A_296 = arith.addf %add3A_268, %get3A_295 : vector<16xf32>
        %add3A_297 = arith.constant 112 : i32
        %add3A_298 = arith.addi %mul3A_222, %add3A_297 : i32
        %get3A_299 = arith.constant 0 : i32
        %get3A_300 = arith.index_cast %get3A_299 : i32 to index
        %get3A_301 = arith.index_cast %add3A_298 : i32 to index
        %get3A_302 = tpu.vector_load %arg5[%get3A_300, %get3A_301] {strides = array<i32>} : memref<2x16384xf32, #tpu.memory_space<vmem>>, vector<16xf32>,
        %add3A_303 = arith.addf %add3A_275, %get3A_302 : vector<16xf32>
        %add3A_304 = arith.constant 128 : i32
        %add3A_305 = arith.addi %mul3A_222, %add3A_304 : i32
        %get3A_306 = arith.constant 0 : i32
        %get3A_307 = arith.index_cast %get3A_306 : i32 to index
        %get3A_308 = arith.index_cast %add3A_305 : i32 to index
        %get3A_309 = tpu.vector_load %arg5[%get3A_307, %get3A_308] {strides = array<i32>} : memref<2x16384xf32, #tpu.memory_space<vmem>>, vector<16xf32>,
        %add3A_310 = arith.addf %add3A_282, %get3A_309 : vector<16xf32>
        %add3A_311 = arith.constant 144 : i32
        %add3A_312 = arith.addi %mul3A_222, %add3A_311 : i32
        %get3A_313 = arith.constant 0 : i32
        %get3A_314 = arith.index_cast %get3A_313 : i32 to index
        %get3A_315 = arith.index_cast %add3A_312 : i32 to index
        %get3A_316 = tpu.vector_load %arg5[%get3A_314, %get3A_315] {strides = array<i32>} : memref<2x16384xf32, #tpu.memory_space<vmem>>, vector<16xf32>,
        %add3A_317 = arith.addf %add3A_289, %get3A_316 : vector<16xf32>
        %add3A_318 = arith.constant 160 : i32
        %add3A_319 = arith.addi %mul3A_222, %add3A_318 : i32
        %get3A_320 = arith.constant 0 : i32
        %get3A_321 = arith.index_cast %get3A_320 : i32 to index
        %get3A_322 = arith.index_cast %add3A_319 : i32 to index
        %get3A_323 = tpu.vector_load %arg5[%get3A_321, %get3A_322] {strides = array<i32>} : memref<2x16384xf32, #tpu.memory_space<vmem>>, vector<16xf32>,
        %add3A_324 = arith.addf %add3A_296, %get3A_323 : vector<16xf32>
        %add3A_325 = arith.constant 176 : i32
        %add3A_326 = arith.addi %mul3A_222, %add3A_325 : i32
        %get3A_327 = arith.constant 0 : i32
        %get3A_328 = arith.index_cast %get3A_327 : i32 to index
        %get3A_329 = arith.index_cast %add3A_326 : i32 to index
        %get3A_330 = tpu.vector_load %arg5[%get3A_328, %get3A_329] {strides = array<i32>} : memref<2x16384xf32, #tpu.memory_space<vmem>>, vector<16xf32>,
        %add3A_331 = arith.addf %add3A_303, %get3A_330 : vector<16xf32>
        %add3A_332 = arith.constant 192 : i32
        %add3A_333 = arith.addi %mul3A_222, %add3A_332 : i32
        %get3A_334 = arith.constant 0 : i32
        %get3A_335 = arith.index_cast %get3A_334 : i32 to index
        %get3A_336 = arith.index_cast %add3A_333 : i32 to index
        %get3A_337 = tpu.vector_load %arg5[%get3A_335, %get3A_336] {strides = array<i32>} : memref<2x16384xf32, #tpu.memory_space<vmem>>, vector<16xf32>,
        %add3A_338 = arith.addf %add3A_310, %get3A_337 : vector<16xf32>
        %add3A_339 = arith.constant 208 : i32
        %add3A_340 = arith.addi %mul3A_222, %add3A_339 : i32
        %get3A_341 = arith.constant 0 : i32
        %get3A_342 = arith.index_cast %get3A_341 : i32 to index
        %get3A_343 = arith.index_cast %add3A_340 : i32 to index
        %get3A_344 = tpu.vector_load %arg5[%get3A_342, %get3A_343] {strides = array<i32>} : memref<2x16384xf32, #tpu.memory_space<vmem>>, vector<16xf32>,
        %add3A_345 = arith.addf %add3A_317, %get3A_344 : vector<16xf32>
        %add3A_346 = arith.constant 224 : i32
        %add3A_347 = arith.addi %mul3A_222, %add3A_346 : i32
        %get3A_348 = arith.constant 0 : i32
        %get3A_349 = arith.index_cast %get3A_348 : i32 to index
        %get3A_350 = arith.index_cast %add3A_347 : i32 to index
        %get3A_351 = tpu.vector_load %arg5[%get3A_349, %get3A_350] {strides = array<i32>} : memref<2x16384xf32, #tpu.memory_space<vmem>>, vector<16xf32>,
        %add3A_352 = arith.addf %add3A_324, %get3A_351 : vector<16xf32>
        %add3A_353 = arith.constant 240 : i32
        %add3A_354 = arith.addi %mul3A_222, %add3A_353 : i32
        %get3A_355 = arith.constant 0 : i32
        %get3A_356 = arith.index_cast %get3A_355 : i32 to index
        %get3A_357 = arith.index_cast %add3A_354 : i32 to index
        %get3A_358 = tpu.vector_load %arg5[%get3A_356, %get3A_357] {strides = array<i32>} : memref<2x16384xf32, #tpu.memory_space<vmem>>, vector<16xf32>,
        %add3A_359 = arith.addf %add3A_331, %get3A_358 : vector<16xf32>
        %add3A_360 = arith.constant 256 : i32
        %add3A_361 = arith.addi %mul3A_222, %add3A_360 : i32
        %get3A_362 = arith.constant 0 : i32
        %get3A_363 = arith.index_cast %get3A_362 : i32 to index
        %get3A_364 = arith.index_cast %add3A_361 : i32 to index
        %get3A_365 = tpu.vector_load %arg5[%get3A_363, %get3A_364] {strides = array<i32>} : memref<2x16384xf32, #tpu.memory_space<vmem>>, vector<16xf32>,
        %add3A_366 = arith.addf %add3A_338, %get3A_365 : vector<16xf32>
        %add3A_367 = arith.constant 272 : i32
        %add3A_368 = arith.addi %mul3A_222, %add3A_367 : i32
        %get3A_369 = arith.constant 0 : i32
        %get3A_370 = arith.index_cast %get3A_369 : i32 to index
        %get3A_371 = arith.index_cast %add3A_368 : i32 to index
        %get3A_372 = tpu.vector_load %arg5[%get3A_370, %get3A_371] {strides = array<i32>} : memref<2x16384xf32, #tpu.memory_space<vmem>>, vector<16xf32>,
        %add3A_373 = arith.addf %add3A_345, %get3A_372 : vector<16xf32>
        %add3A_374 = arith.constant 288 : i32
        %add3A_375 = arith.addi %mul3A_222, %add3A_374 : i32
        %get3A_376 = arith.constant 0 : i32
        %get3A_377 = arith.index_cast %get3A_376 : i32 to index
        %get3A_378 = arith.index_cast %add3A_375 : i32 to index
        %get3A_379 = tpu.vector_load %arg5[%get3A_377, %get3A_378] {strides = array<i32>} : memref<2x16384xf32, #tpu.memory_space<vmem>>, vector<16xf32>,
        %add3A_380 = arith.addf %add3A_352, %get3A_379 : vector<16xf32>
        %add3A_381 = arith.constant 304 : i32
        %add3A_382 = arith.addi %mul3A_222, %add3A_381 : i32
        %get3A_383 = arith.constant 0 : i32
        %get3A_384 = arith.index_cast %get3A_383 : i32 to index
        %get3A_385 = arith.index_cast %add3A_382 : i32 to index
        %get3A_386 = tpu.vector_load %arg5[%get3A_384, %get3A_385] {strides = array<i32>} : memref<2x16384xf32, #tpu.memory_space<vmem>>, vector<16xf32>,
        %add3A_387 = arith.addf %add3A_359, %get3A_386 : vector<16xf32>
        %add3A_388 = arith.constant 320 : i32
        %add3A_389 = arith.addi %mul3A_222, %add3A_388 : i32
        %get3A_390 = arith.constant 0 : i32
        %get3A_391 = arith.index_cast %get3A_390 : i32 to index
        %get3A_392 = arith.index_cast %add3A_389 : i32 to index
        %get3A_393 = tpu.vector_load %arg5[%get3A_391, %get3A_392] {strides = array<i32>} : memref<2x16384xf32, #tpu.memory_space<vmem>>, vector<16xf32>,
        %add3A_394 = arith.addf %add3A_366, %get3A_393 : vector<16xf32>
        %add3A_395 = arith.constant 336 : i32
        %add3A_396 = arith.addi %mul3A_222, %add3A_395 : i32
        %get3A_397 = arith.constant 0 : i32
        %get3A_398 = arith.index_cast %get3A_397 : i32 to index
        %get3A_399 = arith.index_cast %add3A_396 : i32 to index
        %get3A_400 = tpu.vector_load %arg5[%get3A_398, %get3A_399] {strides = array<i32>} : memref<2x16384xf32, #tpu.memory_space<vmem>>, vector<16xf32>,
        %add3A_401 = arith.addf %add3A_373, %get3A_400 : vector<16xf32>
        %add3A_402 = arith.constant 352 : i32
        %add3A_403 = arith.addi %mul3A_222, %add3A_402 : i32
        %get3A_404 = arith.constant 0 : i32
        %get3A_405 = arith.index_cast %get3A_404 : i32 to index
        %get3A_406 = arith.index_cast %add3A_403 : i32 to index
        %get3A_407 = tpu.vector_load %arg5[%get3A_405, %get3A_406] {strides = array<i32>} : memref<2x16384xf32, #tpu.memory_space<vmem>>, vector<16xf32>,
        %add3A_408 = arith.addf %add3A_380, %get3A_407 : vector<16xf32>
        %add3A_409 = arith.constant 368 : i32
        %add3A_410 = arith.addi %mul3A_222, %add3A_409 : i32
        %get3A_411 = arith.constant 0 : i32
        %get3A_412 = arith.index_cast %get3A_411 : i32 to index
        %get3A_413 = arith.index_cast %add3A_410 : i32 to index
        %get3A_414 = tpu.vector_load %arg5[%get3A_412, %get3A_413] {strides = array<i32>} : memref<2x16384xf32, #tpu.memory_space<vmem>>, vector<16xf32>,
        %add3A_415 = arith.addf %add3A_387, %get3A_414 : vector<16xf32>
        %add3A_416 = arith.constant 384 : i32
        %add3A_417 = arith.addi %mul3A_222, %add3A_416 : i32
        %get3A_418 = arith.constant 0 : i32
        %get3A_419 = arith.index_cast %get3A_418 : i32 to index
        %get3A_420 = arith.index_cast %add3A_417 : i32 to index
        %get3A_421 = tpu.vector_load %arg5[%get3A_419, %get3A_420] {strides = array<i32>} : memref<2x16384xf32, #tpu.memory_space<vmem>>, vector<16xf32>,
        %add3A_422 = arith.addf %add3A_394, %get3A_421 : vector<16xf32>
        %add3A_423 = arith.constant 400 : i32
        %add3A_424 = arith.addi %mul3A_222, %add3A_423 : i32
        %get3A_425 = arith.constant 0 : i32
        %get3A_426 = arith.index_cast %get3A_425 : i32 to index
        %get3A_427 = arith.index_cast %add3A_424 : i32 to index
        %get3A_428 = tpu.vector_load %arg5[%get3A_426, %get3A_427] {strides = array<i32>} : memref<2x16384xf32, #tpu.memory_space<vmem>>, vector<16xf32>,
        %add3A_429 = arith.addf %add3A_401, %get3A_428 : vector<16xf32>
        %add3A_430 = arith.constant 416 : i32
        %add3A_431 = arith.addi %mul3A_222, %add3A_430 : i32
        %get3A_432 = arith.constant 0 : i32
        %get3A_433 = arith.index_cast %get3A_432 : i32 to index
        %get3A_434 = arith.index_cast %add3A_431 : i32 to index
        %get3A_435 = tpu.vector_load %arg5[%get3A_433, %get3A_434] {strides = array<i32>} : memref<2x16384xf32, #tpu.memory_space<vmem>>, vector<16xf32>,
        %add3A_436 = arith.addf %add3A_408, %get3A_435 : vector<16xf32>
        %add3A_437 = arith.constant 432 : i32
        %add3A_438 = arith.addi %mul3A_222, %add3A_437 : i32
        %get3A_439 = arith.constant 0 : i32
        %get3A_440 = arith.index_cast %get3A_439 : i32 to index
        %get3A_441 = arith.index_cast %add3A_438 : i32 to index
        %get3A_442 = tpu.vector_load %arg5[%get3A_440, %get3A_441] {strides = array<i32>} : memref<2x16384xf32, #tpu.memory_space<vmem>>, vector<16xf32>,
        %add3A_443 = arith.addf %add3A_415, %get3A_442 : vector<16xf32>
        %add3A_444 = arith.constant 448 : i32
        %add3A_445 = arith.addi %mul3A_222, %add3A_444 : i32
        %get3A_446 = arith.constant 0 : i32
        %get3A_447 = arith.index_cast %get3A_446 : i32 to index
        %get3A_448 = arith.index_cast %add3A_445 : i32 to index
        %get3A_449 = tpu.vector_load %arg5[%get3A_447, %get3A_448] {strides = array<i32>} : memref<2x16384xf32, #tpu.memory_space<vmem>>, vector<16xf32>,
        %add3A_450 = arith.addf %add3A_422, %get3A_449 : vector<16xf32>
        %add3A_451 = arith.constant 464 : i32
        %add3A_452 = arith.addi %mul3A_222, %add3A_451 : i32
        %get3A_453 = arith.constant 0 : i32
        %get3A_454 = arith.index_cast %get3A_453 : i32 to index
        %get3A_455 = arith.index_cast %add3A_452 : i32 to index
        %get3A_456 = tpu.vector_load %arg5[%get3A_454, %get3A_455] {strides = array<i32>} : memref<2x16384xf32, #tpu.memory_space<vmem>>, vector<16xf32>,
        %add3A_457 = arith.addf %add3A_429, %get3A_456 : vector<16xf32>
        %add3A_458 = arith.constant 480 : i32
        %add3A_459 = arith.addi %mul3A_222, %add3A_458 : i32
        %get3A_460 = arith.constant 0 : i32
        %get3A_461 = arith.index_cast %get3A_460 : i32 to index
        %get3A_462 = arith.index_cast %add3A_459 : i32 to index
        %get3A_463 = tpu.vector_load %arg5[%get3A_461, %get3A_462] {strides = array<i32>} : memref<2x16384xf32, #tpu.memory_space<vmem>>, vector<16xf32>,
        %add3A_464 = arith.addf %add3A_436, %get3A_463 : vector<16xf32>
        %add3A_465 = arith.constant 496 : i32
        %add3A_466 = arith.addi %mul3A_222, %add3A_465 : i32
        %get3A_467 = arith.constant 0 : i32
        %get3A_468 = arith.index_cast %get3A_467 : i32 to index
        %get3A_469 = arith.index_cast %add3A_466 : i32 to index
        %get3A_470 = tpu.vector_load %arg5[%get3A_468, %get3A_469] {strides = array<i32>} : memref<2x16384xf32, #tpu.memory_space<vmem>>, vector<16xf32>,
        %add3A_471 = arith.addf %add3A_443, %get3A_470 : vector<16xf32>
        %add3A_472 = arith.addf %add3A_450, %add3A_457 : vector<16xf32>
        %add3A_473 = arith.addf %add3A_464, %add3A_471 : vector<16xf32>
        %add3A_474 = arith.addf %add3A_472, %add3A_473 : vector<16xf32>
        %broadcast_in_dim3A_475 = vector.broadcast %squeeze3A : i32 to vector<16xi32>
        tpu.vector_store_idx %arg7[%iota3A, %broadcast_in_dim3A_475], %add3A_474 {add = true} : memref<16x513xf32, #tpu.memory_space<vmem>>[vector<16xi32>, vector<16xi32>], vector<16xf32>,
      } else {
      }
      %ne3A = arith.cmpi ne, %squeeze3A, %squeeze3A_234 : i32
      %convert_element_type3A_236 = arith.extui %ne3A : i1 to i32
      %cond3A_237 = arith.constant 0 : i32
      %cond3A_238 = arith.cmpi ne, %convert_element_type3A_236, %cond3A_237 : i32
      scf.if %cond3A_238 {
        %parallel_loop3A = arith.constant 0 : i32
        %parallel_loop3A_240 = arith.constant 32 : i32
        %parallel_loop3A_241 = arith.constant 1 : i32
        scf.for %parallel_loop3A_242 = %parallel_loop3A to %parallel_loop3A_240 step %parallel_loop3A_241  : i32 {
          %parallel_loop3A_243 = arith.constant 16 : i32
          %parallel_loop3A_244 = arith.muli %parallel_loop3A_242, %parallel_loop3A_243 : i32
          %parallel_loop3A_245 = arith.addi %mul3A_222, %parallel_loop3A_244 : i32
          %parallel_loop3A_246 = arith.constant 0 : i32
          %parallel_loop3A_247 = arith.index_cast %parallel_loop3A_246 : i32 to index
          %parallel_loop3A_248 = arith.index_cast %parallel_loop3A_245 : i32 to index
          %parallel_loop3A_249 = tpu.vector_load %arg5[%parallel_loop3A_247, %parallel_loop3A_248] {strides = array<i32>} : memref<2x16384xf32, #tpu.memory_space<vmem>>, vector<16xf32>,
          %parallel_loop3A_250 = arith.constant 0 : i32
          %parallel_loop3A_251 = arith.index_cast %parallel_loop3A_250 : i32 to index
          %parallel_loop3A_252 = arith.index_cast %parallel_loop3A_245 : i32 to index
          %parallel_loop3A_253 = tpu.vector_load %arg6[%parallel_loop3A_251, %parallel_loop3A_252] {strides = array<i32>} : memref<2x16384xi32, #tpu.memory_space<vmem>>, vector<16xi32>,
          tpu.vector_store_idx %arg7[%iota3A, %parallel_loop3A_253], %parallel_loop3A_249 {add = true} : memref<16x513xf32, #tpu.memory_space<vmem>>[vector<16xi32>, vector<16xi32>], vector<16xf32>,
        } {sc.loop_unroll_factor = 4 : i64, sc.parallel_access}
      } else {
      }
      %scan3A_239 = arith.constant 0 : i32
      scf.yield %scan3A_239 : i32
    }
    %scan3A_182 = arith.constant 32 : i32
    %add3A_183 = arith.constant 49152 : i32
    %add3A_184 = arith.addi %mul3A_2, %add3A_183 : i32
    %add3A_185 = arith.constant 2097152 : i32
    %add3A_186 = arith.addi %add3A_185, %add3A_184 : i32
    %dma_wait3A_187 = arith.constant 1 : i32
    %dma_wait3A_188 = arith.constant 0 : i32
    %dma_wait3A_189 = tpu.memref_slice %arg5[%dma_wait3A_187, %dma_wait3A_188] : memref<2x16384xf32, #tpu.memory_space<vmem>> -> memref<1x16384xf32, #tpu.memory_space<vmem>>
    %dma_wait3A_190 = tpu.memref_squeeze %dma_wait3A_189 : memref<1x16384xf32, #tpu.memory_space<vmem>> -> memref<16384xf32, #tpu.memory_space<vmem>>
    %dma_wait3A_191 = tpu.memref_slice %arg2[%add3A_184] : memref<2097152xf32, #tpu.memory_space<hbm>> -> memref<16384xf32, #tpu.memory_space<hbm>>
    %dma_wait3A_192 = arith.constant 0 : i32
    %dma_wait3A_193 = tpu.memref_slice %arg5[%dma_wait3A_187, %dma_wait3A_192] : memref<2x16384xf32, #tpu.memory_space<vmem>> -> memref<1x16384xf32, #tpu.memory_space<vmem>>
    %dma_wait3A_194 = tpu.memref_squeeze %dma_wait3A_193 : memref<1x16384xf32, #tpu.memory_space<vmem>> -> memref<16384xf32, #tpu.memory_space<vmem>>
    %dma_wait3A_195 = tpu.memref_slice %arg2[%add3A_184] : memref<2097152xf32, #tpu.memory_space<hbm>> -> memref<16384xf32, #tpu.memory_space<hbm>>
    tpu.wait_dma2 semaphore(%arg9 : memref<!tpu.dma_semaphore, #tpu.memory_space<semaphore_mem>>) src(%dma_wait3A_195 : memref<16384xf32, #tpu.memory_space<hbm>>) dst(%dma_wait3A_194 : memref<16384xf32, #tpu.memory_space<vmem>>)
    %dma_wait3A_196 = arith.constant 1 : i32
    %dma_wait3A_197 = arith.constant 0 : i32
    %dma_wait3A_198 = tpu.memref_slice %arg6[%dma_wait3A_196, %dma_wait3A_197] : memref<2x16384xi32, #tpu.memory_space<vmem>> -> memref<1x16384xi32, #tpu.memory_space<vmem>>
    %dma_wait3A_199 = tpu.memref_squeeze %dma_wait3A_198 : memref<1x16384xi32, #tpu.memory_space<vmem>> -> memref<16384xi32, #tpu.memory_space<vmem>>
    %dma_wait3A_200 = tpu.memref_slice %arg3[%add3A_186] : memref<4194304xi32, #tpu.memory_space<hbm>> -> memref<16384xi32, #tpu.memory_space<hbm>>
    %dma_wait3A_201 = arith.constant 0 : i32
    %dma_wait3A_202 = tpu.memref_slice %arg6[%dma_wait3A_196, %dma_wait3A_201] : memref<2x16384xi32, #tpu.memory_space<vmem>> -> memref<1x16384xi32, #tpu.memory_space<vmem>>
    %dma_wait3A_203 = tpu.memref_squeeze %dma_wait3A_202 : memref<1x16384xi32, #tpu.memory_space<vmem>> -> memref<16384xi32, #tpu.memory_space<vmem>>
    %dma_wait3A_204 = tpu.memref_slice %arg3[%add3A_186] : memref<4194304xi32, #tpu.memory_space<hbm>> -> memref<16384xi32, #tpu.memory_space<hbm>>
    tpu.wait_dma2 semaphore(%arg9 : memref<!tpu.dma_semaphore, #tpu.memory_space<semaphore_mem>>) src(%dma_wait3A_204 : memref<16384xi32, #tpu.memory_space<hbm>>) dst(%dma_wait3A_203 : memref<16384xi32, #tpu.memory_space<vmem>>)
    %scan3A_205 = arith.constant 0 : i32
    %scan3A_206 = arith.constant 0 : i32
    %scan3A_207 = arith.constant 32 : i32
    %scan3A_208 = arith.addi %scan3A_206, %scan3A_207 : i32
    %scan3A_209 = arith.constant 1 : i32
    %scan3A_210 = scf.for %scan3A_219 = %scan3A_206 to %scan3A_208 step %scan3A_209 iter_args(%scan3A_220 = %scan3A_205) -> (i32)  : i32 {
      %mul3A_221 = arith.constant 512 : i32
      %mul3A_222 = arith.muli %scan3A_219, %mul3A_221 : i32
      %get3A = arith.constant 1 : i32
      %get3A_223 = arith.index_cast %get3A : i32 to index
      %get3A_224 = arith.index_cast %mul3A_222 : i32 to index
      %get3A_225 = tpu.vector_load %arg6[%get3A_223, %get3A_224] {strides = array<i32>} : memref<2x16384xi32, #tpu.memory_space<vmem>>, vector<16xi32>,
      %add3A_226 = arith.constant 512 : i32
      %add3A_227 = arith.addi %mul3A_222, %add3A_226 : i32
      %sub3A = arith.constant 16 : i32
      %sub3A_228 = arith.subi %add3A_227, %sub3A : i32
      %get3A_229 = arith.constant 1 : i32
      %get3A_230 = arith.index_cast %get3A_229 : i32 to index
      %get3A_231 = arith.index_cast %sub3A_228 : i32 to index
      %get3A_232 = tpu.vector_load %arg6[%get3A_230, %get3A_231] {strides = array<i32>} : memref<2x16384xi32, #tpu.memory_space<vmem>>, vector<16xi32>,
      %slice3A = vector.extract_strided_slice %get3A_225 {offsets = [0], sizes = [1], strides = [1]} : vector<16xi32> to vector<1xi32>
      %squeeze3A = vector.extract %slice3A[0] : i32 from vector<1xi32>
      %slice3A_233 = vector.extract_strided_slice %get3A_232 {offsets = [15], sizes = [1], strides = [1]} : vector<16xi32> to vector<1xi32>
      %squeeze3A_234 = vector.extract %slice3A_233[0] : i32 from vector<1xi32>
      %eq3A = arith.cmpi eq, %squeeze3A, %squeeze3A_234 : i32
      %convert_element_type3A = arith.extui %eq3A : i1 to i32
      %cond3A = arith.constant 0 : i32
      %cond3A_235 = arith.cmpi ne, %convert_element_type3A, %cond3A : i32
      scf.if %cond3A_235 {
        %broadcast_in_dim3A_240 = arith.constant 0.000000e+00 : f32
        %broadcast_in_dim3A_241 = vector.broadcast %broadcast_in_dim3A_240 : f32 to vector<16xf32>
        %broadcast_in_dim3A_242 = arith.constant 0.000000e+00 : f32
        %broadcast_in_dim3A_243 = vector.broadcast %broadcast_in_dim3A_242 : f32 to vector<16xf32>
        %broadcast_in_dim3A_244 = arith.constant 0.000000e+00 : f32
        %broadcast_in_dim3A_245 = vector.broadcast %broadcast_in_dim3A_244 : f32 to vector<16xf32>
        %broadcast_in_dim3A_246 = arith.constant 0.000000e+00 : f32
        %broadcast_in_dim3A_247 = vector.broadcast %broadcast_in_dim3A_246 : f32 to vector<16xf32>
        %add3A_248 = arith.constant 0 : i32
        %add3A_249 = arith.addi %mul3A_222, %add3A_248 : i32
        %get3A_250 = arith.constant 1 : i32
        %get3A_251 = arith.index_cast %get3A_250 : i32 to index
        %get3A_252 = arith.index_cast %add3A_249 : i32 to index
        %get3A_253 = tpu.vector_load %arg5[%get3A_251, %get3A_252] {strides = array<i32>} : memref<2x16384xf32, #tpu.memory_space<vmem>>, vector<16xf32>,
        %add3A_254 = arith.addf %broadcast_in_dim3A_241, %get3A_253 : vector<16xf32>
        %add3A_255 = arith.constant 16 : i32
        %add3A_256 = arith.addi %mul3A_222, %add3A_255 : i32
        %get3A_257 = arith.constant 1 : i32
        %get3A_258 = arith.index_cast %get3A_257 : i32 to index
        %get3A_259 = arith.index_cast %add3A_256 : i32 to index
        %get3A_260 = tpu.vector_load %arg5[%get3A_258, %get3A_259] {strides = array<i32>} : memref<2x16384xf32, #tpu.memory_space<vmem>>, vector<16xf32>,
        %add3A_261 = arith.addf %broadcast_in_dim3A_243, %get3A_260 : vector<16xf32>
        %add3A_262 = arith.constant 32 : i32
        %add3A_263 = arith.addi %mul3A_222, %add3A_262 : i32
        %get3A_264 = arith.constant 1 : i32
        %get3A_265 = arith.index_cast %get3A_264 : i32 to index
        %get3A_266 = arith.index_cast %add3A_263 : i32 to index
        %get3A_267 = tpu.vector_load %arg5[%get3A_265, %get3A_266] {strides = array<i32>} : memref<2x16384xf32, #tpu.memory_space<vmem>>, vector<16xf32>,
        %add3A_268 = arith.addf %broadcast_in_dim3A_245, %get3A_267 : vector<16xf32>
        %add3A_269 = arith.constant 48 : i32
        %add3A_270 = arith.addi %mul3A_222, %add3A_269 : i32
        %get3A_271 = arith.constant 1 : i32
        %get3A_272 = arith.index_cast %get3A_271 : i32 to index
        %get3A_273 = arith.index_cast %add3A_270 : i32 to index
        %get3A_274 = tpu.vector_load %arg5[%get3A_272, %get3A_273] {strides = array<i32>} : memref<2x16384xf32, #tpu.memory_space<vmem>>, vector<16xf32>,
        %add3A_275 = arith.addf %broadcast_in_dim3A_247, %get3A_274 : vector<16xf32>
        %add3A_276 = arith.constant 64 : i32
        %add3A_277 = arith.addi %mul3A_222, %add3A_276 : i32
        %get3A_278 = arith.constant 1 : i32
        %get3A_279 = arith.index_cast %get3A_278 : i32 to index
        %get3A_280 = arith.index_cast %add3A_277 : i32 to index
        %get3A_281 = tpu.vector_load %arg5[%get3A_279, %get3A_280] {strides = array<i32>} : memref<2x16384xf32, #tpu.memory_space<vmem>>, vector<16xf32>,
        %add3A_282 = arith.addf %add3A_254, %get3A_281 : vector<16xf32>
        %add3A_283 = arith.constant 80 : i32
        %add3A_284 = arith.addi %mul3A_222, %add3A_283 : i32
        %get3A_285 = arith.constant 1 : i32
        %get3A_286 = arith.index_cast %get3A_285 : i32 to index
        %get3A_287 = arith.index_cast %add3A_284 : i32 to index
        %get3A_288 = tpu.vector_load %arg5[%get3A_286, %get3A_287] {strides = array<i32>} : memref<2x16384xf32, #tpu.memory_space<vmem>>, vector<16xf32>,
        %add3A_289 = arith.addf %add3A_261, %get3A_288 : vector<16xf32>
        %add3A_290 = arith.constant 96 : i32
        %add3A_291 = arith.addi %mul3A_222, %add3A_290 : i32
        %get3A_292 = arith.constant 1 : i32
        %get3A_293 = arith.index_cast %get3A_292 : i32 to index
        %get3A_294 = arith.index_cast %add3A_291 : i32 to index
        %get3A_295 = tpu.vector_load %arg5[%get3A_293, %get3A_294] {strides = array<i32>} : memref<2x16384xf32, #tpu.memory_space<vmem>>, vector<16xf32>,
        %add3A_296 = arith.addf %add3A_268, %get3A_295 : vector<16xf32>
        %add3A_297 = arith.constant 112 : i32
        %add3A_298 = arith.addi %mul3A_222, %add3A_297 : i32
        %get3A_299 = arith.constant 1 : i32
        %get3A_300 = arith.index_cast %get3A_299 : i32 to index
        %get3A_301 = arith.index_cast %add3A_298 : i32 to index
        %get3A_302 = tpu.vector_load %arg5[%get3A_300, %get3A_301] {strides = array<i32>} : memref<2x16384xf32, #tpu.memory_space<vmem>>, vector<16xf32>,
        %add3A_303 = arith.addf %add3A_275, %get3A_302 : vector<16xf32>
        %add3A_304 = arith.constant 128 : i32
        %add3A_305 = arith.addi %mul3A_222, %add3A_304 : i32
        %get3A_306 = arith.constant 1 : i32
        %get3A_307 = arith.index_cast %get3A_306 : i32 to index
        %get3A_308 = arith.index_cast %add3A_305 : i32 to index
        %get3A_309 = tpu.vector_load %arg5[%get3A_307, %get3A_308] {strides = array<i32>} : memref<2x16384xf32, #tpu.memory_space<vmem>>, vector<16xf32>,
        %add3A_310 = arith.addf %add3A_282, %get3A_309 : vector<16xf32>
        %add3A_311 = arith.constant 144 : i32
        %add3A_312 = arith.addi %mul3A_222, %add3A_311 : i32
        %get3A_313 = arith.constant 1 : i32
        %get3A_314 = arith.index_cast %get3A_313 : i32 to index
        %get3A_315 = arith.index_cast %add3A_312 : i32 to index
        %get3A_316 = tpu.vector_load %arg5[%get3A_314, %get3A_315] {strides = array<i32>} : memref<2x16384xf32, #tpu.memory_space<vmem>>, vector<16xf32>,
        %add3A_317 = arith.addf %add3A_289, %get3A_316 : vector<16xf32>
        %add3A_318 = arith.constant 160 : i32
        %add3A_319 = arith.addi %mul3A_222, %add3A_318 : i32
        %get3A_320 = arith.constant 1 : i32
        %get3A_321 = arith.index_cast %get3A_320 : i32 to index
        %get3A_322 = arith.index_cast %add3A_319 : i32 to index
        %get3A_323 = tpu.vector_load %arg5[%get3A_321, %get3A_322] {strides = array<i32>} : memref<2x16384xf32, #tpu.memory_space<vmem>>, vector<16xf32>,
        %add3A_324 = arith.addf %add3A_296, %get3A_323 : vector<16xf32>
        %add3A_325 = arith.constant 176 : i32
        %add3A_326 = arith.addi %mul3A_222, %add3A_325 : i32
        %get3A_327 = arith.constant 1 : i32
        %get3A_328 = arith.index_cast %get3A_327 : i32 to index
        %get3A_329 = arith.index_cast %add3A_326 : i32 to index
        %get3A_330 = tpu.vector_load %arg5[%get3A_328, %get3A_329] {strides = array<i32>} : memref<2x16384xf32, #tpu.memory_space<vmem>>, vector<16xf32>,
        %add3A_331 = arith.addf %add3A_303, %get3A_330 : vector<16xf32>
        %add3A_332 = arith.constant 192 : i32
        %add3A_333 = arith.addi %mul3A_222, %add3A_332 : i32
        %get3A_334 = arith.constant 1 : i32
        %get3A_335 = arith.index_cast %get3A_334 : i32 to index
        %get3A_336 = arith.index_cast %add3A_333 : i32 to index
        %get3A_337 = tpu.vector_load %arg5[%get3A_335, %get3A_336] {strides = array<i32>} : memref<2x16384xf32, #tpu.memory_space<vmem>>, vector<16xf32>,
        %add3A_338 = arith.addf %add3A_310, %get3A_337 : vector<16xf32>
        %add3A_339 = arith.constant 208 : i32
        %add3A_340 = arith.addi %mul3A_222, %add3A_339 : i32
        %get3A_341 = arith.constant 1 : i32
        %get3A_342 = arith.index_cast %get3A_341 : i32 to index
        %get3A_343 = arith.index_cast %add3A_340 : i32 to index
        %get3A_344 = tpu.vector_load %arg5[%get3A_342, %get3A_343] {strides = array<i32>} : memref<2x16384xf32, #tpu.memory_space<vmem>>, vector<16xf32>,
        %add3A_345 = arith.addf %add3A_317, %get3A_344 : vector<16xf32>
        %add3A_346 = arith.constant 224 : i32
        %add3A_347 = arith.addi %mul3A_222, %add3A_346 : i32
        %get3A_348 = arith.constant 1 : i32
        %get3A_349 = arith.index_cast %get3A_348 : i32 to index
        %get3A_350 = arith.index_cast %add3A_347 : i32 to index
        %get3A_351 = tpu.vector_load %arg5[%get3A_349, %get3A_350] {strides = array<i32>} : memref<2x16384xf32, #tpu.memory_space<vmem>>, vector<16xf32>,
        %add3A_352 = arith.addf %add3A_324, %get3A_351 : vector<16xf32>
        %add3A_353 = arith.constant 240 : i32
        %add3A_354 = arith.addi %mul3A_222, %add3A_353 : i32
        %get3A_355 = arith.constant 1 : i32
        %get3A_356 = arith.index_cast %get3A_355 : i32 to index
        %get3A_357 = arith.index_cast %add3A_354 : i32 to index
        %get3A_358 = tpu.vector_load %arg5[%get3A_356, %get3A_357] {strides = array<i32>} : memref<2x16384xf32, #tpu.memory_space<vmem>>, vector<16xf32>,
        %add3A_359 = arith.addf %add3A_331, %get3A_358 : vector<16xf32>
        %add3A_360 = arith.constant 256 : i32
        %add3A_361 = arith.addi %mul3A_222, %add3A_360 : i32
        %get3A_362 = arith.constant 1 : i32
        %get3A_363 = arith.index_cast %get3A_362 : i32 to index
        %get3A_364 = arith.index_cast %add3A_361 : i32 to index
        %get3A_365 = tpu.vector_load %arg5[%get3A_363, %get3A_364] {strides = array<i32>} : memref<2x16384xf32, #tpu.memory_space<vmem>>, vector<16xf32>,
        %add3A_366 = arith.addf %add3A_338, %get3A_365 : vector<16xf32>
        %add3A_367 = arith.constant 272 : i32
        %add3A_368 = arith.addi %mul3A_222, %add3A_367 : i32
        %get3A_369 = arith.constant 1 : i32
        %get3A_370 = arith.index_cast %get3A_369 : i32 to index
        %get3A_371 = arith.index_cast %add3A_368 : i32 to index
        %get3A_372 = tpu.vector_load %arg5[%get3A_370, %get3A_371] {strides = array<i32>} : memref<2x16384xf32, #tpu.memory_space<vmem>>, vector<16xf32>,
        %add3A_373 = arith.addf %add3A_345, %get3A_372 : vector<16xf32>
        %add3A_374 = arith.constant 288 : i32
        %add3A_375 = arith.addi %mul3A_222, %add3A_374 : i32
        %get3A_376 = arith.constant 1 : i32
        %get3A_377 = arith.index_cast %get3A_376 : i32 to index
        %get3A_378 = arith.index_cast %add3A_375 : i32 to index
        %get3A_379 = tpu.vector_load %arg5[%get3A_377, %get3A_378] {strides = array<i32>} : memref<2x16384xf32, #tpu.memory_space<vmem>>, vector<16xf32>,
        %add3A_380 = arith.addf %add3A_352, %get3A_379 : vector<16xf32>
        %add3A_381 = arith.constant 304 : i32
        %add3A_382 = arith.addi %mul3A_222, %add3A_381 : i32
        %get3A_383 = arith.constant 1 : i32
        %get3A_384 = arith.index_cast %get3A_383 : i32 to index
        %get3A_385 = arith.index_cast %add3A_382 : i32 to index
        %get3A_386 = tpu.vector_load %arg5[%get3A_384, %get3A_385] {strides = array<i32>} : memref<2x16384xf32, #tpu.memory_space<vmem>>, vector<16xf32>,
        %add3A_387 = arith.addf %add3A_359, %get3A_386 : vector<16xf32>
        %add3A_388 = arith.constant 320 : i32
        %add3A_389 = arith.addi %mul3A_222, %add3A_388 : i32
        %get3A_390 = arith.constant 1 : i32
        %get3A_391 = arith.index_cast %get3A_390 : i32 to index
        %get3A_392 = arith.index_cast %add3A_389 : i32 to index
        %get3A_393 = tpu.vector_load %arg5[%get3A_391, %get3A_392] {strides = array<i32>} : memref<2x16384xf32, #tpu.memory_space<vmem>>, vector<16xf32>,
        %add3A_394 = arith.addf %add3A_366, %get3A_393 : vector<16xf32>
        %add3A_395 = arith.constant 336 : i32
        %add3A_396 = arith.addi %mul3A_222, %add3A_395 : i32
        %get3A_397 = arith.constant 1 : i32
        %get3A_398 = arith.index_cast %get3A_397 : i32 to index
        %get3A_399 = arith.index_cast %add3A_396 : i32 to index
        %get3A_400 = tpu.vector_load %arg5[%get3A_398, %get3A_399] {strides = array<i32>} : memref<2x16384xf32, #tpu.memory_space<vmem>>, vector<16xf32>,
        %add3A_401 = arith.addf %add3A_373, %get3A_400 : vector<16xf32>
        %add3A_402 = arith.constant 352 : i32
        %add3A_403 = arith.addi %mul3A_222, %add3A_402 : i32
        %get3A_404 = arith.constant 1 : i32
        %get3A_405 = arith.index_cast %get3A_404 : i32 to index
        %get3A_406 = arith.index_cast %add3A_403 : i32 to index
        %get3A_407 = tpu.vector_load %arg5[%get3A_405, %get3A_406] {strides = array<i32>} : memref<2x16384xf32, #tpu.memory_space<vmem>>, vector<16xf32>,
        %add3A_408 = arith.addf %add3A_380, %get3A_407 : vector<16xf32>
        %add3A_409 = arith.constant 368 : i32
        %add3A_410 = arith.addi %mul3A_222, %add3A_409 : i32
        %get3A_411 = arith.constant 1 : i32
        %get3A_412 = arith.index_cast %get3A_411 : i32 to index
        %get3A_413 = arith.index_cast %add3A_410 : i32 to index
        %get3A_414 = tpu.vector_load %arg5[%get3A_412, %get3A_413] {strides = array<i32>} : memref<2x16384xf32, #tpu.memory_space<vmem>>, vector<16xf32>,
        %add3A_415 = arith.addf %add3A_387, %get3A_414 : vector<16xf32>
        %add3A_416 = arith.constant 384 : i32
        %add3A_417 = arith.addi %mul3A_222, %add3A_416 : i32
        %get3A_418 = arith.constant 1 : i32
        %get3A_419 = arith.index_cast %get3A_418 : i32 to index
        %get3A_420 = arith.index_cast %add3A_417 : i32 to index
        %get3A_421 = tpu.vector_load %arg5[%get3A_419, %get3A_420] {strides = array<i32>} : memref<2x16384xf32, #tpu.memory_space<vmem>>, vector<16xf32>,
        %add3A_422 = arith.addf %add3A_394, %get3A_421 : vector<16xf32>
        %add3A_423 = arith.constant 400 : i32
        %add3A_424 = arith.addi %mul3A_222, %add3A_423 : i32
        %get3A_425 = arith.constant 1 : i32
        %get3A_426 = arith.index_cast %get3A_425 : i32 to index
        %get3A_427 = arith.index_cast %add3A_424 : i32 to index
        %get3A_428 = tpu.vector_load %arg5[%get3A_426, %get3A_427] {strides = array<i32>} : memref<2x16384xf32, #tpu.memory_space<vmem>>, vector<16xf32>,
        %add3A_429 = arith.addf %add3A_401, %get3A_428 : vector<16xf32>
        %add3A_430 = arith.constant 416 : i32
        %add3A_431 = arith.addi %mul3A_222, %add3A_430 : i32
        %get3A_432 = arith.constant 1 : i32
        %get3A_433 = arith.index_cast %get3A_432 : i32 to index
        %get3A_434 = arith.index_cast %add3A_431 : i32 to index
        %get3A_435 = tpu.vector_load %arg5[%get3A_433, %get3A_434] {strides = array<i32>} : memref<2x16384xf32, #tpu.memory_space<vmem>>, vector<16xf32>,
        %add3A_436 = arith.addf %add3A_408, %get3A_435 : vector<16xf32>
        %add3A_437 = arith.constant 432 : i32
        %add3A_438 = arith.addi %mul3A_222, %add3A_437 : i32
        %get3A_439 = arith.constant 1 : i32
        %get3A_440 = arith.index_cast %get3A_439 : i32 to index
        %get3A_441 = arith.index_cast %add3A_438 : i32 to index
        %get3A_442 = tpu.vector_load %arg5[%get3A_440, %get3A_441] {strides = array<i32>} : memref<2x16384xf32, #tpu.memory_space<vmem>>, vector<16xf32>,
        %add3A_443 = arith.addf %add3A_415, %get3A_442 : vector<16xf32>
        %add3A_444 = arith.constant 448 : i32
        %add3A_445 = arith.addi %mul3A_222, %add3A_444 : i32
        %get3A_446 = arith.constant 1 : i32
        %get3A_447 = arith.index_cast %get3A_446 : i32 to index
        %get3A_448 = arith.index_cast %add3A_445 : i32 to index
        %get3A_449 = tpu.vector_load %arg5[%get3A_447, %get3A_448] {strides = array<i32>} : memref<2x16384xf32, #tpu.memory_space<vmem>>, vector<16xf32>,
        %add3A_450 = arith.addf %add3A_422, %get3A_449 : vector<16xf32>
        %add3A_451 = arith.constant 464 : i32
        %add3A_452 = arith.addi %mul3A_222, %add3A_451 : i32
        %get3A_453 = arith.constant 1 : i32
        %get3A_454 = arith.index_cast %get3A_453 : i32 to index
        %get3A_455 = arith.index_cast %add3A_452 : i32 to index
        %get3A_456 = tpu.vector_load %arg5[%get3A_454, %get3A_455] {strides = array<i32>} : memref<2x16384xf32, #tpu.memory_space<vmem>>, vector<16xf32>,
        %add3A_457 = arith.addf %add3A_429, %get3A_456 : vector<16xf32>
        %add3A_458 = arith.constant 480 : i32
        %add3A_459 = arith.addi %mul3A_222, %add3A_458 : i32
        %get3A_460 = arith.constant 1 : i32
        %get3A_461 = arith.index_cast %get3A_460 : i32 to index
        %get3A_462 = arith.index_cast %add3A_459 : i32 to index
        %get3A_463 = tpu.vector_load %arg5[%get3A_461, %get3A_462] {strides = array<i32>} : memref<2x16384xf32, #tpu.memory_space<vmem>>, vector<16xf32>,
        %add3A_464 = arith.addf %add3A_436, %get3A_463 : vector<16xf32>
        %add3A_465 = arith.constant 496 : i32
        %add3A_466 = arith.addi %mul3A_222, %add3A_465 : i32
        %get3A_467 = arith.constant 1 : i32
        %get3A_468 = arith.index_cast %get3A_467 : i32 to index
        %get3A_469 = arith.index_cast %add3A_466 : i32 to index
        %get3A_470 = tpu.vector_load %arg5[%get3A_468, %get3A_469] {strides = array<i32>} : memref<2x16384xf32, #tpu.memory_space<vmem>>, vector<16xf32>,
        %add3A_471 = arith.addf %add3A_443, %get3A_470 : vector<16xf32>
        %add3A_472 = arith.addf %add3A_450, %add3A_457 : vector<16xf32>
        %add3A_473 = arith.addf %add3A_464, %add3A_471 : vector<16xf32>
        %add3A_474 = arith.addf %add3A_472, %add3A_473 : vector<16xf32>
        %broadcast_in_dim3A_475 = vector.broadcast %squeeze3A : i32 to vector<16xi32>
        tpu.vector_store_idx %arg7[%iota3A, %broadcast_in_dim3A_475], %add3A_474 {add = true} : memref<16x513xf32, #tpu.memory_space<vmem>>[vector<16xi32>, vector<16xi32>], vector<16xf32>,
      } else {
      }
      %ne3A = arith.cmpi ne, %squeeze3A, %squeeze3A_234 : i32
      %convert_element_type3A_236 = arith.extui %ne3A : i1 to i32
      %cond3A_237 = arith.constant 0 : i32
      %cond3A_238 = arith.cmpi ne, %convert_element_type3A_236, %cond3A_237 : i32
      scf.if %cond3A_238 {
        %parallel_loop3A = arith.constant 0 : i32
        %parallel_loop3A_240 = arith.constant 32 : i32
        %parallel_loop3A_241 = arith.constant 1 : i32
        scf.for %parallel_loop3A_242 = %parallel_loop3A to %parallel_loop3A_240 step %parallel_loop3A_241  : i32 {
          %parallel_loop3A_243 = arith.constant 16 : i32
          %parallel_loop3A_244 = arith.muli %parallel_loop3A_242, %parallel_loop3A_243 : i32
          %parallel_loop3A_245 = arith.addi %mul3A_222, %parallel_loop3A_244 : i32
          %parallel_loop3A_246 = arith.constant 1 : i32
          %parallel_loop3A_247 = arith.index_cast %parallel_loop3A_246 : i32 to index
          %parallel_loop3A_248 = arith.index_cast %parallel_loop3A_245 : i32 to index
          %parallel_loop3A_249 = tpu.vector_load %arg5[%parallel_loop3A_247, %parallel_loop3A_248] {strides = array<i32>} : memref<2x16384xf32, #tpu.memory_space<vmem>>, vector<16xf32>,
          %parallel_loop3A_250 = arith.constant 1 : i32
          %parallel_loop3A_251 = arith.index_cast %parallel_loop3A_250 : i32 to index
          %parallel_loop3A_252 = arith.index_cast %parallel_loop3A_245 : i32 to index
          %parallel_loop3A_253 = tpu.vector_load %arg6[%parallel_loop3A_251, %parallel_loop3A_252] {strides = array<i32>} : memref<2x16384xi32, #tpu.memory_space<vmem>>, vector<16xi32>,
          tpu.vector_store_idx %arg7[%iota3A, %parallel_loop3A_253], %parallel_loop3A_249 {add = true} : memref<16x513xf32, #tpu.memory_space<vmem>>[vector<16xi32>, vector<16xi32>], vector<16xf32>,
        } {sc.loop_unroll_factor = 4 : i64, sc.parallel_access}
      } else {
      }
      %scan3A_239 = arith.constant 0 : i32
      scf.yield %scan3A_239 : i32
    }
    %scan3A_211 = arith.constant 32 : i32
    %scan3A_212 = arith.constant 0 : i32
    %scan3A_213 = arith.constant 0 : i32
    %scan3A_214 = arith.constant 32 : i32
    %scan3A_215 = arith.addi %scan3A_213, %scan3A_214 : i32
    %scan3A_216 = arith.constant 1 : i32
    %scan3A_217 = scf.for %scan3A_219 = %scan3A_213 to %scan3A_215 step %scan3A_216 iter_args(%scan3A_220 = %scan3A_212) -> (i32)  : i32 {
      %mul3A_221 = arith.constant 16 : i32
      %mul3A_222 = arith.muli %scan3A_219, %mul3A_221 : i32
      %get3A = arith.constant 0 : i32
      %get3A_223 = arith.index_cast %get3A : i32 to index
      %get3A_224 = arith.index_cast %mul3A_222 : i32 to index
      %get3A_225 = tpu.vector_load %arg7[%get3A_223, %get3A_224] {strides = array<i32>} : memref<16x513xf32, #tpu.memory_space<vmem>>, vector<16xf32>,
      %get3A_226 = arith.constant 1 : i32
      %get3A_227 = arith.index_cast %get3A_226 : i32 to index
      %get3A_228 = arith.index_cast %mul3A_222 : i32 to index
      %get3A_229 = tpu.vector_load %arg7[%get3A_227, %get3A_228] {strides = array<i32>} : memref<16x513xf32, #tpu.memory_space<vmem>>, vector<16xf32>,
      %add3A_230 = arith.addf %get3A_225, %get3A_229 : vector<16xf32>
      %get3A_231 = arith.constant 2 : i32
      %get3A_232 = arith.index_cast %get3A_231 : i32 to index
      %get3A_233 = arith.index_cast %mul3A_222 : i32 to index
      %get3A_234 = tpu.vector_load %arg7[%get3A_232, %get3A_233] {strides = array<i32>} : memref<16x513xf32, #tpu.memory_space<vmem>>, vector<16xf32>,
      %add3A_235 = arith.addf %add3A_230, %get3A_234 : vector<16xf32>
      %get3A_236 = arith.constant 3 : i32
      %get3A_237 = arith.index_cast %get3A_236 : i32 to index
      %get3A_238 = arith.index_cast %mul3A_222 : i32 to index
      %get3A_239 = tpu.vector_load %arg7[%get3A_237, %get3A_238] {strides = array<i32>} : memref<16x513xf32, #tpu.memory_space<vmem>>, vector<16xf32>,
      %add3A_240 = arith.addf %add3A_235, %get3A_239 : vector<16xf32>
      %get3A_241 = arith.constant 4 : i32
      %get3A_242 = arith.index_cast %get3A_241 : i32 to index
      %get3A_243 = arith.index_cast %mul3A_222 : i32 to index
      %get3A_244 = tpu.vector_load %arg7[%get3A_242, %get3A_243] {strides = array<i32>} : memref<16x513xf32, #tpu.memory_space<vmem>>, vector<16xf32>,
      %add3A_245 = arith.addf %add3A_240, %get3A_244 : vector<16xf32>
      %get3A_246 = arith.constant 5 : i32
      %get3A_247 = arith.index_cast %get3A_246 : i32 to index
      %get3A_248 = arith.index_cast %mul3A_222 : i32 to index
      %get3A_249 = tpu.vector_load %arg7[%get3A_247, %get3A_248] {strides = array<i32>} : memref<16x513xf32, #tpu.memory_space<vmem>>, vector<16xf32>,
      %add3A_250 = arith.addf %add3A_245, %get3A_249 : vector<16xf32>
      %get3A_251 = arith.constant 6 : i32
      %get3A_252 = arith.index_cast %get3A_251 : i32 to index
      %get3A_253 = arith.index_cast %mul3A_222 : i32 to index
      %get3A_254 = tpu.vector_load %arg7[%get3A_252, %get3A_253] {strides = array<i32>} : memref<16x513xf32, #tpu.memory_space<vmem>>, vector<16xf32>,
      %add3A_255 = arith.addf %add3A_250, %get3A_254 : vector<16xf32>
      %get3A_256 = arith.constant 7 : i32
      %get3A_257 = arith.index_cast %get3A_256 : i32 to index
      %get3A_258 = arith.index_cast %mul3A_222 : i32 to index
      %get3A_259 = tpu.vector_load %arg7[%get3A_257, %get3A_258] {strides = array<i32>} : memref<16x513xf32, #tpu.memory_space<vmem>>, vector<16xf32>,
      %add3A_260 = arith.addf %add3A_255, %get3A_259 : vector<16xf32>
      %get3A_261 = arith.constant 8 : i32
      %get3A_262 = arith.index_cast %get3A_261 : i32 to index
      %get3A_263 = arith.index_cast %mul3A_222 : i32 to index
      %get3A_264 = tpu.vector_load %arg7[%get3A_262, %get3A_263] {strides = array<i32>} : memref<16x513xf32, #tpu.memory_space<vmem>>, vector<16xf32>,
      %add3A_265 = arith.addf %add3A_260, %get3A_264 : vector<16xf32>
      %get3A_266 = arith.constant 9 : i32
      %get3A_267 = arith.index_cast %get3A_266 : i32 to index
      %get3A_268 = arith.index_cast %mul3A_222 : i32 to index
      %get3A_269 = tpu.vector_load %arg7[%get3A_267, %get3A_268] {strides = array<i32>} : memref<16x513xf32, #tpu.memory_space<vmem>>, vector<16xf32>,
      %add3A_270 = arith.addf %add3A_265, %get3A_269 : vector<16xf32>
      %get3A_271 = arith.constant 10 : i32
      %get3A_272 = arith.index_cast %get3A_271 : i32 to index
      %get3A_273 = arith.index_cast %mul3A_222 : i32 to index
      %get3A_274 = tpu.vector_load %arg7[%get3A_272, %get3A_273] {strides = array<i32>} : memref<16x513xf32, #tpu.memory_space<vmem>>, vector<16xf32>,
      %add3A_275 = arith.addf %add3A_270, %get3A_274 : vector<16xf32>
      %get3A_276 = arith.constant 11 : i32
      %get3A_277 = arith.index_cast %get3A_276 : i32 to index
      %get3A_278 = arith.index_cast %mul3A_222 : i32 to index
      %get3A_279 = tpu.vector_load %arg7[%get3A_277, %get3A_278] {strides = array<i32>} : memref<16x513xf32, #tpu.memory_space<vmem>>, vector<16xf32>,
      %add3A_280 = arith.addf %add3A_275, %get3A_279 : vector<16xf32>
      %get3A_281 = arith.constant 12 : i32
      %get3A_282 = arith.index_cast %get3A_281 : i32 to index
      %get3A_283 = arith.index_cast %mul3A_222 : i32 to index
      %get3A_284 = tpu.vector_load %arg7[%get3A_282, %get3A_283] {strides = array<i32>} : memref<16x513xf32, #tpu.memory_space<vmem>>, vector<16xf32>,
      %add3A_285 = arith.addf %add3A_280, %get3A_284 : vector<16xf32>
      %get3A_286 = arith.constant 13 : i32
      %get3A_287 = arith.index_cast %get3A_286 : i32 to index
      %get3A_288 = arith.index_cast %mul3A_222 : i32 to index
      %get3A_289 = tpu.vector_load %arg7[%get3A_287, %get3A_288] {strides = array<i32>} : memref<16x513xf32, #tpu.memory_space<vmem>>, vector<16xf32>,
      %add3A_290 = arith.addf %add3A_285, %get3A_289 : vector<16xf32>
      %get3A_291 = arith.constant 14 : i32
      %get3A_292 = arith.index_cast %get3A_291 : i32 to index
      %get3A_293 = arith.index_cast %mul3A_222 : i32 to index
      %get3A_294 = tpu.vector_load %arg7[%get3A_292, %get3A_293] {strides = array<i32>} : memref<16x513xf32, #tpu.memory_space<vmem>>, vector<16xf32>,
      %add3A_295 = arith.addf %add3A_290, %get3A_294 : vector<16xf32>
      %get3A_296 = arith.constant 15 : i32
      %get3A_297 = arith.index_cast %get3A_296 : i32 to index
      %get3A_298 = arith.index_cast %mul3A_222 : i32 to index
      %get3A_299 = tpu.vector_load %arg7[%get3A_297, %get3A_298] {strides = array<i32>} : memref<16x513xf32, #tpu.memory_space<vmem>>, vector<16xf32>,
      %add3A_300 = arith.addf %add3A_295, %get3A_299 : vector<16xf32>
      %swap3A = arith.constant 0 : i32
      %swap3A_301 = arith.index_cast %swap3A : i32 to index
      %swap3A_302 = arith.index_cast %mul3A_222 : i32 to index
      %swap3A_303 = tpu.vector_load %arg7[%swap3A_301, %swap3A_302] {strides = array<i32>} : memref<16x513xf32, #tpu.memory_space<vmem>>, vector<16xf32>,
      tpu.vector_store %arg7[%swap3A_301, %swap3A_302], %add3A_300 {strides = array<i32>} : memref<16x513xf32, #tpu.memory_space<vmem>>, vector<16xf32>,
      %scan3A_304 = arith.constant 0 : i32
      scf.yield %scan3A_304 : i32
    }
    %scan3A_218 = arith.constant 32 : i32
    %run_scoped3A = arith.constant 0 : i32
    "tpu.region"() ({
      %run_scoped3A_219 = tpu.sem_alloc : memref<!tpu.dma_semaphore, #tpu.memory_space<semaphore_mem>>
      %dma_start3A_220 = arith.constant 0 : i32
      %dma_start3A_221 = tpu.memref_slice %arg7[%run_scoped3A, %dma_start3A_220] : memref<16x513xf32, #tpu.memory_space<vmem>> -> memref<1x512xf32, #tpu.memory_space<vmem>>
      %dma_start3A_222 = tpu.memref_squeeze %dma_start3A_221 : memref<1x512xf32, #tpu.memory_space<vmem>> -> memref<512xf32, #tpu.memory_space<vmem>>
      %dma_start3A_223 = arith.constant 0 : i32
      %dma_start3A_224 = tpu.memref_slice %arg4[%add3A, %dma_start3A_223] : memref<32x512xf32, #tpu.memory_space<hbm>> -> memref<1x512xf32, #tpu.memory_space<hbm>>
      %dma_start3A_225 = tpu.memref_squeeze %dma_start3A_224 : memref<1x512xf32, #tpu.memory_space<hbm>> -> memref<512xf32, #tpu.memory_space<hbm>>
      %dma_start3A_226 = arith.constant 0 : i32
      %dma_start3A_227 = tpu.memref_slice %arg4[%add3A, %dma_start3A_226] : memref<32x512xf32, #tpu.memory_space<hbm>> -> memref<1x512xf32, #tpu.memory_space<hbm>>
      %dma_start3A_228 = tpu.memref_squeeze %dma_start3A_227 : memref<1x512xf32, #tpu.memory_space<hbm>> -> memref<512xf32, #tpu.memory_space<hbm>>
      %dma_start3A_229 = arith.constant 0 : i32
      %dma_start3A_230 = tpu.memref_slice %arg7[%run_scoped3A, %dma_start3A_229] : memref<16x513xf32, #tpu.memory_space<vmem>> -> memref<1x512xf32, #tpu.memory_space<vmem>>
      %dma_start3A_231 = tpu.memref_squeeze %dma_start3A_230 : memref<1x512xf32, #tpu.memory_space<vmem>> -> memref<512xf32, #tpu.memory_space<vmem>>
      tpu.enqueue_dma source(%dma_start3A_231 : memref<512xf32, #tpu.memory_space<vmem>>) target(%dma_start3A_228 : memref<512xf32, #tpu.memory_space<hbm>>) target_semaphore(%run_scoped3A_219 : memref<!tpu.dma_semaphore, #tpu.memory_space<semaphore_mem>>)
      %dma_wait3A_232 = arith.constant 0 : i32
      %dma_wait3A_233 = tpu.memref_slice %arg7[%run_scoped3A, %dma_wait3A_232] : memref<16x513xf32, #tpu.memory_space<vmem>> -> memref<1x512xf32, #tpu.memory_space<vmem>>
      %dma_wait3A_234 = tpu.memref_squeeze %dma_wait3A_233 : memref<1x512xf32, #tpu.memory_space<vmem>> -> memref<512xf32, #tpu.memory_space<vmem>>
      %dma_wait3A_235 = arith.constant 0 : i32
      %dma_wait3A_236 = tpu.memref_slice %arg4[%add3A, %dma_wait3A_235] : memref<32x512xf32, #tpu.memory_space<hbm>> -> memref<1x512xf32, #tpu.memory_space<hbm>>
      %dma_wait3A_237 = tpu.memref_squeeze %dma_wait3A_236 : memref<1x512xf32, #tpu.memory_space<hbm>> -> memref<512xf32, #tpu.memory_space<hbm>>
      %dma_wait3A_238 = arith.constant 0 : i32
      %dma_wait3A_239 = tpu.memref_slice %arg4[%add3A, %dma_wait3A_238] : memref<32x512xf32, #tpu.memory_space<hbm>> -> memref<1x512xf32, #tpu.memory_space<hbm>>
      %dma_wait3A_240 = tpu.memref_squeeze %dma_wait3A_239 : memref<1x512xf32, #tpu.memory_space<hbm>> -> memref<512xf32, #tpu.memory_space<hbm>>
      %dma_wait3A_241 = arith.constant 0 : i32
      %dma_wait3A_242 = tpu.memref_slice %arg7[%run_scoped3A, %dma_wait3A_241] : memref<16x513xf32, #tpu.memory_space<vmem>> -> memref<1x512xf32, #tpu.memory_space<vmem>>
      %dma_wait3A_243 = tpu.memref_squeeze %dma_wait3A_242 : memref<1x512xf32, #tpu.memory_space<vmem>> -> memref<512xf32, #tpu.memory_space<vmem>>
      tpu.wait_dma2 semaphore(%run_scoped3A_219 : memref<!tpu.dma_semaphore, #tpu.memory_space<semaphore_mem>>) src(%dma_wait3A_243 : memref<512xf32, #tpu.memory_space<vmem>>) dst(%dma_wait3A_240 : memref<512xf32, #tpu.memory_space<hbm>>)
      tpu.yield
    }) : () -> ()
    return
  }
}

module attributes {stable_mosaic.version = 14 : i64} {
  func.func @_vals_body(%arg0: i32, %arg1: memref<524288xf32, #tpu.memory_space<vmem>>, %arg2: memref<524288xf32, #tpu.memory_space<vmem>>, %arg3: memref<524288xf32, #tpu.memory_space<vmem>>, %arg4: memref<524288xf32, #tpu.memory_space<vmem>>) attributes {dimension_semantics = [#tpu.dimension_semantics<arbitrary>], iteration_bounds = array<i64: 4>, scalar_prefetch = 0 : i64, scratch_operands = 0 : i64, tpu.core_type = #tpu.core_type<tc>, window_params = [{transform_indices = @transform_0, window_bounds = array<i64: 524288>}, {transform_indices = @transform_1, window_bounds = array<i64: 524288>}, {transform_indices = @transform_2, window_bounds = array<i64: 524288>}, {transform_indices = @transform_3, window_bounds = array<i64: 524288>}]} {
    %get3A = arith.constant 0 : index
    %get3A_0 = vector.load %arg1[%get3A] : memref<524288xf32, #tpu.memory_space<vmem>>, vector<524288xf32>
    %mul3A = arith.constant -1.200000e+01 : f32
    %mul3A_1 = vector.broadcast %mul3A : f32 to vector<524288xf32>
    %mul3A_2 = arith.mulf %get3A_0, %mul3A_1 : vector<524288xf32>
    %exp3A = math.exp %mul3A_2 : vector<524288xf32>
    %add3A = arith.constant 1.000000e+00 : f32
    %add3A_3 = vector.broadcast %add3A : f32 to vector<524288xf32>
    %add3A_4 = arith.addf %add3A_3, %exp3A : vector<524288xf32>
    %div3A = arith.constant 1.000000e+00 : f32
    %div3A_5 = vector.broadcast %div3A : f32 to vector<524288xf32>
    %div3A_6 = arith.divf %div3A_5, %add3A_4 : vector<524288xf32>
    %get3A_7 = arith.constant 0 : index
    %get3A_8 = vector.load %arg3[%get3A_7] : memref<524288xf32, #tpu.memory_space<vmem>>, vector<524288xf32>
    %get3A_9 = arith.constant 0 : index
    %get3A_10 = vector.load %arg2[%get3A_9] : memref<524288xf32, #tpu.memory_space<vmem>>, vector<524288xf32>
    %mul3A_11 = arith.mulf %get3A_8, %get3A_10 : vector<524288xf32>
    %mul3A_12 = arith.mulf %mul3A_11, %div3A_6 : vector<524288xf32>
    %swap3A = arith.constant 0 : index
    %swap3A_13 = vector.load %arg4[%swap3A] : memref<524288xf32, #tpu.memory_space<vmem>>, vector<524288xf32>
    tpu.vector_store %arg4[%swap3A], %mul3A_12 {strides = array<i32>} : memref<524288xf32, #tpu.memory_space<vmem>>, vector<524288xf32>,
    return
  }
  func.func @transform_0(%arg0: i32) -> i32 {
    %add3A = arith.constant 0 : i32
    %add3A_0 = arith.addi %arg0, %add3A : i32
    %c0_i32 = arith.constant 0 : i32
    return %add3A_0 : i32
  }
  func.func @transform_1(%arg0: i32) -> i32 {
    %add3A = arith.constant 0 : i32
    %add3A_0 = arith.addi %arg0, %add3A : i32
    %c0_i32 = arith.constant 0 : i32
    return %add3A_0 : i32
  }
  func.func @transform_2(%arg0: i32) -> i32 {
    %add3A = arith.constant 0 : i32
    %add3A_0 = arith.addi %arg0, %add3A : i32
    %c0_i32 = arith.constant 0 : i32
    return %add3A_0 : i32
  }
  func.func @transform_3(%arg0: i32) -> i32 {
    %c0_i32 = arith.constant 0 : i32
    return %arg0 : i32
  }
}

module attributes {stable_mosaic.version = 14 : i64} {
  func.func @_finalize_body(%arg0: memref<32x512xf32, #tpu.memory_space<vmem>>, %arg1: memref<32x512xf32, #tpu.memory_space<vmem>>, %arg2: memref<1x1xf32, #tpu.memory_space<smem>>) attributes {dimension_semantics = [], scalar_prefetch = 0 : i64, scratch_operands = 0 : i64, tpu.core_type = #tpu.core_type<tc>} {
    %get3A = arith.constant 0 : index
    %get3A_0 = arith.constant 0 : index
    %get3A_1 = vector.load %arg0[%get3A, %get3A_0] : memref<32x512xf32, #tpu.memory_space<vmem>>, vector<32x512xf32>
    %reduce_sum3A = arith.constant dense<0.000000e+00> : vector<512xf32>
    %reduce_sum3A_2 = vector.multi_reduction <add>, %get3A_1, %reduce_sum3A [0] : vector<32x512xf32> to vector<512xf32>
    %broadcast_in_dim3A = vector.shape_cast %reduce_sum3A_2 : vector<512xf32> to vector<1x512xf32>
    %get3A_3 = arith.constant 0 : index
    %get3A_4 = arith.constant 0 : index
    %get3A_5 = vector.load %arg1[%get3A_3, %get3A_4] : memref<32x512xf32, #tpu.memory_space<vmem>>, vector<32x512xf32>
    %reduce_sum3A_6 = arith.constant dense<0.000000e+00> : vector<512xf32>
    %reduce_sum3A_7 = vector.multi_reduction <add>, %get3A_5, %reduce_sum3A_6 [0] : vector<32x512xf32> to vector<512xf32>
    %broadcast_in_dim3A_8 = vector.shape_cast %reduce_sum3A_7 : vector<512xf32> to vector<1x512xf32>
    %add3A = arith.addf %broadcast_in_dim3A, %broadcast_in_dim3A_8 : vector<1x512xf32>
    %reduce_sum3A_9 = vector.shape_cast %add3A : vector<1x512xf32> to vector<1x1x512xf32>
    %reduce_sum3A_10 = arith.constant dense<0.000000e+00> : vector<1xf32>
    %reduce_sum3A_11 = vector.multi_reduction <add>, %reduce_sum3A_9, %reduce_sum3A_10 [1, 2] : vector<1x1x512xf32> to vector<1xf32>
    %reduce_sum3A_12 = vector.shape_cast %reduce_sum3A_11 : vector<1xf32> to vector<1x1x1xf32>
    %reduce_sum3A_13 = vector.extract %reduce_sum3A_12[0, 0, 0] : f32 from vector<1x1x1xf32>
    %mul3A = arith.mulf %add3A, %add3A : vector<1x512xf32>
    %reduce_sum3A_14 = vector.shape_cast %mul3A : vector<1x512xf32> to vector<1x1x512xf32>
    %reduce_sum3A_15 = arith.constant dense<0.000000e+00> : vector<1xf32>
    %reduce_sum3A_16 = vector.multi_reduction <add>, %reduce_sum3A_14, %reduce_sum3A_15 [1, 2] : vector<1x1x512xf32> to vector<1xf32>
    %reduce_sum3A_17 = vector.shape_cast %reduce_sum3A_16 : vector<1xf32> to vector<1x1x1xf32>
    %reduce_sum3A_18 = vector.extract %reduce_sum3A_17[0, 0, 0] : f32 from vector<1x1x1xf32>
    %mul3A_19 = arith.constant 1.000000e+00 : f32
    %mul3A_20 = arith.mulf %mul3A_19, %reduce_sum3A_13 : f32
    %mul3A_21 = arith.mulf %mul3A_20, %reduce_sum3A_13 : f32
    %neg3A = arith.constant 0.000000e+00 : f32
    %neg3A_22 = arith.subf %neg3A, %mul3A_21 : f32
    %div3A = arith.divf %neg3A_22, %reduce_sum3A_18 : f32
    %swap3A = arith.constant 0 : index
    %swap3A_23 = arith.constant 0 : index
    %swap3A_24 = memref.load %arg2[%swap3A, %swap3A_23] : memref<1x1xf32, #tpu.memory_space<smem>>
    memref.store %div3A, %arg2[%swap3A, %swap3A_23] : memref<1x1xf32, #tpu.memory_space<smem>>
    return
  }
}

module attributes {stable_mosaic.version = 14 : i64} {
  func.func @_vals_body(%arg0: i32, %arg1: memref<524288xf32, #tpu.memory_space<vmem>>, %arg2: memref<524288xf32, #tpu.memory_space<vmem>>, %arg3: memref<524288xf32, #tpu.memory_space<vmem>>, %arg4: memref<524288xf32, #tpu.memory_space<vmem>>) attributes {dimension_semantics = [#tpu.dimension_semantics<arbitrary>], iteration_bounds = array<i64: 4>, scalar_prefetch = 0 : i64, scratch_operands = 0 : i64, tpu.core_type = #tpu.core_type<tc>, window_params = [{transform_indices = @transform_0, window_bounds = array<i64: 524288>}, {transform_indices = @transform_1, window_bounds = array<i64: 524288>}, {transform_indices = @transform_2, window_bounds = array<i64: 524288>}, {transform_indices = @transform_3, window_bounds = array<i64: 524288>}]} {
    %get3A = arith.constant 0 : index
    %get3A_0 = vector.load %arg1[%get3A] : memref<524288xf32, #tpu.memory_space<vmem>>, vector<524288xf32>
    %mul3A = arith.constant -1.200000e+01 : f32
    %mul3A_1 = vector.broadcast %mul3A : f32 to vector<524288xf32>
    %mul3A_2 = arith.mulf %get3A_0, %mul3A_1 : vector<524288xf32>
    %exp3A = math.exp %mul3A_2 : vector<524288xf32>
    %add3A = arith.constant 1.000000e+00 : f32
    %add3A_3 = vector.broadcast %add3A : f32 to vector<524288xf32>
    %add3A_4 = arith.addf %add3A_3, %exp3A : vector<524288xf32>
    %div3A = arith.constant 1.000000e+00 : f32
    %div3A_5 = vector.broadcast %div3A : f32 to vector<524288xf32>
    %div3A_6 = arith.divf %div3A_5, %add3A_4 : vector<524288xf32>
    %get3A_7 = arith.constant 0 : index
    %get3A_8 = vector.load %arg3[%get3A_7] : memref<524288xf32, #tpu.memory_space<vmem>>, vector<524288xf32>
    %get3A_9 = arith.constant 0 : index
    %get3A_10 = vector.load %arg2[%get3A_9] : memref<524288xf32, #tpu.memory_space<vmem>>, vector<524288xf32>
    %mul3A_11 = arith.mulf %get3A_8, %get3A_10 : vector<524288xf32>
    %mul3A_12 = arith.mulf %mul3A_11, %div3A_6 : vector<524288xf32>
    %swap3A = arith.constant 0 : index
    %swap3A_13 = vector.load %arg4[%swap3A] : memref<524288xf32, #tpu.memory_space<vmem>>, vector<524288xf32>
    tpu.vector_store %arg4[%swap3A], %mul3A_12 {strides = array<i32>} : memref<524288xf32, #tpu.memory_space<vmem>>, vector<524288xf32>,
    return
  }
  func.func @transform_0(%arg0: i32) -> i32 {
    %add3A = arith.constant 4 : i32
    %add3A_0 = arith.addi %arg0, %add3A : i32
    %c0_i32 = arith.constant 0 : i32
    return %add3A_0 : i32
  }
  func.func @transform_1(%arg0: i32) -> i32 {
    %add3A = arith.constant 4 : i32
    %add3A_0 = arith.addi %arg0, %add3A : i32
    %c0_i32 = arith.constant 0 : i32
    return %add3A_0 : i32
  }
  func.func @transform_2(%arg0: i32) -> i32 {
    %add3A = arith.constant 4 : i32
    %add3A_0 = arith.addi %arg0, %add3A : i32
    %c0_i32 = arith.constant 0 : i32
    return %add3A_0 : i32
  }
  func.func @transform_3(%arg0: i32) -> i32 {
    %c0_i32 = arith.constant 0 : i32
    return %arg0 : i32
  }
}

</mosaic_0001>

<sc_bundles>
// kernel: kernel.10.cloned.1.call-start
scs
__scs_entry_jumppad:
0x0: {  	(pc) =	sbr.rel $0x88, $3  }
0x1: {  	(tag) =	ssettag $0x0;
	lr =	simm.s32 $0x1  }
0x2: {  	[smem:$0x3F9D] =	sst lr;
	_ =	strace $0xD0000000  }
0x3: {  	_ = 	snop  }
0x4: {  	_ = 	snop  }
0x5: {  	_ = 	snop  }
0x6: {  	_ = 	snop  }
0x7: {  	_ = 	snop  }
__scs_overlays_trampoline_lowered:
0x8: {  	[smem:$0x3FAC] =	sst s0  }
0x9: {  	[smem:$0x3FAD] =	sst s1  }
0xa: {  	[smem:$0x3FAE] =	sst s2  }
0xb: {  	[smem:$0x3FAF] =	sst s3  }
0xc: {  	[smem:$0x3FB0] =	sst s4  }
0xd: {  	[smem:$0x3FB1] =	sst s5  }
0xe: {  	[smem:$0x3FB2] =	sst s6  }
0xf: {  	[smem:$0x3FB3] =	sst s7  }
0x10: {  	[smem:$0x3FB4] =	sst s8  }
0x11: {  	[smem:$0x3FB5] =	sst s9;
	s0 =	simm.s32 @!p0 $0x0  }
0x12: {  	s1 =	sld [smem:$0x3F9B];
	s0 =	simm.s32 @p0 $0x1  }
0x13: {  	[smem:$0x3FB6] =	sst s0;
	s0 =	simm.s32 @!p1 $0x0  }
0x14: {  	s2 =	sld [smem:$0x3F9A];
	s0 =	simm.s32 @p1 $0x1  }
0x15: {  	[smem:$0x3FB7] =	sst s0;
	s0 =	simm.s32 @!p2 $0x0  }
0x16: {  	s3 =	sld [smem:$0x3FDB];
	s0 =	simm.s32 @p2 $0x1  }
0x17: {  	s4 =	simm.s32 $0x1BF5;
	[smem:$0x3FB9] =	sst s0  }
0x18: {  	s0 =	sld [smem:$0x3F9C];
	_ =	swait.ge [sflag:s4], $0x0  }
0x19: {  	s7 =	sld [smem:$0x3F9D]  }
0x1a: {  	s8 =	sadd.s32 $0xFFFFE003, lr  }
0x1b: {  	s9 =	sadd.s32 $0xFFFFFEF7, lr;
	s5 =	simm.s32 $0xFFFFFFFF;
	p2 =	slt.u32 s8, $0xFFFFF086  }
0x1c: {  	p1 =	slt.u32 s9, $0xF7A;
	s5 =	simm.s32 @!p2 $0x0  }
0x1d: {  	s5 =	simm.s32 @p1 $0x1;
	p0 =	seq.s32 s7, s2  }
0x1e: {  	s7 =	smul.u32 @!p0 $0xF7A, s2;
	p2 =	seq.s32 @!p0 s5, $0x0  }
0x1f: {  	s9 =	smul.u32 $0xF7A, s1;
	s8 =	simm.s32 @!p0 $0x1BF5;
	p2 =	por !p2, p0  }
0x20: {  	[sflag:s8] =	ssyncset.s32 @!p0 $0xFFFFF086;
	s6 =	sadd.s32 @!p0 s3, s7;
	s7 =	simm.s32 @!p0 $0x108  }
0x21: {  	s3 =	sadd.s32 s3, s9;
	s6 =	sadd.s32 @!p0 $0x88, s6;
	s7 =	simm.s32 @p2 $0x1082  }
0x22: {  	[simem:s7], [sflag:s8] =	dma.local @!p0 [hbm:s6], $0xF7A  }
0x23: {  	s9 =	sor.u32 $0xD0000000, s2;
	s6 =	simm.s32 $0x108;
	_ =	swait.ge @!p0 [sflag:s8], $0x0  }
0x24: {  	s3 =	sadd.s32 $0x88, s3;
	s6 =	simm.s32 @!p1 $0x1082;
	[sflag:s4] =	ssyncset.s32 $0xFFFFF086  }
0x25: {  	[simem:s6], [sflag:s4] =	dma.local [hbm:s3], $0xF7A  }
0x26: {  	[smem:$0x3F9D] =	sst s1;
	(tag) =	ssettag s2;
	_ =	strace s9  }
0x27: {  	s1 =	sld [smem:$0x3FAD]  }
0x28: {  	s2 =	sld [smem:$0x3FAE]  }
0x29: {  	s4 =	sld [smem:$0x3FB0]  }
0x2a: {  	p0 =	seq.s32 s5, $0x0;
	s5 =	sld [smem:$0x3FB1]  }
0x2b: {  	s6 =	sld [smem:$0x3FB2]  }
0x2c: {  	s7 =	sld [smem:$0x3FB3]  }
0x2d: {  	s3 =	simm.s32 $0x108;
	s8 =	sld [smem:$0x3FB4]  }
0x2e: {  	s3 =	simm.s32 @!p0 $0x1082;
	s9 =	sld [smem:$0x3FB5]  }
0x2f: {  	lr =	sadd.s32 s0, s3;
	s0 =	sld [smem:$0x3FAC]  }
0x30: {  	s3 =	sld [smem:$0x3FAF]  }
0x31: {  	[smem:$0x3FB8] =	sst s10  }
0x32: {  	s10 =	sld [smem:$0x3FB6];
	_ =	sdelay $0x3  }
0x33: {  	p0 =	seq.s32 s10, $0x1;
	s10 =	sld [smem:$0x3FB8];
	_ =	sdelay $0x3  }
0x34: {  	[smem:$0x3FB8] =	sst s10  }
0x35: {  	s10 =	sld [smem:$0x3FB7];
	_ =	sdelay $0x3  }
0x36: {  	p1 =	seq.s32 s10, $0x1;
	s10 =	sld [smem:$0x3FB8];
	_ =	sdelay $0x3  }
0x37: {  	[smem:$0x3FB8] =	sst s10  }
0x38: {  	s10 =	sld [smem:$0x3FB9]  }
0x39: {  	_ = 	snop;
	(pc) =	sbr.ind lr, $3  }
0x3a: {  	_ = 	snop  }
0x3b: {  	_ = 	snop  }
0x3c: {  	p2 =	seq.s32 s10, $0x1;
	s10 =	sld [smem:$0x3FB8]  }
0x3d: {  	_ =	shalt  }
0x3e: {  	_ =	shalt  }
0x3f: {  	_ =	shalt  }
0x40: {  	_ =	shalt  }
0x41: {  	_ =	shalt  }
0x42: {  	_ =	shalt  }
0x43: {  	_ =	shalt  }
0x44: {  	_ =	shalt  }
0x45: {  	_ =	shalt  }
0x46: {  	_ =	shalt  }
0x47: {  	_ =	shalt  }
0x48: {  	_ =	shalt  }
0x49: {  	_ =	shalt  }
0x4a: {  	_ =	shalt  }
0x4b: {  	_ =	shalt  }
0x4c: {  	_ =	shalt  }
0x4d: {  	_ =	shalt  }
0x4e: {  	_ =	shalt  }
0x4f: {  	_ =	shalt  }
0x50: {  	_ =	shalt  }
0x51: {  	_ =	shalt  }
0x52: {  	_ =	shalt  }
0x53: {  	_ =	shalt  }
0x54: {  	_ =	shalt  }
0x55: {  	_ =	shalt  }
0x56: {  	_ =	shalt  }
0x57: {  	_ =	shalt  }
0x58: {  	_ =	shalt  }
0x59: {  	_ =	shalt  }
0x5a: {  	_ =	shalt  }
0x5b: {  	_ =	shalt  }
0x5c: {  	_ =	shalt  }
0x5d: {  	_ =	shalt  }
0x5e: {  	_ =	shalt  }
0x5f: {  	_ =	shalt  }
0x60: {  	_ =	shalt  }
0x61: {  	_ =	shalt  }
0x62: {  	_ =	shalt  }
0x63: {  	_ =	shalt  }
0x64: {  	_ =	shalt  }
0x65: {  	_ =	shalt  }
0x66: {  	_ =	shalt  }
0x67: {  	_ =	shalt  }
0x68: {  	_ =	shalt  }
0x69: {  	_ =	shalt  }
0x6a: {  	_ =	shalt  }
0x6b: {  	_ =	shalt  }
0x6c: {  	_ =	shalt  }
0x6d: {  	_ =	shalt  }
0x6e: {  	_ =	shalt  }
0x6f: {  	_ =	shalt  }
0x70: {  	_ =	shalt  }
0x71: {  	_ =	shalt  }
0x72: {  	_ =	shalt  }
0x73: {  	_ =	shalt  }
0x74: {  	_ =	shalt  }
0x75: {  	_ =	shalt  }
0x76: {  	_ =	shalt  }
0x77: {  	_ =	shalt  }
0x78: {  	_ =	shalt  }
0x79: {  	_ =	shalt  }
0x7a: {  	_ =	shalt  }
0x7b: {  	_ =	shalt  }
0x7c: {  	_ =	shalt  }
0x7d: {  	_ =	shalt  }
0x7e: {  	_ =	shalt  }
0x7f: {  	_ =	shalt  }
0x80: {  	_ =	shalt  }
0x81: {  	_ =	shalt  }
0x82: {  	_ =	shalt  }
0x83: {  	_ =	shalt  }
0x84: {  	_ =	shalt  }
0x85: {  	_ =	shalt  }
0x86: {  	_ =	shalt  }
0x87: {  	_ =	shalt  }
.Lfunc_end0:
.L_simem_size_0:
called_computation.1_lowered:
.L_overlay_start_0:
0x88: {  	s2 =	sld [smem:$0x3FD9]  }
0x89: {  	s3 =	sld [smem:$0x3FFE];
	_ =	sdelay $0x1  }
0x8a: {  	s1 =	srdreg.scid  }
0x8b: {  	s0 =	sand.u32 $0x1, s1  }
0x8c: {  	s17 =	sshll.u32 s0, $0xA;
	s2 =	sadd.s32 s3, s2  }
0x8d: {  	s2 =	sadd.s32 s2, s17  }
0x8e: {  	[smem:$0x3FC4] =	sst s2  }
0x8f: {  	_ = 	snop  }
0x90: {  	s2 =	sld [smem:$0x3FC6];
	(tm) =	ssettm $0x1  }
0x91: {  	s18 =	sld [smem:$0x3FFB];
	_ =	sdelay $0x3  }
0x92: {  	_ =	strace s18  }
0x93: {  	s3 =	sld [smem:$0x3FFC];
	_ =	sdelay $0x3  }
0x94: {  	_ =	strace s3  }
0x95: {  	s3 =	sld [smem:$0x3FFD];
	_ =	sdelay $0x3  }
0x96: {  	_ =	strace s3  }
0x97: {  	_ =	strace $0x8FFFFFFF  }
0x98: {  	s19 =	sld [smem:$0x3FDB];
	_ =	sdelay $0x1  }
0x99: {  	s4 =	simm.s32 $_scs_section_size  }
0x9a: {  	s5 =	simm.s32 $_size__tile_overlayer_lowered;
	s6 =	simm.s32 $_tile_overlayer_lowered  }
0x9b: {  	s22 =	simm.s32 $0x1BFF;
	s21 =	sshll.u32 s6, $0x1;
	s3 =	sadd.s32 s4, s19  }
0x9c: {  	s7 =	simm.s32 $0x0;
	s20 =	sshll.u32 s5, $0x1;
	s5 =	sadd.s32 s21, s3  }
0x9d: {  	[timem:s7], [sflag:s22] =	dma.local [hbm:s5], s20  }
0x9e: {  	_ =	swait.ge [sflag:s22], s20  }
0x9f: {  	s4 =	ssub.s32 $0x0, s20;
	[sflag:s22] =	ssyncset.done $0x0  }
0xa0: {  	[sflag:s22] =	ssyncadd.s32 s4;
	_ =	sdelay $0x1  }
0xa1: {  	s23 =	simm.s32 $0x1B8B  }
0xa2: {  	_ =	swait.ge [sflag:s23], $0x1  }
0xa3: {  	[sflag:s23] =	ssyncset.done $0x0  }
0xa4: {  	s25 =	simm.s32 $0x1B8E;
	s24 =	sld [smem:$0x3FFE];
	[sflag:s23] =	ssyncadd.s32 $0xFFFFFFFF  }
0xa5: {  	s26 =	simm.s32 $execute0_lowered;
	[smem:$0x3FD2] =	sst s25  }
0xa6: {  	s5 =	sshll.u32 s26, $0x1;
	_ =	strace $0x80000046;
	[dreg:$0x1] =	wrdreg $0xFFFFFFFF  }
0xa7: {  	s28 =	simm.s32 $_size_execute0_lowered;
	s3 =	sadd.s32 s3, s5;
	[dreg:$0x0] =	wrdreg $0x0  }
0xa8: {  	s5 =	sshll.u32 s28, $0x1;
	[dreg:$0x2] =	wrdreg s3  }
0xa9: {  	[dreg:$0x3] =	wrdreg s5  }
0xaa: {  	[dreg:$0x4] =	wrdreg $0xC0  }
0xab: {  	_ =	task [dreg:s7], $0x5FFFF  }
0xac: {  	[dreg:$0x1] =	wrdreg $0xFFFFFFFF  }
0xad: {  	[dreg:$0x0] =	wrdreg $0x60  }
0xae: {  	[dreg:$0x2] =	wrdreg s24  }
0xaf: {  	[dreg:$0x3] =	wrdreg s2  }
0xb0: {  	[dreg:$0x4] =	wrdreg $0xA  }
0xb1: {  	_ =	task.clear_ibuf [dreg:s7], $0x5FFFF;
	_ =	strace $0x90000046  }
0xb2: {  	s29 =	simm.s32 $0xA;
	_ =	strace $0x80000048  }
0xb3: {  	_ =	swait.ge [sflag:s29], $0x1  }
0xb4: {  	[sflag:s29] =	ssyncadd.s32 $0xFFFFFFFF  }
0xb5: {  	_ =	strace $0x90000048  }
0xb6: {  	_ =	sfence  }
0xb7: {  	s30 =	sld [smem:$0x0];
	_ =	sdelay $0x2  }
0xb8: {  	s31 =	sshll.u32 s1, $0xD;
	s1 =	sshrl.u32 s1, $0x2  }
0xb9: {  	s3 =	sand.u32 $0x4000, s31;
	s1 =	sadd.s32 s1, s30  }
0xba: {  	s0 =	sor.u32 s3, s0;
	s1 =	sshll.u32 s1, $0x11  }
0xbb: {  	s0 =	sor.u32 s1, s0  }
0xbc: {  	s0 =	sadd.s32 $0x8F2B, s0  }
0xbd: {  	[sflag:s0] =	ssyncadd.remote.s32 $0x1  }
0xbe: {  	_ =	sfence.sel $0xFFFF  }
0xbf: {  	[dreg:$0x0] =	wrdreg $0xFFFFFFFF;
	(pc) =	sbr.abs _section_cstart, $3  }
0xc0: {  	[dreg:$0x1] =	wrdreg $0xFFFFFFFF  }
0xc1: {  	_ =	task.clear_ibuf [dreg:s7], $0x2FFFF;
	_ =	strace $0x9FFFFFFF  }
0xc2: {  	(tm) =	ssettm $0x7FFFFFFF  }
0xc3: {  	_ =	shalt  }
tec
execute0_lowered:
.L_overlay_start_1:
0x0: {  	(tag) =	ssettag $0x1  }
0x1: {  	v0 =	vimm.s32 $0x1780;
	vm0 =	vcmask $0x300  }
0x2: {  	s3 =	rddreg [dreg:$0x0];
	vm14 =	vcmask $0x704;
	v0 =	vsel vm0, $0x0, v0  }
0x3: {  	s4 =	rddreg [dreg:$0x1];
	vm15 =	vcmask $0xB08;
	v0 =	vsel vm14, $0x80, v0  }
0x4: {  	s0 =	rddreg [dreg:$0x2];
	s2 =	simm.s32 $0x0;
	s5 =	srdreg.scid;
	vm4 =	vcmask $0xF0C;
	v0 =	vsel vm15, $0x100, v0  }
0x5: {  	s1 =	stileid.u32;
	vm5 =	vcmask $0x1310;
	s14 =	simm.s32 $0x10000;
	s15 =	simm.s32 $0x2;
	v0 =	vsel vm4, $0x180, v0  }
0x6: {  	vm6 =	vcmask $0x1714;
	s16 =	simm.s32 $0x10400;
	s17 =	simm.s32 $0x10800;
	s18 =	simm.s32 $0x10C00;
	v0 =	vsel vm5, $0x200, v0  }
0x7: {  	vm7 =	vcmask $0x1B18;
	s19 =	simm.s32 $0x3;
	s20 =	simm.s32 $0x0;
	[smem:$0x7FF] =	sst s2;
	v0 =	vsel vm6, $0x280, v0  }
0x8: {  	vm8 =	vcmask $0x1F1C;
	s5 =	sand.u32 $0x1, s5;
	s6 =	sshll.u32 s1, $0x1;
	s8 =	sshll.u32 s1, $0x7;
	v0 =	vsel vm7, $0x300, v0  }
0x9: {  	vm9 =	vcmask $0x2320;
	_ =	strace $0x80000047;
	s6 =	sor.u32 s5, s6;
	s5 =	ssub.s32 $0x2, s5;
	v0 =	vsel vm8, $0x380, v0  }
0xa: {  	vm10 =	vcmask $0x2724;
	s8 =	sand.u32 $0x600, s8;
	s7 =	sshll.u32 s6, $0xD;
	s10 =	sshrl.u32 s5, $0x1;
	v0 =	vsel vm9, $0x1400, v0  }
0xb: {  	vm11 =	vcmask $0x2B28;
	s11 =	sadd.s32 s8, s3;
	s31 =	sshll.u32 s6, $0x4;
	s9 =	sadd.s32 s7, s3;
	v0 =	vsel vm10, $0x1480, v0  }
0xc: {  	vm12 =	vcmask $0x2F2C;
	s12 =	ssub.s32 s5, s10;
	s30 =	sadd.s32 s7, s4;
	s13 =	sand.u32 $0x70, s31;
	v0 =	vsel vm11, $0x1500, v0  }
0xd: {  	vm13 =	vcmask $0x3330;
	s3 =	sadd.s32 $0x1000, s9;
	s4 =	sadd.s32 $0x40000, s30;
	s5 =	sadd.s32 $0x1800, s9;
	v0 =	vsel vm12, $0x1580, v0  }
0xe: {  	vm14 =	vcmask $0x3734;
	s6 =	sadd.s32 $0x40800, s30;
	s7 =	sadd.s32 $0x2000, s9;
	s8 =	sadd.s32 $0x41000, s30;
	v0 =	vsel vm13, $0x1600, v0  }
0xf: {  	vm15 =	vcmask $0x3B38;
	s11 =	sadd.s32 s13, s11;
	s9 =	sadd.s32 $0x2800, s9;
	s10 =	sadd.s32 $0x41800, s30;
	v1 =	vsel vm14, $0x1680, v0  }
0x10: {  	s12 =	smax.u32 s12, $0x1;
	s13 =	simm.s32 $0x1;
	s11 =	sadd.s32 $0x41000, s11;
	v0 =	vimm.f32 $0.0e+00;
	v1 =	vsel vm15, $0x1700, v1  }
.LBB2_1:
0x11: {  	s21 =	sand.u32 $0x70, s2;
	s22 =	sand.u32 $0xC00, s2  }
0x12: {  	s21 =	sor.u32 s21, s22  }
0x13: {  	[tilespmem:s21+$0x10080] =	vst v0  }
0x14: {  	[tilespmem:s21+$0x10100] =	vst v0  }
0x15: {  	[tilespmem:s21+$0x10180] =	vst v0  }
0x16: {  	[tilespmem:s21+$0x10200] =	vst v0  }
0x17: {  	[tilespmem:s21+$0x10280] =	vst v0  }
0x18: {  	s24 =	sor.u32 s2, s2;
	s23 =	simm.s32 $0x0;
	s22 =	simm.s32 $0x10;
	[tilespmem:s21+$0x10300] =	vst v0  }
.LBB2_2:
0x19: {  	p0 =	sne.s32 s22, $0x1F0;
	[tilespmem:s21+$0x10000] =	vst v0;
	s24 =	sor.u32 $0x380, s24  }
0x1a: {  	[tilespmem:s24+$0x10000] =	vst v0  }
0x1b: {  	[tilespmem:s21+$0x11400] =	vst v0  }
0x1c: {  	[tilespmem:s21+$0x11480] =	vst v0  }
0x1d: {  	[tilespmem:s21+$0x11500] =	vst v0  }
0x1e: {  	[tilespmem:s21+$0x11580] =	vst v0  }
0x1f: {  	[tilespmem:s21+$0x11600] =	vst v0  }
0x20: {  	s23 =	sadd.s32 $0x80, s23;
	[tilespmem:s21+$0x11680] =	vst v0  }
0x21: {  	s24 =	sand.u32 $0x70, s22;
	s25 =	sand.u32 $0xC00, s23;
	[tilespmem:s21+$0x11700] =	vst v0  }
0x22: {  	[tilespmem:s21+$0x11780] =	vst v0;
	s21 =	sor.u32 s24, s25  }
0x23: {  	[tilespmem:s21+$0x10080] =	vst v0  }
.Ltmp0:
0x24: {  	[tilespmem:s21+$0x10100] =	vst v0;
	(pc) =	sbr.rel @p0 .LBB2_2-.Ltmp0, $4  }
0x25: {  	[tilespmem:s21+$0x10180] =	vst v0  }
0x26: {  	[tilespmem:s21+$0x10200] =	vst v0  }
0x27: {  	[tilespmem:s21+$0x10280] =	vst v0  }
0x28: {  	s24 =	sor.u32 s23, s22;
	s22 =	sadd.s32 $0x10, s22;
	[tilespmem:s21+$0x10300] =	vst v0  }
0x29: {  	[tilespmem:s21+$0x10000] =	vst v0;
	s22 =	sor.u32 $0x380, s24  }
0x2a: {  	[tilespmem:s22+$0x10000] =	vst v0  }
0x2b: {  	[tilespmem:s21+$0x11400] =	vst v0  }
0x2c: {  	[tilespmem:s21+$0x11480] =	vst v0  }
0x2d: {  	[tilespmem:s21+$0x11500] =	vst v0  }
0x2e: {  	[tilespmem:s21+$0x11580] =	vst v0  }
0x2f: {  	[tilespmem:s21+$0x11600] =	vst v0  }
0x30: {  	[tilespmem:s21+$0x11680] =	vst v0  }
0x31: {  	s24 =	sadd.s32 $0x0, s3;
	[tilespmem:s21+$0x11700] =	vst v0  }
0x32: {  	s23 =	simm.s32 $0x100;
	s22 =	simm.s32 $0x0;
	[tilespmem:s21+$0x11780] =	vst v0;
	s21 =	simm.s32 $0x10  }
.LBB2_4:
0x33: {  	[tilespmem:s22], [sflag:$0x1] =	stream.linear.gather [hbm4b:s24+s2], $0x80, $0x38;
	[tilespmem:$0x12800] =	vst v63  }
0x34: {  	s24 =	smov.u32 s21;
	s22 =	smov.u32 s23;
	p0 =	sne.s32 s21, $0x7F0  }
.Ltmp1:
0x35: {  	s21 =	sadd.s32 $0x10, s21;
	(pc) =	sbr.rel @p0 .LBB2_4-.Ltmp1, $2  }
0x36: {  	_ =	sdelay $0x2  }
0x37: {  	s23 =	sadd.s32 $0x100, s23;
	s24 =	sadd.s32 s24, s3  }
0x38: {  	[tilespmem:s22], [sflag:$0x1] =	stream.linear.gather [hbm4b:s24+s2], $0x80, $0x38;
	[tilespmem:$0x12800] =	vst v63  }
0x39: {  	s21 =	simm.s32 $0x8000  }
0x3a: {  	s22 =	simm.s32 $0x10;
	s24 =	sadd.s32 $0x0, s4;
	s23 =	simm.s32 $0x8100  }
.LBB2_6:
0x3b: {  	[tilespmem:s21], [sflag:$0x1] =	stream.linear.gather [hbm4b:s24+s2], $0x80, $0x38;
	[tilespmem:$0x12800] =	vst v63  }
0x3c: {  	s24 =	smov.u32 s22;
	s21 =	smov.u32 s23;
	p0 =	sne.s32 s22, $0x7F0  }
.Ltmp2:
0x3d: {  	s22 =	sadd.s32 $0x10, s22;
	(pc) =	sbr.rel @p0 .LBB2_6-.Ltmp2, $2  }
0x3e: {  	_ =	sdelay $0x2  }
0x3f: {  	s23 =	sadd.s32 $0x100, s23;
	s24 =	sadd.s32 s24, s4  }
0x40: {  	[tilespmem:s21], [sflag:$0x1] =	stream.linear.gather [hbm4b:s24+s2], $0x80, $0x38;
	[tilespmem:$0x12800] =	vst v63  }
0x41: {  	s21 =	simm.s32 $0x80  }
0x42: {  	s22 =	simm.s32 $0x10;
	s24 =	sadd.s32 $0x0, s5;
	s23 =	simm.s32 $0x180  }
.LBB2_8:
0x43: {  	[tilespmem:s21], [sflag:$0x2] =	stream.linear.gather [hbm4b:s24+s2], $0x80, $0x38;
	[tilespmem:$0x12800] =	vst v63  }
0x44: {  	s24 =	smov.u32 s22;
	s21 =	smov.u32 s23;
	p0 =	sne.s32 s22, $0x7F0  }
.Ltmp3:
0x45: {  	s22 =	sadd.s32 $0x10, s22;
	(pc) =	sbr.rel @p0 .LBB2_8-.Ltmp3, $2  }
0x46: {  	_ =	sdelay $0x2  }
0x47: {  	s23 =	sadd.s32 $0x100, s23;
	s24 =	sadd.s32 s24, s5  }
0x48: {  	[tilespmem:s21], [sflag:$0x2] =	stream.linear.gather [hbm4b:s24+s2], $0x80, $0x38;
	[tilespmem:$0x12800] =	vst v63  }
0x49: {  	s21 =	simm.s32 $0x8080  }
0x4a: {  	s22 =	simm.s32 $0x10;
	s24 =	sadd.s32 $0x0, s6;
	s23 =	simm.s32 $0x8180  }
.LBB2_10:
0x4b: {  	[tilespmem:s21], [sflag:$0x2] =	stream.linear.gather [hbm4b:s24+s2], $0x80, $0x38;
	[tilespmem:$0x12800] =	vst v63  }
0x4c: {  	s24 =	smov.u32 s22;
	s21 =	smov.u32 s23;
	p0 =	sne.s32 s22, $0x7F0  }
.Ltmp4:
0x4d: {  	s22 =	sadd.s32 $0x10, s22;
	(pc) =	sbr.rel @p0 .LBB2_10-.Ltmp4, $2  }
0x4e: {  	_ =	sdelay $0x2  }
0x4f: {  	s23 =	sadd.s32 $0x100, s23;
	s24 =	sadd.s32 s24, s6  }
0x50: {  	[tilespmem:s21], [sflag:$0x2] =	stream.linear.gather [hbm4b:s24+s2], $0x80, $0x38;
	[tilespmem:$0x12800] =	vst v63  }
0x51: {  	_ =	swait.ge [sflag:s13], $0x4000  }
.Ltmp5:
0x52: {  	[sflag:s13] =	ssyncset.done $0x0;
	(pc) =	sbr.rel .LBB2_12-.Ltmp5, $4  }
0x53: {  	[sflag:s13] =	ssyncadd.s32 $0xFFFFC000  }
0x54: {  	_ =	swait.ge [sflag:s13], $0x4000  }
0x55: {  	[sflag:s13] =	ssyncset.done $0x0  }
0x56: {  	s21 =	simm.s32 $0x0;
	s22 =	simm.s32 $0x0;
	[sflag:s13] =	ssyncadd.s32 $0xFFFFC000  }
.LBB2_13:
0x57: {  	v3 =	vld [tilespmem:s23+$0x0];
	s24 =	sand.u32 $0x3FFFFC00, s23  }
0x58: {  	v4 =	vld [tilespmem:s24+$0x10]  }
0x59: {  	v5 =	vld [tilespmem:s24+$0x20]  }
0x5a: {  	v6 =	vld [tilespmem:s24+$0x30]  }
0x5b: {  	v7 =	vld [tilespmem:s24+$0x40]  }
0x5c: {  	v8 =	vld [tilespmem:s24+$0x50]  }
0x5d: {  	v9 =	vld [tilespmem:s24+$0x60]  }
0x5e: {  	v10 =	vld [tilespmem:s24+$0x70]  }
0x5f: {  	v11 =	vld [tilespmem:s24+$0x100]  }
0x60: {  	v12 =	vld [tilespmem:s24+$0x110]  }
0x61: {  	v13 =	vld [tilespmem:s24+$0x120]  }
0x62: {  	v14 =	vld [tilespmem:s24+$0x130]  }
0x63: {  	v15 =	vld [tilespmem:s24+$0x140]  }
0x64: {  	v16 =	vld [tilespmem:s24+$0x150]  }
0x65: {  	v17 =	vld [tilespmem:s24+$0x160]  }
0x66: {  	v18 =	vld [tilespmem:s24+$0x170]  }
0x67: {  	v19 =	vld [tilespmem:s24+$0x200]  }
0x68: {  	v20 =	vld [tilespmem:s24+$0x210]  }
0x69: {  	v21 =	vld [tilespmem:s24+$0x220]  }
0x6a: {  	v22 =	vld [tilespmem:s24+$0x230]  }
0x6b: {  	v23 =	vld [tilespmem:s24+$0x240]  }
0x6c: {  	v24 =	vld [tilespmem:s24+$0x250];
	v3 =	vadd.f32 $0.0e+00, v3;
	v4 =	vadd.f32 $0.0e+00, v4  }
0x6d: {  	v52 =	vld [tilespmem:s24+$0x260];
	v5 =	vadd.f32 $0.0e+00, v5;
	v6 =	vadd.f32 $0.0e+00, v6  }
0x6e: {  	v53 =	vld [tilespmem:s24+$0x270];
	v3 =	vadd.f32 v7, v3;
	v4 =	vadd.f32 v8, v4  }
0x6f: {  	v54 =	vld [tilespmem:s24+$0x300];
	v5 =	vadd.f32 v9, v5;
	v6 =	vadd.f32 v10, v6  }
0x70: {  	v55 =	vld [tilespmem:s24+$0x310];
	v3 =	vadd.f32 v11, v3;
	v4 =	vadd.f32 v12, v4  }
0x71: {  	v56 =	vld [tilespmem:s24+$0x320];
	v5 =	vadd.f32 v13, v5;
	v6 =	vadd.f32 v14, v6  }
0x72: {  	v57 =	vld [tilespmem:s24+$0x330];
	v3 =	vadd.f32 v15, v3;
	v4 =	vadd.f32 v16, v4  }
0x73: {  	v58 =	vld [tilespmem:s24+$0x340];
	v5 =	vadd.f32 v17, v5;
	v6 =	vadd.f32 v18, v6  }
0x74: {  	v59 =	vld [tilespmem:s24+$0x350];
	v3 =	vadd.f32 v19, v3;
	v4 =	vadd.f32 v20, v4  }
0x75: {  	s31 =	sor.u32 $0x370, s23;
	v60 =	vld [tilespmem:s24+$0x360];
	v5 =	vadd.f32 v21, v5;
	v6 =	vadd.f32 v22, v6  }
0x76: {  	v2 =	vbroadcast v2, $0x0;
	v61 =	vld [tilespmem:s31+$0x0];
	v3 =	vadd.f32 v23, v3;
	v4 =	vadd.f32 v24, v4  }
0x77: {  	v5 =	vadd.f32 v52, v5;
	v6 =	vadd.f32 v53, v6  }
0x78: {  	v62 =	vshll.u32 v2, $0x3;
	v3 =	vadd.f32 v54, v3;
	v4 =	vadd.f32 v55, v4  }
0x79: {  	v2 =	vand.u32 $0x7F, v2;
	v5 =	vadd.f32 v56, v5;
	v6 =	vadd.f32 v57, v6  }
0x7a: {  	v8 =	vand.u32 $0xFFFFFC00, v62;
	v3 =	vadd.f32 v58, v3;
	v4 =	vadd.f32 v59, v4  }
0x7b: {  	v2 =	vor.u32 v2, v8;
	v5 =	vadd.f32 v60, v5;
	v6 =	vadd.f32 v61, v6  }
0x7c: {  	v2 =	vadd.s32 v1, v2  }
0x7d: {  	v3 =	vadd.f32 v4, v3;
	v63 =	vadd.f32 v6, v5;
	_ =	sdelay $0x1  }
0x7e: {  	v3 =	vadd.f32 v63, v3;
	_ =	sdelay $0x1  }
0x7f: {  	[tilespmem:v2+s14+$0x0] =	vst.idx.add.f32.msk $0xffff, v3  }
.LBB2_17:
0x80: {  	s22 =	sadd.s32 $0x1, s22  }
0x81: {  	p0 =	sne.s32 s22, $0x20  }
.Ltmp6:
0x82: {  	_ = 	snop;
	(pc) =	sbr.rel @!p0 .LBB2_18-.Ltmp6, $1  }
0x83: {  	_ =	sdelay $0x3  }
.LBB2_12:
0x84: {  	s23 =	sshll.u32 s22, $0xA  }
0x85: {  	v2 =	vld [tilespmem:s23+$0x8000]  }
0x86: {  	v3 =	vld [tilespmem:s23+$0x8370];
	_ =	sdelay $0x3  }
0x87: {  	(v2sf) =	vpush v2, $0x0  }
0x88: {  	(v2sf) =	vpush v3, $0xF;
	_ =	sdelay $0xd  }
0x89: {  	s24 =	spop (v2sf)  }
0x8a: {  	s25 =	spop (v2sf)  }
0x8b: {  	p0 =	sne.s32 s24, s25  }
.Ltmp7:
0x8c: {  	_ = 	snop;
	(pc) =	sbr.rel @!p0 .LBB2_13-.Ltmp7, $2  }
0x8d: {  	_ =	sdelay $0x2  }
0x8e: {  	s25 =	simm.s32 $0xFFFFFFFC  }
0x8f: {  	s24 =	sand.u32 $0x40, s21;
	s26 =	sand.u32 $0x300, s21  }
0x90: {  	s24 =	sor.u32 s24, s26  }
0x91: {  	s24 =	sor.u32 s23, s24  }
0x92: {  	v2 =	vld [tilespmem:s24+$0x8000]  }
0x93: {  	v7 =	vld [tilespmem:s24+$0x8010]  }
0x94: {  	v3 =	vld [tilespmem:s24+$0x8020]  }
0x95: {  	v4 =	vld [tilespmem:s24+$0x8030];
	_ =	sdelay $0x2  }
0x96: {  	v6 =	vshll.u32 v2, $0x3  }
0x97: {  	v5 =	vand.u32 $0x7F, v2;
	v2 =	vshll.u32 v7, $0x3;
	v7 =	vand.u32 $0x7F, v7  }
0x98: {  	s25 =	sadd.s32 $0x4, s25;
	s28 =	sor.u32 $0x20, s24;
	v8 =	vshll.u32 v3, $0x3;
	v9 =	vshll.u32 v4, $0x3;
	v2 =	vand.u32 $0xFFFFFC00, v2  }
0x99: {  	s29 =	sadd.s32 $0x80, s21;
	s26 =	sor.u32 $0x30, s24;
	v6 =	vand.u32 $0xFFFFFC00, v6;
	v8 =	vand.u32 $0xFFFFFC00, v8;
	v7 =	vor.u32 v7, v2;
	v2 =	vld [tilespmem:s28+$0x0];
	s28 =	sadd.s32 $0x40, s21  }
.LBB2_15:
0x9a: {  	s30 =	sand.u32 $0x40, s28;
	s31 =	sand.u32 $0x300, s29;
	s25 =	sadd.s32 $0x4, s25;
	v10 =	vld [tilespmem:s24+$0x0];
	v5 =	vor.u32 v5, v6;
	v3 =	vand.u32 $0x7F, v3  }
0x9b: {  	s30 =	sor.u32 s30, s31;
	p0 =	slt.u32 s25, $0x1C;
	s31 =	sor.u32 $0x10, s24;
	v6 =	vor.u32 v3, v8;
	v8 =	vld [tilespmem:s26+$0x0];
	v3 =	vand.u32 $0x7F, v4;
	v4 =	vand.u32 $0xFFFFFC00, v9  }
0x9c: {  	v7 =	vadd.s32 v1, v7;
	s24 =	sor.u32 s23, s30;
	v9 =	vld [tilespmem:s31+$0x0];
	v3 =	vor.u32 v3, v4  }
0x9d: {  	v11 =	vld [tilespmem:s24+$0x8000];
	s26 =	sor.u32 $0x30, s24;
	v12 =	vadd.s32 v1, v3  }
0x9e: {  	v14 =	vadd.s32 v1, v5;
	v13 =	vld [tilespmem:s24+$0x8010]  }
0x9f: {  	v15 =	vadd.s32 v1, v6;
	v3 =	vld [tilespmem:s24+$0x8020]  }
0xa0: {  	v4 =	vld [tilespmem:s24+$0x8030]  }
.Ltmp8:
0xa1: {  	[tilespmem:v7+s14+$0x0] =	vst.idx.add.f32.msk $0xffff, v9;
	(pc) =	sbr.rel @p0 .LBB2_15-.Ltmp8, $4  }
0xa2: {  	v5 =	vand.u32 $0x7F, v11;
	v6 =	vshll.u32 v11, $0x3;
	[tilespmem:v12+s14+$0x0] =	vst.idx.add.f32.msk $0xffff, v8  }
0xa3: {  	v6 =	vand.u32 $0xFFFFFC00, v6;
	v7 =	vshll.u32 v13, $0x3;
	[tilespmem:v14+s14+$0x0] =	vst.idx.add.f32.msk $0xffff, v10  }
0xa4: {  	s30 =	sor.u32 $0x20, s24;
	v8 =	vand.u32 $0x7F, v13;
	v7 =	vand.u32 $0xFFFFFC00, v7;
	v9 =	vshll.u32 v3, $0x3;
	[tilespmem:v15+s14+$0x0] =	vst.idx.add.f32.msk $0xffff, v2  }
0xa5: {  	s28 =	sadd.s32 $0x40, s28;
	s29 =	sadd.s32 $0x80, s29;
	v7 =	vor.u32 v8, v7;
	v2 =	vld [tilespmem:s30+$0x0];
	v8 =	vand.u32 $0xFFFFFC00, v9;
	v9 =	vshll.u32 v4, $0x3  }
0xa6: {  	s23 =	sor.u32 $0x10, s24;
	v4 =	vand.u32 $0x7F, v4  }
0xa7: {  	v9 =	vand.u32 $0xFFFFFC00, v9;
	v7 =	vadd.s32 v1, v7;
	v5 =	vor.u32 v5, v6;
	v10 =	vld [tilespmem:s23+$0x0]  }
0xa8: {  	v3 =	vand.u32 $0x7F, v3;
	v63 =	vld [tilespmem:s24+$0x0];
	v4 =	vor.u32 v4, v9;
	v5 =	vadd.s32 v1, v5  }
0xa9: {  	v62 =	vld [tilespmem:s26+$0x0];
	v3 =	vor.u32 v3, v8;
	v4 =	vadd.s32 v1, v4  }
0xaa: {  	v3 =	vadd.s32 v1, v3  }
.Ltmp9:
0xab: {  	_ = 	snop;
	(pc) =	sbr.rel .LBB2_17-.Ltmp9, $4  }
0xac: {  	[tilespmem:v7+s14+$0x0] =	vst.idx.add.f32.msk $0xffff, v10  }
0xad: {  	[tilespmem:v5+s14+$0x0] =	vst.idx.add.f32.msk $0xffff, v63  }
0xae: {  	[tilespmem:v4+s14+$0x0] =	vst.idx.add.f32.msk $0xffff, v62  }
0xaf: {  	[tilespmem:v3+s14+$0x0] =	vst.idx.add.f32.msk $0xffff, v2  }
.LBB2_18:
0xb0: {  	s21 =	simm.s32 $0x0  }
0xb1: {  	s22 =	simm.s32 $0x10;
	s24 =	sadd.s32 $0x0, s7;
	s23 =	simm.s32 $0x100  }
.LBB2_19:
0xb2: {  	[tilespmem:s21], [sflag:$0x1] =	stream.linear.gather [hbm4b:s24+s2], $0x80, $0x38;
	[tilespmem:$0x12800] =	vst v63  }
0xb3: {  	s24 =	smov.u32 s22;
	s21 =	smov.u32 s23;
	p0 =	sne.s32 s22, $0x7F0  }
.Ltmp10:
0xb4: {  	s22 =	sadd.s32 $0x10, s22;
	(pc) =	sbr.rel @p0 .LBB2_19-.Ltmp10, $2  }
0xb5: {  	_ =	sdelay $0x2  }
0xb6: {  	s23 =	sadd.s32 $0x100, s23;
	s24 =	sadd.s32 s24, s7  }
0xb7: {  	[tilespmem:s21], [sflag:$0x1] =	stream.linear.gather [hbm4b:s24+s2], $0x80, $0x38;
	[tilespmem:$0x12800] =	vst v63  }
0xb8: {  	s21 =	simm.s32 $0x8000  }
0xb9: {  	s22 =	simm.s32 $0x10;
	s24 =	sadd.s32 $0x0, s8;
	s23 =	simm.s32 $0x8100  }
.LBB2_21:
0xba: {  	[tilespmem:s21], [sflag:$0x1] =	stream.linear.gather [hbm4b:s24+s2], $0x80, $0x38;
	[tilespmem:$0x12800] =	vst v63  }
0xbb: {  	s24 =	smov.u32 s22;
	s21 =	smov.u32 s23;
	p0 =	sne.s32 s22, $0x7F0  }
.Ltmp11:
0xbc: {  	s22 =	sadd.s32 $0x10, s22;
	(pc) =	sbr.rel @p0 .LBB2_21-.Ltmp11, $2  }
0xbd: {  	_ =	sdelay $0x2  }
0xbe: {  	s23 =	sadd.s32 $0x100, s23;
	s24 =	sadd.s32 s24, s8  }
0xbf: {  	[tilespmem:s21], [sflag:$0x1] =	stream.linear.gather [hbm4b:s24+s2], $0x80, $0x38;
	[tilespmem:$0x12800] =	vst v63  }
0xc0: {  	_ =	swait.ge [sflag:s15], $0x4000  }
.Ltmp12:
0xc1: {  	[sflag:s15] =	ssyncset.done $0x0;
	(pc) =	sbr.rel .LBB2_23-.Ltmp12, $4  }
0xc2: {  	[sflag:s15] =	ssyncadd.s32 $0xFFFFC000  }
0xc3: {  	_ =	swait.ge [sflag:s15], $0x4000  }
0xc4: {  	[sflag:s15] =	ssyncset.done $0x0  }
0xc5: {  	s21 =	simm.s32 $0x0;
	s22 =	simm.s32 $0x0;
	[sflag:s15] =	ssyncadd.s32 $0xFFFFC000  }
.LBB2_49:
0xc6: {  	s24 =	sor.u32 $0x80, s23  }
0xc7: {  	s30 =	sand.u32 $0x3FFFFC00, s23;
	v3 =	vld [tilespmem:s24+$0x0]  }
0xc8: {  	v4 =	vld [tilespmem:s30+$0x90]  }
0xc9: {  	v5 =	vld [tilespmem:s30+$0xA0]  }
0xca: {  	v6 =	vld [tilespmem:s30+$0xB0]  }
0xcb: {  	v7 =	vld [tilespmem:s30+$0xC0]  }
0xcc: {  	v8 =	vld [tilespmem:s30+$0xD0]  }
0xcd: {  	v9 =	vld [tilespmem:s30+$0xE0]  }
0xce: {  	v10 =	vld [tilespmem:s30+$0xF0]  }
0xcf: {  	v11 =	vld [tilespmem:s30+$0x180]  }
0xd0: {  	v12 =	vld [tilespmem:s30+$0x190]  }
0xd1: {  	v13 =	vld [tilespmem:s30+$0x1A0]  }
0xd2: {  	v14 =	vld [tilespmem:s30+$0x1B0]  }
0xd3: {  	v15 =	vld [tilespmem:s30+$0x1C0]  }
0xd4: {  	v16 =	vld [tilespmem:s30+$0x1D0]  }
0xd5: {  	v17 =	vld [tilespmem:s30+$0x1E0]  }
0xd6: {  	v18 =	vld [tilespmem:s30+$0x1F0]  }
0xd7: {  	v19 =	vld [tilespmem:s30+$0x280]  }
0xd8: {  	v20 =	vld [tilespmem:s30+$0x290]  }
0xd9: {  	v21 =	vld [tilespmem:s30+$0x2A0]  }
0xda: {  	v22 =	vld [tilespmem:s30+$0x2B0]  }
0xdb: {  	v23 =	vld [tilespmem:s30+$0x2C0]  }
0xdc: {  	v24 =	vld [tilespmem:s30+$0x2D0];
	v3 =	vadd.f32 $0.0e+00, v3;
	v4 =	vadd.f32 $0.0e+00, v4  }
0xdd: {  	v52 =	vld [tilespmem:s30+$0x2E0];
	v5 =	vadd.f32 $0.0e+00, v5;
	v6 =	vadd.f32 $0.0e+00, v6  }
0xde: {  	v53 =	vld [tilespmem:s30+$0x2F0];
	v3 =	vadd.f32 v7, v3;
	v4 =	vadd.f32 v8, v4  }
0xdf: {  	v54 =	vld [tilespmem:s30+$0x380];
	v5 =	vadd.f32 v9, v5;
	v6 =	vadd.f32 v10, v6  }
0xe0: {  	v55 =	vld [tilespmem:s30+$0x390];
	v3 =	vadd.f32 v11, v3;
	v4 =	vadd.f32 v12, v4  }
0xe1: {  	v56 =	vld [tilespmem:s30+$0x3A0];
	v5 =	vadd.f32 v13, v5;
	v6 =	vadd.f32 v14, v6  }
0xe2: {  	v57 =	vld [tilespmem:s30+$0x3B0];
	v3 =	vadd.f32 v15, v3;
	v4 =	vadd.f32 v16, v4  }
0xe3: {  	v58 =	vld [tilespmem:s30+$0x3C0];
	v5 =	vadd.f32 v17, v5;
	v6 =	vadd.f32 v18, v6  }
0xe4: {  	v59 =	vld [tilespmem:s30+$0x3D0];
	v3 =	vadd.f32 v19, v3;
	v4 =	vadd.f32 v20, v4  }
0xe5: {  	s31 =	sor.u32 $0x3F0, s23;
	v60 =	vld [tilespmem:s30+$0x3E0];
	v5 =	vadd.f32 v21, v5;
	v6 =	vadd.f32 v22, v6  }
0xe6: {  	v2 =	vbroadcast v2, $0x0;
	v61 =	vld [tilespmem:s31+$0x0];
	v3 =	vadd.f32 v23, v3;
	v4 =	vadd.f32 v24, v4  }
0xe7: {  	v5 =	vadd.f32 v52, v5;
	v6 =	vadd.f32 v53, v6  }
0xe8: {  	v62 =	vshll.u32 v2, $0x3;
	v3 =	vadd.f32 v54, v3;
	v4 =	vadd.f32 v55, v4  }
0xe9: {  	v2 =	vand.u32 $0x7F, v2;
	v5 =	vadd.f32 v56, v5;
	v6 =	vadd.f32 v57, v6  }
0xea: {  	v8 =	vand.u32 $0xFFFFFC00, v62;
	v3 =	vadd.f32 v58, v3;
	v4 =	vadd.f32 v59, v4  }
0xeb: {  	v2 =	vor.u32 v2, v8;
	v5 =	vadd.f32 v60, v5;
	v6 =	vadd.f32 v61, v6  }
0xec: {  	v2 =	vadd.s32 v1, v2  }
0xed: {  	v3 =	vadd.f32 v4, v3;
	v63 =	vadd.f32 v6, v5;
	_ =	sdelay $0x1  }
0xee: {  	v3 =	vadd.f32 v63, v3;
	_ =	sdelay $0x1  }
0xef: {  	[tilespmem:v2+s14+$0x0] =	vst.idx.add.f32.msk $0xffff, v3  }
.LBB2_27:
0xf0: {  	s22 =	sadd.s32 $0x1, s22  }
0xf1: {  	p0 =	sne.s32 s22, $0x20  }
.Ltmp13:
0xf2: {  	_ = 	snop;
	(pc) =	sbr.rel @!p0 .LBB2_28-.Ltmp13, $2  }
0xf3: {  	_ =	sdelay $0x2  }
0xf4: {  	s21 =	sadd.s32 $0x400, s21  }
.LBB2_23:
0xf5: {  	s23 =	sshll.u32 s22, $0xA  }
0xf6: {  	v2 =	vld [tilespmem:s23+$0x8080]  }
0xf7: {  	v3 =	vld [tilespmem:s23+$0x83F0];
	_ =	sdelay $0x3  }
0xf8: {  	(v2sf) =	vpush v2, $0x0  }
0xf9: {  	(v2sf) =	vpush v3, $0xF;
	_ =	sdelay $0xd  }
0xfa: {  	s24 =	spop (v2sf)  }
0xfb: {  	s25 =	spop (v2sf)  }
0xfc: {  	p0 =	sne.s32 s24, s25  }
.Ltmp14:
0xfd: {  	_ = 	snop;
	(pc) =	sbr.rel @!p0 .LBB2_49-.Ltmp14, $1  }
0xfe: {  	_ =	sdelay $0x3  }
0xff: {  	p0 =	por $0x0, $0x0;
	s23 =	simm.s32 $0x1  }
0x100: {  	s23 =	simm.s32 @!p0 $0x0  }
0x101: {  	s23 =	sshll.u32 s23, $0x6  }
0x102: {  	s25 =	sadd.s32 s23, s21  }
0x103: {  	s23 =	sor.u32 $0x80, s25  }
0x104: {  	s26 =	sor.u32 $0x90, s25;
	v4 =	vld [tilespmem:s23+$0x8000]  }
0x105: {  	s24 =	sor.u32 $0xA0, s25;
	v2 =	vld [tilespmem:s26+$0x8000]  }
0x106: {  	v3 =	vld [tilespmem:s24+$0x8000]  }
0x107: {  	s29 =	sor.u32 $0xB0, s25  }
0x108: {  	v6 =	vld [tilespmem:s29+$0x8000]  }
0x109: {  	v5 =	vshll.u32 v4, $0x3  }
0x10a: {  	v4 =	vand.u32 $0x7F, v4;
	v7 =	vshll.u32 v2, $0x3;
	v5 =	vand.u32 $0xFFFFFC00, v5  }
0x10b: {  	s28 =	smov.u32 s21;
	p0 =	por !p0, !p0;
	s25 =	simm.s32 $0x0;
	v5 =	vor.u32 v4, v5;
	v4 =	vand.u32 $0xFFFFFC00, v7;
	v7 =	vshll.u32 v3, $0x3  }
.LBB2_25:
0x10c: {  	s30 =	simm.s32 $0x1  }
0x10d: {  	s25 =	sadd.s32 $0x4, s25;
	v8 =	vld [tilespmem:s26+$0x0];
	v9 =	vshll.u32 v6, $0x3;
	s30 =	simm.s32 @!p0 $0x0  }
0x10e: {  	v6 =	vand.u32 $0x7F, v6;
	s28 =	sadd.s32 $0x80, s28;
	p1 =	slt.u32 s25, $0x1C;
	v9 =	vand.u32 $0xFFFFFC00, v9;
	s26 =	sshll.u32 s30, $0x6;
	v10 =	vld [tilespmem:s29+$0x0]  }
0x10f: {  	v3 =	vand.u32 $0x7F, v3;
	v7 =	vand.u32 $0xFFFFFC00, v7;
	v6 =	vor.u32 v6, v9;
	s29 =	sadd.s32 s26, s28;
	v11 =	vld [tilespmem:s24+$0x0]  }
0x110: {  	v5 =	vadd.s32 v1, v5;
	v2 =	vand.u32 $0x7F, v2;
	v3 =	vor.u32 v3, v7;
	v9 =	vld [tilespmem:s23+$0x0];
	s23 =	sor.u32 $0x80, s29  }
0x111: {  	v4 =	vor.u32 v2, v4;
	v12 =	vadd.s32 v1, v3;
	s26 =	sor.u32 $0x90, s29;
	v7 =	vld [tilespmem:s23+$0x8000]  }
0x112: {  	v4 =	vadd.s32 v1, v4;
	s24 =	sor.u32 $0xA0, s29;
	v2 =	vld [tilespmem:s26+$0x8000]  }
0x113: {  	v13 =	vadd.s32 v1, v6;
	s29 =	sor.u32 $0xB0, s29;
	v3 =	vld [tilespmem:s24+$0x8000]  }
.Ltmp15:
0x114: {  	v6 =	vld [tilespmem:s29+$0x8000];
	(pc) =	sbr.rel @p1 .LBB2_25-.Ltmp15, $4  }
0x115: {  	[tilespmem:v5+s14+$0x0] =	vst.idx.add.f32.msk $0xffff, v9  }
0x116: {  	v5 =	vshll.u32 v7, $0x3;
	[tilespmem:v12+s14+$0x0] =	vst.idx.add.f32.msk $0xffff, v11  }
0x117: {  	v7 =	vand.u32 $0x7F, v7;
	v5 =	vand.u32 $0xFFFFFC00, v5;
	v9 =	vshll.u32 v2, $0x3;
	[tilespmem:v4+s14+$0x0] =	vst.idx.add.f32.msk $0xffff, v8  }
0x118: {  	p0 =	por !p0, !p0;
	v5 =	vor.u32 v7, v5;
	v4 =	vand.u32 $0xFFFFFC00, v9;
	v7 =	vshll.u32 v3, $0x3;
	[tilespmem:v13+s14+$0x0] =	vst.idx.add.f32.msk $0xffff, v10  }
0x119: {  	v8 =	vshll.u32 v6, $0x3  }
0x11a: {  	v59 =	vand.u32 $0x7F, v6;
	v3 =	vand.u32 $0x7F, v3;
	v7 =	vand.u32 $0xFFFFFC00, v7  }
0x11b: {  	v9 =	vld [tilespmem:s23+$0x0];
	v5 =	vadd.s32 v1, v5;
	v2 =	vand.u32 $0x7F, v2;
	v3 =	vor.u32 v3, v7  }
0x11c: {  	v61 =	vld [tilespmem:s24+$0x0];
	v60 =	vand.u32 $0xFFFFFC00, v8;
	v2 =	vor.u32 v2, v4;
	v3 =	vadd.s32 v1, v3  }
0x11d: {  	v62 =	vld [tilespmem:s26+$0x0];
	v6 =	vor.u32 v59, v60;
	v2 =	vadd.s32 v1, v2  }
0x11e: {  	v63 =	vld [tilespmem:s29+$0x0];
	v6 =	vadd.s32 v1, v6  }
.Ltmp16:
0x11f: {  	_ = 	snop;
	(pc) =	sbr.rel .LBB2_27-.Ltmp16, $4  }
0x120: {  	[tilespmem:v5+s14+$0x0] =	vst.idx.add.f32.msk $0xffff, v9  }
0x121: {  	[tilespmem:v3+s14+$0x0] =	vst.idx.add.f32.msk $0xffff, v61  }
0x122: {  	[tilespmem:v2+s14+$0x0] =	vst.idx.add.f32.msk $0xffff, v62  }
0x123: {  	[tilespmem:v6+s14+$0x0] =	vst.idx.add.f32.msk $0xffff, v63  }
.LBB2_28:
0x124: {  	s21 =	simm.s32 $0x80  }
0x125: {  	s22 =	simm.s32 $0x10;
	s24 =	sadd.s32 $0x0, s9;
	s23 =	simm.s32 $0x180  }
.LBB2_29:
0x126: {  	[tilespmem:s21], [sflag:$0x2] =	stream.linear.gather [hbm4b:s24+s2], $0x80, $0x38;
	[tilespmem:$0x12800] =	vst v63  }
0x127: {  	s24 =	smov.u32 s22;
	s21 =	smov.u32 s23;
	p0 =	sne.s32 s22, $0x7F0  }
.Ltmp17:
0x128: {  	s22 =	sadd.s32 $0x10, s22;
	(pc) =	sbr.rel @p0 .LBB2_29-.Ltmp17, $2  }
0x129: {  	_ =	sdelay $0x2  }
0x12a: {  	s23 =	sadd.s32 $0x100, s23;
	s24 =	sadd.s32 s24, s9  }
0x12b: {  	[tilespmem:s21], [sflag:$0x2] =	stream.linear.gather [hbm4b:s24+s2], $0x80, $0x38;
	[tilespmem:$0x12800] =	vst v63  }
0x12c: {  	s21 =	simm.s32 $0x8080  }
0x12d: {  	s22 =	simm.s32 $0x10;
	s24 =	sadd.s32 $0x0, s10;
	s23 =	simm.s32 $0x8180  }
.LBB2_31:
0x12e: {  	[tilespmem:s21], [sflag:$0x2] =	stream.linear.gather [hbm4b:s24+s2], $0x80, $0x38;
	[tilespmem:$0x12800] =	vst v63  }
0x12f: {  	s24 =	smov.u32 s22;
	s21 =	smov.u32 s23;
	p0 =	sne.s32 s22, $0x7F0  }
.Ltmp18:
0x130: {  	s22 =	sadd.s32 $0x10, s22;
	(pc) =	sbr.rel @p0 .LBB2_31-.Ltmp18, $2  }
0x131: {  	_ =	sdelay $0x2  }
0x132: {  	s23 =	sadd.s32 $0x100, s23;
	s24 =	sadd.s32 s24, s10  }
0x133: {  	[tilespmem:s21], [sflag:$0x2] =	stream.linear.gather [hbm4b:s24+s2], $0x80, $0x38;
	[tilespmem:$0x12800] =	vst v63  }
0x134: {  	_ =	swait.ge [sflag:s13], $0x4000  }
.Ltmp19:
0x135: {  	[sflag:s13] =	ssyncset.done $0x0;
	(pc) =	sbr.rel .LBB2_33-.Ltmp19, $4  }
0x136: {  	[sflag:s13] =	ssyncadd.s32 $0xFFFFC000  }
0x137: {  	_ =	swait.ge [sflag:s13], $0x4000  }
0x138: {  	[sflag:s13] =	ssyncset.done $0x0  }
0x139: {  	s21 =	simm.s32 $0x0;
	s22 =	simm.s32 $0x0;
	[sflag:s13] =	ssyncadd.s32 $0xFFFFC000  }
.LBB2_34:
0x13a: {  	v3 =	vld [tilespmem:s23+$0x0];
	s24 =	sand.u32 $0x3FFFFC00, s23  }
0x13b: {  	v4 =	vld [tilespmem:s24+$0x10]  }
0x13c: {  	v5 =	vld [tilespmem:s24+$0x20]  }
0x13d: {  	v6 =	vld [tilespmem:s24+$0x30]  }
0x13e: {  	v7 =	vld [tilespmem:s24+$0x40]  }
0x13f: {  	v8 =	vld [tilespmem:s24+$0x50]  }
0x140: {  	v9 =	vld [tilespmem:s24+$0x60]  }
0x141: {  	v10 =	vld [tilespmem:s24+$0x70]  }
0x142: {  	v11 =	vld [tilespmem:s24+$0x100]  }
0x143: {  	v12 =	vld [tilespmem:s24+$0x110]  }
0x144: {  	v13 =	vld [tilespmem:s24+$0x120]  }
0x145: {  	v14 =	vld [tilespmem:s24+$0x130]  }
0x146: {  	v15 =	vld [tilespmem:s24+$0x140]  }
0x147: {  	v16 =	vld [tilespmem:s24+$0x150]  }
0x148: {  	v17 =	vld [tilespmem:s24+$0x160]  }
0x149: {  	v18 =	vld [tilespmem:s24+$0x170]  }
0x14a: {  	v19 =	vld [tilespmem:s24+$0x200]  }
0x14b: {  	v20 =	vld [tilespmem:s24+$0x210]  }
0x14c: {  	v21 =	vld [tilespmem:s24+$0x220]  }
0x14d: {  	v22 =	vld [tilespmem:s24+$0x230]  }
0x14e: {  	v23 =	vld [tilespmem:s24+$0x240]  }
0x14f: {  	v24 =	vld [tilespmem:s24+$0x250];
	v3 =	vadd.f32 $0.0e+00, v3;
	v4 =	vadd.f32 $0.0e+00, v4  }
0x150: {  	v52 =	vld [tilespmem:s24+$0x260];
	v5 =	vadd.f32 $0.0e+00, v5;
	v6 =	vadd.f32 $0.0e+00, v6  }
0x151: {  	v53 =	vld [tilespmem:s24+$0x270];
	v3 =	vadd.f32 v7, v3;
	v4 =	vadd.f32 v8, v4  }
0x152: {  	v54 =	vld [tilespmem:s24+$0x300];
	v5 =	vadd.f32 v9, v5;
	v6 =	vadd.f32 v10, v6  }
0x153: {  	v55 =	vld [tilespmem:s24+$0x310];
	v3 =	vadd.f32 v11, v3;
	v4 =	vadd.f32 v12, v4  }
0x154: {  	v56 =	vld [tilespmem:s24+$0x320];
	v5 =	vadd.f32 v13, v5;
	v6 =	vadd.f32 v14, v6  }
0x155: {  	v57 =	vld [tilespmem:s24+$0x330];
	v3 =	vadd.f32 v15, v3;
	v4 =	vadd.f32 v16, v4  }
0x156: {  	v58 =	vld [tilespmem:s24+$0x340];
	v5 =	vadd.f32 v17, v5;
	v6 =	vadd.f32 v18, v6  }
0x157: {  	v59 =	vld [tilespmem:s24+$0x350];
	v3 =	vadd.f32 v19, v3;
	v4 =	vadd.f32 v20, v4  }
0x158: {  	s31 =	sor.u32 $0x370, s23;
	v60 =	vld [tilespmem:s24+$0x360];
	v5 =	vadd.f32 v21, v5;
	v6 =	vadd.f32 v22, v6  }
0x159: {  	v2 =	vbroadcast v2, $0x0;
	v61 =	vld [tilespmem:s31+$0x0];
	v3 =	vadd.f32 v23, v3;
	v4 =	vadd.f32 v24, v4  }
0x15a: {  	v5 =	vadd.f32 v52, v5;
	v6 =	vadd.f32 v53, v6  }
0x15b: {  	v62 =	vshll.u32 v2, $0x3;
	v3 =	vadd.f32 v54, v3;
	v4 =	vadd.f32 v55, v4  }
0x15c: {  	v2 =	vand.u32 $0x7F, v2;
	v5 =	vadd.f32 v56, v5;
	v6 =	vadd.f32 v57, v6  }
0x15d: {  	v8 =	vand.u32 $0xFFFFFC00, v62;
	v3 =	vadd.f32 v58, v3;
	v4 =	vadd.f32 v59, v4  }
0x15e: {  	v2 =	vor.u32 v2, v8;
	v5 =	vadd.f32 v60, v5;
	v6 =	vadd.f32 v61, v6  }
0x15f: {  	v2 =	vadd.s32 v1, v2  }
0x160: {  	v3 =	vadd.f32 v4, v3;
	v63 =	vadd.f32 v6, v5;
	_ =	sdelay $0x1  }
0x161: {  	v3 =	vadd.f32 v63, v3;
	_ =	sdelay $0x1  }
0x162: {  	[tilespmem:v2+s14+$0x0] =	vst.idx.add.f32.msk $0xffff, v3  }
.LBB2_38:
0x163: {  	s22 =	sadd.s32 $0x1, s22  }
0x164: {  	p0 =	sne.s32 s22, $0x20  }
.Ltmp20:
0x165: {  	_ = 	snop;
	(pc) =	sbr.rel @!p0 .LBB2_39-.Ltmp20, $1  }
0x166: {  	_ =	sdelay $0x3  }
.LBB2_33:
0x167: {  	s23 =	sshll.u32 s22, $0xA  }
0x168: {  	v2 =	vld [tilespmem:s23+$0x8000]  }
0x169: {  	v3 =	vld [tilespmem:s23+$0x8370];
	_ =	sdelay $0x3  }
0x16a: {  	(v2sf) =	vpush v2, $0x0  }
0x16b: {  	(v2sf) =	vpush v3, $0xF;
	_ =	sdelay $0xd  }
0x16c: {  	s24 =	spop (v2sf)  }
0x16d: {  	s25 =	spop (v2sf)  }
0x16e: {  	p0 =	sne.s32 s24, s25  }
.Ltmp21:
0x16f: {  	_ = 	snop;
	(pc) =	sbr.rel @!p0 .LBB2_34-.Ltmp21, $2  }
0x170: {  	_ =	sdelay $0x2  }
0x171: {  	s25 =	simm.s32 $0xFFFFFFFC  }
0x172: {  	s24 =	sand.u32 $0x40, s21;
	s26 =	sand.u32 $0x300, s21  }
0x173: {  	s24 =	sor.u32 s24, s26  }
0x174: {  	s24 =	sor.u32 s23, s24  }
0x175: {  	v2 =	vld [tilespmem:s24+$0x8000]  }
0x176: {  	v7 =	vld [tilespmem:s24+$0x8010]  }
0x177: {  	v3 =	vld [tilespmem:s24+$0x8020]  }
0x178: {  	v4 =	vld [tilespmem:s24+$0x8030];
	_ =	sdelay $0x2  }
0x179: {  	v6 =	vshll.u32 v2, $0x3  }
0x17a: {  	v5 =	vand.u32 $0x7F, v2;
	v2 =	vshll.u32 v7, $0x3;
	v7 =	vand.u32 $0x7F, v7  }
0x17b: {  	s25 =	sadd.s32 $0x4, s25;
	s28 =	sor.u32 $0x20, s24;
	v8 =	vshll.u32 v3, $0x3;
	v9 =	vshll.u32 v4, $0x3;
	v2 =	vand.u32 $0xFFFFFC00, v2  }
0x17c: {  	s29 =	sadd.s32 $0x80, s21;
	s26 =	sor.u32 $0x30, s24;
	v6 =	vand.u32 $0xFFFFFC00, v6;
	v8 =	vand.u32 $0xFFFFFC00, v8;
	v7 =	vor.u32 v7, v2;
	v2 =	vld [tilespmem:s28+$0x0];
	s28 =	sadd.s32 $0x40, s21  }
.LBB2_36:
0x17d: {  	s30 =	sand.u32 $0x40, s28;
	s31 =	sand.u32 $0x300, s29;
	s25 =	sadd.s32 $0x4, s25;
	v10 =	vld [tilespmem:s24+$0x0];
	v5 =	vor.u32 v5, v6;
	v3 =	vand.u32 $0x7F, v3  }
0x17e: {  	s30 =	sor.u32 s30, s31;
	p0 =	slt.u32 s25, $0x1C;
	s31 =	sor.u32 $0x10, s24;
	v6 =	vor.u32 v3, v8;
	v8 =	vld [tilespmem:s26+$0x0];
	v3 =	vand.u32 $0x7F, v4;
	v4 =	vand.u32 $0xFFFFFC00, v9  }
0x17f: {  	v7 =	vadd.s32 v1, v7;
	s24 =	sor.u32 s23, s30;
	v9 =	vld [tilespmem:s31+$0x0];
	v3 =	vor.u32 v3, v4  }
0x180: {  	v11 =	vld [tilespmem:s24+$0x8000];
	s26 =	sor.u32 $0x30, s24;
	v12 =	vadd.s32 v1, v3  }
0x181: {  	v14 =	vadd.s32 v1, v5;
	v13 =	vld [tilespmem:s24+$0x8010]  }
0x182: {  	v15 =	vadd.s32 v1, v6;
	v3 =	vld [tilespmem:s24+$0x8020]  }
0x183: {  	v4 =	vld [tilespmem:s24+$0x8030]  }
.Ltmp22:
0x184: {  	[tilespmem:v7+s14+$0x0] =	vst.idx.add.f32.msk $0xffff, v9;
	(pc) =	sbr.rel @p0 .LBB2_36-.Ltmp22, $4  }
0x185: {  	v5 =	vand.u32 $0x7F, v11;
	v6 =	vshll.u32 v11, $0x3;
	[tilespmem:v12+s14+$0x0] =	vst.idx.add.f32.msk $0xffff, v8  }
0x186: {  	v6 =	vand.u32 $0xFFFFFC00, v6;
	v7 =	vshll.u32 v13, $0x3;
	[tilespmem:v14+s14+$0x0] =	vst.idx.add.f32.msk $0xffff, v10  }
0x187: {  	s30 =	sor.u32 $0x20, s24;
	v8 =	vand.u32 $0x7F, v13;
	v7 =	vand.u32 $0xFFFFFC00, v7;
	v9 =	vshll.u32 v3, $0x3;
	[tilespmem:v15+s14+$0x0] =	vst.idx.add.f32.msk $0xffff, v2  }
0x188: {  	s28 =	sadd.s32 $0x40, s28;
	s29 =	sadd.s32 $0x80, s29;
	v7 =	vor.u32 v8, v7;
	v2 =	vld [tilespmem:s30+$0x0];
	v8 =	vand.u32 $0xFFFFFC00, v9;
	v9 =	vshll.u32 v4, $0x3  }
0x189: {  	s23 =	sor.u32 $0x10, s24;
	v4 =	vand.u32 $0x7F, v4  }
0x18a: {  	v9 =	vand.u32 $0xFFFFFC00, v9;
	v7 =	vadd.s32 v1, v7;
	v5 =	vor.u32 v5, v6;
	v10 =	vld [tilespmem:s23+$0x0]  }
0x18b: {  	v3 =	vand.u32 $0x7F, v3;
	v63 =	vld [tilespmem:s24+$0x0];
	v4 =	vor.u32 v4, v9;
	v5 =	vadd.s32 v1, v5  }
0x18c: {  	v62 =	vld [tilespmem:s26+$0x0];
	v3 =	vor.u32 v3, v8;
	v4 =	vadd.s32 v1, v4  }
0x18d: {  	v3 =	vadd.s32 v1, v3  }
.Ltmp23:
0x18e: {  	_ = 	snop;
	(pc) =	sbr.rel .LBB2_38-.Ltmp23, $4  }
0x18f: {  	[tilespmem:v7+s14+$0x0] =	vst.idx.add.f32.msk $0xffff, v10  }
0x190: {  	[tilespmem:v5+s14+$0x0] =	vst.idx.add.f32.msk $0xffff, v63  }
0x191: {  	[tilespmem:v4+s14+$0x0] =	vst.idx.add.f32.msk $0xffff, v62  }
0x192: {  	[tilespmem:v3+s14+$0x0] =	vst.idx.add.f32.msk $0xffff, v2  }
.LBB2_39:
0x193: {  	_ =	swait.ge [sflag:s15], $0x4000  }
.Ltmp24:
0x194: {  	[sflag:s15] =	ssyncset.done $0x0;
	(pc) =	sbr.rel .LBB2_40-.Ltmp24, $4  }
0x195: {  	[sflag:s15] =	ssyncadd.s32 $0xFFFFC000  }
0x196: {  	_ =	swait.ge [sflag:s15], $0x4000  }
0x197: {  	[sflag:s15] =	ssyncset.done $0x0  }
0x198: {  	s21 =	simm.s32 $0x0;
	s22 =	simm.s32 $0x0;
	[sflag:s15] =	ssyncadd.s32 $0xFFFFC000  }
.LBB2_50:
0x199: {  	s24 =	sor.u32 $0x80, s23  }
0x19a: {  	s30 =	sand.u32 $0x3FFFFC00, s23;
	v3 =	vld [tilespmem:s24+$0x0]  }
0x19b: {  	v4 =	vld [tilespmem:s30+$0x90]  }
0x19c: {  	v5 =	vld [tilespmem:s30+$0xA0]  }
0x19d: {  	v6 =	vld [tilespmem:s30+$0xB0]  }
0x19e: {  	v7 =	vld [tilespmem:s30+$0xC0]  }
0x19f: {  	v8 =	vld [tilespmem:s30+$0xD0]  }
0x1a0: {  	v9 =	vld [tilespmem:s30+$0xE0]  }
0x1a1: {  	v10 =	vld [tilespmem:s30+$0xF0]  }
0x1a2: {  	v11 =	vld [tilespmem:s30+$0x180]  }
0x1a3: {  	v12 =	vld [tilespmem:s30+$0x190]  }
0x1a4: {  	v13 =	vld [tilespmem:s30+$0x1A0]  }
0x1a5: {  	v14 =	vld [tilespmem:s30+$0x1B0]  }
0x1a6: {  	v15 =	vld [tilespmem:s30+$0x1C0]  }
0x1a7: {  	v16 =	vld [tilespmem:s30+$0x1D0]  }
0x1a8: {  	v17 =	vld [tilespmem:s30+$0x1E0]  }
0x1a9: {  	v18 =	vld [tilespmem:s30+$0x1F0]  }
0x1aa: {  	v19 =	vld [tilespmem:s30+$0x280]  }
0x1ab: {  	v20 =	vld [tilespmem:s30+$0x290]  }
0x1ac: {  	v21 =	vld [tilespmem:s30+$0x2A0]  }
0x1ad: {  	v22 =	vld [tilespmem:s30+$0x2B0]  }
0x1ae: {  	v23 =	vld [tilespmem:s30+$0x2C0]  }
0x1af: {  	v24 =	vld [tilespmem:s30+$0x2D0];
	v3 =	vadd.f32 $0.0e+00, v3;
	v4 =	vadd.f32 $0.0e+00, v4  }
0x1b0: {  	v52 =	vld [tilespmem:s30+$0x2E0];
	v5 =	vadd.f32 $0.0e+00, v5;
	v6 =	vadd.f32 $0.0e+00, v6  }
0x1b1: {  	v53 =	vld [tilespmem:s30+$0x2F0];
	v3 =	vadd.f32 v7, v3;
	v4 =	vadd.f32 v8, v4  }
0x1b2: {  	v54 =	vld [tilespmem:s30+$0x380];
	v5 =	vadd.f32 v9, v5;
	v6 =	vadd.f32 v10, v6  }
0x1b3: {  	v55 =	vld [tilespmem:s30+$0x390];
	v3 =	vadd.f32 v11, v3;
	v4 =	vadd.f32 v12, v4  }
0x1b4: {  	v56 =	vld [tilespmem:s30+$0x3A0];
	v5 =	vadd.f32 v13, v5;
	v6 =	vadd.f32 v14, v6  }
0x1b5: {  	v57 =	vld [tilespmem:s30+$0x3B0];
	v3 =	vadd.f32 v15, v3;
	v4 =	vadd.f32 v16, v4  }
0x1b6: {  	v58 =	vld [tilespmem:s30+$0x3C0];
	v5 =	vadd.f32 v17, v5;
	v6 =	vadd.f32 v18, v6  }
0x1b7: {  	v59 =	vld [tilespmem:s30+$0x3D0];
	v3 =	vadd.f32 v19, v3;
	v4 =	vadd.f32 v20, v4  }
0x1b8: {  	s31 =	sor.u32 $0x3F0, s23;
	v60 =	vld [tilespmem:s30+$0x3E0];
	v5 =	vadd.f32 v21, v5;
	v6 =	vadd.f32 v22, v6  }
0x1b9: {  	v2 =	vbroadcast v2, $0x0;
	v61 =	vld [tilespmem:s31+$0x0];
	v3 =	vadd.f32 v23, v3;
	v4 =	vadd.f32 v24, v4  }
0x1ba: {  	v5 =	vadd.f32 v52, v5;
	v6 =	vadd.f32 v53, v6  }
0x1bb: {  	v62 =	vshll.u32 v2, $0x3;
	v3 =	vadd.f32 v54, v3;
	v4 =	vadd.f32 v55, v4  }
0x1bc: {  	v2 =	vand.u32 $0x7F, v2;
	v5 =	vadd.f32 v56, v5;
	v6 =	vadd.f32 v57, v6  }
0x1bd: {  	v8 =	vand.u32 $0xFFFFFC00, v62;
	v3 =	vadd.f32 v58, v3;
	v4 =	vadd.f32 v59, v4  }
0x1be: {  	v2 =	vor.u32 v2, v8;
	v5 =	vadd.f32 v60, v5;
	v6 =	vadd.f32 v61, v6  }
0x1bf: {  	v2 =	vadd.s32 v1, v2  }
0x1c0: {  	v3 =	vadd.f32 v4, v3;
	v63 =	vadd.f32 v6, v5;
	_ =	sdelay $0x1  }
0x1c1: {  	v3 =	vadd.f32 v63, v3;
	_ =	sdelay $0x1  }
0x1c2: {  	[tilespmem:v2+s14+$0x0] =	vst.idx.add.f32.msk $0xffff, v3  }
.LBB2_44:
0x1c3: {  	s22 =	sadd.s32 $0x1, s22  }
0x1c4: {  	p0 =	sne.s32 s22, $0x20  }
.Ltmp25:
0x1c5: {  	_ = 	snop;
	(pc) =	sbr.rel @!p0 .LBB2_45-.Ltmp25, $2  }
0x1c6: {  	_ =	sdelay $0x2  }
0x1c7: {  	s21 =	sadd.s32 $0x400, s21  }
.LBB2_40:
0x1c8: {  	s23 =	sshll.u32 s22, $0xA  }
0x1c9: {  	v2 =	vld [tilespmem:s23+$0x8080]  }
0x1ca: {  	v3 =	vld [tilespmem:s23+$0x83F0];
	_ =	sdelay $0x3  }
0x1cb: {  	(v2sf) =	vpush v2, $0x0  }
0x1cc: {  	(v2sf) =	vpush v3, $0xF;
	_ =	sdelay $0xd  }
0x1cd: {  	s24 =	spop (v2sf)  }
0x1ce: {  	s25 =	spop (v2sf)  }
0x1cf: {  	p0 =	sne.s32 s24, s25  }
.Ltmp26:
0x1d0: {  	_ = 	snop;
	(pc) =	sbr.rel @!p0 .LBB2_50-.Ltmp26, $1  }
0x1d1: {  	_ =	sdelay $0x3  }
0x1d2: {  	p0 =	por $0x0, $0x0;
	s23 =	simm.s32 $0x1  }
0x1d3: {  	s23 =	simm.s32 @!p0 $0x0  }
0x1d4: {  	s23 =	sshll.u32 s23, $0x6  }
0x1d5: {  	s25 =	sadd.s32 s23, s21  }
0x1d6: {  	s23 =	sor.u32 $0x80, s25  }
0x1d7: {  	s26 =	sor.u32 $0x90, s25;
	v4 =	vld [tilespmem:s23+$0x8000]  }
0x1d8: {  	s24 =	sor.u32 $0xA0, s25;
	v2 =	vld [tilespmem:s26+$0x8000]  }
0x1d9: {  	v3 =	vld [tilespmem:s24+$0x8000]  }
0x1da: {  	s29 =	sor.u32 $0xB0, s25  }
0x1db: {  	v6 =	vld [tilespmem:s29+$0x8000]  }
0x1dc: {  	v5 =	vshll.u32 v4, $0x3  }
0x1dd: {  	v4 =	vand.u32 $0x7F, v4;
	v7 =	vshll.u32 v2, $0x3;
	v5 =	vand.u32 $0xFFFFFC00, v5  }
0x1de: {  	s28 =	smov.u32 s21;
	p0 =	por !p0, !p0;
	s25 =	simm.s32 $0x0;
	v5 =	vor.u32 v4, v5;
	v4 =	vand.u32 $0xFFFFFC00, v7;
	v7 =	vshll.u32 v3, $0x3  }
.LBB2_42:
0x1df: {  	s30 =	simm.s32 $0x1  }
0x1e0: {  	s25 =	sadd.s32 $0x4, s25;
	v8 =	vld [tilespmem:s26+$0x0];
	v9 =	vshll.u32 v6, $0x3;
	s30 =	simm.s32 @!p0 $0x0  }
0x1e1: {  	v6 =	vand.u32 $0x7F, v6;
	s28 =	sadd.s32 $0x80, s28;
	p1 =	slt.u32 s25, $0x1C;
	v9 =	vand.u32 $0xFFFFFC00, v9;
	s26 =	sshll.u32 s30, $0x6;
	v10 =	vld [tilespmem:s29+$0x0]  }
0x1e2: {  	v3 =	vand.u32 $0x7F, v3;
	v7 =	vand.u32 $0xFFFFFC00, v7;
	v6 =	vor.u32 v6, v9;
	s29 =	sadd.s32 s26, s28;
	v11 =	vld [tilespmem:s24+$0x0]  }
0x1e3: {  	v5 =	vadd.s32 v1, v5;
	v2 =	vand.u32 $0x7F, v2;
	v3 =	vor.u32 v3, v7;
	v9 =	vld [tilespmem:s23+$0x0];
	s23 =	sor.u32 $0x80, s29  }
0x1e4: {  	v4 =	vor.u32 v2, v4;
	v12 =	vadd.s32 v1, v3;
	s26 =	sor.u32 $0x90, s29;
	v7 =	vld [tilespmem:s23+$0x8000]  }
0x1e5: {  	v4 =	vadd.s32 v1, v4;
	s24 =	sor.u32 $0xA0, s29;
	v2 =	vld [tilespmem:s26+$0x8000]  }
0x1e6: {  	v13 =	vadd.s32 v1, v6;
	s29 =	sor.u32 $0xB0, s29;
	v3 =	vld [tilespmem:s24+$0x8000]  }
.Ltmp27:
0x1e7: {  	v6 =	vld [tilespmem:s29+$0x8000];
	(pc) =	sbr.rel @p1 .LBB2_42-.Ltmp27, $4  }
0x1e8: {  	[tilespmem:v5+s14+$0x0] =	vst.idx.add.f32.msk $0xffff, v9  }
0x1e9: {  	v5 =	vshll.u32 v7, $0x3;
	[tilespmem:v12+s14+$0x0] =	vst.idx.add.f32.msk $0xffff, v11  }
0x1ea: {  	v7 =	vand.u32 $0x7F, v7;
	v5 =	vand.u32 $0xFFFFFC00, v5;
	v9 =	vshll.u32 v2, $0x3;
	[tilespmem:v4+s14+$0x0] =	vst.idx.add.f32.msk $0xffff, v8  }
0x1eb: {  	p0 =	por !p0, !p0;
	v5 =	vor.u32 v7, v5;
	v4 =	vand.u32 $0xFFFFFC00, v9;
	v7 =	vshll.u32 v3, $0x3;
	[tilespmem:v13+s14+$0x0] =	vst.idx.add.f32.msk $0xffff, v10  }
0x1ec: {  	v8 =	vshll.u32 v6, $0x3  }
0x1ed: {  	v59 =	vand.u32 $0x7F, v6;
	v3 =	vand.u32 $0x7F, v3;
	v7 =	vand.u32 $0xFFFFFC00, v7  }
0x1ee: {  	v9 =	vld [tilespmem:s23+$0x0];
	v5 =	vadd.s32 v1, v5;
	v2 =	vand.u32 $0x7F, v2;
	v3 =	vor.u32 v3, v7  }
0x1ef: {  	v61 =	vld [tilespmem:s24+$0x0];
	v60 =	vand.u32 $0xFFFFFC00, v8;
	v2 =	vor.u32 v2, v4;
	v3 =	vadd.s32 v1, v3  }
0x1f0: {  	v62 =	vld [tilespmem:s26+$0x0];
	v6 =	vor.u32 v59, v60;
	v2 =	vadd.s32 v1, v2  }
0x1f1: {  	v63 =	vld [tilespmem:s29+$0x0];
	v6 =	vadd.s32 v1, v6  }
.Ltmp28:
0x1f2: {  	_ = 	snop;
	(pc) =	sbr.rel .LBB2_44-.Ltmp28, $4  }
0x1f3: {  	[tilespmem:v5+s14+$0x0] =	vst.idx.add.f32.msk $0xffff, v9  }
0x1f4: {  	[tilespmem:v3+s14+$0x0] =	vst.idx.add.f32.msk $0xffff, v61  }
0x1f5: {  	[tilespmem:v2+s14+$0x0] =	vst.idx.add.f32.msk $0xffff, v62  }
0x1f6: {  	[tilespmem:v6+s14+$0x0] =	vst.idx.add.f32.msk $0xffff, v63  }
.LBB2_45:
0x1f7: {  	s22 =	simm.s32 $0x0  }
0x1f8: {  	s21 =	sand.u32 $0x70, s22;
	s23 =	sand.u32 $0xC00, s22  }
0x1f9: {  	s21 =	sor.u32 s21, s23  }
0x1fa: {  	v2 =	vld [tilespmem:s21+$0x10080]  }
0x1fb: {  	v3 =	vld [tilespmem:s21+$0x10000];
	_ =	sdelay $0x1  }
0x1fc: {  	v4 =	vld [tilespmem:s21+$0x10100];
	_ =	sdelay $0x1  }
0x1fd: {  	v5 =	vld [tilespmem:s21+$0x10180]  }
0x1fe: {  	v2 =	vadd.f32 v2, v3  }
0x1ff: {  	v3 =	vld [tilespmem:s21+$0x10200]  }
0x200: {  	v2 =	vadd.f32 v4, v2  }
0x201: {  	v56 =	vld [tilespmem:s21+$0x10280]  }
0x202: {  	v2 =	vadd.f32 v5, v2  }
0x203: {  	s22 =	sor.u32 s22, s22;
	v57 =	vld [tilespmem:s21+$0x10300]  }
0x204: {  	s22 =	sor.u32 $0x380, s22;
	v2 =	vadd.f32 v3, v2  }
0x205: {  	v3 =	vld [tilespmem:s22+$0x10000]  }
0x206: {  	v2 =	vadd.f32 v56, v2  }
0x207: {  	v58 =	vld [tilespmem:s21+$0x11400]  }
0x208: {  	v2 =	vadd.f32 v57, v2  }
0x209: {  	v59 =	vld [tilespmem:s21+$0x11480]  }
0x20a: {  	v2 =	vadd.f32 v3, v2  }
0x20b: {  	v3 =	vld [tilespmem:s21+$0x11500]  }
0x20c: {  	v2 =	vadd.f32 v58, v2  }
0x20d: {  	v60 =	vld [tilespmem:s21+$0x11580]  }
0x20e: {  	v2 =	vadd.f32 v59, v2  }
0x20f: {  	v61 =	vld [tilespmem:s21+$0x11600]  }
0x210: {  	v2 =	vadd.f32 v3, v2  }
0x211: {  	v3 =	vld [tilespmem:s21+$0x11680]  }
0x212: {  	v2 =	vadd.f32 v60, v2  }
0x213: {  	v62 =	vld [tilespmem:s21+$0x11700]  }
0x214: {  	v2 =	vadd.f32 v61, v2  }
0x215: {  	v63 =	vld [tilespmem:s21+$0x11780]  }
0x216: {  	v2 =	vadd.f32 v3, v2;
	_ =	sdelay $0x1  }
0x217: {  	v2 =	vadd.f32 v62, v2  }
0x218: {  	s23 =	simm.s32 $0x80;
	s22 =	simm.s32 $0x10  }
0x219: {  	s25 =	sand.u32 $0xC00, s23;
	s24 =	sand.u32 $0x70, s22;
	v2 =	vadd.f32 v63, v2  }
0x21a: {  	s25 =	sor.u32 s24, s25;
	s24 =	simm.s32 $0x20  }
.LBB2_46:
0x21b: {  	p0 =	sne.s32 s24, $0x1F0;
	v3 =	vld [tilespmem:s25+$0x10080];
	[tilespmem:s21+$0x10000] =	vst v2;
	s21 =	smov.u32 s25  }
0x21c: {  	v2 =	vld [tilespmem:s21+$0x10000];
	_ =	sdelay $0x1  }
0x21d: {  	v4 =	vld [tilespmem:s21+$0x10100];
	_ =	sdelay $0x1  }
0x21e: {  	v5 =	vld [tilespmem:s21+$0x10180]  }
0x21f: {  	v2 =	vadd.f32 v3, v2  }
0x220: {  	v3 =	vld [tilespmem:s21+$0x10200]  }
0x221: {  	v2 =	vadd.f32 v4, v2  }
0x222: {  	v4 =	vld [tilespmem:s21+$0x10280]  }
0x223: {  	v2 =	vadd.f32 v5, v2  }
0x224: {  	s25 =	sor.u32 s23, s22;
	s22 =	smov.u32 s24;
	v5 =	vld [tilespmem:s21+$0x10300]  }
0x225: {  	s25 =	sor.u32 $0x380, s25;
	v2 =	vadd.f32 v3, v2  }
0x226: {  	v3 =	vld [tilespmem:s25+$0x10000]  }
0x227: {  	v2 =	vadd.f32 v4, v2  }
0x228: {  	v4 =	vld [tilespmem:s21+$0x11400]  }
0x229: {  	v2 =	vadd.f32 v5, v2  }
0x22a: {  	v5 =	vld [tilespmem:s21+$0x11480]  }
0x22b: {  	v2 =	vadd.f32 v3, v2  }
0x22c: {  	v3 =	vld [tilespmem:s21+$0x11500]  }
0x22d: {  	v2 =	vadd.f32 v4, v2  }
0x22e: {  	v4 =	vld [tilespmem:s21+$0x11580]  }
0x22f: {  	v2 =	vadd.f32 v5, v2  }
0x230: {  	v5 =	vld [tilespmem:s21+$0x11600]  }
0x231: {  	v2 =	vadd.f32 v3, v2  }
0x232: {  	v3 =	vld [tilespmem:s21+$0x11680]  }
0x233: {  	v2 =	vadd.f32 v4, v2  }
0x234: {  	v4 =	vld [tilespmem:s21+$0x11700]  }
0x235: {  	v2 =	vadd.f32 v5, v2  }
0x236: {  	v5 =	vld [tilespmem:s21+$0x11780]  }
0x237: {  	v2 =	vadd.f32 v3, v2  }
.Ltmp29:
0x238: {  	(pc) =	sbr.rel @p0 .LBB2_46-.Ltmp29, $4  }
0x239: {  	v2 =	vadd.f32 v4, v2  }
0x23a: {  	s23 =	sadd.s32 $0x80, s23  }
0x23b: {  	s26 =	sand.u32 $0xC00, s23;
	s25 =	sand.u32 $0x70, s24;
	v2 =	vadd.f32 v5, v2  }
0x23c: {  	s24 =	sadd.s32 $0x10, s24;
	s25 =	sor.u32 s25, s26  }
0x23d: {  	v3 =	vld [tilespmem:s25+$0x10080];
	[tilespmem:s21+$0x10000] =	vst v2  }
0x23e: {  	v2 =	vld [tilespmem:s25+$0x10000];
	_ =	sdelay $0x1  }
0x23f: {  	v4 =	vld [tilespmem:s25+$0x10100];
	_ =	sdelay $0x1  }
0x240: {  	v5 =	vld [tilespmem:s25+$0x10180]  }
0x241: {  	v2 =	vadd.f32 v3, v2  }
0x242: {  	v3 =	vld [tilespmem:s25+$0x10200]  }
0x243: {  	v2 =	vadd.f32 v4, v2  }
0x244: {  	v56 =	vld [tilespmem:s25+$0x10280]  }
0x245: {  	v2 =	vadd.f32 v5, v2  }
0x246: {  	v57 =	vld [tilespmem:s25+$0x10300];
	s28 =	sor.u32 s23, s22  }
0x247: {  	s21 =	sor.u32 $0x380, s28;
	v2 =	vadd.f32 v3, v2  }
0x248: {  	v3 =	vld [tilespmem:s21+$0x10000]  }
0x249: {  	v2 =	vadd.f32 v56, v2  }
0x24a: {  	v58 =	vld [tilespmem:s25+$0x11400]  }
0x24b: {  	v2 =	vadd.f32 v57, v2  }
0x24c: {  	v59 =	vld [tilespmem:s25+$0x11480]  }
0x24d: {  	v2 =	vadd.f32 v3, v2  }
0x24e: {  	v3 =	vld [tilespmem:s25+$0x11500]  }
0x24f: {  	v2 =	vadd.f32 v58, v2  }
0x250: {  	v60 =	vld [tilespmem:s25+$0x11580]  }
0x251: {  	v2 =	vadd.f32 v59, v2  }
0x252: {  	v61 =	vld [tilespmem:s25+$0x11600]  }
0x253: {  	v2 =	vadd.f32 v3, v2  }
0x254: {  	v3 =	vld [tilespmem:s25+$0x11680]  }
0x255: {  	v2 =	vadd.f32 v60, v2  }
0x256: {  	v62 =	vld [tilespmem:s25+$0x11700]  }
0x257: {  	v2 =	vadd.f32 v61, v2  }
0x258: {  	v63 =	vld [tilespmem:s25+$0x11780]  }
0x259: {  	v2 =	vadd.f32 v3, v2;
	_ =	sdelay $0x1  }
0x25a: {  	v2 =	vadd.f32 v62, v2;
	_ =	sdelay $0x1  }
0x25b: {  	v2 =	vadd.f32 v63, v2;
	_ =	sdelay $0x1  }
0x25c: {  	[tilespmem:s25+$0x10000] =	vst v2  }
0x25d: {  	[hbm4b:s11+s2] =	stream.linear.scatter [tilespmem:s14], [sflag:$0x3], $0x80, $0x38;
	[tilespmem:$0x12800] =	vst v63  }
0x25e: {  	s29 =	sadd.s32 $0x80, s11;
	s20 =	sadd.s32 $0x1, s20  }
0x25f: {  	[hbm4b:s29+s2] =	stream.linear.scatter [tilespmem:s16], [sflag:$0x3], $0x80, $0x38;
	[tilespmem:$0x12800] =	vst v63  }
0x260: {  	s30 =	sadd.s32 $0x100, s11;
	p0 =	sne.s32 s20, s12  }
0x261: {  	[hbm4b:s30+s2] =	stream.linear.scatter [tilespmem:s17], [sflag:$0x3], $0x80, $0x38;
	[tilespmem:$0x12800] =	vst v63  }
.Ltmp30:
0x262: {  	s31 =	sadd.s32 $0x180, s11;
	(pc) =	sbr.rel @p0 .LBB2_1-.Ltmp30, $4  }
0x263: {  	[hbm4b:s31+s2] =	stream.linear.scatter [tilespmem:s18], [sflag:$0x3], $0x80, $0x38;
	[tilespmem:$0x12800] =	vst v63  }
0x264: {  	_ =	swait.ge [sflag:s19], $0x200  }
0x265: {  	[sflag:s19] =	ssyncset.done $0x0  }
0x266: {  	[sflag:s19] =	ssyncadd.s32 $0xFFFFFE00  }
0x267: {  	_ =	sfence.sel $0x180000  }
0x268: {  	[bflag:$0x0] =	sbarrier.arrive $0xFFFF  }
0x269: {  	p0 =	sne.s32 s1, $0x0;
	_ =	strace $0x90000047  }
0x26a: {  	s0 =	sadd.s32 @!p0 $0x100000, s0;
	[bflag:$0x2] =	sbarrier.arrive $0xFFFF  }
0x26b: {  	[sflag:s0] =	ssyncadd.tile.s32 @!p0 $0x1;
	_ =	shalt  }
.Lfunc_end2:
_tile_overlayer_lowered:
.L_overlay_start_2:
0x26c: {  	(tag) =	ssettag $0x2  }
0x26d: {  	s0 =	rddreg [dreg:$0x0];
	s2 =	stileid.u32  }
0x26e: {  	s1 =	rddreg [dreg:$0x1];
	p0 =	sne.s32 s2, $0x0  }
0x26f: {  	s3 =	rddreg [dreg:$0x2];
	[bflag:$0x3] =	sbarrier.arrive $0xFFFF;
	s2 =	simm.s32 @!p0 $0x1C03  }
0x270: {  	[timem:s3], [sflag:s2] =	dma.local @!p0 [hbm:s0], s1  }
0x271: {  	s0 =	simm.s32 @!p0 $0x3  }
0x272: {  	_ =	swait.ge @!p0 [sflag:s0], s1  }
0x273: {  	s1 =	ssub.s32 @!p0 $0x0, s1;
	[sflag:s0] =	ssyncset.done @!p0 $0x0  }
0x274: {  	[sflag:s0] =	ssyncadd.s32 @!p0 s1  }
0x275: {  	[bflag:$0x3] =	sbarrier.arrive $0xFFFF  }
0x276: {  	_ =	shalt  }

// kernel: kernel.7.cloned.1.call-start
scs
__scs_entry_jumppad:
0x0: {  	(pc) =	sbr.rel $0x88, $3  }
0x1: {  	(tag) =	ssettag $0x0;
	lr =	simm.s32 $0x1  }
0x2: {  	[smem:$0x3F9D] =	sst lr;
	_ =	strace $0xD0000000  }
0x3: {  	_ = 	snop  }
0x4: {  	_ = 	snop  }
0x5: {  	_ = 	snop  }
0x6: {  	_ = 	snop  }
0x7: {  	_ = 	snop  }
__scs_overlays_trampoline_lowered:
0x8: {  	[smem:$0x3FAC] =	sst s0  }
0x9: {  	[smem:$0x3FAD] =	sst s1  }
0xa: {  	[smem:$0x3FAE] =	sst s2  }
0xb: {  	[smem:$0x3FAF] =	sst s3  }
0xc: {  	[smem:$0x3FB0] =	sst s4  }
0xd: {  	[smem:$0x3FB1] =	sst s5  }
0xe: {  	[smem:$0x3FB2] =	sst s6  }
0xf: {  	[smem:$0x3FB3] =	sst s7  }
0x10: {  	[smem:$0x3FB4] =	sst s8  }
0x11: {  	[smem:$0x3FB5] =	sst s9;
	s0 =	simm.s32 @!p0 $0x0  }
0x12: {  	s1 =	sld [smem:$0x3F9B];
	s0 =	simm.s32 @p0 $0x1  }
0x13: {  	[smem:$0x3FB6] =	sst s0;
	s0 =	simm.s32 @!p1 $0x0  }
0x14: {  	s2 =	sld [smem:$0x3F9A];
	s0 =	simm.s32 @p1 $0x1  }
0x15: {  	[smem:$0x3FB7] =	sst s0;
	s0 =	simm.s32 @!p2 $0x0  }
0x16: {  	s3 =	sld [smem:$0x3FDB];
	s0 =	simm.s32 @p2 $0x1  }
0x17: {  	s4 =	simm.s32 $0x1BF5;
	[smem:$0x3FB9] =	sst s0  }
0x18: {  	s0 =	sld [smem:$0x3F9C];
	_ =	swait.ge [sflag:s4], $0x0  }
0x19: {  	s7 =	sld [smem:$0x3F9D]  }
0x1a: {  	s8 =	sadd.s32 $0xFFFFE003, lr  }
0x1b: {  	s9 =	sadd.s32 $0xFFFFFEF7, lr;
	s5 =	simm.s32 $0xFFFFFFFF;
	p2 =	slt.u32 s8, $0xFFFFF086  }
0x1c: {  	p1 =	slt.u32 s9, $0xF7A;
	s5 =	simm.s32 @!p2 $0x0  }
0x1d: {  	s5 =	simm.s32 @p1 $0x1;
	p0 =	seq.s32 s7, s2  }
0x1e: {  	s7 =	smul.u32 @!p0 $0xF7A, s2;
	p2 =	seq.s32 @!p0 s5, $0x0  }
0x1f: {  	s9 =	smul.u32 $0xF7A, s1;
	s8 =	simm.s32 @!p0 $0x1BF5;
	p2 =	por !p2, p0  }
0x20: {  	[sflag:s8] =	ssyncset.s32 @!p0 $0xFFFFF086;
	s6 =	sadd.s32 @!p0 s3, s7;
	s7 =	simm.s32 @!p0 $0x108  }
0x21: {  	s3 =	sadd.s32 s3, s9;
	s6 =	sadd.s32 @!p0 $0x88, s6;
	s7 =	simm.s32 @p2 $0x1082  }
0x22: {  	[simem:s7], [sflag:s8] =	dma.local @!p0 [hbm:s6], $0xF7A  }
0x23: {  	s9 =	sor.u32 $0xD0000000, s2;
	s6 =	simm.s32 $0x108;
	_ =	swait.ge @!p0 [sflag:s8], $0x0  }
0x24: {  	s3 =	sadd.s32 $0x88, s3;
	s6 =	simm.s32 @!p1 $0x1082;
	[sflag:s4] =	ssyncset.s32 $0xFFFFF086  }
0x25: {  	[simem:s6], [sflag:s4] =	dma.local [hbm:s3], $0xF7A  }
0x26: {  	[smem:$0x3F9D] =	sst s1;
	(tag) =	ssettag s2;
	_ =	strace s9  }
0x27: {  	s1 =	sld [smem:$0x3FAD]  }
0x28: {  	s2 =	sld [smem:$0x3FAE]  }
0x29: {  	s4 =	sld [smem:$0x3FB0]  }
0x2a: {  	p0 =	seq.s32 s5, $0x0;
	s5 =	sld [smem:$0x3FB1]  }
0x2b: {  	s6 =	sld [smem:$0x3FB2]  }
0x2c: {  	s7 =	sld [smem:$0x3FB3]  }
0x2d: {  	s3 =	simm.s32 $0x108;
	s8 =	sld [smem:$0x3FB4]  }
0x2e: {  	s3 =	simm.s32 @!p0 $0x1082;
	s9 =	sld [smem:$0x3FB5]  }
0x2f: {  	lr =	sadd.s32 s0, s3;
	s0 =	sld [smem:$0x3FAC]  }
0x30: {  	s3 =	sld [smem:$0x3FAF]  }
0x31: {  	[smem:$0x3FB8] =	sst s10  }
0x32: {  	s10 =	sld [smem:$0x3FB6];
	_ =	sdelay $0x3  }
0x33: {  	p0 =	seq.s32 s10, $0x1;
	s10 =	sld [smem:$0x3FB8];
	_ =	sdelay $0x3  }
0x34: {  	[smem:$0x3FB8] =	sst s10  }
0x35: {  	s10 =	sld [smem:$0x3FB7];
	_ =	sdelay $0x3  }
0x36: {  	p1 =	seq.s32 s10, $0x1;
	s10 =	sld [smem:$0x3FB8];
	_ =	sdelay $0x3  }
0x37: {  	[smem:$0x3FB8] =	sst s10  }
0x38: {  	s10 =	sld [smem:$0x3FB9]  }
0x39: {  	_ = 	snop;
	(pc) =	sbr.ind lr, $3  }
0x3a: {  	_ = 	snop  }
0x3b: {  	_ = 	snop  }
0x3c: {  	p2 =	seq.s32 s10, $0x1;
	s10 =	sld [smem:$0x3FB8]  }
0x3d: {  	_ =	shalt  }
0x3e: {  	_ =	shalt  }
0x3f: {  	_ =	shalt  }
0x40: {  	_ =	shalt  }
0x41: {  	_ =	shalt  }
0x42: {  	_ =	shalt  }
0x43: {  	_ =	shalt  }
0x44: {  	_ =	shalt  }
0x45: {  	_ =	shalt  }
0x46: {  	_ =	shalt  }
0x47: {  	_ =	shalt  }
0x48: {  	_ =	shalt  }
0x49: {  	_ =	shalt  }
0x4a: {  	_ =	shalt  }
0x4b: {  	_ =	shalt  }
0x4c: {  	_ =	shalt  }
0x4d: {  	_ =	shalt  }
0x4e: {  	_ =	shalt  }
0x4f: {  	_ =	shalt  }
0x50: {  	_ =	shalt  }
0x51: {  	_ =	shalt  }
0x52: {  	_ =	shalt  }
0x53: {  	_ =	shalt  }
0x54: {  	_ =	shalt  }
0x55: {  	_ =	shalt  }
0x56: {  	_ =	shalt  }
0x57: {  	_ =	shalt  }
0x58: {  	_ =	shalt  }
0x59: {  	_ =	shalt  }
0x5a: {  	_ =	shalt  }
0x5b: {  	_ =	shalt  }
0x5c: {  	_ =	shalt  }
0x5d: {  	_ =	shalt  }
0x5e: {  	_ =	shalt  }
0x5f: {  	_ =	shalt  }
0x60: {  	_ =	shalt  }
0x61: {  	_ =	shalt  }
0x62: {  	_ =	shalt  }
0x63: {  	_ =	shalt  }
0x64: {  	_ =	shalt  }
0x65: {  	_ =	shalt  }
0x66: {  	_ =	shalt  }
0x67: {  	_ =	shalt  }
0x68: {  	_ =	shalt  }
0x69: {  	_ =	shalt  }
0x6a: {  	_ =	shalt  }
0x6b: {  	_ =	shalt  }
0x6c: {  	_ =	shalt  }
0x6d: {  	_ =	shalt  }
0x6e: {  	_ =	shalt  }
0x6f: {  	_ =	shalt  }
0x70: {  	_ =	shalt  }
0x71: {  	_ =	shalt  }
0x72: {  	_ =	shalt  }
0x73: {  	_ =	shalt  }
0x74: {  	_ =	shalt  }
0x75: {  	_ =	shalt  }
0x76: {  	_ =	shalt  }
0x77: {  	_ =	shalt  }
0x78: {  	_ =	shalt  }
0x79: {  	_ =	shalt  }
0x7a: {  	_ =	shalt  }
0x7b: {  	_ =	shalt  }
0x7c: {  	_ =	shalt  }
0x7d: {  	_ =	shalt  }
0x7e: {  	_ =	shalt  }
0x7f: {  	_ =	shalt  }
0x80: {  	_ =	shalt  }
0x81: {  	_ =	shalt  }
0x82: {  	_ =	shalt  }
0x83: {  	_ =	shalt  }
0x84: {  	_ =	shalt  }
0x85: {  	_ =	shalt  }
0x86: {  	_ =	shalt  }
0x87: {  	_ =	shalt  }
.Lfunc_end0:
.L_simem_size_0:
called_computation_lowered:
.L_overlay_start_0:
0x88: {  	s2 =	sld [smem:$0x3FD9]  }
0x89: {  	s3 =	sld [smem:$0x3FFE];
	_ =	sdelay $0x1  }
0x8a: {  	s1 =	srdreg.scid  }
0x8b: {  	s0 =	sand.u32 $0x1, s1  }
0x8c: {  	s17 =	sshll.u32 s0, $0xA;
	s2 =	sadd.s32 s3, s2  }
0x8d: {  	s2 =	sadd.s32 s2, s17  }
0x8e: {  	[smem:$0x3FC4] =	sst s2  }
0x8f: {  	_ = 	snop  }
0x90: {  	s18 =	sld [smem:$0x3FC6];
	(tm) =	ssettm $0x1  }
0x91: {  	s19 =	sld [smem:$0x3FFB];
	_ =	sdelay $0x3  }
0x92: {  	_ =	strace s19  }
0x93: {  	s2 =	sld [smem:$0x3FFC];
	_ =	sdelay $0x3  }
0x94: {  	_ =	strace s2  }
0x95: {  	s2 =	sld [smem:$0x3FFD];
	_ =	sdelay $0x3  }
0x96: {  	_ =	strace s2  }
0x97: {  	_ =	strace $0x8FFFFFFF  }
0x98: {  	s20 =	sld [smem:$0x3FDB];
	_ =	sdelay $0x1  }
0x99: {  	s4 =	simm.s32 $_scs_section_size  }
0x9a: {  	s5 =	simm.s32 $_size__tile_overlayer_lowered;
	s6 =	simm.s32 $_tile_overlayer_lowered  }
0x9b: {  	s7 =	simm.s32 $0x1BFF;
	s21 =	sshll.u32 s6, $0x1;
	s4 =	sadd.s32 s4, s20  }
0x9c: {  	s22 =	simm.s32 $0x0;
	s5 =	sshll.u32 s5, $0x1;
	s6 =	sadd.s32 s21, s4  }
0x9d: {  	[timem:s22], [sflag:s7] =	dma.local [hbm:s6], s5  }
0x9e: {  	_ =	swait.ge [sflag:s7], s5  }
0x9f: {  	s5 =	ssub.s32 $0x0, s5;
	[sflag:s7] =	ssyncset.done $0x0  }
0xa0: {  	[sflag:s7] =	ssyncadd.s32 s5;
	_ =	sdelay $0x1  }
0xa1: {  	s23 =	simm.s32 $0x1B8B  }
0xa2: {  	_ =	swait.ge [sflag:s23], $0x1  }
0xa3: {  	[sflag:s23] =	ssyncset.done $0x0  }
0xa4: {  	[sflag:s23] =	ssyncadd.s32 $0xFFFFFFFF  }
0xa5: {  	s5 =	sld [smem:$0x0]  }
0xa6: {  	s6 =	sand.u32 $0xFFFFFFFE, s1  }
0xa7: {  	p0 =	sne.s32 s1, s6  }
0xa8: {  	s6 =	sshll.u32 @p0 s6, $0xE  }
0xa9: {  	s6 =	sadd.s32 @p0 $0x11B8D, s6;
	s7 =	sshll.u32 @p0 s5, $0x11  }
0xaa: {  	s6 =	sor.u32 @p0 s7, s6  }
0xab: {  	[sflag:s6] =	ssyncadd.remote.s32 @p0 $0x1;
	_ =	sdelay $0x1  }
0xac: {  	s6 =	simm.s32 @p0 $0x1B8D  }
0xad: {  	_ =	swait.eq @p0 [sflag:s6], $0x1  }
0xae: {  	[sflag:s6] =	ssyncadd.s32 @p0 $0xFFFFFFFF  }
0xaf: {  	s7 =	sshll.u32 @!p0 s1, $0xE  }
0xb0: {  	s7 =	sor.u32 @!p0 $0x4000, s7;
	s6 =	simm.s32 @!p0 $0x1B8D  }
0xb1: {  	s5 =	sshll.u32 @!p0 s5, $0x11;
	s7 =	sadd.s32 @!p0 $0x11B8D, s7;
	_ =	swait.eq @!p0 [sflag:s6], $0x1  }
0xb2: {  	s5 =	sor.u32 @!p0 s5, s7;
	[sflag:s6] =	ssyncadd.s32 @!p0 $0xFFFFFFFF  }
0xb3: {  	s25 =	simm.s32 $0x1B8E;
	s24 =	sld [smem:$0x3FFE];
	[sflag:s5] =	ssyncadd.remote.s32 @!p0 $0x1  }
0xb4: {  	s26 =	simm.s32 $execute0_lowered;
	[smem:$0x3FD2] =	sst s25  }
0xb5: {  	s6 =	sshll.u32 s26, $0x1;
	_ =	strace $0x80000049;
	[dreg:$0x1] =	wrdreg $0xFFFFFFFF  }
0xb6: {  	s28 =	simm.s32 $_size_execute0_lowered;
	s4 =	sadd.s32 s4, s6;
	[dreg:$0x0] =	wrdreg $0x0  }
0xb7: {  	s6 =	sshll.u32 s28, $0x1;
	[dreg:$0x2] =	wrdreg s4  }
0xb8: {  	[dreg:$0x3] =	wrdreg s6  }
0xb9: {  	[dreg:$0x4] =	wrdreg $0xC0  }
0xba: {  	_ =	task [dreg:s22], $0x5FFFF  }
0xbb: {  	[dreg:$0x1] =	wrdreg $0xFFFFFFFF  }
0xbc: {  	[dreg:$0x0] =	wrdreg $0x60  }
0xbd: {  	[dreg:$0x2] =	wrdreg s24  }
0xbe: {  	[dreg:$0x3] =	wrdreg s18  }
0xbf: {  	[dreg:$0x4] =	wrdreg $0x9  }
0xc0: {  	_ =	task.clear_ibuf [dreg:s22], $0x5FFFF;
	_ =	strace $0x90000049  }
0xc1: {  	s29 =	simm.s32 $0x9;
	_ =	strace $0x8000004B  }
0xc2: {  	_ =	swait.ge [sflag:s29], $0x1  }
0xc3: {  	[sflag:s29] =	ssyncadd.s32 $0xFFFFFFFF  }
0xc4: {  	_ =	strace $0x9000004B  }
0xc5: {  	_ =	sfence  }
0xc6: {  	s30 =	sld [smem:$0x0];
	_ =	sdelay $0x2  }
0xc7: {  	s31 =	sshll.u32 s1, $0xD;
	s1 =	sshrl.u32 s1, $0x2  }
0xc8: {  	s4 =	sand.u32 $0x4000, s31;
	s1 =	sadd.s32 s1, s30  }
0xc9: {  	s0 =	sor.u32 s4, s0;
	s1 =	sshll.u32 s1, $0x11  }
0xca: {  	s0 =	sor.u32 s1, s0  }
0xcb: {  	s0 =	sadd.s32 $0x8F2B, s0  }
0xcc: {  	[sflag:s0] =	ssyncadd.remote.s32 $0x1  }
0xcd: {  	_ =	sfence.sel $0xFFFF  }
0xce: {  	[dreg:$0x0] =	wrdreg $0xFFFFFFFF;
	(pc) =	sbr.abs _section_cstart, $3  }
0xcf: {  	[dreg:$0x1] =	wrdreg $0xFFFFFFFF  }
0xd0: {  	_ =	task.clear_ibuf [dreg:s22], $0x2FFFF;
	_ =	strace $0x9FFFFFFF  }
0xd1: {  	(tm) =	ssettm $0x7FFFFFFF  }
tec
execute0_lowered:
.L_overlay_start_1:
0x0: {  	(tag) =	ssettag $0x1  }
0x1: {  	s3 =	rddreg [dreg:$0x0];
	v0 =	vimm.s32 $0x1780;
	vm0 =	vcmask $0x300  }
0x2: {  	s10 =	rddreg [dreg:$0x1];
	vm14 =	vcmask $0x704;
	v0 =	vsel vm0, $0x0, v0  }
0x3: {  	s0 =	rddreg [dreg:$0x2];
	s1 =	simm.s32 $0x0;
	vm15 =	vcmask $0xB08;
	v0 =	vsel vm14, $0x80, v0  }
0x4: {  	s4 =	srdreg.scid;
	vm4 =	vcmask $0xF0C;
	s2 =	stileid.u32;
	s15 =	simm.s32 $0x2;
	v0 =	vsel vm15, $0x100, v0  }
0x5: {  	vm5 =	vcmask $0x1310;
	s16 =	simm.s32 $0x10400;
	s17 =	simm.s32 $0x10800;
	s18 =	simm.s32 $0x10C00;
	v0 =	vsel vm4, $0x180, v0  }
0x6: {  	vm6 =	vcmask $0x1714;
	s19 =	simm.s32 $0x3;
	s20 =	simm.s32 $0x0;
	[smem:$0x7FF] =	sst s1;
	v0 =	vsel vm5, $0x200, v0  }
0x7: {  	vm7 =	vcmask $0x1B18;
	s9 =	sadd.s32 $0x41800, s3;
	s4 =	sand.u32 $0x1, s4;
	s5 =	sshll.u32 s2, $0x7;
	v0 =	vsel vm6, $0x280, v0  }
0x8: {  	vm8 =	vcmask $0x1F1C;
	s7 =	sshll.u32 s2, $0x1;
	_ =	strace $0x8000004A;
	s6 =	ssub.s32 $0x2, s4;
	v0 =	vsel vm7, $0x300, v0  }
0x9: {  	vm9 =	vcmask $0x2320;
	s5 =	sand.u32 $0x600, s5;
	s7 =	sor.u32 s4, s7;
	s8 =	sshrl.u32 s6, $0x1;
	v0 =	vsel vm8, $0x380, v0  }
0xa: {  	vm10 =	vcmask $0x2724;
	s11 =	sadd.s32 s5, s3;
	s13 =	sshll.u32 s7, $0xD;
	s14 =	sshll.u32 s7, $0x4;
	v0 =	vsel vm9, $0x1400, v0  }
0xb: {  	vm11 =	vcmask $0x2B28;
	s12 =	ssub.s32 s6, s8;
	s3 =	sadd.s32 s9, s13;
	s4 =	sadd.s32 s10, s13;
	v0 =	vsel vm10, $0x1480, v0  }
0xc: {  	vm12 =	vcmask $0x2F2C;
	s30 =	sor.u32 $0x800, s13;
	s31 =	sor.u32 $0x1000, s13;
	s14 =	sand.u32 $0x70, s14;
	v0 =	vsel vm11, $0x1500, v0  }
0xd: {  	vm13 =	vcmask $0x3330;
	s13 =	sor.u32 $0x1800, s13;
	s5 =	sadd.s32 s9, s30;
	s6 =	sadd.s32 s10, s30;
	v0 =	vsel vm12, $0x1580, v0  }
0xe: {  	vm14 =	vcmask $0x3734;
	s7 =	sadd.s32 s9, s31;
	s8 =	sadd.s32 s10, s31;
	s11 =	sadd.s32 s14, s11;
	v0 =	vsel vm13, $0x1600, v0  }
0xf: {  	vm15 =	vcmask $0x3B38;
	s9 =	sadd.s32 s9, s13;
	s10 =	sadd.s32 s10, s13;
	s12 =	smax.u32 s12, $0x1;
	v1 =	vsel vm14, $0x1680, v0  }
0x10: {  	s13 =	simm.s32 $0x1;
	s14 =	simm.s32 $0x10000;
	s11 =	sadd.s32 $0x81800, s11;
	v0 =	vimm.f32 $0.0e+00;
	v1 =	vsel vm15, $0x1700, v1  }
.LBB2_1:
0x11: {  	s21 =	sand.u32 $0x70, s1;
	s22 =	sand.u32 $0xC00, s1  }
0x12: {  	s21 =	sor.u32 s21, s22  }
0x13: {  	[tilespmem:s21+$0x10080] =	vst v0  }
0x14: {  	[tilespmem:s21+$0x10100] =	vst v0  }
0x15: {  	[tilespmem:s21+$0x10180] =	vst v0  }
0x16: {  	[tilespmem:s21+$0x10200] =	vst v0  }
0x17: {  	[tilespmem:s21+$0x10280] =	vst v0  }
0x18: {  	s24 =	sor.u32 s1, s1;
	s23 =	simm.s32 $0x0;
	s22 =	simm.s32 $0x10;
	[tilespmem:s21+$0x10300] =	vst v0  }
.LBB2_2:
0x19: {  	p0 =	sne.s32 s22, $0x1F0;
	[tilespmem:s21+$0x10000] =	vst v0;
	s24 =	sor.u32 $0x380, s24  }
0x1a: {  	[tilespmem:s24+$0x10000] =	vst v0  }
0x1b: {  	[tilespmem:s21+$0x11400] =	vst v0  }
0x1c: {  	[tilespmem:s21+$0x11480] =	vst v0  }
0x1d: {  	[tilespmem:s21+$0x11500] =	vst v0  }
0x1e: {  	[tilespmem:s21+$0x11580] =	vst v0  }
0x1f: {  	[tilespmem:s21+$0x11600] =	vst v0  }
0x20: {  	s23 =	sadd.s32 $0x80, s23;
	[tilespmem:s21+$0x11680] =	vst v0  }
0x21: {  	s24 =	sand.u32 $0x70, s22;
	s25 =	sand.u32 $0xC00, s23;
	[tilespmem:s21+$0x11700] =	vst v0  }
0x22: {  	[tilespmem:s21+$0x11780] =	vst v0;
	s21 =	sor.u32 s24, s25  }
0x23: {  	[tilespmem:s21+$0x10080] =	vst v0  }
.Ltmp0:
0x24: {  	[tilespmem:s21+$0x10100] =	vst v0;
	(pc) =	sbr.rel @p0 .LBB2_2-.Ltmp0, $4  }
0x25: {  	[tilespmem:s21+$0x10180] =	vst v0  }
0x26: {  	[tilespmem:s21+$0x10200] =	vst v0  }
0x27: {  	[tilespmem:s21+$0x10280] =	vst v0  }
0x28: {  	s24 =	sor.u32 s23, s22;
	s22 =	sadd.s32 $0x10, s22;
	[tilespmem:s21+$0x10300] =	vst v0  }
0x29: {  	[tilespmem:s21+$0x10000] =	vst v0;
	s22 =	sor.u32 $0x380, s24  }
0x2a: {  	[tilespmem:s22+$0x10000] =	vst v0  }
0x2b: {  	[tilespmem:s21+$0x11400] =	vst v0  }
0x2c: {  	[tilespmem:s21+$0x11480] =	vst v0  }
0x2d: {  	[tilespmem:s21+$0x11500] =	vst v0  }
0x2e: {  	[tilespmem:s21+$0x11580] =	vst v0  }
0x2f: {  	[tilespmem:s21+$0x11600] =	vst v0  }
0x30: {  	[tilespmem:s21+$0x11680] =	vst v0  }
0x31: {  	s24 =	sadd.s32 $0x0, s3;
	[tilespmem:s21+$0x11700] =	vst v0  }
0x32: {  	s23 =	simm.s32 $0x100;
	s22 =	simm.s32 $0x0;
	[tilespmem:s21+$0x11780] =	vst v0;
	s21 =	simm.s32 $0x10  }
.LBB2_4:
0x33: {  	[tilespmem:s22], [sflag:$0x1] =	stream.linear.gather [hbm4b:s24+s1], $0x80, $0x38;
	[tilespmem:$0x12800] =	vst v63  }
0x34: {  	s24 =	smov.u32 s21;
	s22 =	smov.u32 s23;
	p0 =	sne.s32 s21, $0x7F0  }
.Ltmp1:
0x35: {  	s21 =	sadd.s32 $0x10, s21;
	(pc) =	sbr.rel @p0 .LBB2_4-.Ltmp1, $2  }
0x36: {  	_ =	sdelay $0x2  }
0x37: {  	s23 =	sadd.s32 $0x100, s23;
	s24 =	sadd.s32 s24, s3  }
0x38: {  	[tilespmem:s22], [sflag:$0x1] =	stream.linear.gather [hbm4b:s24+s1], $0x80, $0x38;
	[tilespmem:$0x12800] =	vst v63  }
0x39: {  	s21 =	simm.s32 $0x8000  }
0x3a: {  	s22 =	simm.s32 $0x10;
	s24 =	sadd.s32 $0x0, s4;
	s23 =	simm.s32 $0x8100  }
.LBB2_6:
0x3b: {  	[tilespmem:s21], [sflag:$0x1] =	stream.linear.gather [hbm4b:s24+s1], $0x80, $0x38;
	[tilespmem:$0x12800] =	vst v63  }
0x3c: {  	s24 =	smov.u32 s22;
	s21 =	smov.u32 s23;
	p0 =	sne.s32 s22, $0x7F0  }
.Ltmp2:
0x3d: {  	s22 =	sadd.s32 $0x10, s22;
	(pc) =	sbr.rel @p0 .LBB2_6-.Ltmp2, $2  }
0x3e: {  	_ =	sdelay $0x2  }
0x3f: {  	s23 =	sadd.s32 $0x100, s23;
	s24 =	sadd.s32 s24, s4  }
0x40: {  	[tilespmem:s21], [sflag:$0x1] =	stream.linear.gather [hbm4b:s24+s1], $0x80, $0x38;
	[tilespmem:$0x12800] =	vst v63  }
0x41: {  	s21 =	simm.s32 $0x80  }
0x42: {  	s22 =	simm.s32 $0x10;
	s24 =	sadd.s32 $0x0, s5;
	s23 =	simm.s32 $0x180  }
.LBB2_8:
0x43: {  	[tilespmem:s21], [sflag:$0x2] =	stream.linear.gather [hbm4b:s24+s1], $0x80, $0x38;
	[tilespmem:$0x12800] =	vst v63  }
0x44: {  	s24 =	smov.u32 s22;
	s21 =	smov.u32 s23;
	p0 =	sne.s32 s22, $0x7F0  }
.Ltmp3:
0x45: {  	s22 =	sadd.s32 $0x10, s22;
	(pc) =	sbr.rel @p0 .LBB2_8-.Ltmp3, $2  }
0x46: {  	_ =	sdelay $0x2  }
0x47: {  	s23 =	sadd.s32 $0x100, s23;
	s24 =	sadd.s32 s24, s5  }
0x48: {  	[tilespmem:s21], [sflag:$0x2] =	stream.linear.gather [hbm4b:s24+s1], $0x80, $0x38;
	[tilespmem:$0x12800] =	vst v63  }
0x49: {  	s21 =	simm.s32 $0x8080  }
0x4a: {  	s22 =	simm.s32 $0x10;
	s24 =	sadd.s32 $0x0, s6;
	s23 =	simm.s32 $0x8180  }
.LBB2_10:
0x4b: {  	[tilespmem:s21], [sflag:$0x2] =	stream.linear.gather [hbm4b:s24+s1], $0x80, $0x38;
	[tilespmem:$0x12800] =	vst v63  }
0x4c: {  	s24 =	smov.u32 s22;
	s21 =	smov.u32 s23;
	p0 =	sne.s32 s22, $0x7F0  }
.Ltmp4:
0x4d: {  	s22 =	sadd.s32 $0x10, s22;
	(pc) =	sbr.rel @p0 .LBB2_10-.Ltmp4, $2  }
0x4e: {  	_ =	sdelay $0x2  }
0x4f: {  	s23 =	sadd.s32 $0x100, s23;
	s24 =	sadd.s32 s24, s6  }
0x50: {  	[tilespmem:s21], [sflag:$0x2] =	stream.linear.gather [hbm4b:s24+s1], $0x80, $0x38;
	[tilespmem:$0x12800] =	vst v63  }
0x51: {  	_ =	swait.ge [sflag:s13], $0x4000  }
.Ltmp5:
0x52: {  	[sflag:s13] =	ssyncset.done $0x0;
	(pc) =	sbr.rel .LBB2_12-.Ltmp5, $4  }
0x53: {  	[sflag:s13] =	ssyncadd.s32 $0xFFFFC000  }
0x54: {  	_ =	swait.ge [sflag:s13], $0x4000  }
0x55: {  	[sflag:s13] =	ssyncset.done $0x0  }
0x56: {  	s21 =	simm.s32 $0x0;
	s22 =	simm.s32 $0x0;
	[sflag:s13] =	ssyncadd.s32 $0xFFFFC000  }
.LBB2_13:
0x57: {  	v3 =	vld [tilespmem:s23+$0x0];
	s24 =	sand.u32 $0x3FFFFC00, s23  }
0x58: {  	v4 =	vld [tilespmem:s24+$0x10]  }
0x59: {  	v5 =	vld [tilespmem:s24+$0x20]  }
0x5a: {  	v6 =	vld [tilespmem:s24+$0x30]  }
0x5b: {  	v7 =	vld [tilespmem:s24+$0x40]  }
0x5c: {  	v8 =	vld [tilespmem:s24+$0x50]  }
0x5d: {  	v9 =	vld [tilespmem:s24+$0x60]  }
0x5e: {  	v10 =	vld [tilespmem:s24+$0x70]  }
0x5f: {  	v11 =	vld [tilespmem:s24+$0x100]  }
0x60: {  	v12 =	vld [tilespmem:s24+$0x110]  }
0x61: {  	v13 =	vld [tilespmem:s24+$0x120]  }
0x62: {  	v14 =	vld [tilespmem:s24+$0x130]  }
0x63: {  	v15 =	vld [tilespmem:s24+$0x140]  }
0x64: {  	v16 =	vld [tilespmem:s24+$0x150]  }
0x65: {  	v17 =	vld [tilespmem:s24+$0x160]  }
0x66: {  	v18 =	vld [tilespmem:s24+$0x170]  }
0x67: {  	v19 =	vld [tilespmem:s24+$0x200]  }
0x68: {  	v20 =	vld [tilespmem:s24+$0x210]  }
0x69: {  	v21 =	vld [tilespmem:s24+$0x220]  }
0x6a: {  	v22 =	vld [tilespmem:s24+$0x230]  }
0x6b: {  	v23 =	vld [tilespmem:s24+$0x240]  }
0x6c: {  	v24 =	vld [tilespmem:s24+$0x250];
	v3 =	vadd.f32 $0.0e+00, v3;
	v4 =	vadd.f32 $0.0e+00, v4  }
0x6d: {  	v52 =	vld [tilespmem:s24+$0x260];
	v5 =	vadd.f32 $0.0e+00, v5;
	v6 =	vadd.f32 $0.0e+00, v6  }
0x6e: {  	v53 =	vld [tilespmem:s24+$0x270];
	v3 =	vadd.f32 v7, v3;
	v4 =	vadd.f32 v8, v4  }
0x6f: {  	v54 =	vld [tilespmem:s24+$0x300];
	v5 =	vadd.f32 v9, v5;
	v6 =	vadd.f32 v10, v6  }
0x70: {  	v55 =	vld [tilespmem:s24+$0x310];
	v3 =	vadd.f32 v11, v3;
	v4 =	vadd.f32 v12, v4  }
0x71: {  	v56 =	vld [tilespmem:s24+$0x320];
	v5 =	vadd.f32 v13, v5;
	v6 =	vadd.f32 v14, v6  }
0x72: {  	v57 =	vld [tilespmem:s24+$0x330];
	v3 =	vadd.f32 v15, v3;
	v4 =	vadd.f32 v16, v4  }
0x73: {  	v58 =	vld [tilespmem:s24+$0x340];
	v5 =	vadd.f32 v17, v5;
	v6 =	vadd.f32 v18, v6  }
0x74: {  	v59 =	vld [tilespmem:s24+$0x350];
	v3 =	vadd.f32 v19, v3;
	v4 =	vadd.f32 v20, v4  }
0x75: {  	s31 =	sor.u32 $0x370, s23;
	v60 =	vld [tilespmem:s24+$0x360];
	v5 =	vadd.f32 v21, v5;
	v6 =	vadd.f32 v22, v6  }
0x76: {  	v2 =	vbroadcast v2, $0x0;
	v61 =	vld [tilespmem:s31+$0x0];
	v3 =	vadd.f32 v23, v3;
	v4 =	vadd.f32 v24, v4  }
0x77: {  	v5 =	vadd.f32 v52, v5;
	v6 =	vadd.f32 v53, v6  }
0x78: {  	v62 =	vshll.u32 v2, $0x3;
	v3 =	vadd.f32 v54, v3;
	v4 =	vadd.f32 v55, v4  }
0x79: {  	v2 =	vand.u32 $0x7F, v2;
	v5 =	vadd.f32 v56, v5;
	v6 =	vadd.f32 v57, v6  }
0x7a: {  	v8 =	vand.u32 $0xFFFFFC00, v62;
	v3 =	vadd.f32 v58, v3;
	v4 =	vadd.f32 v59, v4  }
0x7b: {  	v2 =	vor.u32 v2, v8;
	v5 =	vadd.f32 v60, v5;
	v6 =	vadd.f32 v61, v6  }
0x7c: {  	v2 =	vadd.s32 v1, v2  }
0x7d: {  	v3 =	vadd.f32 v4, v3;
	v63 =	vadd.f32 v6, v5;
	_ =	sdelay $0x1  }
0x7e: {  	v3 =	vadd.f32 v63, v3;
	_ =	sdelay $0x1  }
0x7f: {  	[tilespmem:v2+s14+$0x0] =	vst.idx.add.f32.msk $0xffff, v3  }
.LBB2_17:
0x80: {  	s22 =	sadd.s32 $0x1, s22  }
0x81: {  	p0 =	sne.s32 s22, $0x20  }
.Ltmp6:
0x82: {  	_ = 	snop;
	(pc) =	sbr.rel @!p0 .LBB2_18-.Ltmp6, $1  }
0x83: {  	_ =	sdelay $0x3  }
.LBB2_12:
0x84: {  	s23 =	sshll.u32 s22, $0xA  }
0x85: {  	v2 =	vld [tilespmem:s23+$0x8000]  }
0x86: {  	v3 =	vld [tilespmem:s23+$0x8370];
	_ =	sdelay $0x3  }
0x87: {  	(v2sf) =	vpush v2, $0x0  }
0x88: {  	(v2sf) =	vpush v3, $0xF;
	_ =	sdelay $0xd  }
0x89: {  	s24 =	spop (v2sf)  }
0x8a: {  	s25 =	spop (v2sf)  }
0x8b: {  	p0 =	sne.s32 s24, s25  }
.Ltmp7:
0x8c: {  	_ = 	snop;
	(pc) =	sbr.rel @!p0 .LBB2_13-.Ltmp7, $2  }
0x8d: {  	_ =	sdelay $0x2  }
0x8e: {  	s25 =	simm.s32 $0xFFFFFFFC  }
0x8f: {  	s24 =	sand.u32 $0x40, s21;
	s26 =	sand.u32 $0x300, s21  }
0x90: {  	s24 =	sor.u32 s24, s26  }
0x91: {  	s24 =	sor.u32 s23, s24  }
0x92: {  	v2 =	vld [tilespmem:s24+$0x8000]  }
0x93: {  	v7 =	vld [tilespmem:s24+$0x8010]  }
0x94: {  	v3 =	vld [tilespmem:s24+$0x8020]  }
0x95: {  	v4 =	vld [tilespmem:s24+$0x8030];
	_ =	sdelay $0x2  }
0x96: {  	v6 =	vshll.u32 v2, $0x3  }
0x97: {  	v5 =	vand.u32 $0x7F, v2;
	v2 =	vshll.u32 v7, $0x3;
	v7 =	vand.u32 $0x7F, v7  }
0x98: {  	s25 =	sadd.s32 $0x4, s25;
	s28 =	sor.u32 $0x20, s24;
	v8 =	vshll.u32 v3, $0x3;
	v9 =	vshll.u32 v4, $0x3;
	v2 =	vand.u32 $0xFFFFFC00, v2  }
0x99: {  	s29 =	sadd.s32 $0x80, s21;
	s26 =	sor.u32 $0x30, s24;
	v6 =	vand.u32 $0xFFFFFC00, v6;
	v8 =	vand.u32 $0xFFFFFC00, v8;
	v7 =	vor.u32 v7, v2;
	v2 =	vld [tilespmem:s28+$0x0];
	s28 =	sadd.s32 $0x40, s21  }
.LBB2_15:
0x9a: {  	s30 =	sand.u32 $0x40, s28;
	s31 =	sand.u32 $0x300, s29;
	s25 =	sadd.s32 $0x4, s25;
	v10 =	vld [tilespmem:s24+$0x0];
	v5 =	vor.u32 v5, v6;
	v3 =	vand.u32 $0x7F, v3  }
0x9b: {  	s30 =	sor.u32 s30, s31;
	p0 =	slt.u32 s25, $0x1C;
	s31 =	sor.u32 $0x10, s24;
	v6 =	vor.u32 v3, v8;
	v8 =	vld [tilespmem:s26+$0x0];
	v3 =	vand.u32 $0x7F, v4;
	v4 =	vand.u32 $0xFFFFFC00, v9  }
0x9c: {  	v7 =	vadd.s32 v1, v7;
	s24 =	sor.u32 s23, s30;
	v9 =	vld [tilespmem:s31+$0x0];
	v3 =	vor.u32 v3, v4  }
0x9d: {  	v11 =	vld [tilespmem:s24+$0x8000];
	s26 =	sor.u32 $0x30, s24;
	v12 =	vadd.s32 v1, v3  }
0x9e: {  	v14 =	vadd.s32 v1, v5;
	v13 =	vld [tilespmem:s24+$0x8010]  }
0x9f: {  	v15 =	vadd.s32 v1, v6;
	v3 =	vld [tilespmem:s24+$0x8020]  }
0xa0: {  	v4 =	vld [tilespmem:s24+$0x8030]  }
.Ltmp8:
0xa1: {  	[tilespmem:v7+s14+$0x0] =	vst.idx.add.f32.msk $0xffff, v9;
	(pc) =	sbr.rel @p0 .LBB2_15-.Ltmp8, $4  }
0xa2: {  	v5 =	vand.u32 $0x7F, v11;
	v6 =	vshll.u32 v11, $0x3;
	[tilespmem:v12+s14+$0x0] =	vst.idx.add.f32.msk $0xffff, v8  }
0xa3: {  	v6 =	vand.u32 $0xFFFFFC00, v6;
	v7 =	vshll.u32 v13, $0x3;
	[tilespmem:v14+s14+$0x0] =	vst.idx.add.f32.msk $0xffff, v10  }
0xa4: {  	s30 =	sor.u32 $0x20, s24;
	v8 =	vand.u32 $0x7F, v13;
	v7 =	vand.u32 $0xFFFFFC00, v7;
	v9 =	vshll.u32 v3, $0x3;
	[tilespmem:v15+s14+$0x0] =	vst.idx.add.f32.msk $0xffff, v2  }
0xa5: {  	s28 =	sadd.s32 $0x40, s28;
	s29 =	sadd.s32 $0x80, s29;
	v7 =	vor.u32 v8, v7;
	v2 =	vld [tilespmem:s30+$0x0];
	v8 =	vand.u32 $0xFFFFFC00, v9;
	v9 =	vshll.u32 v4, $0x3  }
0xa6: {  	s23 =	sor.u32 $0x10, s24;
	v4 =	vand.u32 $0x7F, v4  }
0xa7: {  	v9 =	vand.u32 $0xFFFFFC00, v9;
	v7 =	vadd.s32 v1, v7;
	v5 =	vor.u32 v5, v6;
	v10 =	vld [tilespmem:s23+$0x0]  }
0xa8: {  	v3 =	vand.u32 $0x7F, v3;
	v63 =	vld [tilespmem:s24+$0x0];
	v4 =	vor.u32 v4, v9;
	v5 =	vadd.s32 v1, v5  }
0xa9: {  	v62 =	vld [tilespmem:s26+$0x0];
	v3 =	vor.u32 v3, v8;
	v4 =	vadd.s32 v1, v4  }
0xaa: {  	v3 =	vadd.s32 v1, v3  }
.Ltmp9:
0xab: {  	_ = 	snop;
	(pc) =	sbr.rel .LBB2_17-.Ltmp9, $4  }
0xac: {  	[tilespmem:v7+s14+$0x0] =	vst.idx.add.f32.msk $0xffff, v10  }
0xad: {  	[tilespmem:v5+s14+$0x0] =	vst.idx.add.f32.msk $0xffff, v63  }
0xae: {  	[tilespmem:v4+s14+$0x0] =	vst.idx.add.f32.msk $0xffff, v62  }
0xaf: {  	[tilespmem:v3+s14+$0x0] =	vst.idx.add.f32.msk $0xffff, v2  }
.LBB2_18:
0xb0: {  	s21 =	simm.s32 $0x0  }
0xb1: {  	s22 =	simm.s32 $0x10;
	s24 =	sadd.s32 $0x0, s7;
	s23 =	simm.s32 $0x100  }
.LBB2_19:
0xb2: {  	[tilespmem:s21], [sflag:$0x1] =	stream.linear.gather [hbm4b:s24+s1], $0x80, $0x38;
	[tilespmem:$0x12800] =	vst v63  }
0xb3: {  	s24 =	smov.u32 s22;
	s21 =	smov.u32 s23;
	p0 =	sne.s32 s22, $0x7F0  }
.Ltmp10:
0xb4: {  	s22 =	sadd.s32 $0x10, s22;
	(pc) =	sbr.rel @p0 .LBB2_19-.Ltmp10, $2  }
0xb5: {  	_ =	sdelay $0x2  }
0xb6: {  	s23 =	sadd.s32 $0x100, s23;
	s24 =	sadd.s32 s24, s7  }
0xb7: {  	[tilespmem:s21], [sflag:$0x1] =	stream.linear.gather [hbm4b:s24+s1], $0x80, $0x38;
	[tilespmem:$0x12800] =	vst v63  }
0xb8: {  	s21 =	simm.s32 $0x8000  }
0xb9: {  	s22 =	simm.s32 $0x10;
	s24 =	sadd.s32 $0x0, s8;
	s23 =	simm.s32 $0x8100  }
.LBB2_21:
0xba: {  	[tilespmem:s21], [sflag:$0x1] =	stream.linear.gather [hbm4b:s24+s1], $0x80, $0x38;
	[tilespmem:$0x12800] =	vst v63  }
0xbb: {  	s24 =	smov.u32 s22;
	s21 =	smov.u32 s23;
	p0 =	sne.s32 s22, $0x7F0  }
.Ltmp11:
0xbc: {  	s22 =	sadd.s32 $0x10, s22;
	(pc) =	sbr.rel @p0 .LBB2_21-.Ltmp11, $2  }
0xbd: {  	_ =	sdelay $0x2  }
0xbe: {  	s23 =	sadd.s32 $0x100, s23;
	s24 =	sadd.s32 s24, s8  }
0xbf: {  	[tilespmem:s21], [sflag:$0x1] =	stream.linear.gather [hbm4b:s24+s1], $0x80, $0x38;
	[tilespmem:$0x12800] =	vst v63  }
0xc0: {  	_ =	swait.ge [sflag:s15], $0x4000  }
.Ltmp12:
0xc1: {  	[sflag:s15] =	ssyncset.done $0x0;
	(pc) =	sbr.rel .LBB2_23-.Ltmp12, $4  }
0xc2: {  	[sflag:s15] =	ssyncadd.s32 $0xFFFFC000  }
0xc3: {  	_ =	swait.ge [sflag:s15], $0x4000  }
0xc4: {  	[sflag:s15] =	ssyncset.done $0x0  }
0xc5: {  	s21 =	simm.s32 $0x0;
	s22 =	simm.s32 $0x0;
	[sflag:s15] =	ssyncadd.s32 $0xFFFFC000  }
.LBB2_49:
0xc6: {  	s24 =	sor.u32 $0x80, s23  }
0xc7: {  	s30 =	sand.u32 $0x3FFFFC00, s23;
	v3 =	vld [tilespmem:s24+$0x0]  }
0xc8: {  	v4 =	vld [tilespmem:s30+$0x90]  }
0xc9: {  	v5 =	vld [tilespmem:s30+$0xA0]  }
0xca: {  	v6 =	vld [tilespmem:s30+$0xB0]  }
0xcb: {  	v7 =	vld [tilespmem:s30+$0xC0]  }
0xcc: {  	v8 =	vld [tilespmem:s30+$0xD0]  }
0xcd: {  	v9 =	vld [tilespmem:s30+$0xE0]  }
0xce: {  	v10 =	vld [tilespmem:s30+$0xF0]  }
0xcf: {  	v11 =	vld [tilespmem:s30+$0x180]  }
0xd0: {  	v12 =	vld [tilespmem:s30+$0x190]  }
0xd1: {  	v13 =	vld [tilespmem:s30+$0x1A0]  }
0xd2: {  	v14 =	vld [tilespmem:s30+$0x1B0]  }
0xd3: {  	v15 =	vld [tilespmem:s30+$0x1C0]  }
0xd4: {  	v16 =	vld [tilespmem:s30+$0x1D0]  }
0xd5: {  	v17 =	vld [tilespmem:s30+$0x1E0]  }
0xd6: {  	v18 =	vld [tilespmem:s30+$0x1F0]  }
0xd7: {  	v19 =	vld [tilespmem:s30+$0x280]  }
0xd8: {  	v20 =	vld [tilespmem:s30+$0x290]  }
0xd9: {  	v21 =	vld [tilespmem:s30+$0x2A0]  }
0xda: {  	v22 =	vld [tilespmem:s30+$0x2B0]  }
0xdb: {  	v23 =	vld [tilespmem:s30+$0x2C0]  }
0xdc: {  	v24 =	vld [tilespmem:s30+$0x2D0];
	v3 =	vadd.f32 $0.0e+00, v3;
	v4 =	vadd.f32 $0.0e+00, v4  }
0xdd: {  	v52 =	vld [tilespmem:s30+$0x2E0];
	v5 =	vadd.f32 $0.0e+00, v5;
	v6 =	vadd.f32 $0.0e+00, v6  }
0xde: {  	v53 =	vld [tilespmem:s30+$0x2F0];
	v3 =	vadd.f32 v7, v3;
	v4 =	vadd.f32 v8, v4  }
0xdf: {  	v54 =	vld [tilespmem:s30+$0x380];
	v5 =	vadd.f32 v9, v5;
	v6 =	vadd.f32 v10, v6  }
0xe0: {  	v55 =	vld [tilespmem:s30+$0x390];
	v3 =	vadd.f32 v11, v3;
	v4 =	vadd.f32 v12, v4  }
0xe1: {  	v56 =	vld [tilespmem:s30+$0x3A0];
	v5 =	vadd.f32 v13, v5;
	v6 =	vadd.f32 v14, v6  }
0xe2: {  	v57 =	vld [tilespmem:s30+$0x3B0];
	v3 =	vadd.f32 v15, v3;
	v4 =	vadd.f32 v16, v4  }
0xe3: {  	v58 =	vld [tilespmem:s30+$0x3C0];
	v5 =	vadd.f32 v17, v5;
	v6 =	vadd.f32 v18, v6  }
0xe4: {  	v59 =	vld [tilespmem:s30+$0x3D0];
	v3 =	vadd.f32 v19, v3;
	v4 =	vadd.f32 v20, v4  }
0xe5: {  	s31 =	sor.u32 $0x3F0, s23;
	v60 =	vld [tilespmem:s30+$0x3E0];
	v5 =	vadd.f32 v21, v5;
	v6 =	vadd.f32 v22, v6  }
0xe6: {  	v2 =	vbroadcast v2, $0x0;
	v61 =	vld [tilespmem:s31+$0x0];
	v3 =	vadd.f32 v23, v3;
	v4 =	vadd.f32 v24, v4  }
0xe7: {  	v5 =	vadd.f32 v52, v5;
	v6 =	vadd.f32 v53, v6  }
0xe8: {  	v62 =	vshll.u32 v2, $0x3;
	v3 =	vadd.f32 v54, v3;
	v4 =	vadd.f32 v55, v4  }
0xe9: {  	v2 =	vand.u32 $0x7F, v2;
	v5 =	vadd.f32 v56, v5;
	v6 =	vadd.f32 v57, v6  }
0xea: {  	v8 =	vand.u32 $0xFFFFFC00, v62;
	v3 =	vadd.f32 v58, v3;
	v4 =	vadd.f32 v59, v4  }
0xeb: {  	v2 =	vor.u32 v2, v8;
	v5 =	vadd.f32 v60, v5;
	v6 =	vadd.f32 v61, v6  }
0xec: {  	v2 =	vadd.s32 v1, v2  }
0xed: {  	v3 =	vadd.f32 v4, v3;
	v63 =	vadd.f32 v6, v5;
	_ =	sdelay $0x1  }
0xee: {  	v3 =	vadd.f32 v63, v3;
	_ =	sdelay $0x1  }
0xef: {  	[tilespmem:v2+s14+$0x0] =	vst.idx.add.f32.msk $0xffff, v3  }
.LBB2_27:
0xf0: {  	s22 =	sadd.s32 $0x1, s22  }
0xf1: {  	p0 =	sne.s32 s22, $0x20  }
.Ltmp13:
0xf2: {  	_ = 	snop;
	(pc) =	sbr.rel @!p0 .LBB2_28-.Ltmp13, $2  }
0xf3: {  	_ =	sdelay $0x2  }
0xf4: {  	s21 =	sadd.s32 $0x400, s21  }
.LBB2_23:
0xf5: {  	s23 =	sshll.u32 s22, $0xA  }
0xf6: {  	v2 =	vld [tilespmem:s23+$0x8080]  }
0xf7: {  	v3 =	vld [tilespmem:s23+$0x83F0];
	_ =	sdelay $0x3  }
0xf8: {  	(v2sf) =	vpush v2, $0x0  }
0xf9: {  	(v2sf) =	vpush v3, $0xF;
	_ =	sdelay $0xd  }
0xfa: {  	s24 =	spop (v2sf)  }
0xfb: {  	s25 =	spop (v2sf)  }
0xfc: {  	p0 =	sne.s32 s24, s25  }
.Ltmp14:
0xfd: {  	_ = 	snop;
	(pc) =	sbr.rel @!p0 .LBB2_49-.Ltmp14, $1  }
0xfe: {  	_ =	sdelay $0x3  }
0xff: {  	p0 =	por $0x0, $0x0;
	s23 =	simm.s32 $0x1  }
0x100: {  	s23 =	simm.s32 @!p0 $0x0  }
0x101: {  	s23 =	sshll.u32 s23, $0x6  }
0x102: {  	s25 =	sadd.s32 s23, s21  }
0x103: {  	s23 =	sor.u32 $0x80, s25  }
0x104: {  	s26 =	sor.u32 $0x90, s25;
	v4 =	vld [tilespmem:s23+$0x8000]  }
0x105: {  	s24 =	sor.u32 $0xA0, s25;
	v2 =	vld [tilespmem:s26+$0x8000]  }
0x106: {  	v3 =	vld [tilespmem:s24+$0x8000]  }
0x107: {  	s29 =	sor.u32 $0xB0, s25  }
0x108: {  	v6 =	vld [tilespmem:s29+$0x8000]  }
0x109: {  	v5 =	vshll.u32 v4, $0x3  }
0x10a: {  	v4 =	vand.u32 $0x7F, v4;
	v7 =	vshll.u32 v2, $0x3;
	v5 =	vand.u32 $0xFFFFFC00, v5  }
0x10b: {  	s28 =	smov.u32 s21;
	p0 =	por !p0, !p0;
	s25 =	simm.s32 $0x0;
	v5 =	vor.u32 v4, v5;
	v4 =	vand.u32 $0xFFFFFC00, v7;
	v7 =	vshll.u32 v3, $0x3  }
.LBB2_25:
0x10c: {  	s30 =	simm.s32 $0x1  }
0x10d: {  	s25 =	sadd.s32 $0x4, s25;
	v8 =	vld [tilespmem:s26+$0x0];
	v9 =	vshll.u32 v6, $0x3;
	s30 =	simm.s32 @!p0 $0x0  }
0x10e: {  	v6 =	vand.u32 $0x7F, v6;
	s28 =	sadd.s32 $0x80, s28;
	p1 =	slt.u32 s25, $0x1C;
	v9 =	vand.u32 $0xFFFFFC00, v9;
	s26 =	sshll.u32 s30, $0x6;
	v10 =	vld [tilespmem:s29+$0x0]  }
0x10f: {  	v3 =	vand.u32 $0x7F, v3;
	v7 =	vand.u32 $0xFFFFFC00, v7;
	v6 =	vor.u32 v6, v9;
	s29 =	sadd.s32 s26, s28;
	v11 =	vld [tilespmem:s24+$0x0]  }
0x110: {  	v5 =	vadd.s32 v1, v5;
	v2 =	vand.u32 $0x7F, v2;
	v3 =	vor.u32 v3, v7;
	v9 =	vld [tilespmem:s23+$0x0];
	s23 =	sor.u32 $0x80, s29  }
0x111: {  	v4 =	vor.u32 v2, v4;
	v12 =	vadd.s32 v1, v3;
	s26 =	sor.u32 $0x90, s29;
	v7 =	vld [tilespmem:s23+$0x8000]  }
0x112: {  	v4 =	vadd.s32 v1, v4;
	s24 =	sor.u32 $0xA0, s29;
	v2 =	vld [tilespmem:s26+$0x8000]  }
0x113: {  	v13 =	vadd.s32 v1, v6;
	s29 =	sor.u32 $0xB0, s29;
	v3 =	vld [tilespmem:s24+$0x8000]  }
.Ltmp15:
0x114: {  	v6 =	vld [tilespmem:s29+$0x8000];
	(pc) =	sbr.rel @p1 .LBB2_25-.Ltmp15, $4  }
0x115: {  	[tilespmem:v5+s14+$0x0] =	vst.idx.add.f32.msk $0xffff, v9  }
0x116: {  	v5 =	vshll.u32 v7, $0x3;
	[tilespmem:v12+s14+$0x0] =	vst.idx.add.f32.msk $0xffff, v11  }
0x117: {  	v7 =	vand.u32 $0x7F, v7;
	v5 =	vand.u32 $0xFFFFFC00, v5;
	v9 =	vshll.u32 v2, $0x3;
	[tilespmem:v4+s14+$0x0] =	vst.idx.add.f32.msk $0xffff, v8  }
0x118: {  	p0 =	por !p0, !p0;
	v5 =	vor.u32 v7, v5;
	v4 =	vand.u32 $0xFFFFFC00, v9;
	v7 =	vshll.u32 v3, $0x3;
	[tilespmem:v13+s14+$0x0] =	vst.idx.add.f32.msk $0xffff, v10  }
0x119: {  	v8 =	vshll.u32 v6, $0x3  }
0x11a: {  	v59 =	vand.u32 $0x7F, v6;
	v3 =	vand.u32 $0x7F, v3;
	v7 =	vand.u32 $0xFFFFFC00, v7  }
0x11b: {  	v9 =	vld [tilespmem:s23+$0x0];
	v5 =	vadd.s32 v1, v5;
	v2 =	vand.u32 $0x7F, v2;
	v3 =	vor.u32 v3, v7  }
0x11c: {  	v61 =	vld [tilespmem:s24+$0x0];
	v60 =	vand.u32 $0xFFFFFC00, v8;
	v2 =	vor.u32 v2, v4;
	v3 =	vadd.s32 v1, v3  }
0x11d: {  	v62 =	vld [tilespmem:s26+$0x0];
	v6 =	vor.u32 v59, v60;
	v2 =	vadd.s32 v1, v2  }
0x11e: {  	v63 =	vld [tilespmem:s29+$0x0];
	v6 =	vadd.s32 v1, v6  }
.Ltmp16:
0x11f: {  	_ = 	snop;
	(pc) =	sbr.rel .LBB2_27-.Ltmp16, $4  }
0x120: {  	[tilespmem:v5+s14+$0x0] =	vst.idx.add.f32.msk $0xffff, v9  }
0x121: {  	[tilespmem:v3+s14+$0x0] =	vst.idx.add.f32.msk $0xffff, v61  }
0x122: {  	[tilespmem:v2+s14+$0x0] =	vst.idx.add.f32.msk $0xffff, v62  }
0x123: {  	[tilespmem:v6+s14+$0x0] =	vst.idx.add.f32.msk $0xffff, v63  }
.LBB2_28:
0x124: {  	s21 =	simm.s32 $0x80  }
0x125: {  	s22 =	simm.s32 $0x10;
	s24 =	sadd.s32 $0x0, s9;
	s23 =	simm.s32 $0x180  }
.LBB2_29:
0x126: {  	[tilespmem:s21], [sflag:$0x2] =	stream.linear.gather [hbm4b:s24+s1], $0x80, $0x38;
	[tilespmem:$0x12800] =	vst v63  }
0x127: {  	s24 =	smov.u32 s22;
	s21 =	smov.u32 s23;
	p0 =	sne.s32 s22, $0x7F0  }
.Ltmp17:
0x128: {  	s22 =	sadd.s32 $0x10, s22;
	(pc) =	sbr.rel @p0 .LBB2_29-.Ltmp17, $2  }
0x129: {  	_ =	sdelay $0x2  }
0x12a: {  	s23 =	sadd.s32 $0x100, s23;
	s24 =	sadd.s32 s24, s9  }
0x12b: {  	[tilespmem:s21], [sflag:$0x2] =	stream.linear.gather [hbm4b:s24+s1], $0x80, $0x38;
	[tilespmem:$0x12800] =	vst v63  }
0x12c: {  	s21 =	simm.s32 $0x8080  }
0x12d: {  	s22 =	simm.s32 $0x10;
	s24 =	sadd.s32 $0x0, s10;
	s23 =	simm.s32 $0x8180  }
.LBB2_31:
0x12e: {  	[tilespmem:s21], [sflag:$0x2] =	stream.linear.gather [hbm4b:s24+s1], $0x80, $0x38;
	[tilespmem:$0x12800] =	vst v63  }
0x12f: {  	s24 =	smov.u32 s22;
	s21 =	smov.u32 s23;
	p0 =	sne.s32 s22, $0x7F0  }
.Ltmp18:
0x130: {  	s22 =	sadd.s32 $0x10, s22;
	(pc) =	sbr.rel @p0 .LBB2_31-.Ltmp18, $2  }
0x131: {  	_ =	sdelay $0x2  }
0x132: {  	s23 =	sadd.s32 $0x100, s23;
	s24 =	sadd.s32 s24, s10  }
0x133: {  	[tilespmem:s21], [sflag:$0x2] =	stream.linear.gather [hbm4b:s24+s1], $0x80, $0x38;
	[tilespmem:$0x12800] =	vst v63  }
0x134: {  	_ =	swait.ge [sflag:s13], $0x4000  }
.Ltmp19:
0x135: {  	[sflag:s13] =	ssyncset.done $0x0;
	(pc) =	sbr.rel .LBB2_33-.Ltmp19, $4  }
0x136: {  	[sflag:s13] =	ssyncadd.s32 $0xFFFFC000  }
0x137: {  	_ =	swait.ge [sflag:s13], $0x4000  }
0x138: {  	[sflag:s13] =	ssyncset.done $0x0  }
0x139: {  	s21 =	simm.s32 $0x0;
	s22 =	simm.s32 $0x0;
	[sflag:s13] =	ssyncadd.s32 $0xFFFFC000  }
.LBB2_34:
0x13a: {  	v3 =	vld [tilespmem:s23+$0x0];
	s24 =	sand.u32 $0x3FFFFC00, s23  }
0x13b: {  	v4 =	vld [tilespmem:s24+$0x10]  }
0x13c: {  	v5 =	vld [tilespmem:s24+$0x20]  }
0x13d: {  	v6 =	vld [tilespmem:s24+$0x30]  }
0x13e: {  	v7 =	vld [tilespmem:s24+$0x40]  }
0x13f: {  	v8 =	vld [tilespmem:s24+$0x50]  }
0x140: {  	v9 =	vld [tilespmem:s24+$0x60]  }
0x141: {  	v10 =	vld [tilespmem:s24+$0x70]  }
0x142: {  	v11 =	vld [tilespmem:s24+$0x100]  }
0x143: {  	v12 =	vld [tilespmem:s24+$0x110]  }
0x144: {  	v13 =	vld [tilespmem:s24+$0x120]  }
0x145: {  	v14 =	vld [tilespmem:s24+$0x130]  }
0x146: {  	v15 =	vld [tilespmem:s24+$0x140]  }
0x147: {  	v16 =	vld [tilespmem:s24+$0x150]  }
0x148: {  	v17 =	vld [tilespmem:s24+$0x160]  }
0x149: {  	v18 =	vld [tilespmem:s24+$0x170]  }
0x14a: {  	v19 =	vld [tilespmem:s24+$0x200]  }
0x14b: {  	v20 =	vld [tilespmem:s24+$0x210]  }
0x14c: {  	v21 =	vld [tilespmem:s24+$0x220]  }
0x14d: {  	v22 =	vld [tilespmem:s24+$0x230]  }
0x14e: {  	v23 =	vld [tilespmem:s24+$0x240]  }
0x14f: {  	v24 =	vld [tilespmem:s24+$0x250];
	v3 =	vadd.f32 $0.0e+00, v3;
	v4 =	vadd.f32 $0.0e+00, v4  }
0x150: {  	v52 =	vld [tilespmem:s24+$0x260];
	v5 =	vadd.f32 $0.0e+00, v5;
	v6 =	vadd.f32 $0.0e+00, v6  }
0x151: {  	v53 =	vld [tilespmem:s24+$0x270];
	v3 =	vadd.f32 v7, v3;
	v4 =	vadd.f32 v8, v4  }
0x152: {  	v54 =	vld [tilespmem:s24+$0x300];
	v5 =	vadd.f32 v9, v5;
	v6 =	vadd.f32 v10, v6  }
0x153: {  	v55 =	vld [tilespmem:s24+$0x310];
	v3 =	vadd.f32 v11, v3;
	v4 =	vadd.f32 v12, v4  }
0x154: {  	v56 =	vld [tilespmem:s24+$0x320];
	v5 =	vadd.f32 v13, v5;
	v6 =	vadd.f32 v14, v6  }
0x155: {  	v57 =	vld [tilespmem:s24+$0x330];
	v3 =	vadd.f32 v15, v3;
	v4 =	vadd.f32 v16, v4  }
0x156: {  	v58 =	vld [tilespmem:s24+$0x340];
	v5 =	vadd.f32 v17, v5;
	v6 =	vadd.f32 v18, v6  }
0x157: {  	v59 =	vld [tilespmem:s24+$0x350];
	v3 =	vadd.f32 v19, v3;
	v4 =	vadd.f32 v20, v4  }
0x158: {  	s31 =	sor.u32 $0x370, s23;
	v60 =	vld [tilespmem:s24+$0x360];
	v5 =	vadd.f32 v21, v5;
	v6 =	vadd.f32 v22, v6  }
0x159: {  	v2 =	vbroadcast v2, $0x0;
	v61 =	vld [tilespmem:s31+$0x0];
	v3 =	vadd.f32 v23, v3;
	v4 =	vadd.f32 v24, v4  }
0x15a: {  	v5 =	vadd.f32 v52, v5;
	v6 =	vadd.f32 v53, v6  }
0x15b: {  	v62 =	vshll.u32 v2, $0x3;
	v3 =	vadd.f32 v54, v3;
	v4 =	vadd.f32 v55, v4  }
0x15c: {  	v2 =	vand.u32 $0x7F, v2;
	v5 =	vadd.f32 v56, v5;
	v6 =	vadd.f32 v57, v6  }
0x15d: {  	v8 =	vand.u32 $0xFFFFFC00, v62;
	v3 =	vadd.f32 v58, v3;
	v4 =	vadd.f32 v59, v4  }
0x15e: {  	v2 =	vor.u32 v2, v8;
	v5 =	vadd.f32 v60, v5;
	v6 =	vadd.f32 v61, v6  }
0x15f: {  	v2 =	vadd.s32 v1, v2  }
0x160: {  	v3 =	vadd.f32 v4, v3;
	v63 =	vadd.f32 v6, v5;
	_ =	sdelay $0x1  }
0x161: {  	v3 =	vadd.f32 v63, v3;
	_ =	sdelay $0x1  }
0x162: {  	[tilespmem:v2+s14+$0x0] =	vst.idx.add.f32.msk $0xffff, v3  }
.LBB2_38:
0x163: {  	s22 =	sadd.s32 $0x1, s22  }
0x164: {  	p0 =	sne.s32 s22, $0x20  }
.Ltmp20:
0x165: {  	_ = 	snop;
	(pc) =	sbr.rel @!p0 .LBB2_39-.Ltmp20, $1  }
0x166: {  	_ =	sdelay $0x3  }
.LBB2_33:
0x167: {  	s23 =	sshll.u32 s22, $0xA  }
0x168: {  	v2 =	vld [tilespmem:s23+$0x8000]  }
0x169: {  	v3 =	vld [tilespmem:s23+$0x8370];
	_ =	sdelay $0x3  }
0x16a: {  	(v2sf) =	vpush v2, $0x0  }
0x16b: {  	(v2sf) =	vpush v3, $0xF;
	_ =	sdelay $0xd  }
0x16c: {  	s24 =	spop (v2sf)  }
0x16d: {  	s25 =	spop (v2sf)  }
0x16e: {  	p0 =	sne.s32 s24, s25  }
.Ltmp21:
0x16f: {  	_ = 	snop;
	(pc) =	sbr.rel @!p0 .LBB2_34-.Ltmp21, $2  }
0x170: {  	_ =	sdelay $0x2  }
0x171: {  	s25 =	simm.s32 $0xFFFFFFFC  }
0x172: {  	s24 =	sand.u32 $0x40, s21;
	s26 =	sand.u32 $0x300, s21  }
0x173: {  	s24 =	sor.u32 s24, s26  }
0x174: {  	s24 =	sor.u32 s23, s24  }
0x175: {  	v2 =	vld [tilespmem:s24+$0x8000]  }
0x176: {  	v7 =	vld [tilespmem:s24+$0x8010]  }
0x177: {  	v3 =	vld [tilespmem:s24+$0x8020]  }
0x178: {  	v4 =	vld [tilespmem:s24+$0x8030];
	_ =	sdelay $0x2  }
0x179: {  	v6 =	vshll.u32 v2, $0x3  }
0x17a: {  	v5 =	vand.u32 $0x7F, v2;
	v2 =	vshll.u32 v7, $0x3;
	v7 =	vand.u32 $0x7F, v7  }
0x17b: {  	s25 =	sadd.s32 $0x4, s25;
	s28 =	sor.u32 $0x20, s24;
	v8 =	vshll.u32 v3, $0x3;
	v9 =	vshll.u32 v4, $0x3;
	v2 =	vand.u32 $0xFFFFFC00, v2  }
0x17c: {  	s29 =	sadd.s32 $0x80, s21;
	s26 =	sor.u32 $0x30, s24;
	v6 =	vand.u32 $0xFFFFFC00, v6;
	v8 =	vand.u32 $0xFFFFFC00, v8;
	v7 =	vor.u32 v7, v2;
	v2 =	vld [tilespmem:s28+$0x0];
	s28 =	sadd.s32 $0x40, s21  }
.LBB2_36:
0x17d: {  	s30 =	sand.u32 $0x40, s28;
	s31 =	sand.u32 $0x300, s29;
	s25 =	sadd.s32 $0x4, s25;
	v10 =	vld [tilespmem:s24+$0x0];
	v5 =	vor.u32 v5, v6;
	v3 =	vand.u32 $0x7F, v3  }
0x17e: {  	s30 =	sor.u32 s30, s31;
	p0 =	slt.u32 s25, $0x1C;
	s31 =	sor.u32 $0x10, s24;
	v6 =	vor.u32 v3, v8;
	v8 =	vld [tilespmem:s26+$0x0];
	v3 =	vand.u32 $0x7F, v4;
	v4 =	vand.u32 $0xFFFFFC00, v9  }
0x17f: {  	v7 =	vadd.s32 v1, v7;
	s24 =	sor.u32 s23, s30;
	v9 =	vld [tilespmem:s31+$0x0];
	v3 =	vor.u32 v3, v4  }
0x180: {  	v11 =	vld [tilespmem:s24+$0x8000];
	s26 =	sor.u32 $0x30, s24;
	v12 =	vadd.s32 v1, v3  }
0x181: {  	v14 =	vadd.s32 v1, v5;
	v13 =	vld [tilespmem:s24+$0x8010]  }
0x182: {  	v15 =	vadd.s32 v1, v6;
	v3 =	vld [tilespmem:s24+$0x8020]  }
0x183: {  	v4 =	vld [tilespmem:s24+$0x8030]  }
.Ltmp22:
0x184: {  	[tilespmem:v7+s14+$0x0] =	vst.idx.add.f32.msk $0xffff, v9;
	(pc) =	sbr.rel @p0 .LBB2_36-.Ltmp22, $4  }
0x185: {  	v5 =	vand.u32 $0x7F, v11;
	v6 =	vshll.u32 v11, $0x3;
	[tilespmem:v12+s14+$0x0] =	vst.idx.add.f32.msk $0xffff, v8  }
0x186: {  	v6 =	vand.u32 $0xFFFFFC00, v6;
	v7 =	vshll.u32 v13, $0x3;
	[tilespmem:v14+s14+$0x0] =	vst.idx.add.f32.msk $0xffff, v10  }
0x187: {  	s30 =	sor.u32 $0x20, s24;
	v8 =	vand.u32 $0x7F, v13;
	v7 =	vand.u32 $0xFFFFFC00, v7;
	v9 =	vshll.u32 v3, $0x3;
	[tilespmem:v15+s14+$0x0] =	vst.idx.add.f32.msk $0xffff, v2  }
0x188: {  	s28 =	sadd.s32 $0x40, s28;
	s29 =	sadd.s32 $0x80, s29;
	v7 =	vor.u32 v8, v7;
	v2 =	vld [tilespmem:s30+$0x0];
	v8 =	vand.u32 $0xFFFFFC00, v9;
	v9 =	vshll.u32 v4, $0x3  }
0x189: {  	s23 =	sor.u32 $0x10, s24;
	v4 =	vand.u32 $0x7F, v4  }
0x18a: {  	v9 =	vand.u32 $0xFFFFFC00, v9;
	v7 =	vadd.s32 v1, v7;
	v5 =	vor.u32 v5, v6;
	v10 =	vld [tilespmem:s23+$0x0]  }
0x18b: {  	v3 =	vand.u32 $0x7F, v3;
	v63 =	vld [tilespmem:s24+$0x0];
	v4 =	vor.u32 v4, v9;
	v5 =	vadd.s32 v1, v5  }
0x18c: {  	v62 =	vld [tilespmem:s26+$0x0];
	v3 =	vor.u32 v3, v8;
	v4 =	vadd.s32 v1, v4  }
0x18d: {  	v3 =	vadd.s32 v1, v3  }
.Ltmp23:
0x18e: {  	_ = 	snop;
	(pc) =	sbr.rel .LBB2_38-.Ltmp23, $4  }
0x18f: {  	[tilespmem:v7+s14+$0x0] =	vst.idx.add.f32.msk $0xffff, v10  }
0x190: {  	[tilespmem:v5+s14+$0x0] =	vst.idx.add.f32.msk $0xffff, v63  }
0x191: {  	[tilespmem:v4+s14+$0x0] =	vst.idx.add.f32.msk $0xffff, v62  }
0x192: {  	[tilespmem:v3+s14+$0x0] =	vst.idx.add.f32.msk $0xffff, v2  }
.LBB2_39:
0x193: {  	_ =	swait.ge [sflag:s15], $0x4000  }
.Ltmp24:
0x194: {  	[sflag:s15] =	ssyncset.done $0x0;
	(pc) =	sbr.rel .LBB2_40-.Ltmp24, $4  }
0x195: {  	[sflag:s15] =	ssyncadd.s32 $0xFFFFC000  }
0x196: {  	_ =	swait.ge [sflag:s15], $0x4000  }
0x197: {  	[sflag:s15] =	ssyncset.done $0x0  }
0x198: {  	s21 =	simm.s32 $0x0;
	s22 =	simm.s32 $0x0;
	[sflag:s15] =	ssyncadd.s32 $0xFFFFC000  }
.LBB2_50:
0x199: {  	s24 =	sor.u32 $0x80, s23  }
0x19a: {  	s30 =	sand.u32 $0x3FFFFC00, s23;
	v3 =	vld [tilespmem:s24+$0x0]  }
0x19b: {  	v4 =	vld [tilespmem:s30+$0x90]  }
0x19c: {  	v5 =	vld [tilespmem:s30+$0xA0]  }
0x19d: {  	v6 =	vld [tilespmem:s30+$0xB0]  }
0x19e: {  	v7 =	vld [tilespmem:s30+$0xC0]  }
0x19f: {  	v8 =	vld [tilespmem:s30+$0xD0]  }
0x1a0: {  	v9 =	vld [tilespmem:s30+$0xE0]  }
0x1a1: {  	v10 =	vld [tilespmem:s30+$0xF0]  }
0x1a2: {  	v11 =	vld [tilespmem:s30+$0x180]  }
0x1a3: {  	v12 =	vld [tilespmem:s30+$0x190]  }
0x1a4: {  	v13 =	vld [tilespmem:s30+$0x1A0]  }
0x1a5: {  	v14 =	vld [tilespmem:s30+$0x1B0]  }
0x1a6: {  	v15 =	vld [tilespmem:s30+$0x1C0]  }
0x1a7: {  	v16 =	vld [tilespmem:s30+$0x1D0]  }
0x1a8: {  	v17 =	vld [tilespmem:s30+$0x1E0]  }
0x1a9: {  	v18 =	vld [tilespmem:s30+$0x1F0]  }
0x1aa: {  	v19 =	vld [tilespmem:s30+$0x280]  }
0x1ab: {  	v20 =	vld [tilespmem:s30+$0x290]  }
0x1ac: {  	v21 =	vld [tilespmem:s30+$0x2A0]  }
0x1ad: {  	v22 =	vld [tilespmem:s30+$0x2B0]  }
0x1ae: {  	v23 =	vld [tilespmem:s30+$0x2C0]  }
0x1af: {  	v24 =	vld [tilespmem:s30+$0x2D0];
	v3 =	vadd.f32 $0.0e+00, v3;
	v4 =	vadd.f32 $0.0e+00, v4  }
0x1b0: {  	v52 =	vld [tilespmem:s30+$0x2E0];
	v5 =	vadd.f32 $0.0e+00, v5;
	v6 =	vadd.f32 $0.0e+00, v6  }
0x1b1: {  	v53 =	vld [tilespmem:s30+$0x2F0];
	v3 =	vadd.f32 v7, v3;
	v4 =	vadd.f32 v8, v4  }
0x1b2: {  	v54 =	vld [tilespmem:s30+$0x380];
	v5 =	vadd.f32 v9, v5;
	v6 =	vadd.f32 v10, v6  }
0x1b3: {  	v55 =	vld [tilespmem:s30+$0x390];
	v3 =	vadd.f32 v11, v3;
	v4 =	vadd.f32 v12, v4  }
0x1b4: {  	v56 =	vld [tilespmem:s30+$0x3A0];
	v5 =	vadd.f32 v13, v5;
	v6 =	vadd.f32 v14, v6  }
0x1b5: {  	v57 =	vld [tilespmem:s30+$0x3B0];
	v3 =	vadd.f32 v15, v3;
	v4 =	vadd.f32 v16, v4  }
0x1b6: {  	v58 =	vld [tilespmem:s30+$0x3C0];
	v5 =	vadd.f32 v17, v5;
	v6 =	vadd.f32 v18, v6  }
0x1b7: {  	v59 =	vld [tilespmem:s30+$0x3D0];
	v3 =	vadd.f32 v19, v3;
	v4 =	vadd.f32 v20, v4  }
0x1b8: {  	s31 =	sor.u32 $0x3F0, s23;
	v60 =	vld [tilespmem:s30+$0x3E0];
	v5 =	vadd.f32 v21, v5;
	v6 =	vadd.f32 v22, v6  }
0x1b9: {  	v2 =	vbroadcast v2, $0x0;
	v61 =	vld [tilespmem:s31+$0x0];
	v3 =	vadd.f32 v23, v3;
	v4 =	vadd.f32 v24, v4  }
0x1ba: {  	v5 =	vadd.f32 v52, v5;
	v6 =	vadd.f32 v53, v6  }
0x1bb: {  	v62 =	vshll.u32 v2, $0x3;
	v3 =	vadd.f32 v54, v3;
	v4 =	vadd.f32 v55, v4  }
0x1bc: {  	v2 =	vand.u32 $0x7F, v2;
	v5 =	vadd.f32 v56, v5;
	v6 =	vadd.f32 v57, v6  }
0x1bd: {  	v8 =	vand.u32 $0xFFFFFC00, v62;
	v3 =	vadd.f32 v58, v3;
	v4 =	vadd.f32 v59, v4  }
0x1be: {  	v2 =	vor.u32 v2, v8;
	v5 =	vadd.f32 v60, v5;
	v6 =	vadd.f32 v61, v6  }
0x1bf: {  	v2 =	vadd.s32 v1, v2  }
0x1c0: {  	v3 =	vadd.f32 v4, v3;
	v63 =	vadd.f32 v6, v5;
	_ =	sdelay $0x1  }
0x1c1: {  	v3 =	vadd.f32 v63, v3;
	_ =	sdelay $0x1  }
0x1c2: {  	[tilespmem:v2+s14+$0x0] =	vst.idx.add.f32.msk $0xffff, v3  }
.LBB2_44:
0x1c3: {  	s22 =	sadd.s32 $0x1, s22  }
0x1c4: {  	p0 =	sne.s32 s22, $0x20  }
.Ltmp25:
0x1c5: {  	_ = 	snop;
	(pc) =	sbr.rel @!p0 .LBB2_45-.Ltmp25, $2  }
0x1c6: {  	_ =	sdelay $0x2  }
0x1c7: {  	s21 =	sadd.s32 $0x400, s21  }
.LBB2_40:
0x1c8: {  	s23 =	sshll.u32 s22, $0xA  }
0x1c9: {  	v2 =	vld [tilespmem:s23+$0x8080]  }
0x1ca: {  	v3 =	vld [tilespmem:s23+$0x83F0];
	_ =	sdelay $0x3  }
0x1cb: {  	(v2sf) =	vpush v2, $0x0  }
0x1cc: {  	(v2sf) =	vpush v3, $0xF;
	_ =	sdelay $0xd  }
0x1cd: {  	s24 =	spop (v2sf)  }
0x1ce: {  	s25 =	spop (v2sf)  }
0x1cf: {  	p0 =	sne.s32 s24, s25  }
.Ltmp26:
0x1d0: {  	_ = 	snop;
	(pc) =	sbr.rel @!p0 .LBB2_50-.Ltmp26, $1  }
0x1d1: {  	_ =	sdelay $0x3  }
0x1d2: {  	p0 =	por $0x0, $0x0;
	s23 =	simm.s32 $0x1  }
0x1d3: {  	s23 =	simm.s32 @!p0 $0x0  }
0x1d4: {  	s23 =	sshll.u32 s23, $0x6  }
0x1d5: {  	s25 =	sadd.s32 s23, s21  }
0x1d6: {  	s23 =	sor.u32 $0x80, s25  }
0x1d7: {  	s26 =	sor.u32 $0x90, s25;
	v4 =	vld [tilespmem:s23+$0x8000]  }
0x1d8: {  	s24 =	sor.u32 $0xA0, s25;
	v2 =	vld [tilespmem:s26+$0x8000]  }
0x1d9: {  	v3 =	vld [tilespmem:s24+$0x8000]  }
0x1da: {  	s29 =	sor.u32 $0xB0, s25  }
0x1db: {  	v6 =	vld [tilespmem:s29+$0x8000]  }
0x1dc: {  	v5 =	vshll.u32 v4, $0x3  }
0x1dd: {  	v4 =	vand.u32 $0x7F, v4;
	v7 =	vshll.u32 v2, $0x3;
	v5 =	vand.u32 $0xFFFFFC00, v5  }
0x1de: {  	s28 =	smov.u32 s21;
	p0 =	por !p0, !p0;
	s25 =	simm.s32 $0x0;
	v5 =	vor.u32 v4, v5;
	v4 =	vand.u32 $0xFFFFFC00, v7;
	v7 =	vshll.u32 v3, $0x3  }
.LBB2_42:
0x1df: {  	s30 =	simm.s32 $0x1  }
0x1e0: {  	s25 =	sadd.s32 $0x4, s25;
	v8 =	vld [tilespmem:s26+$0x0];
	v9 =	vshll.u32 v6, $0x3;
	s30 =	simm.s32 @!p0 $0x0  }
0x1e1: {  	v6 =	vand.u32 $0x7F, v6;
	s28 =	sadd.s32 $0x80, s28;
	p1 =	slt.u32 s25, $0x1C;
	v9 =	vand.u32 $0xFFFFFC00, v9;
	s26 =	sshll.u32 s30, $0x6;
	v10 =	vld [tilespmem:s29+$0x0]  }
0x1e2: {  	v3 =	vand.u32 $0x7F, v3;
	v7 =	vand.u32 $0xFFFFFC00, v7;
	v6 =	vor.u32 v6, v9;
	s29 =	sadd.s32 s26, s28;
	v11 =	vld [tilespmem:s24+$0x0]  }
0x1e3: {  	v5 =	vadd.s32 v1, v5;
	v2 =	vand.u32 $0x7F, v2;
	v3 =	vor.u32 v3, v7;
	v9 =	vld [tilespmem:s23+$0x0];
	s23 =	sor.u32 $0x80, s29  }
0x1e4: {  	v4 =	vor.u32 v2, v4;
	v12 =	vadd.s32 v1, v3;
	s26 =	sor.u32 $0x90, s29;
	v7 =	vld [tilespmem:s23+$0x8000]  }
0x1e5: {  	v4 =	vadd.s32 v1, v4;
	s24 =	sor.u32 $0xA0, s29;
	v2 =	vld [tilespmem:s26+$0x8000]  }
0x1e6: {  	v13 =	vadd.s32 v1, v6;
	s29 =	sor.u32 $0xB0, s29;
	v3 =	vld [tilespmem:s24+$0x8000]  }
.Ltmp27:
0x1e7: {  	v6 =	vld [tilespmem:s29+$0x8000];
	(pc) =	sbr.rel @p1 .LBB2_42-.Ltmp27, $4  }
0x1e8: {  	[tilespmem:v5+s14+$0x0] =	vst.idx.add.f32.msk $0xffff, v9  }
0x1e9: {  	v5 =	vshll.u32 v7, $0x3;
	[tilespmem:v12+s14+$0x0] =	vst.idx.add.f32.msk $0xffff, v11  }
0x1ea: {  	v7 =	vand.u32 $0x7F, v7;
	v5 =	vand.u32 $0xFFFFFC00, v5;
	v9 =	vshll.u32 v2, $0x3;
	[tilespmem:v4+s14+$0x0] =	vst.idx.add.f32.msk $0xffff, v8  }
0x1eb: {  	p0 =	por !p0, !p0;
	v5 =	vor.u32 v7, v5;
	v4 =	vand.u32 $0xFFFFFC00, v9;
	v7 =	vshll.u32 v3, $0x3;
	[tilespmem:v13+s14+$0x0] =	vst.idx.add.f32.msk $0xffff, v10  }
0x1ec: {  	v8 =	vshll.u32 v6, $0x3  }
0x1ed: {  	v59 =	vand.u32 $0x7F, v6;
	v3 =	vand.u32 $0x7F, v3;
	v7 =	vand.u32 $0xFFFFFC00, v7  }
0x1ee: {  	v9 =	vld [tilespmem:s23+$0x0];
	v5 =	vadd.s32 v1, v5;
	v2 =	vand.u32 $0x7F, v2;
	v3 =	vor.u32 v3, v7  }
0x1ef: {  	v61 =	vld [tilespmem:s24+$0x0];
	v60 =	vand.u32 $0xFFFFFC00, v8;
	v2 =	vor.u32 v2, v4;
	v3 =	vadd.s32 v1, v3  }
0x1f0: {  	v62 =	vld [tilespmem:s26+$0x0];
	v6 =	vor.u32 v59, v60;
	v2 =	vadd.s32 v1, v2  }
0x1f1: {  	v63 =	vld [tilespmem:s29+$0x0];
	v6 =	vadd.s32 v1, v6  }
.Ltmp28:
0x1f2: {  	_ = 	snop;
	(pc) =	sbr.rel .LBB2_44-.Ltmp28, $4  }
0x1f3: {  	[tilespmem:v5+s14+$0x0] =	vst.idx.add.f32.msk $0xffff, v9  }
0x1f4: {  	[tilespmem:v3+s14+$0x0] =	vst.idx.add.f32.msk $0xffff, v61  }
0x1f5: {  	[tilespmem:v2+s14+$0x0] =	vst.idx.add.f32.msk $0xffff, v62  }
0x1f6: {  	[tilespmem:v6+s14+$0x0] =	vst.idx.add.f32.msk $0xffff, v63  }
.LBB2_45:
0x1f7: {  	s22 =	simm.s32 $0x0  }
0x1f8: {  	s21 =	sand.u32 $0x70, s22;
	s23 =	sand.u32 $0xC00, s22  }
0x1f9: {  	s21 =	sor.u32 s21, s23  }
0x1fa: {  	v2 =	vld [tilespmem:s21+$0x10080]  }
0x1fb: {  	v3 =	vld [tilespmem:s21+$0x10000];
	_ =	sdelay $0x1  }
0x1fc: {  	v4 =	vld [tilespmem:s21+$0x10100];
	_ =	sdelay $0x1  }
0x1fd: {  	v5 =	vld [tilespmem:s21+$0x10180]  }
0x1fe: {  	v2 =	vadd.f32 v2, v3  }
0x1ff: {  	v3 =	vld [tilespmem:s21+$0x10200]  }
0x200: {  	v2 =	vadd.f32 v4, v2  }
0x201: {  	v56 =	vld [tilespmem:s21+$0x10280]  }
0x202: {  	v2 =	vadd.f32 v5, v2  }
0x203: {  	s22 =	sor.u32 s22, s22;
	v57 =	vld [tilespmem:s21+$0x10300]  }
0x204: {  	s22 =	sor.u32 $0x380, s22;
	v2 =	vadd.f32 v3, v2  }
0x205: {  	v3 =	vld [tilespmem:s22+$0x10000]  }
0x206: {  	v2 =	vadd.f32 v56, v2  }
0x207: {  	v58 =	vld [tilespmem:s21+$0x11400]  }
0x208: {  	v2 =	vadd.f32 v57, v2  }
0x209: {  	v59 =	vld [tilespmem:s21+$0x11480]  }
0x20a: {  	v2 =	vadd.f32 v3, v2  }
0x20b: {  	v3 =	vld [tilespmem:s21+$0x11500]  }
0x20c: {  	v2 =	vadd.f32 v58, v2  }
0x20d: {  	v60 =	vld [tilespmem:s21+$0x11580]  }
0x20e: {  	v2 =	vadd.f32 v59, v2  }
0x20f: {  	v61 =	vld [tilespmem:s21+$0x11600]  }
0x210: {  	v2 =	vadd.f32 v3, v2  }
0x211: {  	v3 =	vld [tilespmem:s21+$0x11680]  }
0x212: {  	v2 =	vadd.f32 v60, v2  }
0x213: {  	v62 =	vld [tilespmem:s21+$0x11700]  }
0x214: {  	v2 =	vadd.f32 v61, v2  }
0x215: {  	v63 =	vld [tilespmem:s21+$0x11780]  }
0x216: {  	v2 =	vadd.f32 v3, v2;
	_ =	sdelay $0x1  }
0x217: {  	v2 =	vadd.f32 v62, v2  }
0x218: {  	s23 =	simm.s32 $0x80;
	s22 =	simm.s32 $0x10  }
0x219: {  	s25 =	sand.u32 $0xC00, s23;
	s24 =	sand.u32 $0x70, s22;
	v2 =	vadd.f32 v63, v2  }
0x21a: {  	s25 =	sor.u32 s24, s25;
	s24 =	simm.s32 $0x20  }
.LBB2_46:
0x21b: {  	p0 =	sne.s32 s24, $0x1F0;
	v3 =	vld [tilespmem:s25+$0x10080];
	[tilespmem:s21+$0x10000] =	vst v2;
	s21 =	smov.u32 s25  }
0x21c: {  	v2 =	vld [tilespmem:s21+$0x10000];
	_ =	sdelay $0x1  }
0x21d: {  	v4 =	vld [tilespmem:s21+$0x10100];
	_ =	sdelay $0x1  }
0x21e: {  	v5 =	vld [tilespmem:s21+$0x10180]  }
0x21f: {  	v2 =	vadd.f32 v3, v2  }
0x220: {  	v3 =	vld [tilespmem:s21+$0x10200]  }
0x221: {  	v2 =	vadd.f32 v4, v2  }
0x222: {  	v4 =	vld [tilespmem:s21+$0x10280]  }
0x223: {  	v2 =	vadd.f32 v5, v2  }
0x224: {  	s25 =	sor.u32 s23, s22;
	s22 =	smov.u32 s24;
	v5 =	vld [tilespmem:s21+$0x10300]  }
0x225: {  	s25 =	sor.u32 $0x380, s25;
	v2 =	vadd.f32 v3, v2  }
0x226: {  	v3 =	vld [tilespmem:s25+$0x10000]  }
0x227: {  	v2 =	vadd.f32 v4, v2  }
0x228: {  	v4 =	vld [tilespmem:s21+$0x11400]  }
0x229: {  	v2 =	vadd.f32 v5, v2  }
0x22a: {  	v5 =	vld [tilespmem:s21+$0x11480]  }
0x22b: {  	v2 =	vadd.f32 v3, v2  }
0x22c: {  	v3 =	vld [tilespmem:s21+$0x11500]  }
0x22d: {  	v2 =	vadd.f32 v4, v2  }
0x22e: {  	v4 =	vld [tilespmem:s21+$0x11580]  }
0x22f: {  	v2 =	vadd.f32 v5, v2  }
0x230: {  	v5 =	vld [tilespmem:s21+$0x11600]  }
0x231: {  	v2 =	vadd.f32 v3, v2  }
0x232: {  	v3 =	vld [tilespmem:s21+$0x11680]  }
0x233: {  	v2 =	vadd.f32 v4, v2  }
0x234: {  	v4 =	vld [tilespmem:s21+$0x11700]  }
0x235: {  	v2 =	vadd.f32 v5, v2  }
0x236: {  	v5 =	vld [tilespmem:s21+$0x11780]  }
0x237: {  	v2 =	vadd.f32 v3, v2  }
.Ltmp29:
0x238: {  	(pc) =	sbr.rel @p0 .LBB2_46-.Ltmp29, $4  }
0x239: {  	v2 =	vadd.f32 v4, v2  }
0x23a: {  	s23 =	sadd.s32 $0x80, s23  }
0x23b: {  	s26 =	sand.u32 $0xC00, s23;
	s25 =	sand.u32 $0x70, s24;
	v2 =	vadd.f32 v5, v2  }
0x23c: {  	s24 =	sadd.s32 $0x10, s24;
	s25 =	sor.u32 s25, s26  }
0x23d: {  	v3 =	vld [tilespmem:s25+$0x10080];
	[tilespmem:s21+$0x10000] =	vst v2  }
0x23e: {  	v2 =	vld [tilespmem:s25+$0x10000];
	_ =	sdelay $0x1  }
0x23f: {  	v4 =	vld [tilespmem:s25+$0x10100];
	_ =	sdelay $0x1  }
0x240: {  	v5 =	vld [tilespmem:s25+$0x10180]  }
0x241: {  	v2 =	vadd.f32 v3, v2  }
0x242: {  	v3 =	vld [tilespmem:s25+$0x10200]  }
0x243: {  	v2 =	vadd.f32 v4, v2  }
0x244: {  	v56 =	vld [tilespmem:s25+$0x10280]  }
0x245: {  	v2 =	vadd.f32 v5, v2  }
0x246: {  	v57 =	vld [tilespmem:s25+$0x10300];
	s28 =	sor.u32 s23, s22  }
0x247: {  	s21 =	sor.u32 $0x380, s28;
	v2 =	vadd.f32 v3, v2  }
0x248: {  	v3 =	vld [tilespmem:s21+$0x10000]  }
0x249: {  	v2 =	vadd.f32 v56, v2  }
0x24a: {  	v58 =	vld [tilespmem:s25+$0x11400]  }
0x24b: {  	v2 =	vadd.f32 v57, v2  }
0x24c: {  	v59 =	vld [tilespmem:s25+$0x11480]  }
0x24d: {  	v2 =	vadd.f32 v3, v2  }
0x24e: {  	v3 =	vld [tilespmem:s25+$0x11500]  }
0x24f: {  	v2 =	vadd.f32 v58, v2  }
0x250: {  	v60 =	vld [tilespmem:s25+$0x11580]  }
0x251: {  	v2 =	vadd.f32 v59, v2  }
0x252: {  	v61 =	vld [tilespmem:s25+$0x11600]  }
0x253: {  	v2 =	vadd.f32 v3, v2  }
0x254: {  	v3 =	vld [tilespmem:s25+$0x11680]  }
0x255: {  	v2 =	vadd.f32 v60, v2  }
0x256: {  	v62 =	vld [tilespmem:s25+$0x11700]  }
0x257: {  	v2 =	vadd.f32 v61, v2  }
0x258: {  	v63 =	vld [tilespmem:s25+$0x11780]  }
0x259: {  	v2 =	vadd.f32 v3, v2;
	_ =	sdelay $0x1  }
0x25a: {  	v2 =	vadd.f32 v62, v2;
	_ =	sdelay $0x1  }
0x25b: {  	v2 =	vadd.f32 v63, v2;
	_ =	sdelay $0x1  }
0x25c: {  	[tilespmem:s25+$0x10000] =	vst v2  }
0x25d: {  	[hbm4b:s11+s1] =	stream.linear.scatter [tilespmem:s14], [sflag:$0x3], $0x80, $0x38;
	[tilespmem:$0x12800] =	vst v63  }
0x25e: {  	s29 =	sadd.s32 $0x80, s11;
	s20 =	sadd.s32 $0x1, s20  }
0x25f: {  	[hbm4b:s29+s1] =	stream.linear.scatter [tilespmem:s16], [sflag:$0x3], $0x80, $0x38;
	[tilespmem:$0x12800] =	vst v63  }
0x260: {  	s30 =	sadd.s32 $0x100, s11;
	p0 =	sne.s32 s20, s12  }
0x261: {  	[hbm4b:s30+s1] =	stream.linear.scatter [tilespmem:s17], [sflag:$0x3], $0x80, $0x38;
	[tilespmem:$0x12800] =	vst v63  }
.Ltmp30:
0x262: {  	s31 =	sadd.s32 $0x180, s11;
	(pc) =	sbr.rel @p0 .LBB2_1-.Ltmp30, $4  }
0x263: {  	[hbm4b:s31+s1] =	stream.linear.scatter [tilespmem:s18], [sflag:$0x3], $0x80, $0x38;
	[tilespmem:$0x12800] =	vst v63  }
0x264: {  	_ =	swait.ge [sflag:s19], $0x200  }
0x265: {  	[sflag:s19] =	ssyncset.done $0x0  }
0x266: {  	[sflag:s19] =	ssyncadd.s32 $0xFFFFFE00  }
0x267: {  	_ =	sfence.sel $0x180000  }
0x268: {  	[bflag:$0x0] =	sbarrier.arrive $0xFFFF  }
0x269: {  	p0 =	sne.s32 s2, $0x0;
	_ =	strace $0x9000004A  }
0x26a: {  	s0 =	sadd.s32 @!p0 $0x100000, s0;
	[bflag:$0x2] =	sbarrier.arrive $0xFFFF  }
0x26b: {  	[sflag:s0] =	ssyncadd.tile.s32 @!p0 $0x1;
	_ =	shalt  }
.Lfunc_end2:
_tile_overlayer_lowered:
.L_overlay_start_2:
0x26c: {  	(tag) =	ssettag $0x2  }
0x26d: {  	s0 =	rddreg [dreg:$0x0];
	s2 =	stileid.u32  }
0x26e: {  	s1 =	rddreg [dreg:$0x1];
	p0 =	sne.s32 s2, $0x0  }
0x26f: {  	s3 =	rddreg [dreg:$0x2];
	[bflag:$0x3] =	sbarrier.arrive $0xFFFF;
	s2 =	simm.s32 @!p0 $0x1C03  }
0x270: {  	[timem:s3], [sflag:s2] =	dma.local @!p0 [hbm:s0], s1  }
0x271: {  	s0 =	simm.s32 @!p0 $0x3  }
0x272: {  	_ =	swait.ge @!p0 [sflag:s0], s1  }
0x273: {  	s1 =	ssub.s32 @!p0 $0x0, s1;
	[sflag:s0] =	ssyncset.done @!p0 $0x0  }
0x274: {  	[sflag:s0] =	ssyncadd.s32 @!p0 s1  }
0x275: {  	[bflag:$0x3] =	sbarrier.arrive $0xFFFF  }
0x276: {  	_ =	shalt  }

</sc_bundles>
